<compile_context>
chip_gen: v7x
topology: tpu7x:2x2x1
jax: 0.10.2.dev20260603
libtpu: 0.0.44.dev20260713+nightly
codegen_flags: <defaults>
</compile_context>

<pallas_src>
import functools

import jax
import jax.numpy as jnp
from jax import lax
from jax.experimental import pallas as pl
from jax.experimental.pallas import tpu as pltpu
from jax.experimental.pallas import tpu_sc as plsc

_UNIT = 512


def _build(B0, B1, V, D, n_workers, num_cores):
    mesh = plsc.VectorSubcoreMesh(core_axis_name="c", subcore_axis_name="s")
    n_sub = _UNIT // 16
    assert B0 % (_UNIT * n_workers) == 0 or B0 == _UNIT * n_workers
    assert B1 % 2 == 0

    @functools.partial(
        pl.kernel,
        mesh=mesh,
        out_type=jax.ShapeDtypeStruct((B1 * D, B0), jnp.float32),
        scratch_types=[
            pltpu.VMEM((_UNIT, B1), jnp.int32),
            pltpu.VMEM((2, _UNIT), jnp.int32),
            pltpu.VMEM((2, _UNIT, D), jnp.float32),
            pltpu.VMEM((2, D, _UNIT), jnp.float32),
        ]
        + [pltpu.SemaphoreType.DMA] * 5,
        compiler_params=pltpu.CompilerParams(
            use_tc_tiling_on_sc=False, needs_layout_passes=False
        ),
    )
    def k(x_hbm, table_hbm, out_hbm, xblk_v, idx_v, rows_v, tr_v, *sems):
        xsem = sems[0]
        gsem = sems[1:3]
        ssem = sems[3:5]
        wid = lax.axis_index("s") * num_cores + lax.axis_index("c")
        i0 = wid * _UNIT

        iota = lax.iota(jnp.int32, 16)
        zeros16 = jnp.zeros((16,), jnp.int32)
        cvecs = [iota + (h * 16) for h in range(D // 16)]
        rowvecs = [iota + (s * 16) for s in range(n_sub)]

        def build_idx(j, b):
            jsplat = zeros16 + j
            for s in range(n_sub):
                v = plsc.load_gather(xblk_v, [rowvecs[s], jsplat])
                idx_v[b, pl.ds(s * 16, 16)] = v * 4

        def start_gather(b):
            pltpu.async_copy(table_hbm.at[idx_v.at[b]], rows_v.at[b], gsem[b])

        def wait_gather(b):
            pltpu.make_async_copy(
                table_hbm.at[pl.ds(0, _UNIT)], rows_v.at[b], gsem[b]
            ).wait()

        def start_store(j, b):
            pltpu.async_copy(
                tr_v.at[b],
                out_hbm.at[pl.ds(j * D, D), pl.ds(i0, _UNIT)],
                ssem[b],
            )

        def wait_store(b):
            pltpu.make_async_copy(
                out_hbm.at[pl.ds(0, D), pl.ds(0, _UNIT)], tr_v.at[b], ssem[b]
            ).wait()

        def transpose(b):
            def dbody(b4, carry):
                base = b4 * 8
                for db in range(8):
                    bs = zeros16 + (base + db)
                    for h in range(D // 16):
                        rvec = (bs + cvecs[h]) & (_UNIT - 1)
                        v = plsc.load_gather(rows_v.at[b], [rvec, cvecs[h]])
                        plsc.store_scatter(tr_v.at[b], [cvecs[h], rvec], v)
                return carry

            lax.fori_loop(0, _UNIT // 8, dbody, 0)

        def finish(j, b, guard):
            wait_gather(b)

            @pl.when(guard)
            def _():
                wait_store(b)

            transpose(b)
            start_store(j, b)

        pltpu.async_copy(x_hbm.at[pl.ds(i0, _UNIT), :], xblk_v, xsem)
        pltpu.make_async_copy(
            x_hbm.at[pl.ds(0, _UNIT), :], xblk_v, xsem
        ).wait()
        build_idx(0, 0)
        start_gather(0)

        def body(g, carry):
            j = 2 * g
            build_idx(j + 1, 1)
            start_gather(1)
            finish(j, 0, g >= 1)
            build_idx(j + 2, 0)
            start_gather(0)
            finish(j + 1, 1, g >= 1)
            return carry

        lax.fori_loop(0, (B1 - 2) // 2, body, 0)

        build_idx(B1 - 1, 1)
        start_gather(1)
        wait_gather(0)
        wait_store(0)
        transpose(0)
        start_store(B1 - 2, 0)
        wait_gather(1)
        wait_store(1)
        transpose(1)
        start_store(B1 - 1, 1)
        wait_store(0)
        wait_store(1)

    return k


def kernel(x, table):
    B0, B1 = x.shape
    V, D = table.shape

    info = plsc.get_sparse_core_info()
    n_workers = info.num_cores * info.num_subcores
    table4 = jnp.pad(table, ((0, 0), (0, 128 - D))).reshape(V * (128 // D), D)
    k = _build(B0, B1, V, D, n_workers, info.num_cores)
    out2d = k(x, table4)
    return out2d.reshape(B1, D, B0).transpose(2, 0, 1)

# --- scband reference (transcript-rebuilt; emitter-appended) ---
"""Pipeline reference for scband-regularized-embedding-11897059410796 (READ-ONLY COPY).

The authoritative reference and input builder live on the scoring server;
editing this copy changes nothing except your own understanding.
"""

import jax, jax.numpy as jnp
import numpy as np

N_INPUT = 1000000
N_OUTPUT = 32
SIGMA = 0.1


def setup_inputs(seed: int = 0) -> dict:
    key = jax.random.key(seed)
    k_idx, k_tab = jax.random.split(key)
    x = jax.random.randint(k_idx, (16384, 50), 0, N_INPUT, dtype=jnp.int64 if jax.config.jax_enable_x64 else jnp.int32).astype(jnp.int32)
    table = jax.random.normal(k_tab, (N_INPUT, N_OUTPUT), dtype=jnp.float32)
    return {"x": x, "table": table}


def reference(x, table):
    # RegularizedEmbedding.forward in eval mode: plain embedding lookup.
    # (Gaussian noise with std=sigma is only added when self.training is True.)
    out = jnp.take(table, x, axis=0)
    return out

if __name__ == "__main__":
    import jax
    _d = setup_inputs()
    print(jax.jit(kernel)(*tuple(_d.values())))

</pallas_src>

<mosaic_0001>
#map = affine_map<(d0, d1) -> (0, 0)>
module attributes {stable_mosaic.version = 14 : i64} {
  func.func @k(%arg0: i32, %arg1: i32, %arg2: memref<16384x50xi32, #tpu.memory_space<hbm>>, %arg3: memref<4000000x32xf32, #tpu.memory_space<hbm>>, %arg4: memref<1600x16384xf32, #tpu.memory_space<hbm>>, %arg5: memref<512x50xi32, #tpu.memory_space<vmem>>, %arg6: memref<2x512xi32, #tpu.memory_space<vmem>>, %arg7: memref<2x512x32xf32, #tpu.memory_space<vmem>>, %arg8: memref<2x32x512xf32, #tpu.memory_space<vmem>>, %arg9: memref<!tpu.dma_semaphore, #tpu.memory_space<semaphore_mem>>, %arg10: memref<!tpu.dma_semaphore, #tpu.memory_space<semaphore_mem>>, %arg11: memref<!tpu.dma_semaphore, #tpu.memory_space<semaphore_mem>>, %arg12: memref<!tpu.dma_semaphore, #tpu.memory_space<semaphore_mem>>, %arg13: memref<!tpu.dma_semaphore, #tpu.memory_space<semaphore_mem>>) attributes {dimension_semantics = [#tpu.dimension_semantics<core_parallel>, #tpu.dimension_semantics<subcore_parallel>], iteration_bounds = array<i64: 2, 16>, scalar_prefetch = 0 : i64, scratch_operands = 9 : i64, tpu.core_type = #tpu.core_type<sc_vector_subcore>, window_params = [{transform_indices = #map}, {transform_indices = #map}, {transform_indices = #map}]} {
    %mul3A = arith.constant 2 : i32
    %mul3A_0 = arith.muli %arg1, %mul3A : i32
    %add3A = arith.addi %mul3A_0, %arg0 : i32
    %mul3A_1 = arith.constant 512 : i32
    %mul3A_2 = arith.muli %add3A, %mul3A_1 : i32
    %iota3A = tpu.iota {dimensions = array<i32: 0>} : vector<16xi32>
    %broadcast_in_dim3A = arith.constant 0 : i32
    %broadcast_in_dim3A_3 = vector.broadcast %broadcast_in_dim3A : i32 to vector<16xi32>
    %add3A_4 = arith.constant 0 : i32
    %add3A_5 = vector.broadcast %add3A_4 : i32 to vector<16xi32>
    %add3A_6 = arith.addi %iota3A, %add3A_5 : vector<16xi32>
    %add3A_7 = arith.constant 16 : i32
    %add3A_8 = vector.broadcast %add3A_7 : i32 to vector<16xi32>
    %add3A_9 = arith.addi %iota3A, %add3A_8 : vector<16xi32>
    %add3A_10 = arith.constant 0 : i32
    %add3A_11 = vector.broadcast %add3A_10 : i32 to vector<16xi32>
    %add3A_12 = arith.addi %iota3A, %add3A_11 : vector<16xi32>
    %add3A_13 = arith.constant 16 : i32
    %add3A_14 = vector.broadcast %add3A_13 : i32 to vector<16xi32>
    %add3A_15 = arith.addi %iota3A, %add3A_14 : vector<16xi32>
    %add3A_16 = arith.constant 32 : i32
    %add3A_17 = vector.broadcast %add3A_16 : i32 to vector<16xi32>
    %add3A_18 = arith.addi %iota3A, %add3A_17 : vector<16xi32>
    %add3A_19 = arith.constant 48 : i32
    %add3A_20 = vector.broadcast %add3A_19 : i32 to vector<16xi32>
    %add3A_21 = arith.addi %iota3A, %add3A_20 : vector<16xi32>
    %add3A_22 = arith.constant 64 : i32
    %add3A_23 = vector.broadcast %add3A_22 : i32 to vector<16xi32>
    %add3A_24 = arith.addi %iota3A, %add3A_23 : vector<16xi32>
    %add3A_25 = arith.constant 80 : i32
    %add3A_26 = vector.broadcast %add3A_25 : i32 to vector<16xi32>
    %add3A_27 = arith.addi %iota3A, %add3A_26 : vector<16xi32>
    %add3A_28 = arith.constant 96 : i32
    %add3A_29 = vector.broadcast %add3A_28 : i32 to vector<16xi32>
    %add3A_30 = arith.addi %iota3A, %add3A_29 : vector<16xi32>
    %add3A_31 = arith.constant 112 : i32
    %add3A_32 = vector.broadcast %add3A_31 : i32 to vector<16xi32>
    %add3A_33 = arith.addi %iota3A, %add3A_32 : vector<16xi32>
    %add3A_34 = arith.constant 128 : i32
    %add3A_35 = vector.broadcast %add3A_34 : i32 to vector<16xi32>
    %add3A_36 = arith.addi %iota3A, %add3A_35 : vector<16xi32>
    %add3A_37 = arith.constant 144 : i32
    %add3A_38 = vector.broadcast %add3A_37 : i32 to vector<16xi32>
    %add3A_39 = arith.addi %iota3A, %add3A_38 : vector<16xi32>
    %add3A_40 = arith.constant 160 : i32
    %add3A_41 = vector.broadcast %add3A_40 : i32 to vector<16xi32>
    %add3A_42 = arith.addi %iota3A, %add3A_41 : vector<16xi32>
    %add3A_43 = arith.constant 176 : i32
    %add3A_44 = vector.broadcast %add3A_43 : i32 to vector<16xi32>
    %add3A_45 = arith.addi %iota3A, %add3A_44 : vector<16xi32>
    %add3A_46 = arith.constant 192 : i32
    %add3A_47 = vector.broadcast %add3A_46 : i32 to vector<16xi32>
    %add3A_48 = arith.addi %iota3A, %add3A_47 : vector<16xi32>
    %add3A_49 = arith.constant 208 : i32
    %add3A_50 = vector.broadcast %add3A_49 : i32 to vector<16xi32>
    %add3A_51 = arith.addi %iota3A, %add3A_50 : vector<16xi32>
    %add3A_52 = arith.constant 224 : i32
    %add3A_53 = vector.broadcast %add3A_52 : i32 to vector<16xi32>
    %add3A_54 = arith.addi %iota3A, %add3A_53 : vector<16xi32>
    %add3A_55 = arith.constant 240 : i32
    %add3A_56 = vector.broadcast %add3A_55 : i32 to vector<16xi32>
    %add3A_57 = arith.addi %iota3A, %add3A_56 : vector<16xi32>
    %add3A_58 = arith.constant 256 : i32
    %add3A_59 = vector.broadcast %add3A_58 : i32 to vector<16xi32>
    %add3A_60 = arith.addi %iota3A, %add3A_59 : vector<16xi32>
    %add3A_61 = arith.constant 272 : i32
    %add3A_62 = vector.broadcast %add3A_61 : i32 to vector<16xi32>
    %add3A_63 = arith.addi %iota3A, %add3A_62 : vector<16xi32>
    %add3A_64 = arith.constant 288 : i32
    %add3A_65 = vector.broadcast %add3A_64 : i32 to vector<16xi32>
    %add3A_66 = arith.addi %iota3A, %add3A_65 : vector<16xi32>
    %add3A_67 = arith.constant 304 : i32
    %add3A_68 = vector.broadcast %add3A_67 : i32 to vector<16xi32>
    %add3A_69 = arith.addi %iota3A, %add3A_68 : vector<16xi32>
    %add3A_70 = arith.constant 320 : i32
    %add3A_71 = vector.broadcast %add3A_70 : i32 to vector<16xi32>
    %add3A_72 = arith.addi %iota3A, %add3A_71 : vector<16xi32>
    %add3A_73 = arith.constant 336 : i32
    %add3A_74 = vector.broadcast %add3A_73 : i32 to vector<16xi32>
    %add3A_75 = arith.addi %iota3A, %add3A_74 : vector<16xi32>
    %add3A_76 = arith.constant 352 : i32
    %add3A_77 = vector.broadcast %add3A_76 : i32 to vector<16xi32>
    %add3A_78 = arith.addi %iota3A, %add3A_77 : vector<16xi32>
    %add3A_79 = arith.constant 368 : i32
    %add3A_80 = vector.broadcast %add3A_79 : i32 to vector<16xi32>
    %add3A_81 = arith.addi %iota3A, %add3A_80 : vector<16xi32>
    %add3A_82 = arith.constant 384 : i32
    %add3A_83 = vector.broadcast %add3A_82 : i32 to vector<16xi32>
    %add3A_84 = arith.addi %iota3A, %add3A_83 : vector<16xi32>
    %add3A_85 = arith.constant 400 : i32
    %add3A_86 = vector.broadcast %add3A_85 : i32 to vector<16xi32>
    %add3A_87 = arith.addi %iota3A, %add3A_86 : vector<16xi32>
    %add3A_88 = arith.constant 416 : i32
    %add3A_89 = vector.broadcast %add3A_88 : i32 to vector<16xi32>
    %add3A_90 = arith.addi %iota3A, %add3A_89 : vector<16xi32>
    %add3A_91 = arith.constant 432 : i32
    %add3A_92 = vector.broadcast %add3A_91 : i32 to vector<16xi32>
    %add3A_93 = arith.addi %iota3A, %add3A_92 : vector<16xi32>
    %add3A_94 = arith.constant 448 : i32
    %add3A_95 = vector.broadcast %add3A_94 : i32 to vector<16xi32>
    %add3A_96 = arith.addi %iota3A, %add3A_95 : vector<16xi32>
    %add3A_97 = arith.constant 464 : i32
    %add3A_98 = vector.broadcast %add3A_97 : i32 to vector<16xi32>
    %add3A_99 = arith.addi %iota3A, %add3A_98 : vector<16xi32>
    %add3A_100 = arith.constant 480 : i32
    %add3A_101 = vector.broadcast %add3A_100 : i32 to vector<16xi32>
    %add3A_102 = arith.addi %iota3A, %add3A_101 : vector<16xi32>
    %add3A_103 = arith.constant 496 : i32
    %add3A_104 = vector.broadcast %add3A_103 : i32 to vector<16xi32>
    %add3A_105 = arith.addi %iota3A, %add3A_104 : vector<16xi32>
    %dma_start3A = arith.constant 0 : i32
    %dma_start3A_106 = tpu.memref_slice %arg2[%mul3A_2, %dma_start3A] : memref<16384x50xi32, #tpu.memory_space<hbm>> -> memref<512x50xi32, #tpu.memory_space<hbm>>
    %dma_start3A_107 = arith.constant 0 : i32
    %dma_start3A_108 = tpu.memref_slice %arg2[%mul3A_2, %dma_start3A_107] : memref<16384x50xi32, #tpu.memory_space<hbm>> -> memref<512x50xi32, #tpu.memory_space<hbm>>
    tpu.enqueue_dma source(%dma_start3A_108 : memref<512x50xi32, #tpu.memory_space<hbm>>) target(%arg5 : memref<512x50xi32, #tpu.memory_space<vmem>>) target_semaphore(%arg9 : memref<!tpu.dma_semaphore, #tpu.memory_space<semaphore_mem>>)
    %dma_wait3A = arith.constant 0 : i32
    %dma_wait3A_109 = arith.constant 0 : i32
    %dma_wait3A_110 = tpu.memref_slice %arg2[%dma_wait3A, %dma_wait3A_109] : memref<16384x50xi32, #tpu.memory_space<hbm>> -> memref<512x50xi32, #tpu.memory_space<hbm>>
    %dma_wait3A_111 = arith.constant 0 : i32
    %dma_wait3A_112 = arith.constant 0 : i32
    %dma_wait3A_113 = tpu.memref_slice %arg2[%dma_wait3A_111, %dma_wait3A_112] : memref<16384x50xi32, #tpu.memory_space<hbm>> -> memref<512x50xi32, #tpu.memory_space<hbm>>
    tpu.wait_dma2 semaphore(%arg9 : memref<!tpu.dma_semaphore, #tpu.memory_space<semaphore_mem>>) src(%dma_wait3A_113 : memref<512x50xi32, #tpu.memory_space<hbm>>) dst(%arg5 : memref<512x50xi32, #tpu.memory_space<vmem>>)
    %add3A_114 = arith.constant 0 : i32
    %add3A_115 = vector.broadcast %add3A_114 : i32 to vector<16xi32>
    %add3A_116 = arith.addi %broadcast_in_dim3A_3, %add3A_115 : vector<16xi32>
    %gather3A = tpu.vector_load_idx %arg5[%add3A_12, %add3A_116] : memref<512x50xi32, #tpu.memory_space<vmem>>[vector<16xi32>, vector<16xi32>], vector<16xi32>,
    %mul3A_117 = arith.constant 4 : i32
    %mul3A_118 = vector.broadcast %mul3A_117 : i32 to vector<16xi32>
    %mul3A_119 = arith.muli %gather3A, %mul3A_118 : vector<16xi32>
    %swap3A = arith.constant 0 : i32
    %swap3A_120 = arith.index_cast %swap3A : i32 to index
    %swap3A_121 = arith.constant 0 : index
    %swap3A_122 = tpu.vector_load %arg6[%swap3A_120, %swap3A_121] {strides = array<i32>} : memref<2x512xi32, #tpu.memory_space<vmem>>, vector<16xi32>,
    tpu.vector_store %arg6[%swap3A_120, %swap3A_121], %mul3A_119 {strides = array<i32>} : memref<2x512xi32, #tpu.memory_space<vmem>>, vector<16xi32>,
    %gather3A_123 = tpu.vector_load_idx %arg5[%add3A_15, %add3A_116] : memref<512x50xi32, #tpu.memory_space<vmem>>[vector<16xi32>, vector<16xi32>], vector<16xi32>,
    %mul3A_124 = arith.constant 4 : i32
    %mul3A_125 = vector.broadcast %mul3A_124 : i32 to vector<16xi32>
    %mul3A_126 = arith.muli %gather3A_123, %mul3A_125 : vector<16xi32>
    %swap3A_127 = arith.constant 0 : i32
    %swap3A_128 = arith.index_cast %swap3A_127 : i32 to index
    %swap3A_129 = arith.constant 16 : index
    %swap3A_130 = tpu.vector_load %arg6[%swap3A_128, %swap3A_129] {strides = array<i32>} : memref<2x512xi32, #tpu.memory_space<vmem>>, vector<16xi32>,
    tpu.vector_store %arg6[%swap3A_128, %swap3A_129], %mul3A_126 {strides = array<i32>} : memref<2x512xi32, #tpu.memory_space<vmem>>, vector<16xi32>,
    %gather3A_131 = tpu.vector_load_idx %arg5[%add3A_18, %add3A_116] : memref<512x50xi32, #tpu.memory_space<vmem>>[vector<16xi32>, vector<16xi32>], vector<16xi32>,
    %mul3A_132 = arith.constant 4 : i32
    %mul3A_133 = vector.broadcast %mul3A_132 : i32 to vector<16xi32>
    %mul3A_134 = arith.muli %gather3A_131, %mul3A_133 : vector<16xi32>
    %swap3A_135 = arith.constant 0 : i32
    %swap3A_136 = arith.index_cast %swap3A_135 : i32 to index
    %swap3A_137 = arith.constant 32 : index
    %swap3A_138 = tpu.vector_load %arg6[%swap3A_136, %swap3A_137] {strides = array<i32>} : memref<2x512xi32, #tpu.memory_space<vmem>>, vector<16xi32>,
    tpu.vector_store %arg6[%swap3A_136, %swap3A_137], %mul3A_134 {strides = array<i32>} : memref<2x512xi32, #tpu.memory_space<vmem>>, vector<16xi32>,
    %gather3A_139 = tpu.vector_load_idx %arg5[%add3A_21, %add3A_116] : memref<512x50xi32, #tpu.memory_space<vmem>>[vector<16xi32>, vector<16xi32>], vector<16xi32>,
    %mul3A_140 = arith.constant 4 : i32
    %mul3A_141 = vector.broadcast %mul3A_140 : i32 to vector<16xi32>
    %mul3A_142 = arith.muli %gather3A_139, %mul3A_141 : vector<16xi32>
    %swap3A_143 = arith.constant 0 : i32
    %swap3A_144 = arith.index_cast %swap3A_143 : i32 to index
    %swap3A_145 = arith.constant 48 : index
    %swap3A_146 = tpu.vector_load %arg6[%swap3A_144, %swap3A_145] {strides = array<i32>} : memref<2x512xi32, #tpu.memory_space<vmem>>, vector<16xi32>,
    tpu.vector_store %arg6[%swap3A_144, %swap3A_145], %mul3A_142 {strides = array<i32>} : memref<2x512xi32, #tpu.memory_space<vmem>>, vector<16xi32>,
    %gather3A_147 = tpu.vector_load_idx %arg5[%add3A_24, %add3A_116] : memref<512x50xi32, #tpu.memory_space<vmem>>[vector<16xi32>, vector<16xi32>], vector<16xi32>,
    %mul3A_148 = arith.constant 4 : i32
    %mul3A_149 = vector.broadcast %mul3A_148 : i32 to vector<16xi32>
    %mul3A_150 = arith.muli %gather3A_147, %mul3A_149 : vector<16xi32>
    %swap3A_151 = arith.constant 0 : i32
    %swap3A_152 = arith.index_cast %swap3A_151 : i32 to index
    %swap3A_153 = arith.constant 64 : index
    %swap3A_154 = tpu.vector_load %arg6[%swap3A_152, %swap3A_153] {strides = array<i32>} : memref<2x512xi32, #tpu.memory_space<vmem>>, vector<16xi32>,
    tpu.vector_store %arg6[%swap3A_152, %swap3A_153], %mul3A_150 {strides = array<i32>} : memref<2x512xi32, #tpu.memory_space<vmem>>, vector<16xi32>,
    %gather3A_155 = tpu.vector_load_idx %arg5[%add3A_27, %add3A_116] : memref<512x50xi32, #tpu.memory_space<vmem>>[vector<16xi32>, vector<16xi32>], vector<16xi32>,
    %mul3A_156 = arith.constant 4 : i32
    %mul3A_157 = vector.broadcast %mul3A_156 : i32 to vector<16xi32>
    %mul3A_158 = arith.muli %gather3A_155, %mul3A_157 : vector<16xi32>
    %swap3A_159 = arith.constant 0 : i32
    %swap3A_160 = arith.index_cast %swap3A_159 : i32 to index
    %swap3A_161 = arith.constant 80 : index
    %swap3A_162 = tpu.vector_load %arg6[%swap3A_160, %swap3A_161] {strides = array<i32>} : memref<2x512xi32, #tpu.memory_space<vmem>>, vector<16xi32>,
    tpu.vector_store %arg6[%swap3A_160, %swap3A_161], %mul3A_158 {strides = array<i32>} : memref<2x512xi32, #tpu.memory_space<vmem>>, vector<16xi32>,
    %gather3A_163 = tpu.vector_load_idx %arg5[%add3A_30, %add3A_116] : memref<512x50xi32, #tpu.memory_space<vmem>>[vector<16xi32>, vector<16xi32>], vector<16xi32>,
    %mul3A_164 = arith.constant 4 : i32
    %mul3A_165 = vector.broadcast %mul3A_164 : i32 to vector<16xi32>
    %mul3A_166 = arith.muli %gather3A_163, %mul3A_165 : vector<16xi32>
    %swap3A_167 = arith.constant 0 : i32
    %swap3A_168 = arith.index_cast %swap3A_167 : i32 to index
    %swap3A_169 = arith.constant 96 : index
    %swap3A_170 = tpu.vector_load %arg6[%swap3A_168, %swap3A_169] {strides = array<i32>} : memref<2x512xi32, #tpu.memory_space<vmem>>, vector<16xi32>,
    tpu.vector_store %arg6[%swap3A_168, %swap3A_169], %mul3A_166 {strides = array<i32>} : memref<2x512xi32, #tpu.memory_space<vmem>>, vector<16xi32>,
    %gather3A_171 = tpu.vector_load_idx %arg5[%add3A_33, %add3A_116] : memref<512x50xi32, #tpu.memory_space<vmem>>[vector<16xi32>, vector<16xi32>], vector<16xi32>,
    %mul3A_172 = arith.constant 4 : i32
    %mul3A_173 = vector.broadcast %mul3A_172 : i32 to vector<16xi32>
    %mul3A_174 = arith.muli %gather3A_171, %mul3A_173 : vector<16xi32>
    %swap3A_175 = arith.constant 0 : i32
    %swap3A_176 = arith.index_cast %swap3A_175 : i32 to index
    %swap3A_177 = arith.constant 112 : index
    %swap3A_178 = tpu.vector_load %arg6[%swap3A_176, %swap3A_177] {strides = array<i32>} : memref<2x512xi32, #tpu.memory_space<vmem>>, vector<16xi32>,
    tpu.vector_store %arg6[%swap3A_176, %swap3A_177], %mul3A_174 {strides = array<i32>} : memref<2x512xi32, #tpu.memory_space<vmem>>, vector<16xi32>,
    %gather3A_179 = tpu.vector_load_idx %arg5[%add3A_36, %add3A_116] : memref<512x50xi32, #tpu.memory_space<vmem>>[vector<16xi32>, vector<16xi32>], vector<16xi32>,
    %mul3A_180 = arith.constant 4 : i32
    %mul3A_181 = vector.broadcast %mul3A_180 : i32 to vector<16xi32>
    %mul3A_182 = arith.muli %gather3A_179, %mul3A_181 : vector<16xi32>
    %swap3A_183 = arith.constant 0 : i32
    %swap3A_184 = arith.index_cast %swap3A_183 : i32 to index
    %swap3A_185 = arith.constant 128 : index
    %swap3A_186 = tpu.vector_load %arg6[%swap3A_184, %swap3A_185] {strides = array<i32>} : memref<2x512xi32, #tpu.memory_space<vmem>>, vector<16xi32>,
    tpu.vector_store %arg6[%swap3A_184, %swap3A_185], %mul3A_182 {strides = array<i32>} : memref<2x512xi32, #tpu.memory_space<vmem>>, vector<16xi32>,
    %gather3A_187 = tpu.vector_load_idx %arg5[%add3A_39, %add3A_116] : memref<512x50xi32, #tpu.memory_space<vmem>>[vector<16xi32>, vector<16xi32>], vector<16xi32>,
    %mul3A_188 = arith.constant 4 : i32
    %mul3A_189 = vector.broadcast %mul3A_188 : i32 to vector<16xi32>
    %mul3A_190 = arith.muli %gather3A_187, %mul3A_189 : vector<16xi32>
    %swap3A_191 = arith.constant 0 : i32
    %swap3A_192 = arith.index_cast %swap3A_191 : i32 to index
    %swap3A_193 = arith.constant 144 : index
    %swap3A_194 = tpu.vector_load %arg6[%swap3A_192, %swap3A_193] {strides = array<i32>} : memref<2x512xi32, #tpu.memory_space<vmem>>, vector<16xi32>,
    tpu.vector_store %arg6[%swap3A_192, %swap3A_193], %mul3A_190 {strides = array<i32>} : memref<2x512xi32, #tpu.memory_space<vmem>>, vector<16xi32>,
    %gather3A_195 = tpu.vector_load_idx %arg5[%add3A_42, %add3A_116] : memref<512x50xi32, #tpu.memory_space<vmem>>[vector<16xi32>, vector<16xi32>], vector<16xi32>,
    %mul3A_196 = arith.constant 4 : i32
    %mul3A_197 = vector.broadcast %mul3A_196 : i32 to vector<16xi32>
    %mul3A_198 = arith.muli %gather3A_195, %mul3A_197 : vector<16xi32>
    %swap3A_199 = arith.constant 0 : i32
    %swap3A_200 = arith.index_cast %swap3A_199 : i32 to index
    %swap3A_201 = arith.constant 160 : index
    %swap3A_202 = tpu.vector_load %arg6[%swap3A_200, %swap3A_201] {strides = array<i32>} : memref<2x512xi32, #tpu.memory_space<vmem>>, vector<16xi32>,
    tpu.vector_store %arg6[%swap3A_200, %swap3A_201], %mul3A_198 {strides = array<i32>} : memref<2x512xi32, #tpu.memory_space<vmem>>, vector<16xi32>,
    %gather3A_203 = tpu.vector_load_idx %arg5[%add3A_45, %add3A_116] : memref<512x50xi32, #tpu.memory_space<vmem>>[vector<16xi32>, vector<16xi32>], vector<16xi32>,
    %mul3A_204 = arith.constant 4 : i32
    %mul3A_205 = vector.broadcast %mul3A_204 : i32 to vector<16xi32>
    %mul3A_206 = arith.muli %gather3A_203, %mul3A_205 : vector<16xi32>
    %swap3A_207 = arith.constant 0 : i32
    %swap3A_208 = arith.index_cast %swap3A_207 : i32 to index
    %swap3A_209 = arith.constant 176 : index
    %swap3A_210 = tpu.vector_load %arg6[%swap3A_208, %swap3A_209] {strides = array<i32>} : memref<2x512xi32, #tpu.memory_space<vmem>>, vector<16xi32>,
    tpu.vector_store %arg6[%swap3A_208, %swap3A_209], %mul3A_206 {strides = array<i32>} : memref<2x512xi32, #tpu.memory_space<vmem>>, vector<16xi32>,
    %gather3A_211 = tpu.vector_load_idx %arg5[%add3A_48, %add3A_116] : memref<512x50xi32, #tpu.memory_space<vmem>>[vector<16xi32>, vector<16xi32>], vector<16xi32>,
    %mul3A_212 = arith.constant 4 : i32
    %mul3A_213 = vector.broadcast %mul3A_212 : i32 to vector<16xi32>
    %mul3A_214 = arith.muli %gather3A_211, %mul3A_213 : vector<16xi32>
    %swap3A_215 = arith.constant 0 : i32
    %swap3A_216 = arith.index_cast %swap3A_215 : i32 to index
    %swap3A_217 = arith.constant 192 : index
    %swap3A_218 = tpu.vector_load %arg6[%swap3A_216, %swap3A_217] {strides = array<i32>} : memref<2x512xi32, #tpu.memory_space<vmem>>, vector<16xi32>,
    tpu.vector_store %arg6[%swap3A_216, %swap3A_217], %mul3A_214 {strides = array<i32>} : memref<2x512xi32, #tpu.memory_space<vmem>>, vector<16xi32>,
    %gather3A_219 = tpu.vector_load_idx %arg5[%add3A_51, %add3A_116] : memref<512x50xi32, #tpu.memory_space<vmem>>[vector<16xi32>, vector<16xi32>], vector<16xi32>,
    %mul3A_220 = arith.constant 4 : i32
    %mul3A_221 = vector.broadcast %mul3A_220 : i32 to vector<16xi32>
    %mul3A_222 = arith.muli %gather3A_219, %mul3A_221 : vector<16xi32>
    %swap3A_223 = arith.constant 0 : i32
    %swap3A_224 = arith.index_cast %swap3A_223 : i32 to index
    %swap3A_225 = arith.constant 208 : index
    %swap3A_226 = tpu.vector_load %arg6[%swap3A_224, %swap3A_225] {strides = array<i32>} : memref<2x512xi32, #tpu.memory_space<vmem>>, vector<16xi32>,
    tpu.vector_store %arg6[%swap3A_224, %swap3A_225], %mul3A_222 {strides = array<i32>} : memref<2x512xi32, #tpu.memory_space<vmem>>, vector<16xi32>,
    %gather3A_227 = tpu.vector_load_idx %arg5[%add3A_54, %add3A_116] : memref<512x50xi32, #tpu.memory_space<vmem>>[vector<16xi32>, vector<16xi32>], vector<16xi32>,
    %mul3A_228 = arith.constant 4 : i32
    %mul3A_229 = vector.broadcast %mul3A_228 : i32 to vector<16xi32>
    %mul3A_230 = arith.muli %gather3A_227, %mul3A_229 : vector<16xi32>
    %swap3A_231 = arith.constant 0 : i32
    %swap3A_232 = arith.index_cast %swap3A_231 : i32 to index
    %swap3A_233 = arith.constant 224 : index
    %swap3A_234 = tpu.vector_load %arg6[%swap3A_232, %swap3A_233] {strides = array<i32>} : memref<2x512xi32, #tpu.memory_space<vmem>>, vector<16xi32>,
    tpu.vector_store %arg6[%swap3A_232, %swap3A_233], %mul3A_230 {strides = array<i32>} : memref<2x512xi32, #tpu.memory_space<vmem>>, vector<16xi32>,
    %gather3A_235 = tpu.vector_load_idx %arg5[%add3A_57, %add3A_116] : memref<512x50xi32, #tpu.memory_space<vmem>>[vector<16xi32>, vector<16xi32>], vector<16xi32>,
    %mul3A_236 = arith.constant 4 : i32
    %mul3A_237 = vector.broadcast %mul3A_236 : i32 to vector<16xi32>
    %mul3A_238 = arith.muli %gather3A_235, %mul3A_237 : vector<16xi32>
    %swap3A_239 = arith.constant 0 : i32
    %swap3A_240 = arith.index_cast %swap3A_239 : i32 to index
    %swap3A_241 = arith.constant 240 : index
    %swap3A_242 = tpu.vector_load %arg6[%swap3A_240, %swap3A_241] {strides = array<i32>} : memref<2x512xi32, #tpu.memory_space<vmem>>, vector<16xi32>,
    tpu.vector_store %arg6[%swap3A_240, %swap3A_241], %mul3A_238 {strides = array<i32>} : memref<2x512xi32, #tpu.memory_space<vmem>>, vector<16xi32>,
    %gather3A_243 = tpu.vector_load_idx %arg5[%add3A_60, %add3A_116] : memref<512x50xi32, #tpu.memory_space<vmem>>[vector<16xi32>, vector<16xi32>], vector<16xi32>,
    %mul3A_244 = arith.constant 4 : i32
    %mul3A_245 = vector.broadcast %mul3A_244 : i32 to vector<16xi32>
    %mul3A_246 = arith.muli %gather3A_243, %mul3A_245 : vector<16xi32>
    %swap3A_247 = arith.constant 0 : i32
    %swap3A_248 = arith.index_cast %swap3A_247 : i32 to index
    %swap3A_249 = arith.constant 256 : index
    %swap3A_250 = tpu.vector_load %arg6[%swap3A_248, %swap3A_249] {strides = array<i32>} : memref<2x512xi32, #tpu.memory_space<vmem>>, vector<16xi32>,
    tpu.vector_store %arg6[%swap3A_248, %swap3A_249], %mul3A_246 {strides = array<i32>} : memref<2x512xi32, #tpu.memory_space<vmem>>, vector<16xi32>,
    %gather3A_251 = tpu.vector_load_idx %arg5[%add3A_63, %add3A_116] : memref<512x50xi32, #tpu.memory_space<vmem>>[vector<16xi32>, vector<16xi32>], vector<16xi32>,
    %mul3A_252 = arith.constant 4 : i32
    %mul3A_253 = vector.broadcast %mul3A_252 : i32 to vector<16xi32>
    %mul3A_254 = arith.muli %gather3A_251, %mul3A_253 : vector<16xi32>
    %swap3A_255 = arith.constant 0 : i32
    %swap3A_256 = arith.index_cast %swap3A_255 : i32 to index
    %swap3A_257 = arith.constant 272 : index
    %swap3A_258 = tpu.vector_load %arg6[%swap3A_256, %swap3A_257] {strides = array<i32>} : memref<2x512xi32, #tpu.memory_space<vmem>>, vector<16xi32>,
    tpu.vector_store %arg6[%swap3A_256, %swap3A_257], %mul3A_254 {strides = array<i32>} : memref<2x512xi32, #tpu.memory_space<vmem>>, vector<16xi32>,
    %gather3A_259 = tpu.vector_load_idx %arg5[%add3A_66, %add3A_116] : memref<512x50xi32, #tpu.memory_space<vmem>>[vector<16xi32>, vector<16xi32>], vector<16xi32>,
    %mul3A_260 = arith.constant 4 : i32
    %mul3A_261 = vector.broadcast %mul3A_260 : i32 to vector<16xi32>
    %mul3A_262 = arith.muli %gather3A_259, %mul3A_261 : vector<16xi32>
    %swap3A_263 = arith.constant 0 : i32
    %swap3A_264 = arith.index_cast %swap3A_263 : i32 to index
    %swap3A_265 = arith.constant 288 : index
    %swap3A_266 = tpu.vector_load %arg6[%swap3A_264, %swap3A_265] {strides = array<i32>} : memref<2x512xi32, #tpu.memory_space<vmem>>, vector<16xi32>,
    tpu.vector_store %arg6[%swap3A_264, %swap3A_265], %mul3A_262 {strides = array<i32>} : memref<2x512xi32, #tpu.memory_space<vmem>>, vector<16xi32>,
    %gather3A_267 = tpu.vector_load_idx %arg5[%add3A_69, %add3A_116] : memref<512x50xi32, #tpu.memory_space<vmem>>[vector<16xi32>, vector<16xi32>], vector<16xi32>,
    %mul3A_268 = arith.constant 4 : i32
    %mul3A_269 = vector.broadcast %mul3A_268 : i32 to vector<16xi32>
    %mul3A_270 = arith.muli %gather3A_267, %mul3A_269 : vector<16xi32>
    %swap3A_271 = arith.constant 0 : i32
    %swap3A_272 = arith.index_cast %swap3A_271 : i32 to index
    %swap3A_273 = arith.constant 304 : index
    %swap3A_274 = tpu.vector_load %arg6[%swap3A_272, %swap3A_273] {strides = array<i32>} : memref<2x512xi32, #tpu.memory_space<vmem>>, vector<16xi32>,
    tpu.vector_store %arg6[%swap3A_272, %swap3A_273], %mul3A_270 {strides = array<i32>} : memref<2x512xi32, #tpu.memory_space<vmem>>, vector<16xi32>,
    %gather3A_275 = tpu.vector_load_idx %arg5[%add3A_72, %add3A_116] : memref<512x50xi32, #tpu.memory_space<vmem>>[vector<16xi32>, vector<16xi32>], vector<16xi32>,
    %mul3A_276 = arith.constant 4 : i32
    %mul3A_277 = vector.broadcast %mul3A_276 : i32 to vector<16xi32>
    %mul3A_278 = arith.muli %gather3A_275, %mul3A_277 : vector<16xi32>
    %swap3A_279 = arith.constant 0 : i32
    %swap3A_280 = arith.index_cast %swap3A_279 : i32 to index
    %swap3A_281 = arith.constant 320 : index
    %swap3A_282 = tpu.vector_load %arg6[%swap3A_280, %swap3A_281] {strides = array<i32>} : memref<2x512xi32, #tpu.memory_space<vmem>>, vector<16xi32>,
    tpu.vector_store %arg6[%swap3A_280, %swap3A_281], %mul3A_278 {strides = array<i32>} : memref<2x512xi32, #tpu.memory_space<vmem>>, vector<16xi32>,
    %gather3A_283 = tpu.vector_load_idx %arg5[%add3A_75, %add3A_116] : memref<512x50xi32, #tpu.memory_space<vmem>>[vector<16xi32>, vector<16xi32>], vector<16xi32>,
    %mul3A_284 = arith.constant 4 : i32
    %mul3A_285 = vector.broadcast %mul3A_284 : i32 to vector<16xi32>
    %mul3A_286 = arith.muli %gather3A_283, %mul3A_285 : vector<16xi32>
    %swap3A_287 = arith.constant 0 : i32
    %swap3A_288 = arith.index_cast %swap3A_287 : i32 to index
    %swap3A_289 = arith.constant 336 : index
    %swap3A_290 = tpu.vector_load %arg6[%swap3A_288, %swap3A_289] {strides = array<i32>} : memref<2x512xi32, #tpu.memory_space<vmem>>, vector<16xi32>,
    tpu.vector_store %arg6[%swap3A_288, %swap3A_289], %mul3A_286 {strides = array<i32>} : memref<2x512xi32, #tpu.memory_space<vmem>>, vector<16xi32>,
    %gather3A_291 = tpu.vector_load_idx %arg5[%add3A_78, %add3A_116] : memref<512x50xi32, #tpu.memory_space<vmem>>[vector<16xi32>, vector<16xi32>], vector<16xi32>,
    %mul3A_292 = arith.constant 4 : i32
    %mul3A_293 = vector.broadcast %mul3A_292 : i32 to vector<16xi32>
    %mul3A_294 = arith.muli %gather3A_291, %mul3A_293 : vector<16xi32>
    %swap3A_295 = arith.constant 0 : i32
    %swap3A_296 = arith.index_cast %swap3A_295 : i32 to index
    %swap3A_297 = arith.constant 352 : index
    %swap3A_298 = tpu.vector_load %arg6[%swap3A_296, %swap3A_297] {strides = array<i32>} : memref<2x512xi32, #tpu.memory_space<vmem>>, vector<16xi32>,
    tpu.vector_store %arg6[%swap3A_296, %swap3A_297], %mul3A_294 {strides = array<i32>} : memref<2x512xi32, #tpu.memory_space<vmem>>, vector<16xi32>,
    %gather3A_299 = tpu.vector_load_idx %arg5[%add3A_81, %add3A_116] : memref<512x50xi32, #tpu.memory_space<vmem>>[vector<16xi32>, vector<16xi32>], vector<16xi32>,
    %mul3A_300 = arith.constant 4 : i32
    %mul3A_301 = vector.broadcast %mul3A_300 : i32 to vector<16xi32>
    %mul3A_302 = arith.muli %gather3A_299, %mul3A_301 : vector<16xi32>
    %swap3A_303 = arith.constant 0 : i32
    %swap3A_304 = arith.index_cast %swap3A_303 : i32 to index
    %swap3A_305 = arith.constant 368 : index
    %swap3A_306 = tpu.vector_load %arg6[%swap3A_304, %swap3A_305] {strides = array<i32>} : memref<2x512xi32, #tpu.memory_space<vmem>>, vector<16xi32>,
    tpu.vector_store %arg6[%swap3A_304, %swap3A_305], %mul3A_302 {strides = array<i32>} : memref<2x512xi32, #tpu.memory_space<vmem>>, vector<16xi32>,
    %gather3A_307 = tpu.vector_load_idx %arg5[%add3A_84, %add3A_116] : memref<512x50xi32, #tpu.memory_space<vmem>>[vector<16xi32>, vector<16xi32>], vector<16xi32>,
    %mul3A_308 = arith.constant 4 : i32
    %mul3A_309 = vector.broadcast %mul3A_308 : i32 to vector<16xi32>
    %mul3A_310 = arith.muli %gather3A_307, %mul3A_309 : vector<16xi32>
    %swap3A_311 = arith.constant 0 : i32
    %swap3A_312 = arith.index_cast %swap3A_311 : i32 to index
    %swap3A_313 = arith.constant 384 : index
    %swap3A_314 = tpu.vector_load %arg6[%swap3A_312, %swap3A_313] {strides = array<i32>} : memref<2x512xi32, #tpu.memory_space<vmem>>, vector<16xi32>,
    tpu.vector_store %arg6[%swap3A_312, %swap3A_313], %mul3A_310 {strides = array<i32>} : memref<2x512xi32, #tpu.memory_space<vmem>>, vector<16xi32>,
    %gather3A_315 = tpu.vector_load_idx %arg5[%add3A_87, %add3A_116] : memref<512x50xi32, #tpu.memory_space<vmem>>[vector<16xi32>, vector<16xi32>], vector<16xi32>,
    %mul3A_316 = arith.constant 4 : i32
    %mul3A_317 = vector.broadcast %mul3A_316 : i32 to vector<16xi32>
    %mul3A_318 = arith.muli %gather3A_315, %mul3A_317 : vector<16xi32>
    %swap3A_319 = arith.constant 0 : i32
    %swap3A_320 = arith.index_cast %swap3A_319 : i32 to index
    %swap3A_321 = arith.constant 400 : index
    %swap3A_322 = tpu.vector_load %arg6[%swap3A_320, %swap3A_321] {strides = array<i32>} : memref<2x512xi32, #tpu.memory_space<vmem>>, vector<16xi32>,
    tpu.vector_store %arg6[%swap3A_320, %swap3A_321], %mul3A_318 {strides = array<i32>} : memref<2x512xi32, #tpu.memory_space<vmem>>, vector<16xi32>,
    %gather3A_323 = tpu.vector_load_idx %arg5[%add3A_90, %add3A_116] : memref<512x50xi32, #tpu.memory_space<vmem>>[vector<16xi32>, vector<16xi32>], vector<16xi32>,
    %mul3A_324 = arith.constant 4 : i32
    %mul3A_325 = vector.broadcast %mul3A_324 : i32 to vector<16xi32>
    %mul3A_326 = arith.muli %gather3A_323, %mul3A_325 : vector<16xi32>
    %swap3A_327 = arith.constant 0 : i32
    %swap3A_328 = arith.index_cast %swap3A_327 : i32 to index
    %swap3A_329 = arith.constant 416 : index
    %swap3A_330 = tpu.vector_load %arg6[%swap3A_328, %swap3A_329] {strides = array<i32>} : memref<2x512xi32, #tpu.memory_space<vmem>>, vector<16xi32>,
    tpu.vector_store %arg6[%swap3A_328, %swap3A_329], %mul3A_326 {strides = array<i32>} : memref<2x512xi32, #tpu.memory_space<vmem>>, vector<16xi32>,
    %gather3A_331 = tpu.vector_load_idx %arg5[%add3A_93, %add3A_116] : memref<512x50xi32, #tpu.memory_space<vmem>>[vector<16xi32>, vector<16xi32>], vector<16xi32>,
    %mul3A_332 = arith.constant 4 : i32
    %mul3A_333 = vector.broadcast %mul3A_332 : i32 to vector<16xi32>
    %mul3A_334 = arith.muli %gather3A_331, %mul3A_333 : vector<16xi32>
    %swap3A_335 = arith.constant 0 : i32
    %swap3A_336 = arith.index_cast %swap3A_335 : i32 to index
    %swap3A_337 = arith.constant 432 : index
    %swap3A_338 = tpu.vector_load %arg6[%swap3A_336, %swap3A_337] {strides = array<i32>} : memref<2x512xi32, #tpu.memory_space<vmem>>, vector<16xi32>,
    tpu.vector_store %arg6[%swap3A_336, %swap3A_337], %mul3A_334 {strides = array<i32>} : memref<2x512xi32, #tpu.memory_space<vmem>>, vector<16xi32>,
    %gather3A_339 = tpu.vector_load_idx %arg5[%add3A_96, %add3A_116] : memref<512x50xi32, #tpu.memory_space<vmem>>[vector<16xi32>, vector<16xi32>], vector<16xi32>,
    %mul3A_340 = arith.constant 4 : i32
    %mul3A_341 = vector.broadcast %mul3A_340 : i32 to vector<16xi32>
    %mul3A_342 = arith.muli %gather3A_339, %mul3A_341 : vector<16xi32>
    %swap3A_343 = arith.constant 0 : i32
    %swap3A_344 = arith.index_cast %swap3A_343 : i32 to index
    %swap3A_345 = arith.constant 448 : index
    %swap3A_346 = tpu.vector_load %arg6[%swap3A_344, %swap3A_345] {strides = array<i32>} : memref<2x512xi32, #tpu.memory_space<vmem>>, vector<16xi32>,
    tpu.vector_store %arg6[%swap3A_344, %swap3A_345], %mul3A_342 {strides = array<i32>} : memref<2x512xi32, #tpu.memory_space<vmem>>, vector<16xi32>,
    %gather3A_347 = tpu.vector_load_idx %arg5[%add3A_99, %add3A_116] : memref<512x50xi32, #tpu.memory_space<vmem>>[vector<16xi32>, vector<16xi32>], vector<16xi32>,
    %mul3A_348 = arith.constant 4 : i32
    %mul3A_349 = vector.broadcast %mul3A_348 : i32 to vector<16xi32>
    %mul3A_350 = arith.muli %gather3A_347, %mul3A_349 : vector<16xi32>
    %swap3A_351 = arith.constant 0 : i32
    %swap3A_352 = arith.index_cast %swap3A_351 : i32 to index
    %swap3A_353 = arith.constant 464 : index
    %swap3A_354 = tpu.vector_load %arg6[%swap3A_352, %swap3A_353] {strides = array<i32>} : memref<2x512xi32, #tpu.memory_space<vmem>>, vector<16xi32>,
    tpu.vector_store %arg6[%swap3A_352, %swap3A_353], %mul3A_350 {strides = array<i32>} : memref<2x512xi32, #tpu.memory_space<vmem>>, vector<16xi32>,
    %gather3A_355 = tpu.vector_load_idx %arg5[%add3A_102, %add3A_116] : memref<512x50xi32, #tpu.memory_space<vmem>>[vector<16xi32>, vector<16xi32>], vector<16xi32>,
    %mul3A_356 = arith.constant 4 : i32
    %mul3A_357 = vector.broadcast %mul3A_356 : i32 to vector<16xi32>
    %mul3A_358 = arith.muli %gather3A_355, %mul3A_357 : vector<16xi32>
    %swap3A_359 = arith.constant 0 : i32
    %swap3A_360 = arith.index_cast %swap3A_359 : i32 to index
    %swap3A_361 = arith.constant 480 : index
    %swap3A_362 = tpu.vector_load %arg6[%swap3A_360, %swap3A_361] {strides = array<i32>} : memref<2x512xi32, #tpu.memory_space<vmem>>, vector<16xi32>,
    tpu.vector_store %arg6[%swap3A_360, %swap3A_361], %mul3A_358 {strides = array<i32>} : memref<2x512xi32, #tpu.memory_space<vmem>>, vector<16xi32>,
    %gather3A_363 = tpu.vector_load_idx %arg5[%add3A_105, %add3A_116] : memref<512x50xi32, #tpu.memory_space<vmem>>[vector<16xi32>, vector<16xi32>], vector<16xi32>,
    %mul3A_364 = arith.constant 4 : i32
    %mul3A_365 = vector.broadcast %mul3A_364 : i32 to vector<16xi32>
    %mul3A_366 = arith.muli %gather3A_363, %mul3A_365 : vector<16xi32>
    %swap3A_367 = arith.constant 0 : i32
    %swap3A_368 = arith.index_cast %swap3A_367 : i32 to index
    %swap3A_369 = arith.constant 496 : index
    %swap3A_370 = tpu.vector_load %arg6[%swap3A_368, %swap3A_369] {strides = array<i32>} : memref<2x512xi32, #tpu.memory_space<vmem>>, vector<16xi32>,
    tpu.vector_store %arg6[%swap3A_368, %swap3A_369], %mul3A_366 {strides = array<i32>} : memref<2x512xi32, #tpu.memory_space<vmem>>, vector<16xi32>,
    %dma_start3A_371 = arith.constant 0 : i32
    %dma_start3A_372 = arith.constant 0 : i32
    %dma_start3A_373 = arith.constant 0 : i32
    %dma_start3A_374 = arith.constant 0 : i32
    %dma_start3A_375 = tpu.memref_slice %arg7[%dma_start3A_372, %dma_start3A_373, %dma_start3A_374] : memref<2x512x32xf32, #tpu.memory_space<vmem>> -> memref<1x512x32xf32, #tpu.memory_space<vmem>>
    %dma_start3A_376 = tpu.memref_squeeze %dma_start3A_375 : memref<1x512x32xf32, #tpu.memory_space<vmem>> -> memref<512x32xf32, #tpu.memory_space<vmem>>
    %dma_start3A_377 = arith.constant 0 : i32
    %dma_start3A_378 = tpu.memref_slice %arg6[%dma_start3A_371, %dma_start3A_377] : memref<2x512xi32, #tpu.memory_space<vmem>> -> memref<1x512xi32, #tpu.memory_space<vmem>>
    %dma_start3A_379 = tpu.memref_squeeze %dma_start3A_378 : memref<1x512xi32, #tpu.memory_space<vmem>> -> memref<512xi32, #tpu.memory_space<vmem>>
    %dma_start3A_380 = arith.constant 0 : i32
    %dma_start3A_381 = arith.constant 0 : i32
    %dma_start3A_382 = tpu.memref_slice %arg3[%dma_start3A_380, %dma_start3A_381] : memref<4000000x32xf32, #tpu.memory_space<hbm>> -> memref<4000000x32xf32, #tpu.memory_space<hbm>>
    tpu.enqueue_indirect_dma source(%dma_start3A_382 : memref<4000000x32xf32, #tpu.memory_space<hbm>>) target(%dma_start3A_376 : memref<512x32xf32, #tpu.memory_space<vmem>>) offsets(%dma_start3A_379 : memref<512xi32, #tpu.memory_space<vmem>>) semaphore(%arg10 : memref<!tpu.dma_semaphore, #tpu.memory_space<semaphore_mem>>)
    %scan3A = arith.constant 0 : i32
    %scan3A_383 = arith.constant 0 : i32
    %scan3A_384 = arith.constant 24 : i32
    %scan3A_385 = arith.addi %scan3A_383, %scan3A_384 : i32
    %scan3A_386 = arith.constant 1 : i32
    scf.for %scan3A_787 = %scan3A_383 to %scan3A_385 step %scan3A_386  : i32 {
      %mul3A_788 = arith.constant 2 : i32
      %mul3A_789 = arith.muli %mul3A_788, %scan3A_787 : i32
      %add3A_790 = arith.constant 1 : i32
      %add3A_791 = arith.addi %mul3A_789, %add3A_790 : i32
      %add3A_792 = vector.broadcast %add3A_791 : i32 to vector<16xi32>
      %add3A_793 = arith.addi %broadcast_in_dim3A_3, %add3A_792 : vector<16xi32>
      %gather3A_794 = tpu.vector_load_idx %arg5[%add3A_12, %add3A_793] : memref<512x50xi32, #tpu.memory_space<vmem>>[vector<16xi32>, vector<16xi32>], vector<16xi32>,
      %mul3A_795 = arith.constant 4 : i32
      %mul3A_796 = vector.broadcast %mul3A_795 : i32 to vector<16xi32>
      %mul3A_797 = arith.muli %gather3A_794, %mul3A_796 : vector<16xi32>
      %swap3A_798 = arith.constant 1 : i32
      %swap3A_799 = arith.index_cast %swap3A_798 : i32 to index
      %swap3A_800 = arith.constant 0 : index
      %swap3A_801 = tpu.vector_load %arg6[%swap3A_799, %swap3A_800] {strides = array<i32>} : memref<2x512xi32, #tpu.memory_space<vmem>>, vector<16xi32>,
      tpu.vector_store %arg6[%swap3A_799, %swap3A_800], %mul3A_797 {strides = array<i32>} : memref<2x512xi32, #tpu.memory_space<vmem>>, vector<16xi32>,
      %gather3A_802 = tpu.vector_load_idx %arg5[%add3A_15, %add3A_793] : memref<512x50xi32, #tpu.memory_space<vmem>>[vector<16xi32>, vector<16xi32>], vector<16xi32>,
      %mul3A_803 = arith.constant 4 : i32
      %mul3A_804 = vector.broadcast %mul3A_803 : i32 to vector<16xi32>
      %mul3A_805 = arith.muli %gather3A_802, %mul3A_804 : vector<16xi32>
      %swap3A_806 = arith.constant 1 : i32
      %swap3A_807 = arith.index_cast %swap3A_806 : i32 to index
      %swap3A_808 = arith.constant 16 : index
      %swap3A_809 = tpu.vector_load %arg6[%swap3A_807, %swap3A_808] {strides = array<i32>} : memref<2x512xi32, #tpu.memory_space<vmem>>, vector<16xi32>,
      tpu.vector_store %arg6[%swap3A_807, %swap3A_808], %mul3A_805 {strides = array<i32>} : memref<2x512xi32, #tpu.memory_space<vmem>>, vector<16xi32>,
      %gather3A_810 = tpu.vector_load_idx %arg5[%add3A_18, %add3A_793] : memref<512x50xi32, #tpu.memory_space<vmem>>[vector<16xi32>, vector<16xi32>], vector<16xi32>,
      %mul3A_811 = arith.constant 4 : i32
      %mul3A_812 = vector.broadcast %mul3A_811 : i32 to vector<16xi32>
      %mul3A_813 = arith.muli %gather3A_810, %mul3A_812 : vector<16xi32>
      %swap3A_814 = arith.constant 1 : i32
      %swap3A_815 = arith.index_cast %swap3A_814 : i32 to index
      %swap3A_816 = arith.constant 32 : index
      %swap3A_817 = tpu.vector_load %arg6[%swap3A_815, %swap3A_816] {strides = array<i32>} : memref<2x512xi32, #tpu.memory_space<vmem>>, vector<16xi32>,
      tpu.vector_store %arg6[%swap3A_815, %swap3A_816], %mul3A_813 {strides = array<i32>} : memref<2x512xi32, #tpu.memory_space<vmem>>, vector<16xi32>,
      %gather3A_818 = tpu.vector_load_idx %arg5[%add3A_21, %add3A_793] : memref<512x50xi32, #tpu.memory_space<vmem>>[vector<16xi32>, vector<16xi32>], vector<16xi32>,
      %mul3A_819 = arith.constant 4 : i32
      %mul3A_820 = vector.broadcast %mul3A_819 : i32 to vector<16xi32>
      %mul3A_821 = arith.muli %gather3A_818, %mul3A_820 : vector<16xi32>
      %swap3A_822 = arith.constant 1 : i32
      %swap3A_823 = arith.index_cast %swap3A_822 : i32 to index
      %swap3A_824 = arith.constant 48 : index
      %swap3A_825 = tpu.vector_load %arg6[%swap3A_823, %swap3A_824] {strides = array<i32>} : memref<2x512xi32, #tpu.memory_space<vmem>>, vector<16xi32>,
      tpu.vector_store %arg6[%swap3A_823, %swap3A_824], %mul3A_821 {strides = array<i32>} : memref<2x512xi32, #tpu.memory_space<vmem>>, vector<16xi32>,
      %gather3A_826 = tpu.vector_load_idx %arg5[%add3A_24, %add3A_793] : memref<512x50xi32, #tpu.memory_space<vmem>>[vector<16xi32>, vector<16xi32>], vector<16xi32>,
      %mul3A_827 = arith.constant 4 : i32
      %mul3A_828 = vector.broadcast %mul3A_827 : i32 to vector<16xi32>
      %mul3A_829 = arith.muli %gather3A_826, %mul3A_828 : vector<16xi32>
      %swap3A_830 = arith.constant 1 : i32
      %swap3A_831 = arith.index_cast %swap3A_830 : i32 to index
      %swap3A_832 = arith.constant 64 : index
      %swap3A_833 = tpu.vector_load %arg6[%swap3A_831, %swap3A_832] {strides = array<i32>} : memref<2x512xi32, #tpu.memory_space<vmem>>, vector<16xi32>,
      tpu.vector_store %arg6[%swap3A_831, %swap3A_832], %mul3A_829 {strides = array<i32>} : memref<2x512xi32, #tpu.memory_space<vmem>>, vector<16xi32>,
      %gather3A_834 = tpu.vector_load_idx %arg5[%add3A_27, %add3A_793] : memref<512x50xi32, #tpu.memory_space<vmem>>[vector<16xi32>, vector<16xi32>], vector<16xi32>,
      %mul3A_835 = arith.constant 4 : i32
      %mul3A_836 = vector.broadcast %mul3A_835 : i32 to vector<16xi32>
      %mul3A_837 = arith.muli %gather3A_834, %mul3A_836 : vector<16xi32>
      %swap3A_838 = arith.constant 1 : i32
      %swap3A_839 = arith.index_cast %swap3A_838 : i32 to index
      %swap3A_840 = arith.constant 80 : index
      %swap3A_841 = tpu.vector_load %arg6[%swap3A_839, %swap3A_840] {strides = array<i32>} : memref<2x512xi32, #tpu.memory_space<vmem>>, vector<16xi32>,
      tpu.vector_store %arg6[%swap3A_839, %swap3A_840], %mul3A_837 {strides = array<i32>} : memref<2x512xi32, #tpu.memory_space<vmem>>, vector<16xi32>,
      %gather3A_842 = tpu.vector_load_idx %arg5[%add3A_30, %add3A_793] : memref<512x50xi32, #tpu.memory_space<vmem>>[vector<16xi32>, vector<16xi32>], vector<16xi32>,
      %mul3A_843 = arith.constant 4 : i32
      %mul3A_844 = vector.broadcast %mul3A_843 : i32 to vector<16xi32>
      %mul3A_845 = arith.muli %gather3A_842, %mul3A_844 : vector<16xi32>
      %swap3A_846 = arith.constant 1 : i32
      %swap3A_847 = arith.index_cast %swap3A_846 : i32 to index
      %swap3A_848 = arith.constant 96 : index
      %swap3A_849 = tpu.vector_load %arg6[%swap3A_847, %swap3A_848] {strides = array<i32>} : memref<2x512xi32, #tpu.memory_space<vmem>>, vector<16xi32>,
      tpu.vector_store %arg6[%swap3A_847, %swap3A_848], %mul3A_845 {strides = array<i32>} : memref<2x512xi32, #tpu.memory_space<vmem>>, vector<16xi32>,
      %gather3A_850 = tpu.vector_load_idx %arg5[%add3A_33, %add3A_793] : memref<512x50xi32, #tpu.memory_space<vmem>>[vector<16xi32>, vector<16xi32>], vector<16xi32>,
      %mul3A_851 = arith.constant 4 : i32
      %mul3A_852 = vector.broadcast %mul3A_851 : i32 to vector<16xi32>
      %mul3A_853 = arith.muli %gather3A_850, %mul3A_852 : vector<16xi32>
      %swap3A_854 = arith.constant 1 : i32
      %swap3A_855 = arith.index_cast %swap3A_854 : i32 to index
      %swap3A_856 = arith.constant 112 : index
      %swap3A_857 = tpu.vector_load %arg6[%swap3A_855, %swap3A_856] {strides = array<i32>} : memref<2x512xi32, #tpu.memory_space<vmem>>, vector<16xi32>,
      tpu.vector_store %arg6[%swap3A_855, %swap3A_856], %mul3A_853 {strides = array<i32>} : memref<2x512xi32, #tpu.memory_space<vmem>>, vector<16xi32>,
      %gather3A_858 = tpu.vector_load_idx %arg5[%add3A_36, %add3A_793] : memref<512x50xi32, #tpu.memory_space<vmem>>[vector<16xi32>, vector<16xi32>], vector<16xi32>,
      %mul3A_859 = arith.constant 4 : i32
      %mul3A_860 = vector.broadcast %mul3A_859 : i32 to vector<16xi32>
      %mul3A_861 = arith.muli %gather3A_858, %mul3A_860 : vector<16xi32>
      %swap3A_862 = arith.constant 1 : i32
      %swap3A_863 = arith.index_cast %swap3A_862 : i32 to index
      %swap3A_864 = arith.constant 128 : index
      %swap3A_865 = tpu.vector_load %arg6[%swap3A_863, %swap3A_864] {strides = array<i32>} : memref<2x512xi32, #tpu.memory_space<vmem>>, vector<16xi32>,
      tpu.vector_store %arg6[%swap3A_863, %swap3A_864], %mul3A_861 {strides = array<i32>} : memref<2x512xi32, #tpu.memory_space<vmem>>, vector<16xi32>,
      %gather3A_866 = tpu.vector_load_idx %arg5[%add3A_39, %add3A_793] : memref<512x50xi32, #tpu.memory_space<vmem>>[vector<16xi32>, vector<16xi32>], vector<16xi32>,
      %mul3A_867 = arith.constant 4 : i32
      %mul3A_868 = vector.broadcast %mul3A_867 : i32 to vector<16xi32>
      %mul3A_869 = arith.muli %gather3A_866, %mul3A_868 : vector<16xi32>
      %swap3A_870 = arith.constant 1 : i32
      %swap3A_871 = arith.index_cast %swap3A_870 : i32 to index
      %swap3A_872 = arith.constant 144 : index
      %swap3A_873 = tpu.vector_load %arg6[%swap3A_871, %swap3A_872] {strides = array<i32>} : memref<2x512xi32, #tpu.memory_space<vmem>>, vector<16xi32>,
      tpu.vector_store %arg6[%swap3A_871, %swap3A_872], %mul3A_869 {strides = array<i32>} : memref<2x512xi32, #tpu.memory_space<vmem>>, vector<16xi32>,
      %gather3A_874 = tpu.vector_load_idx %arg5[%add3A_42, %add3A_793] : memref<512x50xi32, #tpu.memory_space<vmem>>[vector<16xi32>, vector<16xi32>], vector<16xi32>,
      %mul3A_875 = arith.constant 4 : i32
      %mul3A_876 = vector.broadcast %mul3A_875 : i32 to vector<16xi32>
      %mul3A_877 = arith.muli %gather3A_874, %mul3A_876 : vector<16xi32>
      %swap3A_878 = arith.constant 1 : i32
      %swap3A_879 = arith.index_cast %swap3A_878 : i32 to index
      %swap3A_880 = arith.constant 160 : index
      %swap3A_881 = tpu.vector_load %arg6[%swap3A_879, %swap3A_880] {strides = array<i32>} : memref<2x512xi32, #tpu.memory_space<vmem>>, vector<16xi32>,
      tpu.vector_store %arg6[%swap3A_879, %swap3A_880], %mul3A_877 {strides = array<i32>} : memref<2x512xi32, #tpu.memory_space<vmem>>, vector<16xi32>,
      %gather3A_882 = tpu.vector_load_idx %arg5[%add3A_45, %add3A_793] : memref<512x50xi32, #tpu.memory_space<vmem>>[vector<16xi32>, vector<16xi32>], vector<16xi32>,
      %mul3A_883 = arith.constant 4 : i32
      %mul3A_884 = vector.broadcast %mul3A_883 : i32 to vector<16xi32>
      %mul3A_885 = arith.muli %gather3A_882, %mul3A_884 : vector<16xi32>
      %swap3A_886 = arith.constant 1 : i32
      %swap3A_887 = arith.index_cast %swap3A_886 : i32 to index
      %swap3A_888 = arith.constant 176 : index
      %swap3A_889 = tpu.vector_load %arg6[%swap3A_887, %swap3A_888] {strides = array<i32>} : memref<2x512xi32, #tpu.memory_space<vmem>>, vector<16xi32>,
      tpu.vector_store %arg6[%swap3A_887, %swap3A_888], %mul3A_885 {strides = array<i32>} : memref<2x512xi32, #tpu.memory_space<vmem>>, vector<16xi32>,
      %gather3A_890 = tpu.vector_load_idx %arg5[%add3A_48, %add3A_793] : memref<512x50xi32, #tpu.memory_space<vmem>>[vector<16xi32>, vector<16xi32>], vector<16xi32>,
      %mul3A_891 = arith.constant 4 : i32
      %mul3A_892 = vector.broadcast %mul3A_891 : i32 to vector<16xi32>
      %mul3A_893 = arith.muli %gather3A_890, %mul3A_892 : vector<16xi32>
      %swap3A_894 = arith.constant 1 : i32
      %swap3A_895 = arith.index_cast %swap3A_894 : i32 to index
      %swap3A_896 = arith.constant 192 : index
      %swap3A_897 = tpu.vector_load %arg6[%swap3A_895, %swap3A_896] {strides = array<i32>} : memref<2x512xi32, #tpu.memory_space<vmem>>, vector<16xi32>,
      tpu.vector_store %arg6[%swap3A_895, %swap3A_896], %mul3A_893 {strides = array<i32>} : memref<2x512xi32, #tpu.memory_space<vmem>>, vector<16xi32>,
      %gather3A_898 = tpu.vector_load_idx %arg5[%add3A_51, %add3A_793] : memref<512x50xi32, #tpu.memory_space<vmem>>[vector<16xi32>, vector<16xi32>], vector<16xi32>,
      %mul3A_899 = arith.constant 4 : i32
      %mul3A_900 = vector.broadcast %mul3A_899 : i32 to vector<16xi32>
      %mul3A_901 = arith.muli %gather3A_898, %mul3A_900 : vector<16xi32>
      %swap3A_902 = arith.constant 1 : i32
      %swap3A_903 = arith.index_cast %swap3A_902 : i32 to index
      %swap3A_904 = arith.constant 208 : index
      %swap3A_905 = tpu.vector_load %arg6[%swap3A_903, %swap3A_904] {strides = array<i32>} : memref<2x512xi32, #tpu.memory_space<vmem>>, vector<16xi32>,
      tpu.vector_store %arg6[%swap3A_903, %swap3A_904], %mul3A_901 {strides = array<i32>} : memref<2x512xi32, #tpu.memory_space<vmem>>, vector<16xi32>,
      %gather3A_906 = tpu.vector_load_idx %arg5[%add3A_54, %add3A_793] : memref<512x50xi32, #tpu.memory_space<vmem>>[vector<16xi32>, vector<16xi32>], vector<16xi32>,
      %mul3A_907 = arith.constant 4 : i32
      %mul3A_908 = vector.broadcast %mul3A_907 : i32 to vector<16xi32>
      %mul3A_909 = arith.muli %gather3A_906, %mul3A_908 : vector<16xi32>
      %swap3A_910 = arith.constant 1 : i32
      %swap3A_911 = arith.index_cast %swap3A_910 : i32 to index
      %swap3A_912 = arith.constant 224 : index
      %swap3A_913 = tpu.vector_load %arg6[%swap3A_911, %swap3A_912] {strides = array<i32>} : memref<2x512xi32, #tpu.memory_space<vmem>>, vector<16xi32>,
      tpu.vector_store %arg6[%swap3A_911, %swap3A_912], %mul3A_909 {strides = array<i32>} : memref<2x512xi32, #tpu.memory_space<vmem>>, vector<16xi32>,
      %gather3A_914 = tpu.vector_load_idx %arg5[%add3A_57, %add3A_793] : memref<512x50xi32, #tpu.memory_space<vmem>>[vector<16xi32>, vector<16xi32>], vector<16xi32>,
      %mul3A_915 = arith.constant 4 : i32
      %mul3A_916 = vector.broadcast %mul3A_915 : i32 to vector<16xi32>
      %mul3A_917 = arith.muli %gather3A_914, %mul3A_916 : vector<16xi32>
      %swap3A_918 = arith.constant 1 : i32
      %swap3A_919 = arith.index_cast %swap3A_918 : i32 to index
      %swap3A_920 = arith.constant 240 : index
      %swap3A_921 = tpu.vector_load %arg6[%swap3A_919, %swap3A_920] {strides = array<i32>} : memref<2x512xi32, #tpu.memory_space<vmem>>, vector<16xi32>,
      tpu.vector_store %arg6[%swap3A_919, %swap3A_920], %mul3A_917 {strides = array<i32>} : memref<2x512xi32, #tpu.memory_space<vmem>>, vector<16xi32>,
      %gather3A_922 = tpu.vector_load_idx %arg5[%add3A_60, %add3A_793] : memref<512x50xi32, #tpu.memory_space<vmem>>[vector<16xi32>, vector<16xi32>], vector<16xi32>,
      %mul3A_923 = arith.constant 4 : i32
      %mul3A_924 = vector.broadcast %mul3A_923 : i32 to vector<16xi32>
      %mul3A_925 = arith.muli %gather3A_922, %mul3A_924 : vector<16xi32>
      %swap3A_926 = arith.constant 1 : i32
      %swap3A_927 = arith.index_cast %swap3A_926 : i32 to index
      %swap3A_928 = arith.constant 256 : index
      %swap3A_929 = tpu.vector_load %arg6[%swap3A_927, %swap3A_928] {strides = array<i32>} : memref<2x512xi32, #tpu.memory_space<vmem>>, vector<16xi32>,
      tpu.vector_store %arg6[%swap3A_927, %swap3A_928], %mul3A_925 {strides = array<i32>} : memref<2x512xi32, #tpu.memory_space<vmem>>, vector<16xi32>,
      %gather3A_930 = tpu.vector_load_idx %arg5[%add3A_63, %add3A_793] : memref<512x50xi32, #tpu.memory_space<vmem>>[vector<16xi32>, vector<16xi32>], vector<16xi32>,
      %mul3A_931 = arith.constant 4 : i32
      %mul3A_932 = vector.broadcast %mul3A_931 : i32 to vector<16xi32>
      %mul3A_933 = arith.muli %gather3A_930, %mul3A_932 : vector<16xi32>
      %swap3A_934 = arith.constant 1 : i32
      %swap3A_935 = arith.index_cast %swap3A_934 : i32 to index
      %swap3A_936 = arith.constant 272 : index
      %swap3A_937 = tpu.vector_load %arg6[%swap3A_935, %swap3A_936] {strides = array<i32>} : memref<2x512xi32, #tpu.memory_space<vmem>>, vector<16xi32>,
      tpu.vector_store %arg6[%swap3A_935, %swap3A_936], %mul3A_933 {strides = array<i32>} : memref<2x512xi32, #tpu.memory_space<vmem>>, vector<16xi32>,
      %gather3A_938 = tpu.vector_load_idx %arg5[%add3A_66, %add3A_793] : memref<512x50xi32, #tpu.memory_space<vmem>>[vector<16xi32>, vector<16xi32>], vector<16xi32>,
      %mul3A_939 = arith.constant 4 : i32
      %mul3A_940 = vector.broadcast %mul3A_939 : i32 to vector<16xi32>
      %mul3A_941 = arith.muli %gather3A_938, %mul3A_940 : vector<16xi32>
      %swap3A_942 = arith.constant 1 : i32
      %swap3A_943 = arith.index_cast %swap3A_942 : i32 to index
      %swap3A_944 = arith.constant 288 : index
      %swap3A_945 = tpu.vector_load %arg6[%swap3A_943, %swap3A_944] {strides = array<i32>} : memref<2x512xi32, #tpu.memory_space<vmem>>, vector<16xi32>,
      tpu.vector_store %arg6[%swap3A_943, %swap3A_944], %mul3A_941 {strides = array<i32>} : memref<2x512xi32, #tpu.memory_space<vmem>>, vector<16xi32>,
      %gather3A_946 = tpu.vector_load_idx %arg5[%add3A_69, %add3A_793] : memref<512x50xi32, #tpu.memory_space<vmem>>[vector<16xi32>, vector<16xi32>], vector<16xi32>,
      %mul3A_947 = arith.constant 4 : i32
      %mul3A_948 = vector.broadcast %mul3A_947 : i32 to vector<16xi32>
      %mul3A_949 = arith.muli %gather3A_946, %mul3A_948 : vector<16xi32>
      %swap3A_950 = arith.constant 1 : i32
      %swap3A_951 = arith.index_cast %swap3A_950 : i32 to index
      %swap3A_952 = arith.constant 304 : index
      %swap3A_953 = tpu.vector_load %arg6[%swap3A_951, %swap3A_952] {strides = array<i32>} : memref<2x512xi32, #tpu.memory_space<vmem>>, vector<16xi32>,
      tpu.vector_store %arg6[%swap3A_951, %swap3A_952], %mul3A_949 {strides = array<i32>} : memref<2x512xi32, #tpu.memory_space<vmem>>, vector<16xi32>,
      %gather3A_954 = tpu.vector_load_idx %arg5[%add3A_72, %add3A_793] : memref<512x50xi32, #tpu.memory_space<vmem>>[vector<16xi32>, vector<16xi32>], vector<16xi32>,
      %mul3A_955 = arith.constant 4 : i32
      %mul3A_956 = vector.broadcast %mul3A_955 : i32 to vector<16xi32>
      %mul3A_957 = arith.muli %gather3A_954, %mul3A_956 : vector<16xi32>
      %swap3A_958 = arith.constant 1 : i32
      %swap3A_959 = arith.index_cast %swap3A_958 : i32 to index
      %swap3A_960 = arith.constant 320 : index
      %swap3A_961 = tpu.vector_load %arg6[%swap3A_959, %swap3A_960] {strides = array<i32>} : memref<2x512xi32, #tpu.memory_space<vmem>>, vector<16xi32>,
      tpu.vector_store %arg6[%swap3A_959, %swap3A_960], %mul3A_957 {strides = array<i32>} : memref<2x512xi32, #tpu.memory_space<vmem>>, vector<16xi32>,
      %gather3A_962 = tpu.vector_load_idx %arg5[%add3A_75, %add3A_793] : memref<512x50xi32, #tpu.memory_space<vmem>>[vector<16xi32>, vector<16xi32>], vector<16xi32>,
      %mul3A_963 = arith.constant 4 : i32
      %mul3A_964 = vector.broadcast %mul3A_963 : i32 to vector<16xi32>
      %mul3A_965 = arith.muli %gather3A_962, %mul3A_964 : vector<16xi32>
      %swap3A_966 = arith.constant 1 : i32
      %swap3A_967 = arith.index_cast %swap3A_966 : i32 to index
      %swap3A_968 = arith.constant 336 : index
      %swap3A_969 = tpu.vector_load %arg6[%swap3A_967, %swap3A_968] {strides = array<i32>} : memref<2x512xi32, #tpu.memory_space<vmem>>, vector<16xi32>,
      tpu.vector_store %arg6[%swap3A_967, %swap3A_968], %mul3A_965 {strides = array<i32>} : memref<2x512xi32, #tpu.memory_space<vmem>>, vector<16xi32>,
      %gather3A_970 = tpu.vector_load_idx %arg5[%add3A_78, %add3A_793] : memref<512x50xi32, #tpu.memory_space<vmem>>[vector<16xi32>, vector<16xi32>], vector<16xi32>,
      %mul3A_971 = arith.constant 4 : i32
      %mul3A_972 = vector.broadcast %mul3A_971 : i32 to vector<16xi32>
      %mul3A_973 = arith.muli %gather3A_970, %mul3A_972 : vector<16xi32>
      %swap3A_974 = arith.constant 1 : i32
      %swap3A_975 = arith.index_cast %swap3A_974 : i32 to index
      %swap3A_976 = arith.constant 352 : index
      %swap3A_977 = tpu.vector_load %arg6[%swap3A_975, %swap3A_976] {strides = array<i32>} : memref<2x512xi32, #tpu.memory_space<vmem>>, vector<16xi32>,
      tpu.vector_store %arg6[%swap3A_975, %swap3A_976], %mul3A_973 {strides = array<i32>} : memref<2x512xi32, #tpu.memory_space<vmem>>, vector<16xi32>,
      %gather3A_978 = tpu.vector_load_idx %arg5[%add3A_81, %add3A_793] : memref<512x50xi32, #tpu.memory_space<vmem>>[vector<16xi32>, vector<16xi32>], vector<16xi32>,
      %mul3A_979 = arith.constant 4 : i32
      %mul3A_980 = vector.broadcast %mul3A_979 : i32 to vector<16xi32>
      %mul3A_981 = arith.muli %gather3A_978, %mul3A_980 : vector<16xi32>
      %swap3A_982 = arith.constant 1 : i32
      %swap3A_983 = arith.index_cast %swap3A_982 : i32 to index
      %swap3A_984 = arith.constant 368 : index
      %swap3A_985 = tpu.vector_load %arg6[%swap3A_983, %swap3A_984] {strides = array<i32>} : memref<2x512xi32, #tpu.memory_space<vmem>>, vector<16xi32>,
      tpu.vector_store %arg6[%swap3A_983, %swap3A_984], %mul3A_981 {strides = array<i32>} : memref<2x512xi32, #tpu.memory_space<vmem>>, vector<16xi32>,
      %gather3A_986 = tpu.vector_load_idx %arg5[%add3A_84, %add3A_793] : memref<512x50xi32, #tpu.memory_space<vmem>>[vector<16xi32>, vector<16xi32>], vector<16xi32>,
      %mul3A_987 = arith.constant 4 : i32
      %mul3A_988 = vector.broadcast %mul3A_987 : i32 to vector<16xi32>
      %mul3A_989 = arith.muli %gather3A_986, %mul3A_988 : vector<16xi32>
      %swap3A_990 = arith.constant 1 : i32
      %swap3A_991 = arith.index_cast %swap3A_990 : i32 to index
      %swap3A_992 = arith.constant 384 : index
      %swap3A_993 = tpu.vector_load %arg6[%swap3A_991, %swap3A_992] {strides = array<i32>} : memref<2x512xi32, #tpu.memory_space<vmem>>, vector<16xi32>,
      tpu.vector_store %arg6[%swap3A_991, %swap3A_992], %mul3A_989 {strides = array<i32>} : memref<2x512xi32, #tpu.memory_space<vmem>>, vector<16xi32>,
      %gather3A_994 = tpu.vector_load_idx %arg5[%add3A_87, %add3A_793] : memref<512x50xi32, #tpu.memory_space<vmem>>[vector<16xi32>, vector<16xi32>], vector<16xi32>,
      %mul3A_995 = arith.constant 4 : i32
      %mul3A_996 = vector.broadcast %mul3A_995 : i32 to vector<16xi32>
      %mul3A_997 = arith.muli %gather3A_994, %mul3A_996 : vector<16xi32>
      %swap3A_998 = arith.constant 1 : i32
      %swap3A_999 = arith.index_cast %swap3A_998 : i32 to index
      %swap3A_1000 = arith.constant 400 : index
      %swap3A_1001 = tpu.vector_load %arg6[%swap3A_999, %swap3A_1000] {strides = array<i32>} : memref<2x512xi32, #tpu.memory_space<vmem>>, vector<16xi32>,
      tpu.vector_store %arg6[%swap3A_999, %swap3A_1000], %mul3A_997 {strides = array<i32>} : memref<2x512xi32, #tpu.memory_space<vmem>>, vector<16xi32>,
      %gather3A_1002 = tpu.vector_load_idx %arg5[%add3A_90, %add3A_793] : memref<512x50xi32, #tpu.memory_space<vmem>>[vector<16xi32>, vector<16xi32>], vector<16xi32>,
      %mul3A_1003 = arith.constant 4 : i32
      %mul3A_1004 = vector.broadcast %mul3A_1003 : i32 to vector<16xi32>
      %mul3A_1005 = arith.muli %gather3A_1002, %mul3A_1004 : vector<16xi32>
      %swap3A_1006 = arith.constant 1 : i32
      %swap3A_1007 = arith.index_cast %swap3A_1006 : i32 to index
      %swap3A_1008 = arith.constant 416 : index
      %swap3A_1009 = tpu.vector_load %arg6[%swap3A_1007, %swap3A_1008] {strides = array<i32>} : memref<2x512xi32, #tpu.memory_space<vmem>>, vector<16xi32>,
      tpu.vector_store %arg6[%swap3A_1007, %swap3A_1008], %mul3A_1005 {strides = array<i32>} : memref<2x512xi32, #tpu.memory_space<vmem>>, vector<16xi32>,
      %gather3A_1010 = tpu.vector_load_idx %arg5[%add3A_93, %add3A_793] : memref<512x50xi32, #tpu.memory_space<vmem>>[vector<16xi32>, vector<16xi32>], vector<16xi32>,
      %mul3A_1011 = arith.constant 4 : i32
      %mul3A_1012 = vector.broadcast %mul3A_1011 : i32 to vector<16xi32>
      %mul3A_1013 = arith.muli %gather3A_1010, %mul3A_1012 : vector<16xi32>
      %swap3A_1014 = arith.constant 1 : i32
      %swap3A_1015 = arith.index_cast %swap3A_1014 : i32 to index
      %swap3A_1016 = arith.constant 432 : index
      %swap3A_1017 = tpu.vector_load %arg6[%swap3A_1015, %swap3A_1016] {strides = array<i32>} : memref<2x512xi32, #tpu.memory_space<vmem>>, vector<16xi32>,
      tpu.vector_store %arg6[%swap3A_1015, %swap3A_1016], %mul3A_1013 {strides = array<i32>} : memref<2x512xi32, #tpu.memory_space<vmem>>, vector<16xi32>,
      %gather3A_1018 = tpu.vector_load_idx %arg5[%add3A_96, %add3A_793] : memref<512x50xi32, #tpu.memory_space<vmem>>[vector<16xi32>, vector<16xi32>], vector<16xi32>,
      %mul3A_1019 = arith.constant 4 : i32
      %mul3A_1020 = vector.broadcast %mul3A_1019 : i32 to vector<16xi32>
      %mul3A_1021 = arith.muli %gather3A_1018, %mul3A_1020 : vector<16xi32>
      %swap3A_1022 = arith.constant 1 : i32
      %swap3A_1023 = arith.index_cast %swap3A_1022 : i32 to index
      %swap3A_1024 = arith.constant 448 : index
      %swap3A_1025 = tpu.vector_load %arg6[%swap3A_1023, %swap3A_1024] {strides = array<i32>} : memref<2x512xi32, #tpu.memory_space<vmem>>, vector<16xi32>,
      tpu.vector_store %arg6[%swap3A_1023, %swap3A_1024], %mul3A_1021 {strides = array<i32>} : memref<2x512xi32, #tpu.memory_space<vmem>>, vector<16xi32>,
      %gather3A_1026 = tpu.vector_load_idx %arg5[%add3A_99, %add3A_793] : memref<512x50xi32, #tpu.memory_space<vmem>>[vector<16xi32>, vector<16xi32>], vector<16xi32>,
      %mul3A_1027 = arith.constant 4 : i32
      %mul3A_1028 = vector.broadcast %mul3A_1027 : i32 to vector<16xi32>
      %mul3A_1029 = arith.muli %gather3A_1026, %mul3A_1028 : vector<16xi32>
      %swap3A_1030 = arith.constant 1 : i32
      %swap3A_1031 = arith.index_cast %swap3A_1030 : i32 to index
      %swap3A_1032 = arith.constant 464 : index
      %swap3A_1033 = tpu.vector_load %arg6[%swap3A_1031, %swap3A_1032] {strides = array<i32>} : memref<2x512xi32, #tpu.memory_space<vmem>>, vector<16xi32>,
      tpu.vector_store %arg6[%swap3A_1031, %swap3A_1032], %mul3A_1029 {strides = array<i32>} : memref<2x512xi32, #tpu.memory_space<vmem>>, vector<16xi32>,
      %gather3A_1034 = tpu.vector_load_idx %arg5[%add3A_102, %add3A_793] : memref<512x50xi32, #tpu.memory_space<vmem>>[vector<16xi32>, vector<16xi32>], vector<16xi32>,
      %mul3A_1035 = arith.constant 4 : i32
      %mul3A_1036 = vector.broadcast %mul3A_1035 : i32 to vector<16xi32>
      %mul3A_1037 = arith.muli %gather3A_1034, %mul3A_1036 : vector<16xi32>
      %swap3A_1038 = arith.constant 1 : i32
      %swap3A_1039 = arith.index_cast %swap3A_1038 : i32 to index
      %swap3A_1040 = arith.constant 480 : index
      %swap3A_1041 = tpu.vector_load %arg6[%swap3A_1039, %swap3A_1040] {strides = array<i32>} : memref<2x512xi32, #tpu.memory_space<vmem>>, vector<16xi32>,
      tpu.vector_store %arg6[%swap3A_1039, %swap3A_1040], %mul3A_1037 {strides = array<i32>} : memref<2x512xi32, #tpu.memory_space<vmem>>, vector<16xi32>,
      %gather3A_1042 = tpu.vector_load_idx %arg5[%add3A_105, %add3A_793] : memref<512x50xi32, #tpu.memory_space<vmem>>[vector<16xi32>, vector<16xi32>], vector<16xi32>,
      %mul3A_1043 = arith.constant 4 : i32
      %mul3A_1044 = vector.broadcast %mul3A_1043 : i32 to vector<16xi32>
      %mul3A_1045 = arith.muli %gather3A_1042, %mul3A_1044 : vector<16xi32>
      %swap3A_1046 = arith.constant 1 : i32
      %swap3A_1047 = arith.index_cast %swap3A_1046 : i32 to index
      %swap3A_1048 = arith.constant 496 : index
      %swap3A_1049 = tpu.vector_load %arg6[%swap3A_1047, %swap3A_1048] {strides = array<i32>} : memref<2x512xi32, #tpu.memory_space<vmem>>, vector<16xi32>,
      tpu.vector_store %arg6[%swap3A_1047, %swap3A_1048], %mul3A_1045 {strides = array<i32>} : memref<2x512xi32, #tpu.memory_space<vmem>>, vector<16xi32>,
      %dma_start3A_1050 = arith.constant 1 : i32
      %dma_start3A_1051 = arith.constant 1 : i32
      %dma_start3A_1052 = arith.constant 0 : i32
      %dma_start3A_1053 = arith.constant 0 : i32
      %dma_start3A_1054 = tpu.memref_slice %arg7[%dma_start3A_1051, %dma_start3A_1052, %dma_start3A_1053] : memref<2x512x32xf32, #tpu.memory_space<vmem>> -> memref<1x512x32xf32, #tpu.memory_space<vmem>>
      %dma_start3A_1055 = tpu.memref_squeeze %dma_start3A_1054 : memref<1x512x32xf32, #tpu.memory_space<vmem>> -> memref<512x32xf32, #tpu.memory_space<vmem>>
      %dma_start3A_1056 = arith.constant 0 : i32
      %dma_start3A_1057 = tpu.memref_slice %arg6[%dma_start3A_1050, %dma_start3A_1056] : memref<2x512xi32, #tpu.memory_space<vmem>> -> memref<1x512xi32, #tpu.memory_space<vmem>>
      %dma_start3A_1058 = tpu.memref_squeeze %dma_start3A_1057 : memref<1x512xi32, #tpu.memory_space<vmem>> -> memref<512xi32, #tpu.memory_space<vmem>>
      %dma_start3A_1059 = arith.constant 0 : i32
      %dma_start3A_1060 = arith.constant 0 : i32
      %dma_start3A_1061 = tpu.memref_slice %arg3[%dma_start3A_1059, %dma_start3A_1060] : memref<4000000x32xf32, #tpu.memory_space<hbm>> -> memref<4000000x32xf32, #tpu.memory_space<hbm>>
      tpu.enqueue_indirect_dma source(%dma_start3A_1061 : memref<4000000x32xf32, #tpu.memory_space<hbm>>) target(%dma_start3A_1055 : memref<512x32xf32, #tpu.memory_space<vmem>>) offsets(%dma_start3A_1058 : memref<512xi32, #tpu.memory_space<vmem>>) semaphore(%arg11 : memref<!tpu.dma_semaphore, #tpu.memory_space<semaphore_mem>>)
      %ge3A = arith.constant 1 : i32
      %ge3A_1062 = arith.cmpi sge, %scan3A_787, %ge3A : i32
      %dma_wait3A_1063 = arith.constant 0 : i32
      %dma_wait3A_1064 = arith.constant 0 : i32
      %dma_wait3A_1065 = arith.constant 0 : i32
      %dma_wait3A_1066 = tpu.memref_slice %arg7[%dma_wait3A_1063, %dma_wait3A_1064, %dma_wait3A_1065] : memref<2x512x32xf32, #tpu.memory_space<vmem>> -> memref<1x512x32xf32, #tpu.memory_space<vmem>>
      %dma_wait3A_1067 = tpu.memref_squeeze %dma_wait3A_1066 : memref<1x512x32xf32, #tpu.memory_space<vmem>> -> memref<512x32xf32, #tpu.memory_space<vmem>>
      %dma_wait3A_1068 = arith.constant 0 : i32
      %dma_wait3A_1069 = arith.constant 0 : i32
      %dma_wait3A_1070 = tpu.memref_slice %arg3[%dma_wait3A_1068, %dma_wait3A_1069] : memref<4000000x32xf32, #tpu.memory_space<hbm>> -> memref<512x32xf32, #tpu.memory_space<hbm>>
      %dma_wait3A_1071 = arith.constant 0 : i32
      %dma_wait3A_1072 = arith.constant 0 : i32
      %dma_wait3A_1073 = tpu.memref_slice %arg7[%dma_wait3A_1063, %dma_wait3A_1071, %dma_wait3A_1072] : memref<2x512x32xf32, #tpu.memory_space<vmem>> -> memref<1x512x32xf32, #tpu.memory_space<vmem>>
      %dma_wait3A_1074 = tpu.memref_squeeze %dma_wait3A_1073 : memref<1x512x32xf32, #tpu.memory_space<vmem>> -> memref<512x32xf32, #tpu.memory_space<vmem>>
      %dma_wait3A_1075 = arith.constant 0 : i32
      %dma_wait3A_1076 = arith.constant 0 : i32
      %dma_wait3A_1077 = tpu.memref_slice %arg3[%dma_wait3A_1075, %dma_wait3A_1076] : memref<4000000x32xf32, #tpu.memory_space<hbm>> -> memref<512x32xf32, #tpu.memory_space<hbm>>
      tpu.wait_dma2 semaphore(%arg10 : memref<!tpu.dma_semaphore, #tpu.memory_space<semaphore_mem>>) src(%dma_wait3A_1077 : memref<512x32xf32, #tpu.memory_space<hbm>>) dst(%dma_wait3A_1074 : memref<512x32xf32, #tpu.memory_space<vmem>>)
      %convert_element_type3A = arith.extui %ge3A_1062 : i1 to i32
      %cond3A = arith.constant 0 : i32
      %cond3A_1078 = arith.cmpi ne, %convert_element_type3A, %cond3A : i32
      scf.if %cond3A_1078 {
        %dma_wait3A_1411 = arith.constant 0 : i32
        %dma_wait3A_1412 = arith.constant 0 : i32
        %dma_wait3A_1413 = arith.constant 0 : i32
        %dma_wait3A_1414 = tpu.memref_slice %arg8[%dma_wait3A_1411, %dma_wait3A_1412, %dma_wait3A_1413] : memref<2x32x512xf32, #tpu.memory_space<vmem>> -> memref<1x32x512xf32, #tpu.memory_space<vmem>>
        %dma_wait3A_1415 = tpu.memref_squeeze %dma_wait3A_1414 : memref<1x32x512xf32, #tpu.memory_space<vmem>> -> memref<32x512xf32, #tpu.memory_space<vmem>>
        %dma_wait3A_1416 = arith.constant 0 : i32
        %dma_wait3A_1417 = arith.constant 0 : i32
        %dma_wait3A_1418 = tpu.memref_slice %arg4[%dma_wait3A_1416, %dma_wait3A_1417] : memref<1600x16384xf32, #tpu.memory_space<hbm>> -> memref<32x512xf32, #tpu.memory_space<hbm>>
        %dma_wait3A_1419 = arith.constant 0 : i32
        %dma_wait3A_1420 = arith.constant 0 : i32
        %dma_wait3A_1421 = tpu.memref_slice %arg8[%dma_wait3A_1411, %dma_wait3A_1419, %dma_wait3A_1420] : memref<2x32x512xf32, #tpu.memory_space<vmem>> -> memref<1x32x512xf32, #tpu.memory_space<vmem>>
        %dma_wait3A_1422 = tpu.memref_squeeze %dma_wait3A_1421 : memref<1x32x512xf32, #tpu.memory_space<vmem>> -> memref<32x512xf32, #tpu.memory_space<vmem>>
        %dma_wait3A_1423 = arith.constant 0 : i32
        %dma_wait3A_1424 = arith.constant 0 : i32
        %dma_wait3A_1425 = tpu.memref_slice %arg4[%dma_wait3A_1423, %dma_wait3A_1424] : memref<1600x16384xf32, #tpu.memory_space<hbm>> -> memref<32x512xf32, #tpu.memory_space<hbm>>
        tpu.wait_dma2 semaphore(%arg12 : memref<!tpu.dma_semaphore, #tpu.memory_space<semaphore_mem>>) src(%dma_wait3A_1425 : memref<32x512xf32, #tpu.memory_space<hbm>>) dst(%dma_wait3A_1422 : memref<32x512xf32, #tpu.memory_space<vmem>>)
      } else {
      }
      %scan3A_1079 = arith.constant 0 : i32
      %scan3A_1080 = arith.constant 0 : i32
      %scan3A_1081 = arith.constant 64 : i32
      %scan3A_1082 = arith.addi %scan3A_1080, %scan3A_1081 : i32
      %scan3A_1083 = arith.constant 1 : i32
      scf.for %scan3A_1411 = %scan3A_1080 to %scan3A_1082 step %scan3A_1083  : i32 {
        %mul3A_1412 = arith.constant 8 : i32
        %mul3A_1413 = arith.muli %scan3A_1411, %mul3A_1412 : i32
        %add3A_1414 = arith.constant 0 : i32
        %add3A_1415 = arith.addi %mul3A_1413, %add3A_1414 : i32
        %add3A_1416 = vector.broadcast %add3A_1415 : i32 to vector<16xi32>
        %add3A_1417 = arith.addi %broadcast_in_dim3A_3, %add3A_1416 : vector<16xi32>
        %add3A_1418 = arith.addi %add3A_1417, %add3A_6 : vector<16xi32>
        %and3A = arith.constant 511 : i32
        %and3A_1419 = vector.broadcast %and3A : i32 to vector<16xi32>
        %and3A_1420 = arith.andi %add3A_1418, %and3A_1419 : vector<16xi32>
        %gather3A_1421 = arith.constant 0 : i32
        %gather3A_1422 = arith.constant 0 : i32
        %gather3A_1423 = arith.constant 0 : i32
        %gather3A_1424 = tpu.memref_slice %arg7[%gather3A_1421, %gather3A_1422, %gather3A_1423] : memref<2x512x32xf32, #tpu.memory_space<vmem>> -> memref<1x512x32xf32, #tpu.memory_space<vmem>>
        %gather3A_1425 = tpu.memref_squeeze %gather3A_1424 : memref<1x512x32xf32, #tpu.memory_space<vmem>> -> memref<512x32xf32, #tpu.memory_space<vmem>>
        %gather3A_1426 = tpu.vector_load_idx %gather3A_1425[%and3A_1420, %add3A_6] : memref<512x32xf32, #tpu.memory_space<vmem>>[vector<16xi32>, vector<16xi32>], vector<16xf32>,
        %scatter3A = arith.constant 0 : i32
        %scatter3A_1427 = arith.constant 0 : i32
        %scatter3A_1428 = arith.constant 0 : i32
        %scatter3A_1429 = tpu.memref_slice %arg8[%scatter3A, %scatter3A_1427, %scatter3A_1428] : memref<2x32x512xf32, #tpu.memory_space<vmem>> -> memref<1x32x512xf32, #tpu.memory_space<vmem>>
        %scatter3A_1430 = tpu.memref_squeeze %scatter3A_1429 : memref<1x32x512xf32, #tpu.memory_space<vmem>> -> memref<32x512xf32, #tpu.memory_space<vmem>>
        tpu.vector_store_idx %scatter3A_1430[%add3A_6, %and3A_1420], %gather3A_1426 : memref<32x512xf32, #tpu.memory_space<vmem>>[vector<16xi32>, vector<16xi32>], vector<16xf32>,
        %add3A_1431 = arith.addi %add3A_1417, %add3A_9 : vector<16xi32>
        %and3A_1432 = arith.constant 511 : i32
        %and3A_1433 = vector.broadcast %and3A_1432 : i32 to vector<16xi32>
        %and3A_1434 = arith.andi %add3A_1431, %and3A_1433 : vector<16xi32>
        %gather3A_1435 = arith.constant 0 : i32
        %gather3A_1436 = arith.constant 0 : i32
        %gather3A_1437 = arith.constant 0 : i32
        %gather3A_1438 = tpu.memref_slice %arg7[%gather3A_1435, %gather3A_1436, %gather3A_1437] : memref<2x512x32xf32, #tpu.memory_space<vmem>> -> memref<1x512x32xf32, #tpu.memory_space<vmem>>
        %gather3A_1439 = tpu.memref_squeeze %gather3A_1438 : memref<1x512x32xf32, #tpu.memory_space<vmem>> -> memref<512x32xf32, #tpu.memory_space<vmem>>
        %gather3A_1440 = tpu.vector_load_idx %gather3A_1439[%and3A_1434, %add3A_9] : memref<512x32xf32, #tpu.memory_space<vmem>>[vector<16xi32>, vector<16xi32>], vector<16xf32>,
        %scatter3A_1441 = arith.constant 0 : i32
        %scatter3A_1442 = arith.constant 0 : i32
        %scatter3A_1443 = arith.constant 0 : i32
        %scatter3A_1444 = tpu.memref_slice %arg8[%scatter3A_1441, %scatter3A_1442, %scatter3A_1443] : memref<2x32x512xf32, #tpu.memory_space<vmem>> -> memref<1x32x512xf32, #tpu.memory_space<vmem>>
        %scatter3A_1445 = tpu.memref_squeeze %scatter3A_1444 : memref<1x32x512xf32, #tpu.memory_space<vmem>> -> memref<32x512xf32, #tpu.memory_space<vmem>>
        tpu.vector_store_idx %scatter3A_1445[%add3A_9, %and3A_1434], %gather3A_1440 : memref<32x512xf32, #tpu.memory_space<vmem>>[vector<16xi32>, vector<16xi32>], vector<16xf32>,
        %add3A_1446 = arith.constant 1 : i32
        %add3A_1447 = arith.addi %mul3A_1413, %add3A_1446 : i32
        %add3A_1448 = vector.broadcast %add3A_1447 : i32 to vector<16xi32>
        %add3A_1449 = arith.addi %broadcast_in_dim3A_3, %add3A_1448 : vector<16xi32>
        %add3A_1450 = arith.addi %add3A_1449, %add3A_6 : vector<16xi32>
        %and3A_1451 = arith.constant 511 : i32
        %and3A_1452 = vector.broadcast %and3A_1451 : i32 to vector<16xi32>
        %and3A_1453 = arith.andi %add3A_1450, %and3A_1452 : vector<16xi32>
        %gather3A_1454 = arith.constant 0 : i32
        %gather3A_1455 = arith.constant 0 : i32
        %gather3A_1456 = arith.constant 0 : i32
        %gather3A_1457 = tpu.memref_slice %arg7[%gather3A_1454, %gather3A_1455, %gather3A_1456] : memref<2x512x32xf32, #tpu.memory_space<vmem>> -> memref<1x512x32xf32, #tpu.memory_space<vmem>>
        %gather3A_1458 = tpu.memref_squeeze %gather3A_1457 : memref<1x512x32xf32, #tpu.memory_space<vmem>> -> memref<512x32xf32, #tpu.memory_space<vmem>>
        %gather3A_1459 = tpu.vector_load_idx %gather3A_1458[%and3A_1453, %add3A_6] : memref<512x32xf32, #tpu.memory_space<vmem>>[vector<16xi32>, vector<16xi32>], vector<16xf32>,
        %scatter3A_1460 = arith.constant 0 : i32
        %scatter3A_1461 = arith.constant 0 : i32
        %scatter3A_1462 = arith.constant 0 : i32
        %scatter3A_1463 = tpu.memref_slice %arg8[%scatter3A_1460, %scatter3A_1461, %scatter3A_1462] : memref<2x32x512xf32, #tpu.memory_space<vmem>> -> memref<1x32x512xf32, #tpu.memory_space<vmem>>
        %scatter3A_1464 = tpu.memref_squeeze %scatter3A_1463 : memref<1x32x512xf32, #tpu.memory_space<vmem>> -> memref<32x512xf32, #tpu.memory_space<vmem>>
        tpu.vector_store_idx %scatter3A_1464[%add3A_6, %and3A_1453], %gather3A_1459 : memref<32x512xf32, #tpu.memory_space<vmem>>[vector<16xi32>, vector<16xi32>], vector<16xf32>,
        %add3A_1465 = arith.addi %add3A_1449, %add3A_9 : vector<16xi32>
        %and3A_1466 = arith.constant 511 : i32
        %and3A_1467 = vector.broadcast %and3A_1466 : i32 to vector<16xi32>
        %and3A_1468 = arith.andi %add3A_1465, %and3A_1467 : vector<16xi32>
        %gather3A_1469 = arith.constant 0 : i32
        %gather3A_1470 = arith.constant 0 : i32
        %gather3A_1471 = arith.constant 0 : i32
        %gather3A_1472 = tpu.memref_slice %arg7[%gather3A_1469, %gather3A_1470, %gather3A_1471] : memref<2x512x32xf32, #tpu.memory_space<vmem>> -> memref<1x512x32xf32, #tpu.memory_space<vmem>>
        %gather3A_1473 = tpu.memref_squeeze %gather3A_1472 : memref<1x512x32xf32, #tpu.memory_space<vmem>> -> memref<512x32xf32, #tpu.memory_space<vmem>>
        %gather3A_1474 = tpu.vector_load_idx %gather3A_1473[%and3A_1468, %add3A_9] : memref<512x32xf32, #tpu.memory_space<vmem>>[vector<16xi32>, vector<16xi32>], vector<16xf32>,
        %scatter3A_1475 = arith.constant 0 : i32
        %scatter3A_1476 = arith.constant 0 : i32
        %scatter3A_1477 = arith.constant 0 : i32
        %scatter3A_1478 = tpu.memref_slice %arg8[%scatter3A_1475, %scatter3A_1476, %scatter3A_1477] : memref<2x32x512xf32, #tpu.memory_space<vmem>> -> memref<1x32x512xf32, #tpu.memory_space<vmem>>
        %scatter3A_1479 = tpu.memref_squeeze %scatter3A_1478 : memref<1x32x512xf32, #tpu.memory_space<vmem>> -> memref<32x512xf32, #tpu.memory_space<vmem>>
        tpu.vector_store_idx %scatter3A_1479[%add3A_9, %and3A_1468], %gather3A_1474 : memref<32x512xf32, #tpu.memory_space<vmem>>[vector<16xi32>, vector<16xi32>], vector<16xf32>,
        %add3A_1480 = arith.constant 2 : i32
        %add3A_1481 = arith.addi %mul3A_1413, %add3A_1480 : i32
        %add3A_1482 = vector.broadcast %add3A_1481 : i32 to vector<16xi32>
        %add3A_1483 = arith.addi %broadcast_in_dim3A_3, %add3A_1482 : vector<16xi32>
        %add3A_1484 = arith.addi %add3A_1483, %add3A_6 : vector<16xi32>
        %and3A_1485 = arith.constant 511 : i32
        %and3A_1486 = vector.broadcast %and3A_1485 : i32 to vector<16xi32>
        %and3A_1487 = arith.andi %add3A_1484, %and3A_1486 : vector<16xi32>
        %gather3A_1488 = arith.constant 0 : i32
        %gather3A_1489 = arith.constant 0 : i32
        %gather3A_1490 = arith.constant 0 : i32
        %gather3A_1491 = tpu.memref_slice %arg7[%gather3A_1488, %gather3A_1489, %gather3A_1490] : memref<2x512x32xf32, #tpu.memory_space<vmem>> -> memref<1x512x32xf32, #tpu.memory_space<vmem>>
        %gather3A_1492 = tpu.memref_squeeze %gather3A_1491 : memref<1x512x32xf32, #tpu.memory_space<vmem>> -> memref<512x32xf32, #tpu.memory_space<vmem>>
        %gather3A_1493 = tpu.vector_load_idx %gather3A_1492[%and3A_1487, %add3A_6] : memref<512x32xf32, #tpu.memory_space<vmem>>[vector<16xi32>, vector<16xi32>], vector<16xf32>,
        %scatter3A_1494 = arith.constant 0 : i32
        %scatter3A_1495 = arith.constant 0 : i32
        %scatter3A_1496 = arith.constant 0 : i32
        %scatter3A_1497 = tpu.memref_slice %arg8[%scatter3A_1494, %scatter3A_1495, %scatter3A_1496] : memref<2x32x512xf32, #tpu.memory_space<vmem>> -> memref<1x32x512xf32, #tpu.memory_space<vmem>>
        %scatter3A_1498 = tpu.memref_squeeze %scatter3A_1497 : memref<1x32x512xf32, #tpu.memory_space<vmem>> -> memref<32x512xf32, #tpu.memory_space<vmem>>
        tpu.vector_store_idx %scatter3A_1498[%add3A_6, %and3A_1487], %gather3A_1493 : memref<32x512xf32, #tpu.memory_space<vmem>>[vector<16xi32>, vector<16xi32>], vector<16xf32>,
        %add3A_1499 = arith.addi %add3A_1483, %add3A_9 : vector<16xi32>
        %and3A_1500 = arith.constant 511 : i32
        %and3A_1501 = vector.broadcast %and3A_1500 : i32 to vector<16xi32>
        %and3A_1502 = arith.andi %add3A_1499, %and3A_1501 : vector<16xi32>
        %gather3A_1503 = arith.constant 0 : i32
        %gather3A_1504 = arith.constant 0 : i32
        %gather3A_1505 = arith.constant 0 : i32
        %gather3A_1506 = tpu.memref_slice %arg7[%gather3A_1503, %gather3A_1504, %gather3A_1505] : memref<2x512x32xf32, #tpu.memory_space<vmem>> -> memref<1x512x32xf32, #tpu.memory_space<vmem>>
        %gather3A_1507 = tpu.memref_squeeze %gather3A_1506 : memref<1x512x32xf32, #tpu.memory_space<vmem>> -> memref<512x32xf32, #tpu.memory_space<vmem>>
        %gather3A_1508 = tpu.vector_load_idx %gather3A_1507[%and3A_1502, %add3A_9] : memref<512x32xf32, #tpu.memory_space<vmem>>[vector<16xi32>, vector<16xi32>], vector<16xf32>,
        %scatter3A_1509 = arith.constant 0 : i32
        %scatter3A_1510 = arith.constant 0 : i32
        %scatter3A_1511 = arith.constant 0 : i32
        %scatter3A_1512 = tpu.memref_slice %arg8[%scatter3A_1509, %scatter3A_1510, %scatter3A_1511] : memref<2x32x512xf32, #tpu.memory_space<vmem>> -> memref<1x32x512xf32, #tpu.memory_space<vmem>>
        %scatter3A_1513 = tpu.memref_squeeze %scatter3A_1512 : memref<1x32x512xf32, #tpu.memory_space<vmem>> -> memref<32x512xf32, #tpu.memory_space<vmem>>
        tpu.vector_store_idx %scatter3A_1513[%add3A_9, %and3A_1502], %gather3A_1508 : memref<32x512xf32, #tpu.memory_space<vmem>>[vector<16xi32>, vector<16xi32>], vector<16xf32>,
        %add3A_1514 = arith.constant 3 : i32
        %add3A_1515 = arith.addi %mul3A_1413, %add3A_1514 : i32
        %add3A_1516 = vector.broadcast %add3A_1515 : i32 to vector<16xi32>
        %add3A_1517 = arith.addi %broadcast_in_dim3A_3, %add3A_1516 : vector<16xi32>
        %add3A_1518 = arith.addi %add3A_1517, %add3A_6 : vector<16xi32>
        %and3A_1519 = arith.constant 511 : i32
        %and3A_1520 = vector.broadcast %and3A_1519 : i32 to vector<16xi32>
        %and3A_1521 = arith.andi %add3A_1518, %and3A_1520 : vector<16xi32>
        %gather3A_1522 = arith.constant 0 : i32
        %gather3A_1523 = arith.constant 0 : i32
        %gather3A_1524 = arith.constant 0 : i32
        %gather3A_1525 = tpu.memref_slice %arg7[%gather3A_1522, %gather3A_1523, %gather3A_1524] : memref<2x512x32xf32, #tpu.memory_space<vmem>> -> memref<1x512x32xf32, #tpu.memory_space<vmem>>
        %gather3A_1526 = tpu.memref_squeeze %gather3A_1525 : memref<1x512x32xf32, #tpu.memory_space<vmem>> -> memref<512x32xf32, #tpu.memory_space<vmem>>
        %gather3A_1527 = tpu.vector_load_idx %gather3A_1526[%and3A_1521, %add3A_6] : memref<512x32xf32, #tpu.memory_space<vmem>>[vector<16xi32>, vector<16xi32>], vector<16xf32>,
        %scatter3A_1528 = arith.constant 0 : i32
        %scatter3A_1529 = arith.constant 0 : i32
        %scatter3A_1530 = arith.constant 0 : i32
        %scatter3A_1531 = tpu.memref_slice %arg8[%scatter3A_1528, %scatter3A_1529, %scatter3A_1530] : memref<2x32x512xf32, #tpu.memory_space<vmem>> -> memref<1x32x512xf32, #tpu.memory_space<vmem>>
        %scatter3A_1532 = tpu.memref_squeeze %scatter3A_1531 : memref<1x32x512xf32, #tpu.memory_space<vmem>> -> memref<32x512xf32, #tpu.memory_space<vmem>>
        tpu.vector_store_idx %scatter3A_1532[%add3A_6, %and3A_1521], %gather3A_1527 : memref<32x512xf32, #tpu.memory_space<vmem>>[vector<16xi32>, vector<16xi32>], vector<16xf32>,
        %add3A_1533 = arith.addi %add3A_1517, %add3A_9 : vector<16xi32>
        %and3A_1534 = arith.constant 511 : i32
        %and3A_1535 = vector.broadcast %and3A_1534 : i32 to vector<16xi32>
        %and3A_1536 = arith.andi %add3A_1533, %and3A_1535 : vector<16xi32>
        %gather3A_1537 = arith.constant 0 : i32
        %gather3A_1538 = arith.constant 0 : i32
        %gather3A_1539 = arith.constant 0 : i32
        %gather3A_1540 = tpu.memref_slice %arg7[%gather3A_1537, %gather3A_1538, %gather3A_1539] : memref<2x512x32xf32, #tpu.memory_space<vmem>> -> memref<1x512x32xf32, #tpu.memory_space<vmem>>
        %gather3A_1541 = tpu.memref_squeeze %gather3A_1540 : memref<1x512x32xf32, #tpu.memory_space<vmem>> -> memref<512x32xf32, #tpu.memory_space<vmem>>
        %gather3A_1542 = tpu.vector_load_idx %gather3A_1541[%and3A_1536, %add3A_9] : memref<512x32xf32, #tpu.memory_space<vmem>>[vector<16xi32>, vector<16xi32>], vector<16xf32>,
        %scatter3A_1543 = arith.constant 0 : i32
        %scatter3A_1544 = arith.constant 0 : i32
        %scatter3A_1545 = arith.constant 0 : i32
        %scatter3A_1546 = tpu.memref_slice %arg8[%scatter3A_1543, %scatter3A_1544, %scatter3A_1545] : memref<2x32x512xf32, #tpu.memory_space<vmem>> -> memref<1x32x512xf32, #tpu.memory_space<vmem>>
        %scatter3A_1547 = tpu.memref_squeeze %scatter3A_1546 : memref<1x32x512xf32, #tpu.memory_space<vmem>> -> memref<32x512xf32, #tpu.memory_space<vmem>>
        tpu.vector_store_idx %scatter3A_1547[%add3A_9, %and3A_1536], %gather3A_1542 : memref<32x512xf32, #tpu.memory_space<vmem>>[vector<16xi32>, vector<16xi32>], vector<16xf32>,
        %add3A_1548 = arith.constant 4 : i32
        %add3A_1549 = arith.addi %mul3A_1413, %add3A_1548 : i32
        %add3A_1550 = vector.broadcast %add3A_1549 : i32 to vector<16xi32>
        %add3A_1551 = arith.addi %broadcast_in_dim3A_3, %add3A_1550 : vector<16xi32>
        %add3A_1552 = arith.addi %add3A_1551, %add3A_6 : vector<16xi32>
        %and3A_1553 = arith.constant 511 : i32
        %and3A_1554 = vector.broadcast %and3A_1553 : i32 to vector<16xi32>
        %and3A_1555 = arith.andi %add3A_1552, %and3A_1554 : vector<16xi32>
        %gather3A_1556 = arith.constant 0 : i32
        %gather3A_1557 = arith.constant 0 : i32
        %gather3A_1558 = arith.constant 0 : i32
        %gather3A_1559 = tpu.memref_slice %arg7[%gather3A_1556, %gather3A_1557, %gather3A_1558] : memref<2x512x32xf32, #tpu.memory_space<vmem>> -> memref<1x512x32xf32, #tpu.memory_space<vmem>>
        %gather3A_1560 = tpu.memref_squeeze %gather3A_1559 : memref<1x512x32xf32, #tpu.memory_space<vmem>> -> memref<512x32xf32, #tpu.memory_space<vmem>>
        %gather3A_1561 = tpu.vector_load_idx %gather3A_1560[%and3A_1555, %add3A_6] : memref<512x32xf32, #tpu.memory_space<vmem>>[vector<16xi32>, vector<16xi32>], vector<16xf32>,
        %scatter3A_1562 = arith.constant 0 : i32
        %scatter3A_1563 = arith.constant 0 : i32
        %scatter3A_1564 = arith.constant 0 : i32
        %scatter3A_1565 = tpu.memref_slice %arg8[%scatter3A_1562, %scatter3A_1563, %scatter3A_1564] : memref<2x32x512xf32, #tpu.memory_space<vmem>> -> memref<1x32x512xf32, #tpu.memory_space<vmem>>
        %scatter3A_1566 = tpu.memref_squeeze %scatter3A_1565 : memref<1x32x512xf32, #tpu.memory_space<vmem>> -> memref<32x512xf32, #tpu.memory_space<vmem>>
        tpu.vector_store_idx %scatter3A_1566[%add3A_6, %and3A_1555], %gather3A_1561 : memref<32x512xf32, #tpu.memory_space<vmem>>[vector<16xi32>, vector<16xi32>], vector<16xf32>,
        %add3A_1567 = arith.addi %add3A_1551, %add3A_9 : vector<16xi32>
        %and3A_1568 = arith.constant 511 : i32
        %and3A_1569 = vector.broadcast %and3A_1568 : i32 to vector<16xi32>
        %and3A_1570 = arith.andi %add3A_1567, %and3A_1569 : vector<16xi32>
        %gather3A_1571 = arith.constant 0 : i32
        %gather3A_1572 = arith.constant 0 : i32
        %gather3A_1573 = arith.constant 0 : i32
        %gather3A_1574 = tpu.memref_slice %arg7[%gather3A_1571, %gather3A_1572, %gather3A_1573] : memref<2x512x32xf32, #tpu.memory_space<vmem>> -> memref<1x512x32xf32, #tpu.memory_space<vmem>>
        %gather3A_1575 = tpu.memref_squeeze %gather3A_1574 : memref<1x512x32xf32, #tpu.memory_space<vmem>> -> memref<512x32xf32, #tpu.memory_space<vmem>>
        %gather3A_1576 = tpu.vector_load_idx %gather3A_1575[%and3A_1570, %add3A_9] : memref<512x32xf32, #tpu.memory_space<vmem>>[vector<16xi32>, vector<16xi32>], vector<16xf32>,
        %scatter3A_1577 = arith.constant 0 : i32
        %scatter3A_1578 = arith.constant 0 : i32
        %scatter3A_1579 = arith.constant 0 : i32
        %scatter3A_1580 = tpu.memref_slice %arg8[%scatter3A_1577, %scatter3A_1578, %scatter3A_1579] : memref<2x32x512xf32, #tpu.memory_space<vmem>> -> memref<1x32x512xf32, #tpu.memory_space<vmem>>
        %scatter3A_1581 = tpu.memref_squeeze %scatter3A_1580 : memref<1x32x512xf32, #tpu.memory_space<vmem>> -> memref<32x512xf32, #tpu.memory_space<vmem>>
        tpu.vector_store_idx %scatter3A_1581[%add3A_9, %and3A_1570], %gather3A_1576 : memref<32x512xf32, #tpu.memory_space<vmem>>[vector<16xi32>, vector<16xi32>], vector<16xf32>,
        %add3A_1582 = arith.constant 5 : i32
        %add3A_1583 = arith.addi %mul3A_1413, %add3A_1582 : i32
        %add3A_1584 = vector.broadcast %add3A_1583 : i32 to vector<16xi32>
        %add3A_1585 = arith.addi %broadcast_in_dim3A_3, %add3A_1584 : vector<16xi32>
        %add3A_1586 = arith.addi %add3A_1585, %add3A_6 : vector<16xi32>
        %and3A_1587 = arith.constant 511 : i32
        %and3A_1588 = vector.broadcast %and3A_1587 : i32 to vector<16xi32>
        %and3A_1589 = arith.andi %add3A_1586, %and3A_1588 : vector<16xi32>
        %gather3A_1590 = arith.constant 0 : i32
        %gather3A_1591 = arith.constant 0 : i32
        %gather3A_1592 = arith.constant 0 : i32
        %gather3A_1593 = tpu.memref_slice %arg7[%gather3A_1590, %gather3A_1591, %gather3A_1592] : memref<2x512x32xf32, #tpu.memory_space<vmem>> -> memref<1x512x32xf32, #tpu.memory_space<vmem>>
        %gather3A_1594 = tpu.memref_squeeze %gather3A_1593 : memref<1x512x32xf32, #tpu.memory_space<vmem>> -> memref<512x32xf32, #tpu.memory_space<vmem>>
        %gather3A_1595 = tpu.vector_load_idx %gather3A_1594[%and3A_1589, %add3A_6] : memref<512x32xf32, #tpu.memory_space<vmem>>[vector<16xi32>, vector<16xi32>], vector<16xf32>,
        %scatter3A_1596 = arith.constant 0 : i32
        %scatter3A_1597 = arith.constant 0 : i32
        %scatter3A_1598 = arith.constant 0 : i32
        %scatter3A_1599 = tpu.memref_slice %arg8[%scatter3A_1596, %scatter3A_1597, %scatter3A_1598] : memref<2x32x512xf32, #tpu.memory_space<vmem>> -> memref<1x32x512xf32, #tpu.memory_space<vmem>>
        %scatter3A_1600 = tpu.memref_squeeze %scatter3A_1599 : memref<1x32x512xf32, #tpu.memory_space<vmem>> -> memref<32x512xf32, #tpu.memory_space<vmem>>
        tpu.vector_store_idx %scatter3A_1600[%add3A_6, %and3A_1589], %gather3A_1595 : memref<32x512xf32, #tpu.memory_space<vmem>>[vector<16xi32>, vector<16xi32>], vector<16xf32>,
        %add3A_1601 = arith.addi %add3A_1585, %add3A_9 : vector<16xi32>
        %and3A_1602 = arith.constant 511 : i32
        %and3A_1603 = vector.broadcast %and3A_1602 : i32 to vector<16xi32>
        %and3A_1604 = arith.andi %add3A_1601, %and3A_1603 : vector<16xi32>
        %gather3A_1605 = arith.constant 0 : i32
        %gather3A_1606 = arith.constant 0 : i32
        %gather3A_1607 = arith.constant 0 : i32
        %gather3A_1608 = tpu.memref_slice %arg7[%gather3A_1605, %gather3A_1606, %gather3A_1607] : memref<2x512x32xf32, #tpu.memory_space<vmem>> -> memref<1x512x32xf32, #tpu.memory_space<vmem>>
        %gather3A_1609 = tpu.memref_squeeze %gather3A_1608 : memref<1x512x32xf32, #tpu.memory_space<vmem>> -> memref<512x32xf32, #tpu.memory_space<vmem>>
        %gather3A_1610 = tpu.vector_load_idx %gather3A_1609[%and3A_1604, %add3A_9] : memref<512x32xf32, #tpu.memory_space<vmem>>[vector<16xi32>, vector<16xi32>], vector<16xf32>,
        %scatter3A_1611 = arith.constant 0 : i32
        %scatter3A_1612 = arith.constant 0 : i32
        %scatter3A_1613 = arith.constant 0 : i32
        %scatter3A_1614 = tpu.memref_slice %arg8[%scatter3A_1611, %scatter3A_1612, %scatter3A_1613] : memref<2x32x512xf32, #tpu.memory_space<vmem>> -> memref<1x32x512xf32, #tpu.memory_space<vmem>>
        %scatter3A_1615 = tpu.memref_squeeze %scatter3A_1614 : memref<1x32x512xf32, #tpu.memory_space<vmem>> -> memref<32x512xf32, #tpu.memory_space<vmem>>
        tpu.vector_store_idx %scatter3A_1615[%add3A_9, %and3A_1604], %gather3A_1610 : memref<32x512xf32, #tpu.memory_space<vmem>>[vector<16xi32>, vector<16xi32>], vector<16xf32>,
        %add3A_1616 = arith.constant 6 : i32
        %add3A_1617 = arith.addi %mul3A_1413, %add3A_1616 : i32
        %add3A_1618 = vector.broadcast %add3A_1617 : i32 to vector<16xi32>
        %add3A_1619 = arith.addi %broadcast_in_dim3A_3, %add3A_1618 : vector<16xi32>
        %add3A_1620 = arith.addi %add3A_1619, %add3A_6 : vector<16xi32>
        %and3A_1621 = arith.constant 511 : i32
        %and3A_1622 = vector.broadcast %and3A_1621 : i32 to vector<16xi32>
        %and3A_1623 = arith.andi %add3A_1620, %and3A_1622 : vector<16xi32>
        %gather3A_1624 = arith.constant 0 : i32
        %gather3A_1625 = arith.constant 0 : i32
        %gather3A_1626 = arith.constant 0 : i32
        %gather3A_1627 = tpu.memref_slice %arg7[%gather3A_1624, %gather3A_1625, %gather3A_1626] : memref<2x512x32xf32, #tpu.memory_space<vmem>> -> memref<1x512x32xf32, #tpu.memory_space<vmem>>
        %gather3A_1628 = tpu.memref_squeeze %gather3A_1627 : memref<1x512x32xf32, #tpu.memory_space<vmem>> -> memref<512x32xf32, #tpu.memory_space<vmem>>
        %gather3A_1629 = tpu.vector_load_idx %gather3A_1628[%and3A_1623, %add3A_6] : memref<512x32xf32, #tpu.memory_space<vmem>>[vector<16xi32>, vector<16xi32>], vector<16xf32>,
        %scatter3A_1630 = arith.constant 0 : i32
        %scatter3A_1631 = arith.constant 0 : i32
        %scatter3A_1632 = arith.constant 0 : i32
        %scatter3A_1633 = tpu.memref_slice %arg8[%scatter3A_1630, %scatter3A_1631, %scatter3A_1632] : memref<2x32x512xf32, #tpu.memory_space<vmem>> -> memref<1x32x512xf32, #tpu.memory_space<vmem>>
        %scatter3A_1634 = tpu.memref_squeeze %scatter3A_1633 : memref<1x32x512xf32, #tpu.memory_space<vmem>> -> memref<32x512xf32, #tpu.memory_space<vmem>>
        tpu.vector_store_idx %scatter3A_1634[%add3A_6, %and3A_1623], %gather3A_1629 : memref<32x512xf32, #tpu.memory_space<vmem>>[vector<16xi32>, vector<16xi32>], vector<16xf32>,
        %add3A_1635 = arith.addi %add3A_1619, %add3A_9 : vector<16xi32>
        %and3A_1636 = arith.constant 511 : i32
        %and3A_1637 = vector.broadcast %and3A_1636 : i32 to vector<16xi32>
        %and3A_1638 = arith.andi %add3A_1635, %and3A_1637 : vector<16xi32>
        %gather3A_1639 = arith.constant 0 : i32
        %gather3A_1640 = arith.constant 0 : i32
        %gather3A_1641 = arith.constant 0 : i32
        %gather3A_1642 = tpu.memref_slice %arg7[%gather3A_1639, %gather3A_1640, %gather3A_1641] : memref<2x512x32xf32, #tpu.memory_space<vmem>> -> memref<1x512x32xf32, #tpu.memory_space<vmem>>
        %gather3A_1643 = tpu.memref_squeeze %gather3A_1642 : memref<1x512x32xf32, #tpu.memory_space<vmem>> -> memref<512x32xf32, #tpu.memory_space<vmem>>
        %gather3A_1644 = tpu.vector_load_idx %gather3A_1643[%and3A_1638, %add3A_9] : memref<512x32xf32, #tpu.memory_space<vmem>>[vector<16xi32>, vector<16xi32>], vector<16xf32>,
        %scatter3A_1645 = arith.constant 0 : i32
        %scatter3A_1646 = arith.constant 0 : i32
        %scatter3A_1647 = arith.constant 0 : i32
        %scatter3A_1648 = tpu.memref_slice %arg8[%scatter3A_1645, %scatter3A_1646, %scatter3A_1647] : memref<2x32x512xf32, #tpu.memory_space<vmem>> -> memref<1x32x512xf32, #tpu.memory_space<vmem>>
        %scatter3A_1649 = tpu.memref_squeeze %scatter3A_1648 : memref<1x32x512xf32, #tpu.memory_space<vmem>> -> memref<32x512xf32, #tpu.memory_space<vmem>>
        tpu.vector_store_idx %scatter3A_1649[%add3A_9, %and3A_1638], %gather3A_1644 : memref<32x512xf32, #tpu.memory_space<vmem>>[vector<16xi32>, vector<16xi32>], vector<16xf32>,
        %add3A_1650 = arith.constant 7 : i32
        %add3A_1651 = arith.addi %mul3A_1413, %add3A_1650 : i32
        %add3A_1652 = vector.broadcast %add3A_1651 : i32 to vector<16xi32>
        %add3A_1653 = arith.addi %broadcast_in_dim3A_3, %add3A_1652 : vector<16xi32>
        %add3A_1654 = arith.addi %add3A_1653, %add3A_6 : vector<16xi32>
        %and3A_1655 = arith.constant 511 : i32
        %and3A_1656 = vector.broadcast %and3A_1655 : i32 to vector<16xi32>
        %and3A_1657 = arith.andi %add3A_1654, %and3A_1656 : vector<16xi32>
        %gather3A_1658 = arith.constant 0 : i32
        %gather3A_1659 = arith.constant 0 : i32
        %gather3A_1660 = arith.constant 0 : i32
        %gather3A_1661 = tpu.memref_slice %arg7[%gather3A_1658, %gather3A_1659, %gather3A_1660] : memref<2x512x32xf32, #tpu.memory_space<vmem>> -> memref<1x512x32xf32, #tpu.memory_space<vmem>>
        %gather3A_1662 = tpu.memref_squeeze %gather3A_1661 : memref<1x512x32xf32, #tpu.memory_space<vmem>> -> memref<512x32xf32, #tpu.memory_space<vmem>>
        %gather3A_1663 = tpu.vector_load_idx %gather3A_1662[%and3A_1657, %add3A_6] : memref<512x32xf32, #tpu.memory_space<vmem>>[vector<16xi32>, vector<16xi32>], vector<16xf32>,
        %scatter3A_1664 = arith.constant 0 : i32
        %scatter3A_1665 = arith.constant 0 : i32
        %scatter3A_1666 = arith.constant 0 : i32
        %scatter3A_1667 = tpu.memref_slice %arg8[%scatter3A_1664, %scatter3A_1665, %scatter3A_1666] : memref<2x32x512xf32, #tpu.memory_space<vmem>> -> memref<1x32x512xf32, #tpu.memory_space<vmem>>
        %scatter3A_1668 = tpu.memref_squeeze %scatter3A_1667 : memref<1x32x512xf32, #tpu.memory_space<vmem>> -> memref<32x512xf32, #tpu.memory_space<vmem>>
        tpu.vector_store_idx %scatter3A_1668[%add3A_6, %and3A_1657], %gather3A_1663 : memref<32x512xf32, #tpu.memory_space<vmem>>[vector<16xi32>, vector<16xi32>], vector<16xf32>,
        %add3A_1669 = arith.addi %add3A_1653, %add3A_9 : vector<16xi32>
        %and3A_1670 = arith.constant 511 : i32
        %and3A_1671 = vector.broadcast %and3A_1670 : i32 to vector<16xi32>
        %and3A_1672 = arith.andi %add3A_1669, %and3A_1671 : vector<16xi32>
        %gather3A_1673 = arith.constant 0 : i32
        %gather3A_1674 = arith.constant 0 : i32
        %gather3A_1675 = arith.constant 0 : i32
        %gather3A_1676 = tpu.memref_slice %arg7[%gather3A_1673, %gather3A_1674, %gather3A_1675] : memref<2x512x32xf32, #tpu.memory_space<vmem>> -> memref<1x512x32xf32, #tpu.memory_space<vmem>>
        %gather3A_1677 = tpu.memref_squeeze %gather3A_1676 : memref<1x512x32xf32, #tpu.memory_space<vmem>> -> memref<512x32xf32, #tpu.memory_space<vmem>>
        %gather3A_1678 = tpu.vector_load_idx %gather3A_1677[%and3A_1672, %add3A_9] : memref<512x32xf32, #tpu.memory_space<vmem>>[vector<16xi32>, vector<16xi32>], vector<16xf32>,
        %scatter3A_1679 = arith.constant 0 : i32
        %scatter3A_1680 = arith.constant 0 : i32
        %scatter3A_1681 = arith.constant 0 : i32
        %scatter3A_1682 = tpu.memref_slice %arg8[%scatter3A_1679, %scatter3A_1680, %scatter3A_1681] : memref<2x32x512xf32, #tpu.memory_space<vmem>> -> memref<1x32x512xf32, #tpu.memory_space<vmem>>
        %scatter3A_1683 = tpu.memref_squeeze %scatter3A_1682 : memref<1x32x512xf32, #tpu.memory_space<vmem>> -> memref<32x512xf32, #tpu.memory_space<vmem>>
        tpu.vector_store_idx %scatter3A_1683[%add3A_9, %and3A_1672], %gather3A_1678 : memref<32x512xf32, #tpu.memory_space<vmem>>[vector<16xi32>, vector<16xi32>], vector<16xf32>,
      }
      %scan3A_1084 = arith.constant 64 : i32
      %mul3A_1085 = arith.constant 32 : i32
      %mul3A_1086 = arith.muli %mul3A_789, %mul3A_1085 : i32
      %dma_start3A_1087 = arith.constant 0 : i32
      %dma_start3A_1088 = arith.constant 0 : i32
      %dma_start3A_1089 = arith.constant 0 : i32
      %dma_start3A_1090 = tpu.memref_slice %arg8[%dma_start3A_1087, %dma_start3A_1088, %dma_start3A_1089] : memref<2x32x512xf32, #tpu.memory_space<vmem>> -> memref<1x32x512xf32, #tpu.memory_space<vmem>>
      %dma_start3A_1091 = tpu.memref_squeeze %dma_start3A_1090 : memref<1x32x512xf32, #tpu.memory_space<vmem>> -> memref<32x512xf32, #tpu.memory_space<vmem>>
      %dma_start3A_1092 = tpu.memref_slice %arg4[%mul3A_1086, %mul3A_2] : memref<1600x16384xf32, #tpu.memory_space<hbm>> -> memref<32x512xf32, #tpu.memory_space<hbm>>
      %dma_start3A_1093 = tpu.memref_slice %arg4[%mul3A_1086, %mul3A_2] : memref<1600x16384xf32, #tpu.memory_space<hbm>> -> memref<32x512xf32, #tpu.memory_space<hbm>>
      %dma_start3A_1094 = arith.constant 0 : i32
      %dma_start3A_1095 = arith.constant 0 : i32
      %dma_start3A_1096 = tpu.memref_slice %arg8[%dma_start3A_1087, %dma_start3A_1094, %dma_start3A_1095] : memref<2x32x512xf32, #tpu.memory_space<vmem>> -> memref<1x32x512xf32, #tpu.memory_space<vmem>>
      %dma_start3A_1097 = tpu.memref_squeeze %dma_start3A_1096 : memref<1x32x512xf32, #tpu.memory_space<vmem>> -> memref<32x512xf32, #tpu.memory_space<vmem>>
      tpu.enqueue_dma source(%dma_start3A_1097 : memref<32x512xf32, #tpu.memory_space<vmem>>) target(%dma_start3A_1093 : memref<32x512xf32, #tpu.memory_space<hbm>>) target_semaphore(%arg12 : memref<!tpu.dma_semaphore, #tpu.memory_space<semaphore_mem>>)
      %add3A_1098 = arith.constant 2 : i32
      %add3A_1099 = arith.addi %mul3A_789, %add3A_1098 : i32
      %add3A_1100 = vector.broadcast %add3A_1099 : i32 to vector<16xi32>
      %add3A_1101 = arith.addi %broadcast_in_dim3A_3, %add3A_1100 : vector<16xi32>
      %gather3A_1102 = tpu.vector_load_idx %arg5[%add3A_12, %add3A_1101] : memref<512x50xi32, #tpu.memory_space<vmem>>[vector<16xi32>, vector<16xi32>], vector<16xi32>,
      %mul3A_1103 = arith.constant 4 : i32
      %mul3A_1104 = vector.broadcast %mul3A_1103 : i32 to vector<16xi32>
      %mul3A_1105 = arith.muli %gather3A_1102, %mul3A_1104 : vector<16xi32>
      %swap3A_1106 = arith.constant 0 : i32
      %swap3A_1107 = arith.index_cast %swap3A_1106 : i32 to index
      %swap3A_1108 = arith.constant 0 : index
      %swap3A_1109 = tpu.vector_load %arg6[%swap3A_1107, %swap3A_1108] {strides = array<i32>} : memref<2x512xi32, #tpu.memory_space<vmem>>, vector<16xi32>,
      tpu.vector_store %arg6[%swap3A_1107, %swap3A_1108], %mul3A_1105 {strides = array<i32>} : memref<2x512xi32, #tpu.memory_space<vmem>>, vector<16xi32>,
      %gather3A_1110 = tpu.vector_load_idx %arg5[%add3A_15, %add3A_1101] : memref<512x50xi32, #tpu.memory_space<vmem>>[vector<16xi32>, vector<16xi32>], vector<16xi32>,
      %mul3A_1111 = arith.constant 4 : i32
      %mul3A_1112 = vector.broadcast %mul3A_1111 : i32 to vector<16xi32>
      %mul3A_1113 = arith.muli %gather3A_1110, %mul3A_1112 : vector<16xi32>
      %swap3A_1114 = arith.constant 0 : i32
      %swap3A_1115 = arith.index_cast %swap3A_1114 : i32 to index
      %swap3A_1116 = arith.constant 16 : index
      %swap3A_1117 = tpu.vector_load %arg6[%swap3A_1115, %swap3A_1116] {strides = array<i32>} : memref<2x512xi32, #tpu.memory_space<vmem>>, vector<16xi32>,
      tpu.vector_store %arg6[%swap3A_1115, %swap3A_1116], %mul3A_1113 {strides = array<i32>} : memref<2x512xi32, #tpu.memory_space<vmem>>, vector<16xi32>,
      %gather3A_1118 = tpu.vector_load_idx %arg5[%add3A_18, %add3A_1101] : memref<512x50xi32, #tpu.memory_space<vmem>>[vector<16xi32>, vector<16xi32>], vector<16xi32>,
      %mul3A_1119 = arith.constant 4 : i32
      %mul3A_1120 = vector.broadcast %mul3A_1119 : i32 to vector<16xi32>
      %mul3A_1121 = arith.muli %gather3A_1118, %mul3A_1120 : vector<16xi32>
      %swap3A_1122 = arith.constant 0 : i32
      %swap3A_1123 = arith.index_cast %swap3A_1122 : i32 to index
      %swap3A_1124 = arith.constant 32 : index
      %swap3A_1125 = tpu.vector_load %arg6[%swap3A_1123, %swap3A_1124] {strides = array<i32>} : memref<2x512xi32, #tpu.memory_space<vmem>>, vector<16xi32>,
      tpu.vector_store %arg6[%swap3A_1123, %swap3A_1124], %mul3A_1121 {strides = array<i32>} : memref<2x512xi32, #tpu.memory_space<vmem>>, vector<16xi32>,
      %gather3A_1126 = tpu.vector_load_idx %arg5[%add3A_21, %add3A_1101] : memref<512x50xi32, #tpu.memory_space<vmem>>[vector<16xi32>, vector<16xi32>], vector<16xi32>,
      %mul3A_1127 = arith.constant 4 : i32
      %mul3A_1128 = vector.broadcast %mul3A_1127 : i32 to vector<16xi32>
      %mul3A_1129 = arith.muli %gather3A_1126, %mul3A_1128 : vector<16xi32>
      %swap3A_1130 = arith.constant 0 : i32
      %swap3A_1131 = arith.index_cast %swap3A_1130 : i32 to index
      %swap3A_1132 = arith.constant 48 : index
      %swap3A_1133 = tpu.vector_load %arg6[%swap3A_1131, %swap3A_1132] {strides = array<i32>} : memref<2x512xi32, #tpu.memory_space<vmem>>, vector<16xi32>,
      tpu.vector_store %arg6[%swap3A_1131, %swap3A_1132], %mul3A_1129 {strides = array<i32>} : memref<2x512xi32, #tpu.memory_space<vmem>>, vector<16xi32>,
      %gather3A_1134 = tpu.vector_load_idx %arg5[%add3A_24, %add3A_1101] : memref<512x50xi32, #tpu.memory_space<vmem>>[vector<16xi32>, vector<16xi32>], vector<16xi32>,
      %mul3A_1135 = arith.constant 4 : i32
      %mul3A_1136 = vector.broadcast %mul3A_1135 : i32 to vector<16xi32>
      %mul3A_1137 = arith.muli %gather3A_1134, %mul3A_1136 : vector<16xi32>
      %swap3A_1138 = arith.constant 0 : i32
      %swap3A_1139 = arith.index_cast %swap3A_1138 : i32 to index
      %swap3A_1140 = arith.constant 64 : index
      %swap3A_1141 = tpu.vector_load %arg6[%swap3A_1139, %swap3A_1140] {strides = array<i32>} : memref<2x512xi32, #tpu.memory_space<vmem>>, vector<16xi32>,
      tpu.vector_store %arg6[%swap3A_1139, %swap3A_1140], %mul3A_1137 {strides = array<i32>} : memref<2x512xi32, #tpu.memory_space<vmem>>, vector<16xi32>,
      %gather3A_1142 = tpu.vector_load_idx %arg5[%add3A_27, %add3A_1101] : memref<512x50xi32, #tpu.memory_space<vmem>>[vector<16xi32>, vector<16xi32>], vector<16xi32>,
      %mul3A_1143 = arith.constant 4 : i32
      %mul3A_1144 = vector.broadcast %mul3A_1143 : i32 to vector<16xi32>
      %mul3A_1145 = arith.muli %gather3A_1142, %mul3A_1144 : vector<16xi32>
      %swap3A_1146 = arith.constant 0 : i32
      %swap3A_1147 = arith.index_cast %swap3A_1146 : i32 to index
      %swap3A_1148 = arith.constant 80 : index
      %swap3A_1149 = tpu.vector_load %arg6[%swap3A_1147, %swap3A_1148] {strides = array<i32>} : memref<2x512xi32, #tpu.memory_space<vmem>>, vector<16xi32>,
      tpu.vector_store %arg6[%swap3A_1147, %swap3A_1148], %mul3A_1145 {strides = array<i32>} : memref<2x512xi32, #tpu.memory_space<vmem>>, vector<16xi32>,
      %gather3A_1150 = tpu.vector_load_idx %arg5[%add3A_30, %add3A_1101] : memref<512x50xi32, #tpu.memory_space<vmem>>[vector<16xi32>, vector<16xi32>], vector<16xi32>,
      %mul3A_1151 = arith.constant 4 : i32
      %mul3A_1152 = vector.broadcast %mul3A_1151 : i32 to vector<16xi32>
      %mul3A_1153 = arith.muli %gather3A_1150, %mul3A_1152 : vector<16xi32>
      %swap3A_1154 = arith.constant 0 : i32
      %swap3A_1155 = arith.index_cast %swap3A_1154 : i32 to index
      %swap3A_1156 = arith.constant 96 : index
      %swap3A_1157 = tpu.vector_load %arg6[%swap3A_1155, %swap3A_1156] {strides = array<i32>} : memref<2x512xi32, #tpu.memory_space<vmem>>, vector<16xi32>,
      tpu.vector_store %arg6[%swap3A_1155, %swap3A_1156], %mul3A_1153 {strides = array<i32>} : memref<2x512xi32, #tpu.memory_space<vmem>>, vector<16xi32>,
      %gather3A_1158 = tpu.vector_load_idx %arg5[%add3A_33, %add3A_1101] : memref<512x50xi32, #tpu.memory_space<vmem>>[vector<16xi32>, vector<16xi32>], vector<16xi32>,
      %mul3A_1159 = arith.constant 4 : i32
      %mul3A_1160 = vector.broadcast %mul3A_1159 : i32 to vector<16xi32>
      %mul3A_1161 = arith.muli %gather3A_1158, %mul3A_1160 : vector<16xi32>
      %swap3A_1162 = arith.constant 0 : i32
      %swap3A_1163 = arith.index_cast %swap3A_1162 : i32 to index
      %swap3A_1164 = arith.constant 112 : index
      %swap3A_1165 = tpu.vector_load %arg6[%swap3A_1163, %swap3A_1164] {strides = array<i32>} : memref<2x512xi32, #tpu.memory_space<vmem>>, vector<16xi32>,
      tpu.vector_store %arg6[%swap3A_1163, %swap3A_1164], %mul3A_1161 {strides = array<i32>} : memref<2x512xi32, #tpu.memory_space<vmem>>, vector<16xi32>,
      %gather3A_1166 = tpu.vector_load_idx %arg5[%add3A_36, %add3A_1101] : memref<512x50xi32, #tpu.memory_space<vmem>>[vector<16xi32>, vector<16xi32>], vector<16xi32>,
      %mul3A_1167 = arith.constant 4 : i32
      %mul3A_1168 = vector.broadcast %mul3A_1167 : i32 to vector<16xi32>
      %mul3A_1169 = arith.muli %gather3A_1166, %mul3A_1168 : vector<16xi32>
      %swap3A_1170 = arith.constant 0 : i32
      %swap3A_1171 = arith.index_cast %swap3A_1170 : i32 to index
      %swap3A_1172 = arith.constant 128 : index
      %swap3A_1173 = tpu.vector_load %arg6[%swap3A_1171, %swap3A_1172] {strides = array<i32>} : memref<2x512xi32, #tpu.memory_space<vmem>>, vector<16xi32>,
      tpu.vector_store %arg6[%swap3A_1171, %swap3A_1172], %mul3A_1169 {strides = array<i32>} : memref<2x512xi32, #tpu.memory_space<vmem>>, vector<16xi32>,
      %gather3A_1174 = tpu.vector_load_idx %arg5[%add3A_39, %add3A_1101] : memref<512x50xi32, #tpu.memory_space<vmem>>[vector<16xi32>, vector<16xi32>], vector<16xi32>,
      %mul3A_1175 = arith.constant 4 : i32
      %mul3A_1176 = vector.broadcast %mul3A_1175 : i32 to vector<16xi32>
      %mul3A_1177 = arith.muli %gather3A_1174, %mul3A_1176 : vector<16xi32>
      %swap3A_1178 = arith.constant 0 : i32
      %swap3A_1179 = arith.index_cast %swap3A_1178 : i32 to index
      %swap3A_1180 = arith.constant 144 : index
      %swap3A_1181 = tpu.vector_load %arg6[%swap3A_1179, %swap3A_1180] {strides = array<i32>} : memref<2x512xi32, #tpu.memory_space<vmem>>, vector<16xi32>,
      tpu.vector_store %arg6[%swap3A_1179, %swap3A_1180], %mul3A_1177 {strides = array<i32>} : memref<2x512xi32, #tpu.memory_space<vmem>>, vector<16xi32>,
      %gather3A_1182 = tpu.vector_load_idx %arg5[%add3A_42, %add3A_1101] : memref<512x50xi32, #tpu.memory_space<vmem>>[vector<16xi32>, vector<16xi32>], vector<16xi32>,
      %mul3A_1183 = arith.constant 4 : i32
      %mul3A_1184 = vector.broadcast %mul3A_1183 : i32 to vector<16xi32>
      %mul3A_1185 = arith.muli %gather3A_1182, %mul3A_1184 : vector<16xi32>
      %swap3A_1186 = arith.constant 0 : i32
      %swap3A_1187 = arith.index_cast %swap3A_1186 : i32 to index
      %swap3A_1188 = arith.constant 160 : index
      %swap3A_1189 = tpu.vector_load %arg6[%swap3A_1187, %swap3A_1188] {strides = array<i32>} : memref<2x512xi32, #tpu.memory_space<vmem>>, vector<16xi32>,
      tpu.vector_store %arg6[%swap3A_1187, %swap3A_1188], %mul3A_1185 {strides = array<i32>} : memref<2x512xi32, #tpu.memory_space<vmem>>, vector<16xi32>,
      %gather3A_1190 = tpu.vector_load_idx %arg5[%add3A_45, %add3A_1101] : memref<512x50xi32, #tpu.memory_space<vmem>>[vector<16xi32>, vector<16xi32>], vector<16xi32>,
      %mul3A_1191 = arith.constant 4 : i32
      %mul3A_1192 = vector.broadcast %mul3A_1191 : i32 to vector<16xi32>
      %mul3A_1193 = arith.muli %gather3A_1190, %mul3A_1192 : vector<16xi32>
      %swap3A_1194 = arith.constant 0 : i32
      %swap3A_1195 = arith.index_cast %swap3A_1194 : i32 to index
      %swap3A_1196 = arith.constant 176 : index
      %swap3A_1197 = tpu.vector_load %arg6[%swap3A_1195, %swap3A_1196] {strides = array<i32>} : memref<2x512xi32, #tpu.memory_space<vmem>>, vector<16xi32>,
      tpu.vector_store %arg6[%swap3A_1195, %swap3A_1196], %mul3A_1193 {strides = array<i32>} : memref<2x512xi32, #tpu.memory_space<vmem>>, vector<16xi32>,
      %gather3A_1198 = tpu.vector_load_idx %arg5[%add3A_48, %add3A_1101] : memref<512x50xi32, #tpu.memory_space<vmem>>[vector<16xi32>, vector<16xi32>], vector<16xi32>,
      %mul3A_1199 = arith.constant 4 : i32
      %mul3A_1200 = vector.broadcast %mul3A_1199 : i32 to vector<16xi32>
      %mul3A_1201 = arith.muli %gather3A_1198, %mul3A_1200 : vector<16xi32>
      %swap3A_1202 = arith.constant 0 : i32
      %swap3A_1203 = arith.index_cast %swap3A_1202 : i32 to index
      %swap3A_1204 = arith.constant 192 : index
      %swap3A_1205 = tpu.vector_load %arg6[%swap3A_1203, %swap3A_1204] {strides = array<i32>} : memref<2x512xi32, #tpu.memory_space<vmem>>, vector<16xi32>,
      tpu.vector_store %arg6[%swap3A_1203, %swap3A_1204], %mul3A_1201 {strides = array<i32>} : memref<2x512xi32, #tpu.memory_space<vmem>>, vector<16xi32>,
      %gather3A_1206 = tpu.vector_load_idx %arg5[%add3A_51, %add3A_1101] : memref<512x50xi32, #tpu.memory_space<vmem>>[vector<16xi32>, vector<16xi32>], vector<16xi32>,
      %mul3A_1207 = arith.constant 4 : i32
      %mul3A_1208 = vector.broadcast %mul3A_1207 : i32 to vector<16xi32>
      %mul3A_1209 = arith.muli %gather3A_1206, %mul3A_1208 : vector<16xi32>
      %swap3A_1210 = arith.constant 0 : i32
      %swap3A_1211 = arith.index_cast %swap3A_1210 : i32 to index
      %swap3A_1212 = arith.constant 208 : index
      %swap3A_1213 = tpu.vector_load %arg6[%swap3A_1211, %swap3A_1212] {strides = array<i32>} : memref<2x512xi32, #tpu.memory_space<vmem>>, vector<16xi32>,
      tpu.vector_store %arg6[%swap3A_1211, %swap3A_1212], %mul3A_1209 {strides = array<i32>} : memref<2x512xi32, #tpu.memory_space<vmem>>, vector<16xi32>,
      %gather3A_1214 = tpu.vector_load_idx %arg5[%add3A_54, %add3A_1101] : memref<512x50xi32, #tpu.memory_space<vmem>>[vector<16xi32>, vector<16xi32>], vector<16xi32>,
      %mul3A_1215 = arith.constant 4 : i32
      %mul3A_1216 = vector.broadcast %mul3A_1215 : i32 to vector<16xi32>
      %mul3A_1217 = arith.muli %gather3A_1214, %mul3A_1216 : vector<16xi32>
      %swap3A_1218 = arith.constant 0 : i32
      %swap3A_1219 = arith.index_cast %swap3A_1218 : i32 to index
      %swap3A_1220 = arith.constant 224 : index
      %swap3A_1221 = tpu.vector_load %arg6[%swap3A_1219, %swap3A_1220] {strides = array<i32>} : memref<2x512xi32, #tpu.memory_space<vmem>>, vector<16xi32>,
      tpu.vector_store %arg6[%swap3A_1219, %swap3A_1220], %mul3A_1217 {strides = array<i32>} : memref<2x512xi32, #tpu.memory_space<vmem>>, vector<16xi32>,
      %gather3A_1222 = tpu.vector_load_idx %arg5[%add3A_57, %add3A_1101] : memref<512x50xi32, #tpu.memory_space<vmem>>[vector<16xi32>, vector<16xi32>], vector<16xi32>,
      %mul3A_1223 = arith.constant 4 : i32
      %mul3A_1224 = vector.broadcast %mul3A_1223 : i32 to vector<16xi32>
      %mul3A_1225 = arith.muli %gather3A_1222, %mul3A_1224 : vector<16xi32>
      %swap3A_1226 = arith.constant 0 : i32
      %swap3A_1227 = arith.index_cast %swap3A_1226 : i32 to index
      %swap3A_1228 = arith.constant 240 : index
      %swap3A_1229 = tpu.vector_load %arg6[%swap3A_1227, %swap3A_1228] {strides = array<i32>} : memref<2x512xi32, #tpu.memory_space<vmem>>, vector<16xi32>,
      tpu.vector_store %arg6[%swap3A_1227, %swap3A_1228], %mul3A_1225 {strides = array<i32>} : memref<2x512xi32, #tpu.memory_space<vmem>>, vector<16xi32>,
      %gather3A_1230 = tpu.vector_load_idx %arg5[%add3A_60, %add3A_1101] : memref<512x50xi32, #tpu.memory_space<vmem>>[vector<16xi32>, vector<16xi32>], vector<16xi32>,
      %mul3A_1231 = arith.constant 4 : i32
      %mul3A_1232 = vector.broadcast %mul3A_1231 : i32 to vector<16xi32>
      %mul3A_1233 = arith.muli %gather3A_1230, %mul3A_1232 : vector<16xi32>
      %swap3A_1234 = arith.constant 0 : i32
      %swap3A_1235 = arith.index_cast %swap3A_1234 : i32 to index
      %swap3A_1236 = arith.constant 256 : index
      %swap3A_1237 = tpu.vector_load %arg6[%swap3A_1235, %swap3A_1236] {strides = array<i32>} : memref<2x512xi32, #tpu.memory_space<vmem>>, vector<16xi32>,
      tpu.vector_store %arg6[%swap3A_1235, %swap3A_1236], %mul3A_1233 {strides = array<i32>} : memref<2x512xi32, #tpu.memory_space<vmem>>, vector<16xi32>,
      %gather3A_1238 = tpu.vector_load_idx %arg5[%add3A_63, %add3A_1101] : memref<512x50xi32, #tpu.memory_space<vmem>>[vector<16xi32>, vector<16xi32>], vector<16xi32>,
      %mul3A_1239 = arith.constant 4 : i32
      %mul3A_1240 = vector.broadcast %mul3A_1239 : i32 to vector<16xi32>
      %mul3A_1241 = arith.muli %gather3A_1238, %mul3A_1240 : vector<16xi32>
      %swap3A_1242 = arith.constant 0 : i32
      %swap3A_1243 = arith.index_cast %swap3A_1242 : i32 to index
      %swap3A_1244 = arith.constant 272 : index
      %swap3A_1245 = tpu.vector_load %arg6[%swap3A_1243, %swap3A_1244] {strides = array<i32>} : memref<2x512xi32, #tpu.memory_space<vmem>>, vector<16xi32>,
      tpu.vector_store %arg6[%swap3A_1243, %swap3A_1244], %mul3A_1241 {strides = array<i32>} : memref<2x512xi32, #tpu.memory_space<vmem>>, vector<16xi32>,
      %gather3A_1246 = tpu.vector_load_idx %arg5[%add3A_66, %add3A_1101] : memref<512x50xi32, #tpu.memory_space<vmem>>[vector<16xi32>, vector<16xi32>], vector<16xi32>,
      %mul3A_1247 = arith.constant 4 : i32
      %mul3A_1248 = vector.broadcast %mul3A_1247 : i32 to vector<16xi32>
      %mul3A_1249 = arith.muli %gather3A_1246, %mul3A_1248 : vector<16xi32>
      %swap3A_1250 = arith.constant 0 : i32
      %swap3A_1251 = arith.index_cast %swap3A_1250 : i32 to index
      %swap3A_1252 = arith.constant 288 : index
      %swap3A_1253 = tpu.vector_load %arg6[%swap3A_1251, %swap3A_1252] {strides = array<i32>} : memref<2x512xi32, #tpu.memory_space<vmem>>, vector<16xi32>,
      tpu.vector_store %arg6[%swap3A_1251, %swap3A_1252], %mul3A_1249 {strides = array<i32>} : memref<2x512xi32, #tpu.memory_space<vmem>>, vector<16xi32>,
      %gather3A_1254 = tpu.vector_load_idx %arg5[%add3A_69, %add3A_1101] : memref<512x50xi32, #tpu.memory_space<vmem>>[vector<16xi32>, vector<16xi32>], vector<16xi32>,
      %mul3A_1255 = arith.constant 4 : i32
      %mul3A_1256 = vector.broadcast %mul3A_1255 : i32 to vector<16xi32>
      %mul3A_1257 = arith.muli %gather3A_1254, %mul3A_1256 : vector<16xi32>
      %swap3A_1258 = arith.constant 0 : i32
      %swap3A_1259 = arith.index_cast %swap3A_1258 : i32 to index
      %swap3A_1260 = arith.constant 304 : index
      %swap3A_1261 = tpu.vector_load %arg6[%swap3A_1259, %swap3A_1260] {strides = array<i32>} : memref<2x512xi32, #tpu.memory_space<vmem>>, vector<16xi32>,
      tpu.vector_store %arg6[%swap3A_1259, %swap3A_1260], %mul3A_1257 {strides = array<i32>} : memref<2x512xi32, #tpu.memory_space<vmem>>, vector<16xi32>,
      %gather3A_1262 = tpu.vector_load_idx %arg5[%add3A_72, %add3A_1101] : memref<512x50xi32, #tpu.memory_space<vmem>>[vector<16xi32>, vector<16xi32>], vector<16xi32>,
      %mul3A_1263 = arith.constant 4 : i32
      %mul3A_1264 = vector.broadcast %mul3A_1263 : i32 to vector<16xi32>
      %mul3A_1265 = arith.muli %gather3A_1262, %mul3A_1264 : vector<16xi32>
      %swap3A_1266 = arith.constant 0 : i32
      %swap3A_1267 = arith.index_cast %swap3A_1266 : i32 to index
      %swap3A_1268 = arith.constant 320 : index
      %swap3A_1269 = tpu.vector_load %arg6[%swap3A_1267, %swap3A_1268] {strides = array<i32>} : memref<2x512xi32, #tpu.memory_space<vmem>>, vector<16xi32>,
      tpu.vector_store %arg6[%swap3A_1267, %swap3A_1268], %mul3A_1265 {strides = array<i32>} : memref<2x512xi32, #tpu.memory_space<vmem>>, vector<16xi32>,
      %gather3A_1270 = tpu.vector_load_idx %arg5[%add3A_75, %add3A_1101] : memref<512x50xi32, #tpu.memory_space<vmem>>[vector<16xi32>, vector<16xi32>], vector<16xi32>,
      %mul3A_1271 = arith.constant 4 : i32
      %mul3A_1272 = vector.broadcast %mul3A_1271 : i32 to vector<16xi32>
      %mul3A_1273 = arith.muli %gather3A_1270, %mul3A_1272 : vector<16xi32>
      %swap3A_1274 = arith.constant 0 : i32
      %swap3A_1275 = arith.index_cast %swap3A_1274 : i32 to index
      %swap3A_1276 = arith.constant 336 : index
      %swap3A_1277 = tpu.vector_load %arg6[%swap3A_1275, %swap3A_1276] {strides = array<i32>} : memref<2x512xi32, #tpu.memory_space<vmem>>, vector<16xi32>,
      tpu.vector_store %arg6[%swap3A_1275, %swap3A_1276], %mul3A_1273 {strides = array<i32>} : memref<2x512xi32, #tpu.memory_space<vmem>>, vector<16xi32>,
      %gather3A_1278 = tpu.vector_load_idx %arg5[%add3A_78, %add3A_1101] : memref<512x50xi32, #tpu.memory_space<vmem>>[vector<16xi32>, vector<16xi32>], vector<16xi32>,
      %mul3A_1279 = arith.constant 4 : i32
      %mul3A_1280 = vector.broadcast %mul3A_1279 : i32 to vector<16xi32>
      %mul3A_1281 = arith.muli %gather3A_1278, %mul3A_1280 : vector<16xi32>
      %swap3A_1282 = arith.constant 0 : i32
      %swap3A_1283 = arith.index_cast %swap3A_1282 : i32 to index
      %swap3A_1284 = arith.constant 352 : index
      %swap3A_1285 = tpu.vector_load %arg6[%swap3A_1283, %swap3A_1284] {strides = array<i32>} : memref<2x512xi32, #tpu.memory_space<vmem>>, vector<16xi32>,
      tpu.vector_store %arg6[%swap3A_1283, %swap3A_1284], %mul3A_1281 {strides = array<i32>} : memref<2x512xi32, #tpu.memory_space<vmem>>, vector<16xi32>,
      %gather3A_1286 = tpu.vector_load_idx %arg5[%add3A_81, %add3A_1101] : memref<512x50xi32, #tpu.memory_space<vmem>>[vector<16xi32>, vector<16xi32>], vector<16xi32>,
      %mul3A_1287 = arith.constant 4 : i32
      %mul3A_1288 = vector.broadcast %mul3A_1287 : i32 to vector<16xi32>
      %mul3A_1289 = arith.muli %gather3A_1286, %mul3A_1288 : vector<16xi32>
      %swap3A_1290 = arith.constant 0 : i32
      %swap3A_1291 = arith.index_cast %swap3A_1290 : i32 to index
      %swap3A_1292 = arith.constant 368 : index
      %swap3A_1293 = tpu.vector_load %arg6[%swap3A_1291, %swap3A_1292] {strides = array<i32>} : memref<2x512xi32, #tpu.memory_space<vmem>>, vector<16xi32>,
      tpu.vector_store %arg6[%swap3A_1291, %swap3A_1292], %mul3A_1289 {strides = array<i32>} : memref<2x512xi32, #tpu.memory_space<vmem>>, vector<16xi32>,
      %gather3A_1294 = tpu.vector_load_idx %arg5[%add3A_84, %add3A_1101] : memref<512x50xi32, #tpu.memory_space<vmem>>[vector<16xi32>, vector<16xi32>], vector<16xi32>,
      %mul3A_1295 = arith.constant 4 : i32
      %mul3A_1296 = vector.broadcast %mul3A_1295 : i32 to vector<16xi32>
      %mul3A_1297 = arith.muli %gather3A_1294, %mul3A_1296 : vector<16xi32>
      %swap3A_1298 = arith.constant 0 : i32
      %swap3A_1299 = arith.index_cast %swap3A_1298 : i32 to index
      %swap3A_1300 = arith.constant 384 : index
      %swap3A_1301 = tpu.vector_load %arg6[%swap3A_1299, %swap3A_1300] {strides = array<i32>} : memref<2x512xi32, #tpu.memory_space<vmem>>, vector<16xi32>,
      tpu.vector_store %arg6[%swap3A_1299, %swap3A_1300], %mul3A_1297 {strides = array<i32>} : memref<2x512xi32, #tpu.memory_space<vmem>>, vector<16xi32>,
      %gather3A_1302 = tpu.vector_load_idx %arg5[%add3A_87, %add3A_1101] : memref<512x50xi32, #tpu.memory_space<vmem>>[vector<16xi32>, vector<16xi32>], vector<16xi32>,
      %mul3A_1303 = arith.constant 4 : i32
      %mul3A_1304 = vector.broadcast %mul3A_1303 : i32 to vector<16xi32>
      %mul3A_1305 = arith.muli %gather3A_1302, %mul3A_1304 : vector<16xi32>
      %swap3A_1306 = arith.constant 0 : i32
      %swap3A_1307 = arith.index_cast %swap3A_1306 : i32 to index
      %swap3A_1308 = arith.constant 400 : index
      %swap3A_1309 = tpu.vector_load %arg6[%swap3A_1307, %swap3A_1308] {strides = array<i32>} : memref<2x512xi32, #tpu.memory_space<vmem>>, vector<16xi32>,
      tpu.vector_store %arg6[%swap3A_1307, %swap3A_1308], %mul3A_1305 {strides = array<i32>} : memref<2x512xi32, #tpu.memory_space<vmem>>, vector<16xi32>,
      %gather3A_1310 = tpu.vector_load_idx %arg5[%add3A_90, %add3A_1101] : memref<512x50xi32, #tpu.memory_space<vmem>>[vector<16xi32>, vector<16xi32>], vector<16xi32>,
      %mul3A_1311 = arith.constant 4 : i32
      %mul3A_1312 = vector.broadcast %mul3A_1311 : i32 to vector<16xi32>
      %mul3A_1313 = arith.muli %gather3A_1310, %mul3A_1312 : vector<16xi32>
      %swap3A_1314 = arith.constant 0 : i32
      %swap3A_1315 = arith.index_cast %swap3A_1314 : i32 to index
      %swap3A_1316 = arith.constant 416 : index
      %swap3A_1317 = tpu.vector_load %arg6[%swap3A_1315, %swap3A_1316] {strides = array<i32>} : memref<2x512xi32, #tpu.memory_space<vmem>>, vector<16xi32>,
      tpu.vector_store %arg6[%swap3A_1315, %swap3A_1316], %mul3A_1313 {strides = array<i32>} : memref<2x512xi32, #tpu.memory_space<vmem>>, vector<16xi32>,
      %gather3A_1318 = tpu.vector_load_idx %arg5[%add3A_93, %add3A_1101] : memref<512x50xi32, #tpu.memory_space<vmem>>[vector<16xi32>, vector<16xi32>], vector<16xi32>,
      %mul3A_1319 = arith.constant 4 : i32
      %mul3A_1320 = vector.broadcast %mul3A_1319 : i32 to vector<16xi32>
      %mul3A_1321 = arith.muli %gather3A_1318, %mul3A_1320 : vector<16xi32>
      %swap3A_1322 = arith.constant 0 : i32
      %swap3A_1323 = arith.index_cast %swap3A_1322 : i32 to index
      %swap3A_1324 = arith.constant 432 : index
      %swap3A_1325 = tpu.vector_load %arg6[%swap3A_1323, %swap3A_1324] {strides = array<i32>} : memref<2x512xi32, #tpu.memory_space<vmem>>, vector<16xi32>,
      tpu.vector_store %arg6[%swap3A_1323, %swap3A_1324], %mul3A_1321 {strides = array<i32>} : memref<2x512xi32, #tpu.memory_space<vmem>>, vector<16xi32>,
      %gather3A_1326 = tpu.vector_load_idx %arg5[%add3A_96, %add3A_1101] : memref<512x50xi32, #tpu.memory_space<vmem>>[vector<16xi32>, vector<16xi32>], vector<16xi32>,
      %mul3A_1327 = arith.constant 4 : i32
      %mul3A_1328 = vector.broadcast %mul3A_1327 : i32 to vector<16xi32>
      %mul3A_1329 = arith.muli %gather3A_1326, %mul3A_1328 : vector<16xi32>
      %swap3A_1330 = arith.constant 0 : i32
      %swap3A_1331 = arith.index_cast %swap3A_1330 : i32 to index
      %swap3A_1332 = arith.constant 448 : index
      %swap3A_1333 = tpu.vector_load %arg6[%swap3A_1331, %swap3A_1332] {strides = array<i32>} : memref<2x512xi32, #tpu.memory_space<vmem>>, vector<16xi32>,
      tpu.vector_store %arg6[%swap3A_1331, %swap3A_1332], %mul3A_1329 {strides = array<i32>} : memref<2x512xi32, #tpu.memory_space<vmem>>, vector<16xi32>,
      %gather3A_1334 = tpu.vector_load_idx %arg5[%add3A_99, %add3A_1101] : memref<512x50xi32, #tpu.memory_space<vmem>>[vector<16xi32>, vector<16xi32>], vector<16xi32>,
      %mul3A_1335 = arith.constant 4 : i32
      %mul3A_1336 = vector.broadcast %mul3A_1335 : i32 to vector<16xi32>
      %mul3A_1337 = arith.muli %gather3A_1334, %mul3A_1336 : vector<16xi32>
      %swap3A_1338 = arith.constant 0 : i32
      %swap3A_1339 = arith.index_cast %swap3A_1338 : i32 to index
      %swap3A_1340 = arith.constant 464 : index
      %swap3A_1341 = tpu.vector_load %arg6[%swap3A_1339, %swap3A_1340] {strides = array<i32>} : memref<2x512xi32, #tpu.memory_space<vmem>>, vector<16xi32>,
      tpu.vector_store %arg6[%swap3A_1339, %swap3A_1340], %mul3A_1337 {strides = array<i32>} : memref<2x512xi32, #tpu.memory_space<vmem>>, vector<16xi32>,
      %gather3A_1342 = tpu.vector_load_idx %arg5[%add3A_102, %add3A_1101] : memref<512x50xi32, #tpu.memory_space<vmem>>[vector<16xi32>, vector<16xi32>], vector<16xi32>,
      %mul3A_1343 = arith.constant 4 : i32
      %mul3A_1344 = vector.broadcast %mul3A_1343 : i32 to vector<16xi32>
      %mul3A_1345 = arith.muli %gather3A_1342, %mul3A_1344 : vector<16xi32>
      %swap3A_1346 = arith.constant 0 : i32
      %swap3A_1347 = arith.index_cast %swap3A_1346 : i32 to index
      %swap3A_1348 = arith.constant 480 : index
      %swap3A_1349 = tpu.vector_load %arg6[%swap3A_1347, %swap3A_1348] {strides = array<i32>} : memref<2x512xi32, #tpu.memory_space<vmem>>, vector<16xi32>,
      tpu.vector_store %arg6[%swap3A_1347, %swap3A_1348], %mul3A_1345 {strides = array<i32>} : memref<2x512xi32, #tpu.memory_space<vmem>>, vector<16xi32>,
      %gather3A_1350 = tpu.vector_load_idx %arg5[%add3A_105, %add3A_1101] : memref<512x50xi32, #tpu.memory_space<vmem>>[vector<16xi32>, vector<16xi32>], vector<16xi32>,
      %mul3A_1351 = arith.constant 4 : i32
      %mul3A_1352 = vector.broadcast %mul3A_1351 : i32 to vector<16xi32>
      %mul3A_1353 = arith.muli %gather3A_1350, %mul3A_1352 : vector<16xi32>
      %swap3A_1354 = arith.constant 0 : i32
      %swap3A_1355 = arith.index_cast %swap3A_1354 : i32 to index
      %swap3A_1356 = arith.constant 496 : index
      %swap3A_1357 = tpu.vector_load %arg6[%swap3A_1355, %swap3A_1356] {strides = array<i32>} : memref<2x512xi32, #tpu.memory_space<vmem>>, vector<16xi32>,
      tpu.vector_store %arg6[%swap3A_1355, %swap3A_1356], %mul3A_1353 {strides = array<i32>} : memref<2x512xi32, #tpu.memory_space<vmem>>, vector<16xi32>,
      %dma_start3A_1358 = arith.constant 0 : i32
      %dma_start3A_1359 = arith.constant 0 : i32
      %dma_start3A_1360 = arith.constant 0 : i32
      %dma_start3A_1361 = arith.constant 0 : i32
      %dma_start3A_1362 = tpu.memref_slice %arg7[%dma_start3A_1359, %dma_start3A_1360, %dma_start3A_1361] : memref<2x512x32xf32, #tpu.memory_space<vmem>> -> memref<1x512x32xf32, #tpu.memory_space<vmem>>
      %dma_start3A_1363 = tpu.memref_squeeze %dma_start3A_1362 : memref<1x512x32xf32, #tpu.memory_space<vmem>> -> memref<512x32xf32, #tpu.memory_space<vmem>>
      %dma_start3A_1364 = arith.constant 0 : i32
      %dma_start3A_1365 = tpu.memref_slice %arg6[%dma_start3A_1358, %dma_start3A_1364] : memref<2x512xi32, #tpu.memory_space<vmem>> -> memref<1x512xi32, #tpu.memory_space<vmem>>
      %dma_start3A_1366 = tpu.memref_squeeze %dma_start3A_1365 : memref<1x512xi32, #tpu.memory_space<vmem>> -> memref<512xi32, #tpu.memory_space<vmem>>
      %dma_start3A_1367 = arith.constant 0 : i32
      %dma_start3A_1368 = arith.constant 0 : i32
      %dma_start3A_1369 = tpu.memref_slice %arg3[%dma_start3A_1367, %dma_start3A_1368] : memref<4000000x32xf32, #tpu.memory_space<hbm>> -> memref<4000000x32xf32, #tpu.memory_space<hbm>>
      tpu.enqueue_indirect_dma source(%dma_start3A_1369 : memref<4000000x32xf32, #tpu.memory_space<hbm>>) target(%dma_start3A_1363 : memref<512x32xf32, #tpu.memory_space<vmem>>) offsets(%dma_start3A_1366 : memref<512xi32, #tpu.memory_space<vmem>>) semaphore(%arg10 : memref<!tpu.dma_semaphore, #tpu.memory_space<semaphore_mem>>)
      %add3A_1370 = arith.constant 1 : i32
      %add3A_1371 = arith.addi %mul3A_789, %add3A_1370 : i32
      %ge3A_1372 = arith.constant 1 : i32
      %ge3A_1373 = arith.cmpi sge, %scan3A_787, %ge3A_1372 : i32
      %dma_wait3A_1374 = arith.constant 1 : i32
      %dma_wait3A_1375 = arith.constant 0 : i32
      %dma_wait3A_1376 = arith.constant 0 : i32
      %dma_wait3A_1377 = tpu.memref_slice %arg7[%dma_wait3A_1374, %dma_wait3A_1375, %dma_wait3A_1376] : memref<2x512x32xf32, #tpu.memory_space<vmem>> -> memref<1x512x32xf32, #tpu.memory_space<vmem>>
      %dma_wait3A_1378 = tpu.memref_squeeze %dma_wait3A_1377 : memref<1x512x32xf32, #tpu.memory_space<vmem>> -> memref<512x32xf32, #tpu.memory_space<vmem>>
      %dma_wait3A_1379 = arith.constant 0 : i32
      %dma_wait3A_1380 = arith.constant 0 : i32
      %dma_wait3A_1381 = tpu.memref_slice %arg3[%dma_wait3A_1379, %dma_wait3A_1380] : memref<4000000x32xf32, #tpu.memory_space<hbm>> -> memref<512x32xf32, #tpu.memory_space<hbm>>
      %dma_wait3A_1382 = arith.constant 0 : i32
      %dma_wait3A_1383 = arith.constant 0 : i32
      %dma_wait3A_1384 = tpu.memref_slice %arg7[%dma_wait3A_1374, %dma_wait3A_1382, %dma_wait3A_1383] : memref<2x512x32xf32, #tpu.memory_space<vmem>> -> memref<1x512x32xf32, #tpu.memory_space<vmem>>
      %dma_wait3A_1385 = tpu.memref_squeeze %dma_wait3A_1384 : memref<1x512x32xf32, #tpu.memory_space<vmem>> -> memref<512x32xf32, #tpu.memory_space<vmem>>
      %dma_wait3A_1386 = arith.constant 0 : i32
      %dma_wait3A_1387 = arith.constant 0 : i32
      %dma_wait3A_1388 = tpu.memref_slice %arg3[%dma_wait3A_1386, %dma_wait3A_1387] : memref<4000000x32xf32, #tpu.memory_space<hbm>> -> memref<512x32xf32, #tpu.memory_space<hbm>>
      tpu.wait_dma2 semaphore(%arg11 : memref<!tpu.dma_semaphore, #tpu.memory_space<semaphore_mem>>) src(%dma_wait3A_1388 : memref<512x32xf32, #tpu.memory_space<hbm>>) dst(%dma_wait3A_1385 : memref<512x32xf32, #tpu.memory_space<vmem>>)
      %convert_element_type3A_1389 = arith.extui %ge3A_1373 : i1 to i32
      %cond3A_1390 = arith.constant 0 : i32
      %cond3A_1391 = arith.cmpi ne, %convert_element_type3A_1389, %cond3A_1390 : i32
      scf.if %cond3A_1391 {
        %dma_wait3A_1411 = arith.constant 1 : i32
        %dma_wait3A_1412 = arith.constant 0 : i32
        %dma_wait3A_1413 = arith.constant 0 : i32
        %dma_wait3A_1414 = tpu.memref_slice %arg8[%dma_wait3A_1411, %dma_wait3A_1412, %dma_wait3A_1413] : memref<2x32x512xf32, #tpu.memory_space<vmem>> -> memref<1x32x512xf32, #tpu.memory_space<vmem>>
        %dma_wait3A_1415 = tpu.memref_squeeze %dma_wait3A_1414 : memref<1x32x512xf32, #tpu.memory_space<vmem>> -> memref<32x512xf32, #tpu.memory_space<vmem>>
        %dma_wait3A_1416 = arith.constant 0 : i32
        %dma_wait3A_1417 = arith.constant 0 : i32
        %dma_wait3A_1418 = tpu.memref_slice %arg4[%dma_wait3A_1416, %dma_wait3A_1417] : memref<1600x16384xf32, #tpu.memory_space<hbm>> -> memref<32x512xf32, #tpu.memory_space<hbm>>
        %dma_wait3A_1419 = arith.constant 0 : i32
        %dma_wait3A_1420 = arith.constant 0 : i32
        %dma_wait3A_1421 = tpu.memref_slice %arg8[%dma_wait3A_1411, %dma_wait3A_1419, %dma_wait3A_1420] : memref<2x32x512xf32, #tpu.memory_space<vmem>> -> memref<1x32x512xf32, #tpu.memory_space<vmem>>
        %dma_wait3A_1422 = tpu.memref_squeeze %dma_wait3A_1421 : memref<1x32x512xf32, #tpu.memory_space<vmem>> -> memref<32x512xf32, #tpu.memory_space<vmem>>
        %dma_wait3A_1423 = arith.constant 0 : i32
        %dma_wait3A_1424 = arith.constant 0 : i32
        %dma_wait3A_1425 = tpu.memref_slice %arg4[%dma_wait3A_1423, %dma_wait3A_1424] : memref<1600x16384xf32, #tpu.memory_space<hbm>> -> memref<32x512xf32, #tpu.memory_space<hbm>>
        tpu.wait_dma2 semaphore(%arg13 : memref<!tpu.dma_semaphore, #tpu.memory_space<semaphore_mem>>) src(%dma_wait3A_1425 : memref<32x512xf32, #tpu.memory_space<hbm>>) dst(%dma_wait3A_1422 : memref<32x512xf32, #tpu.memory_space<vmem>>)
      } else {
      }
      %scan3A_1392 = arith.constant 0 : i32
      %scan3A_1393 = arith.constant 0 : i32
      %scan3A_1394 = arith.constant 64 : i32
      %scan3A_1395 = arith.addi %scan3A_1393, %scan3A_1394 : i32
      %scan3A_1396 = arith.constant 1 : i32
      scf.for %scan3A_1411 = %scan3A_1393 to %scan3A_1395 step %scan3A_1396  : i32 {
        %mul3A_1412 = arith.constant 8 : i32
        %mul3A_1413 = arith.muli %scan3A_1411, %mul3A_1412 : i32
        %add3A_1414 = arith.constant 0 : i32
        %add3A_1415 = arith.addi %mul3A_1413, %add3A_1414 : i32
        %add3A_1416 = vector.broadcast %add3A_1415 : i32 to vector<16xi32>
        %add3A_1417 = arith.addi %broadcast_in_dim3A_3, %add3A_1416 : vector<16xi32>
        %add3A_1418 = arith.addi %add3A_1417, %add3A_6 : vector<16xi32>
        %and3A = arith.constant 511 : i32
        %and3A_1419 = vector.broadcast %and3A : i32 to vector<16xi32>
        %and3A_1420 = arith.andi %add3A_1418, %and3A_1419 : vector<16xi32>
        %gather3A_1421 = arith.constant 1 : i32
        %gather3A_1422 = arith.constant 0 : i32
        %gather3A_1423 = arith.constant 0 : i32
        %gather3A_1424 = tpu.memref_slice %arg7[%gather3A_1421, %gather3A_1422, %gather3A_1423] : memref<2x512x32xf32, #tpu.memory_space<vmem>> -> memref<1x512x32xf32, #tpu.memory_space<vmem>>
        %gather3A_1425 = tpu.memref_squeeze %gather3A_1424 : memref<1x512x32xf32, #tpu.memory_space<vmem>> -> memref<512x32xf32, #tpu.memory_space<vmem>>
        %gather3A_1426 = tpu.vector_load_idx %gather3A_1425[%and3A_1420, %add3A_6] : memref<512x32xf32, #tpu.memory_space<vmem>>[vector<16xi32>, vector<16xi32>], vector<16xf32>,
        %scatter3A = arith.constant 1 : i32
        %scatter3A_1427 = arith.constant 0 : i32
        %scatter3A_1428 = arith.constant 0 : i32
        %scatter3A_1429 = tpu.memref_slice %arg8[%scatter3A, %scatter3A_1427, %scatter3A_1428] : memref<2x32x512xf32, #tpu.memory_space<vmem>> -> memref<1x32x512xf32, #tpu.memory_space<vmem>>
        %scatter3A_1430 = tpu.memref_squeeze %scatter3A_1429 : memref<1x32x512xf32, #tpu.memory_space<vmem>> -> memref<32x512xf32, #tpu.memory_space<vmem>>
        tpu.vector_store_idx %scatter3A_1430[%add3A_6, %and3A_1420], %gather3A_1426 : memref<32x512xf32, #tpu.memory_space<vmem>>[vector<16xi32>, vector<16xi32>], vector<16xf32>,
        %add3A_1431 = arith.addi %add3A_1417, %add3A_9 : vector<16xi32>
        %and3A_1432 = arith.constant 511 : i32
        %and3A_1433 = vector.broadcast %and3A_1432 : i32 to vector<16xi32>
        %and3A_1434 = arith.andi %add3A_1431, %and3A_1433 : vector<16xi32>
        %gather3A_1435 = arith.constant 1 : i32
        %gather3A_1436 = arith.constant 0 : i32
        %gather3A_1437 = arith.constant 0 : i32
        %gather3A_1438 = tpu.memref_slice %arg7[%gather3A_1435, %gather3A_1436, %gather3A_1437] : memref<2x512x32xf32, #tpu.memory_space<vmem>> -> memref<1x512x32xf32, #tpu.memory_space<vmem>>
        %gather3A_1439 = tpu.memref_squeeze %gather3A_1438 : memref<1x512x32xf32, #tpu.memory_space<vmem>> -> memref<512x32xf32, #tpu.memory_space<vmem>>
        %gather3A_1440 = tpu.vector_load_idx %gather3A_1439[%and3A_1434, %add3A_9] : memref<512x32xf32, #tpu.memory_space<vmem>>[vector<16xi32>, vector<16xi32>], vector<16xf32>,
        %scatter3A_1441 = arith.constant 1 : i32
        %scatter3A_1442 = arith.constant 0 : i32
        %scatter3A_1443 = arith.constant 0 : i32
        %scatter3A_1444 = tpu.memref_slice %arg8[%scatter3A_1441, %scatter3A_1442, %scatter3A_1443] : memref<2x32x512xf32, #tpu.memory_space<vmem>> -> memref<1x32x512xf32, #tpu.memory_space<vmem>>
        %scatter3A_1445 = tpu.memref_squeeze %scatter3A_1444 : memref<1x32x512xf32, #tpu.memory_space<vmem>> -> memref<32x512xf32, #tpu.memory_space<vmem>>
        tpu.vector_store_idx %scatter3A_1445[%add3A_9, %and3A_1434], %gather3A_1440 : memref<32x512xf32, #tpu.memory_space<vmem>>[vector<16xi32>, vector<16xi32>], vector<16xf32>,
        %add3A_1446 = arith.constant 1 : i32
        %add3A_1447 = arith.addi %mul3A_1413, %add3A_1446 : i32
        %add3A_1448 = vector.broadcast %add3A_1447 : i32 to vector<16xi32>
        %add3A_1449 = arith.addi %broadcast_in_dim3A_3, %add3A_1448 : vector<16xi32>
        %add3A_1450 = arith.addi %add3A_1449, %add3A_6 : vector<16xi32>
        %and3A_1451 = arith.constant 511 : i32
        %and3A_1452 = vector.broadcast %and3A_1451 : i32 to vector<16xi32>
        %and3A_1453 = arith.andi %add3A_1450, %and3A_1452 : vector<16xi32>
        %gather3A_1454 = arith.constant 1 : i32
        %gather3A_1455 = arith.constant 0 : i32
        %gather3A_1456 = arith.constant 0 : i32
        %gather3A_1457 = tpu.memref_slice %arg7[%gather3A_1454, %gather3A_1455, %gather3A_1456] : memref<2x512x32xf32, #tpu.memory_space<vmem>> -> memref<1x512x32xf32, #tpu.memory_space<vmem>>
        %gather3A_1458 = tpu.memref_squeeze %gather3A_1457 : memref<1x512x32xf32, #tpu.memory_space<vmem>> -> memref<512x32xf32, #tpu.memory_space<vmem>>
        %gather3A_1459 = tpu.vector_load_idx %gather3A_1458[%and3A_1453, %add3A_6] : memref<512x32xf32, #tpu.memory_space<vmem>>[vector<16xi32>, vector<16xi32>], vector<16xf32>,
        %scatter3A_1460 = arith.constant 1 : i32
        %scatter3A_1461 = arith.constant 0 : i32
        %scatter3A_1462 = arith.constant 0 : i32
        %scatter3A_1463 = tpu.memref_slice %arg8[%scatter3A_1460, %scatter3A_1461, %scatter3A_1462] : memref<2x32x512xf32, #tpu.memory_space<vmem>> -> memref<1x32x512xf32, #tpu.memory_space<vmem>>
        %scatter3A_1464 = tpu.memref_squeeze %scatter3A_1463 : memref<1x32x512xf32, #tpu.memory_space<vmem>> -> memref<32x512xf32, #tpu.memory_space<vmem>>
        tpu.vector_store_idx %scatter3A_1464[%add3A_6, %and3A_1453], %gather3A_1459 : memref<32x512xf32, #tpu.memory_space<vmem>>[vector<16xi32>, vector<16xi32>], vector<16xf32>,
        %add3A_1465 = arith.addi %add3A_1449, %add3A_9 : vector<16xi32>
        %and3A_1466 = arith.constant 511 : i32
        %and3A_1467 = vector.broadcast %and3A_1466 : i32 to vector<16xi32>
        %and3A_1468 = arith.andi %add3A_1465, %and3A_1467 : vector<16xi32>
        %gather3A_1469 = arith.constant 1 : i32
        %gather3A_1470 = arith.constant 0 : i32
        %gather3A_1471 = arith.constant 0 : i32
        %gather3A_1472 = tpu.memref_slice %arg7[%gather3A_1469, %gather3A_1470, %gather3A_1471] : memref<2x512x32xf32, #tpu.memory_space<vmem>> -> memref<1x512x32xf32, #tpu.memory_space<vmem>>
        %gather3A_1473 = tpu.memref_squeeze %gather3A_1472 : memref<1x512x32xf32, #tpu.memory_space<vmem>> -> memref<512x32xf32, #tpu.memory_space<vmem>>
        %gather3A_1474 = tpu.vector_load_idx %gather3A_1473[%and3A_1468, %add3A_9] : memref<512x32xf32, #tpu.memory_space<vmem>>[vector<16xi32>, vector<16xi32>], vector<16xf32>,
        %scatter3A_1475 = arith.constant 1 : i32
        %scatter3A_1476 = arith.constant 0 : i32
        %scatter3A_1477 = arith.constant 0 : i32
        %scatter3A_1478 = tpu.memref_slice %arg8[%scatter3A_1475, %scatter3A_1476, %scatter3A_1477] : memref<2x32x512xf32, #tpu.memory_space<vmem>> -> memref<1x32x512xf32, #tpu.memory_space<vmem>>
        %scatter3A_1479 = tpu.memref_squeeze %scatter3A_1478 : memref<1x32x512xf32, #tpu.memory_space<vmem>> -> memref<32x512xf32, #tpu.memory_space<vmem>>
        tpu.vector_store_idx %scatter3A_1479[%add3A_9, %and3A_1468], %gather3A_1474 : memref<32x512xf32, #tpu.memory_space<vmem>>[vector<16xi32>, vector<16xi32>], vector<16xf32>,
        %add3A_1480 = arith.constant 2 : i32
        %add3A_1481 = arith.addi %mul3A_1413, %add3A_1480 : i32
        %add3A_1482 = vector.broadcast %add3A_1481 : i32 to vector<16xi32>
        %add3A_1483 = arith.addi %broadcast_in_dim3A_3, %add3A_1482 : vector<16xi32>
        %add3A_1484 = arith.addi %add3A_1483, %add3A_6 : vector<16xi32>
        %and3A_1485 = arith.constant 511 : i32
        %and3A_1486 = vector.broadcast %and3A_1485 : i32 to vector<16xi32>
        %and3A_1487 = arith.andi %add3A_1484, %and3A_1486 : vector<16xi32>
        %gather3A_1488 = arith.constant 1 : i32
        %gather3A_1489 = arith.constant 0 : i32
        %gather3A_1490 = arith.constant 0 : i32
        %gather3A_1491 = tpu.memref_slice %arg7[%gather3A_1488, %gather3A_1489, %gather3A_1490] : memref<2x512x32xf32, #tpu.memory_space<vmem>> -> memref<1x512x32xf32, #tpu.memory_space<vmem>>
        %gather3A_1492 = tpu.memref_squeeze %gather3A_1491 : memref<1x512x32xf32, #tpu.memory_space<vmem>> -> memref<512x32xf32, #tpu.memory_space<vmem>>
        %gather3A_1493 = tpu.vector_load_idx %gather3A_1492[%and3A_1487, %add3A_6] : memref<512x32xf32, #tpu.memory_space<vmem>>[vector<16xi32>, vector<16xi32>], vector<16xf32>,
        %scatter3A_1494 = arith.constant 1 : i32
        %scatter3A_1495 = arith.constant 0 : i32
        %scatter3A_1496 = arith.constant 0 : i32
        %scatter3A_1497 = tpu.memref_slice %arg8[%scatter3A_1494, %scatter3A_1495, %scatter3A_1496] : memref<2x32x512xf32, #tpu.memory_space<vmem>> -> memref<1x32x512xf32, #tpu.memory_space<vmem>>
        %scatter3A_1498 = tpu.memref_squeeze %scatter3A_1497 : memref<1x32x512xf32, #tpu.memory_space<vmem>> -> memref<32x512xf32, #tpu.memory_space<vmem>>
        tpu.vector_store_idx %scatter3A_1498[%add3A_6, %and3A_1487], %gather3A_1493 : memref<32x512xf32, #tpu.memory_space<vmem>>[vector<16xi32>, vector<16xi32>], vector<16xf32>,
        %add3A_1499 = arith.addi %add3A_1483, %add3A_9 : vector<16xi32>
        %and3A_1500 = arith.constant 511 : i32
        %and3A_1501 = vector.broadcast %and3A_1500 : i32 to vector<16xi32>
        %and3A_1502 = arith.andi %add3A_1499, %and3A_1501 : vector<16xi32>
        %gather3A_1503 = arith.constant 1 : i32
        %gather3A_1504 = arith.constant 0 : i32
        %gather3A_1505 = arith.constant 0 : i32
        %gather3A_1506 = tpu.memref_slice %arg7[%gather3A_1503, %gather3A_1504, %gather3A_1505] : memref<2x512x32xf32, #tpu.memory_space<vmem>> -> memref<1x512x32xf32, #tpu.memory_space<vmem>>
        %gather3A_1507 = tpu.memref_squeeze %gather3A_1506 : memref<1x512x32xf32, #tpu.memory_space<vmem>> -> memref<512x32xf32, #tpu.memory_space<vmem>>
        %gather3A_1508 = tpu.vector_load_idx %gather3A_1507[%and3A_1502, %add3A_9] : memref<512x32xf32, #tpu.memory_space<vmem>>[vector<16xi32>, vector<16xi32>], vector<16xf32>,
        %scatter3A_1509 = arith.constant 1 : i32
        %scatter3A_1510 = arith.constant 0 : i32
        %scatter3A_1511 = arith.constant 0 : i32
        %scatter3A_1512 = tpu.memref_slice %arg8[%scatter3A_1509, %scatter3A_1510, %scatter3A_1511] : memref<2x32x512xf32, #tpu.memory_space<vmem>> -> memref<1x32x512xf32, #tpu.memory_space<vmem>>
        %scatter3A_1513 = tpu.memref_squeeze %scatter3A_1512 : memref<1x32x512xf32, #tpu.memory_space<vmem>> -> memref<32x512xf32, #tpu.memory_space<vmem>>
        tpu.vector_store_idx %scatter3A_1513[%add3A_9, %and3A_1502], %gather3A_1508 : memref<32x512xf32, #tpu.memory_space<vmem>>[vector<16xi32>, vector<16xi32>], vector<16xf32>,
        %add3A_1514 = arith.constant 3 : i32
        %add3A_1515 = arith.addi %mul3A_1413, %add3A_1514 : i32
        %add3A_1516 = vector.broadcast %add3A_1515 : i32 to vector<16xi32>
        %add3A_1517 = arith.addi %broadcast_in_dim3A_3, %add3A_1516 : vector<16xi32>
        %add3A_1518 = arith.addi %add3A_1517, %add3A_6 : vector<16xi32>
        %and3A_1519 = arith.constant 511 : i32
        %and3A_1520 = vector.broadcast %and3A_1519 : i32 to vector<16xi32>
        %and3A_1521 = arith.andi %add3A_1518, %and3A_1520 : vector<16xi32>
        %gather3A_1522 = arith.constant 1 : i32
        %gather3A_1523 = arith.constant 0 : i32
        %gather3A_1524 = arith.constant 0 : i32
        %gather3A_1525 = tpu.memref_slice %arg7[%gather3A_1522, %gather3A_1523, %gather3A_1524] : memref<2x512x32xf32, #tpu.memory_space<vmem>> -> memref<1x512x32xf32, #tpu.memory_space<vmem>>
        %gather3A_1526 = tpu.memref_squeeze %gather3A_1525 : memref<1x512x32xf32, #tpu.memory_space<vmem>> -> memref<512x32xf32, #tpu.memory_space<vmem>>
        %gather3A_1527 = tpu.vector_load_idx %gather3A_1526[%and3A_1521, %add3A_6] : memref<512x32xf32, #tpu.memory_space<vmem>>[vector<16xi32>, vector<16xi32>], vector<16xf32>,
        %scatter3A_1528 = arith.constant 1 : i32
        %scatter3A_1529 = arith.constant 0 : i32
        %scatter3A_1530 = arith.constant 0 : i32
        %scatter3A_1531 = tpu.memref_slice %arg8[%scatter3A_1528, %scatter3A_1529, %scatter3A_1530] : memref<2x32x512xf32, #tpu.memory_space<vmem>> -> memref<1x32x512xf32, #tpu.memory_space<vmem>>
        %scatter3A_1532 = tpu.memref_squeeze %scatter3A_1531 : memref<1x32x512xf32, #tpu.memory_space<vmem>> -> memref<32x512xf32, #tpu.memory_space<vmem>>
        tpu.vector_store_idx %scatter3A_1532[%add3A_6, %and3A_1521], %gather3A_1527 : memref<32x512xf32, #tpu.memory_space<vmem>>[vector<16xi32>, vector<16xi32>], vector<16xf32>,
        %add3A_1533 = arith.addi %add3A_1517, %add3A_9 : vector<16xi32>
        %and3A_1534 = arith.constant 511 : i32
        %and3A_1535 = vector.broadcast %and3A_1534 : i32 to vector<16xi32>
        %and3A_1536 = arith.andi %add3A_1533, %and3A_1535 : vector<16xi32>
        %gather3A_1537 = arith.constant 1 : i32
        %gather3A_1538 = arith.constant 0 : i32
        %gather3A_1539 = arith.constant 0 : i32
        %gather3A_1540 = tpu.memref_slice %arg7[%gather3A_1537, %gather3A_1538, %gather3A_1539] : memref<2x512x32xf32, #tpu.memory_space<vmem>> -> memref<1x512x32xf32, #tpu.memory_space<vmem>>
        %gather3A_1541 = tpu.memref_squeeze %gather3A_1540 : memref<1x512x32xf32, #tpu.memory_space<vmem>> -> memref<512x32xf32, #tpu.memory_space<vmem>>
        %gather3A_1542 = tpu.vector_load_idx %gather3A_1541[%and3A_1536, %add3A_9] : memref<512x32xf32, #tpu.memory_space<vmem>>[vector<16xi32>, vector<16xi32>], vector<16xf32>,
        %scatter3A_1543 = arith.constant 1 : i32
        %scatter3A_1544 = arith.constant 0 : i32
        %scatter3A_1545 = arith.constant 0 : i32
        %scatter3A_1546 = tpu.memref_slice %arg8[%scatter3A_1543, %scatter3A_1544, %scatter3A_1545] : memref<2x32x512xf32, #tpu.memory_space<vmem>> -> memref<1x32x512xf32, #tpu.memory_space<vmem>>
        %scatter3A_1547 = tpu.memref_squeeze %scatter3A_1546 : memref<1x32x512xf32, #tpu.memory_space<vmem>> -> memref<32x512xf32, #tpu.memory_space<vmem>>
        tpu.vector_store_idx %scatter3A_1547[%add3A_9, %and3A_1536], %gather3A_1542 : memref<32x512xf32, #tpu.memory_space<vmem>>[vector<16xi32>, vector<16xi32>], vector<16xf32>,
        %add3A_1548 = arith.constant 4 : i32
        %add3A_1549 = arith.addi %mul3A_1413, %add3A_1548 : i32
        %add3A_1550 = vector.broadcast %add3A_1549 : i32 to vector<16xi32>
        %add3A_1551 = arith.addi %broadcast_in_dim3A_3, %add3A_1550 : vector<16xi32>
        %add3A_1552 = arith.addi %add3A_1551, %add3A_6 : vector<16xi32>
        %and3A_1553 = arith.constant 511 : i32
        %and3A_1554 = vector.broadcast %and3A_1553 : i32 to vector<16xi32>
        %and3A_1555 = arith.andi %add3A_1552, %and3A_1554 : vector<16xi32>
        %gather3A_1556 = arith.constant 1 : i32
        %gather3A_1557 = arith.constant 0 : i32
        %gather3A_1558 = arith.constant 0 : i32
        %gather3A_1559 = tpu.memref_slice %arg7[%gather3A_1556, %gather3A_1557, %gather3A_1558] : memref<2x512x32xf32, #tpu.memory_space<vmem>> -> memref<1x512x32xf32, #tpu.memory_space<vmem>>
        %gather3A_1560 = tpu.memref_squeeze %gather3A_1559 : memref<1x512x32xf32, #tpu.memory_space<vmem>> -> memref<512x32xf32, #tpu.memory_space<vmem>>
        %gather3A_1561 = tpu.vector_load_idx %gather3A_1560[%and3A_1555, %add3A_6] : memref<512x32xf32, #tpu.memory_space<vmem>>[vector<16xi32>, vector<16xi32>], vector<16xf32>,
        %scatter3A_1562 = arith.constant 1 : i32
        %scatter3A_1563 = arith.constant 0 : i32
        %scatter3A_1564 = arith.constant 0 : i32
        %scatter3A_1565 = tpu.memref_slice %arg8[%scatter3A_1562, %scatter3A_1563, %scatter3A_1564] : memref<2x32x512xf32, #tpu.memory_space<vmem>> -> memref<1x32x512xf32, #tpu.memory_space<vmem>>
        %scatter3A_1566 = tpu.memref_squeeze %scatter3A_1565 : memref<1x32x512xf32, #tpu.memory_space<vmem>> -> memref<32x512xf32, #tpu.memory_space<vmem>>
        tpu.vector_store_idx %scatter3A_1566[%add3A_6, %and3A_1555], %gather3A_1561 : memref<32x512xf32, #tpu.memory_space<vmem>>[vector<16xi32>, vector<16xi32>], vector<16xf32>,
        %add3A_1567 = arith.addi %add3A_1551, %add3A_9 : vector<16xi32>
        %and3A_1568 = arith.constant 511 : i32
        %and3A_1569 = vector.broadcast %and3A_1568 : i32 to vector<16xi32>
        %and3A_1570 = arith.andi %add3A_1567, %and3A_1569 : vector<16xi32>
        %gather3A_1571 = arith.constant 1 : i32
        %gather3A_1572 = arith.constant 0 : i32
        %gather3A_1573 = arith.constant 0 : i32
        %gather3A_1574 = tpu.memref_slice %arg7[%gather3A_1571, %gather3A_1572, %gather3A_1573] : memref<2x512x32xf32, #tpu.memory_space<vmem>> -> memref<1x512x32xf32, #tpu.memory_space<vmem>>
        %gather3A_1575 = tpu.memref_squeeze %gather3A_1574 : memref<1x512x32xf32, #tpu.memory_space<vmem>> -> memref<512x32xf32, #tpu.memory_space<vmem>>
        %gather3A_1576 = tpu.vector_load_idx %gather3A_1575[%and3A_1570, %add3A_9] : memref<512x32xf32, #tpu.memory_space<vmem>>[vector<16xi32>, vector<16xi32>], vector<16xf32>,
        %scatter3A_1577 = arith.constant 1 : i32
        %scatter3A_1578 = arith.constant 0 : i32
        %scatter3A_1579 = arith.constant 0 : i32
        %scatter3A_1580 = tpu.memref_slice %arg8[%scatter3A_1577, %scatter3A_1578, %scatter3A_1579] : memref<2x32x512xf32, #tpu.memory_space<vmem>> -> memref<1x32x512xf32, #tpu.memory_space<vmem>>
        %scatter3A_1581 = tpu.memref_squeeze %scatter3A_1580 : memref<1x32x512xf32, #tpu.memory_space<vmem>> -> memref<32x512xf32, #tpu.memory_space<vmem>>
        tpu.vector_store_idx %scatter3A_1581[%add3A_9, %and3A_1570], %gather3A_1576 : memref<32x512xf32, #tpu.memory_space<vmem>>[vector<16xi32>, vector<16xi32>], vector<16xf32>,
        %add3A_1582 = arith.constant 5 : i32
        %add3A_1583 = arith.addi %mul3A_1413, %add3A_1582 : i32
        %add3A_1584 = vector.broadcast %add3A_1583 : i32 to vector<16xi32>
        %add3A_1585 = arith.addi %broadcast_in_dim3A_3, %add3A_1584 : vector<16xi32>
        %add3A_1586 = arith.addi %add3A_1585, %add3A_6 : vector<16xi32>
        %and3A_1587 = arith.constant 511 : i32
        %and3A_1588 = vector.broadcast %and3A_1587 : i32 to vector<16xi32>
        %and3A_1589 = arith.andi %add3A_1586, %and3A_1588 : vector<16xi32>
        %gather3A_1590 = arith.constant 1 : i32
        %gather3A_1591 = arith.constant 0 : i32
        %gather3A_1592 = arith.constant 0 : i32
        %gather3A_1593 = tpu.memref_slice %arg7[%gather3A_1590, %gather3A_1591, %gather3A_1592] : memref<2x512x32xf32, #tpu.memory_space<vmem>> -> memref<1x512x32xf32, #tpu.memory_space<vmem>>
        %gather3A_1594 = tpu.memref_squeeze %gather3A_1593 : memref<1x512x32xf32, #tpu.memory_space<vmem>> -> memref<512x32xf32, #tpu.memory_space<vmem>>
        %gather3A_1595 = tpu.vector_load_idx %gather3A_1594[%and3A_1589, %add3A_6] : memref<512x32xf32, #tpu.memory_space<vmem>>[vector<16xi32>, vector<16xi32>], vector<16xf32>,
        %scatter3A_1596 = arith.constant 1 : i32
        %scatter3A_1597 = arith.constant 0 : i32
        %scatter3A_1598 = arith.constant 0 : i32
        %scatter3A_1599 = tpu.memref_slice %arg8[%scatter3A_1596, %scatter3A_1597, %scatter3A_1598] : memref<2x32x512xf32, #tpu.memory_space<vmem>> -> memref<1x32x512xf32, #tpu.memory_space<vmem>>
        %scatter3A_1600 = tpu.memref_squeeze %scatter3A_1599 : memref<1x32x512xf32, #tpu.memory_space<vmem>> -> memref<32x512xf32, #tpu.memory_space<vmem>>
        tpu.vector_store_idx %scatter3A_1600[%add3A_6, %and3A_1589], %gather3A_1595 : memref<32x512xf32, #tpu.memory_space<vmem>>[vector<16xi32>, vector<16xi32>], vector<16xf32>,
        %add3A_1601 = arith.addi %add3A_1585, %add3A_9 : vector<16xi32>
        %and3A_1602 = arith.constant 511 : i32
        %and3A_1603 = vector.broadcast %and3A_1602 : i32 to vector<16xi32>
        %and3A_1604 = arith.andi %add3A_1601, %and3A_1603 : vector<16xi32>
        %gather3A_1605 = arith.constant 1 : i32
        %gather3A_1606 = arith.constant 0 : i32
        %gather3A_1607 = arith.constant 0 : i32
        %gather3A_1608 = tpu.memref_slice %arg7[%gather3A_1605, %gather3A_1606, %gather3A_1607] : memref<2x512x32xf32, #tpu.memory_space<vmem>> -> memref<1x512x32xf32, #tpu.memory_space<vmem>>
        %gather3A_1609 = tpu.memref_squeeze %gather3A_1608 : memref<1x512x32xf32, #tpu.memory_space<vmem>> -> memref<512x32xf32, #tpu.memory_space<vmem>>
        %gather3A_1610 = tpu.vector_load_idx %gather3A_1609[%and3A_1604, %add3A_9] : memref<512x32xf32, #tpu.memory_space<vmem>>[vector<16xi32>, vector<16xi32>], vector<16xf32>,
        %scatter3A_1611 = arith.constant 1 : i32
        %scatter3A_1612 = arith.constant 0 : i32
        %scatter3A_1613 = arith.constant 0 : i32
        %scatter3A_1614 = tpu.memref_slice %arg8[%scatter3A_1611, %scatter3A_1612, %scatter3A_1613] : memref<2x32x512xf32, #tpu.memory_space<vmem>> -> memref<1x32x512xf32, #tpu.memory_space<vmem>>
        %scatter3A_1615 = tpu.memref_squeeze %scatter3A_1614 : memref<1x32x512xf32, #tpu.memory_space<vmem>> -> memref<32x512xf32, #tpu.memory_space<vmem>>
        tpu.vector_store_idx %scatter3A_1615[%add3A_9, %and3A_1604], %gather3A_1610 : memref<32x512xf32, #tpu.memory_space<vmem>>[vector<16xi32>, vector<16xi32>], vector<16xf32>,
        %add3A_1616 = arith.constant 6 : i32
        %add3A_1617 = arith.addi %mul3A_1413, %add3A_1616 : i32
        %add3A_1618 = vector.broadcast %add3A_1617 : i32 to vector<16xi32>
        %add3A_1619 = arith.addi %broadcast_in_dim3A_3, %add3A_1618 : vector<16xi32>
        %add3A_1620 = arith.addi %add3A_1619, %add3A_6 : vector<16xi32>
        %and3A_1621 = arith.constant 511 : i32
        %and3A_1622 = vector.broadcast %and3A_1621 : i32 to vector<16xi32>
        %and3A_1623 = arith.andi %add3A_1620, %and3A_1622 : vector<16xi32>
        %gather3A_1624 = arith.constant 1 : i32
        %gather3A_1625 = arith.constant 0 : i32
        %gather3A_1626 = arith.constant 0 : i32
        %gather3A_1627 = tpu.memref_slice %arg7[%gather3A_1624, %gather3A_1625, %gather3A_1626] : memref<2x512x32xf32, #tpu.memory_space<vmem>> -> memref<1x512x32xf32, #tpu.memory_space<vmem>>
        %gather3A_1628 = tpu.memref_squeeze %gather3A_1627 : memref<1x512x32xf32, #tpu.memory_space<vmem>> -> memref<512x32xf32, #tpu.memory_space<vmem>>
        %gather3A_1629 = tpu.vector_load_idx %gather3A_1628[%and3A_1623, %add3A_6] : memref<512x32xf32, #tpu.memory_space<vmem>>[vector<16xi32>, vector<16xi32>], vector<16xf32>,
        %scatter3A_1630 = arith.constant 1 : i32
        %scatter3A_1631 = arith.constant 0 : i32
        %scatter3A_1632 = arith.constant 0 : i32
        %scatter3A_1633 = tpu.memref_slice %arg8[%scatter3A_1630, %scatter3A_1631, %scatter3A_1632] : memref<2x32x512xf32, #tpu.memory_space<vmem>> -> memref<1x32x512xf32, #tpu.memory_space<vmem>>
        %scatter3A_1634 = tpu.memref_squeeze %scatter3A_1633 : memref<1x32x512xf32, #tpu.memory_space<vmem>> -> memref<32x512xf32, #tpu.memory_space<vmem>>
        tpu.vector_store_idx %scatter3A_1634[%add3A_6, %and3A_1623], %gather3A_1629 : memref<32x512xf32, #tpu.memory_space<vmem>>[vector<16xi32>, vector<16xi32>], vector<16xf32>,
        %add3A_1635 = arith.addi %add3A_1619, %add3A_9 : vector<16xi32>
        %and3A_1636 = arith.constant 511 : i32
        %and3A_1637 = vector.broadcast %and3A_1636 : i32 to vector<16xi32>
        %and3A_1638 = arith.andi %add3A_1635, %and3A_1637 : vector<16xi32>
        %gather3A_1639 = arith.constant 1 : i32
        %gather3A_1640 = arith.constant 0 : i32
        %gather3A_1641 = arith.constant 0 : i32
        %gather3A_1642 = tpu.memref_slice %arg7[%gather3A_1639, %gather3A_1640, %gather3A_1641] : memref<2x512x32xf32, #tpu.memory_space<vmem>> -> memref<1x512x32xf32, #tpu.memory_space<vmem>>
        %gather3A_1643 = tpu.memref_squeeze %gather3A_1642 : memref<1x512x32xf32, #tpu.memory_space<vmem>> -> memref<512x32xf32, #tpu.memory_space<vmem>>
        %gather3A_1644 = tpu.vector_load_idx %gather3A_1643[%and3A_1638, %add3A_9] : memref<512x32xf32, #tpu.memory_space<vmem>>[vector<16xi32>, vector<16xi32>], vector<16xf32>,
        %scatter3A_1645 = arith.constant 1 : i32
        %scatter3A_1646 = arith.constant 0 : i32
        %scatter3A_1647 = arith.constant 0 : i32
        %scatter3A_1648 = tpu.memref_slice %arg8[%scatter3A_1645, %scatter3A_1646, %scatter3A_1647] : memref<2x32x512xf32, #tpu.memory_space<vmem>> -> memref<1x32x512xf32, #tpu.memory_space<vmem>>
        %scatter3A_1649 = tpu.memref_squeeze %scatter3A_1648 : memref<1x32x512xf32, #tpu.memory_space<vmem>> -> memref<32x512xf32, #tpu.memory_space<vmem>>
        tpu.vector_store_idx %scatter3A_1649[%add3A_9, %and3A_1638], %gather3A_1644 : memref<32x512xf32, #tpu.memory_space<vmem>>[vector<16xi32>, vector<16xi32>], vector<16xf32>,
        %add3A_1650 = arith.constant 7 : i32
        %add3A_1651 = arith.addi %mul3A_1413, %add3A_1650 : i32
        %add3A_1652 = vector.broadcast %add3A_1651 : i32 to vector<16xi32>
        %add3A_1653 = arith.addi %broadcast_in_dim3A_3, %add3A_1652 : vector<16xi32>
        %add3A_1654 = arith.addi %add3A_1653, %add3A_6 : vector<16xi32>
        %and3A_1655 = arith.constant 511 : i32
        %and3A_1656 = vector.broadcast %and3A_1655 : i32 to vector<16xi32>
        %and3A_1657 = arith.andi %add3A_1654, %and3A_1656 : vector<16xi32>
        %gather3A_1658 = arith.constant 1 : i32
        %gather3A_1659 = arith.constant 0 : i32
        %gather3A_1660 = arith.constant 0 : i32
        %gather3A_1661 = tpu.memref_slice %arg7[%gather3A_1658, %gather3A_1659, %gather3A_1660] : memref<2x512x32xf32, #tpu.memory_space<vmem>> -> memref<1x512x32xf32, #tpu.memory_space<vmem>>
        %gather3A_1662 = tpu.memref_squeeze %gather3A_1661 : memref<1x512x32xf32, #tpu.memory_space<vmem>> -> memref<512x32xf32, #tpu.memory_space<vmem>>
        %gather3A_1663 = tpu.vector_load_idx %gather3A_1662[%and3A_1657, %add3A_6] : memref<512x32xf32, #tpu.memory_space<vmem>>[vector<16xi32>, vector<16xi32>], vector<16xf32>,
        %scatter3A_1664 = arith.constant 1 : i32
        %scatter3A_1665 = arith.constant 0 : i32
        %scatter3A_1666 = arith.constant 0 : i32
        %scatter3A_1667 = tpu.memref_slice %arg8[%scatter3A_1664, %scatter3A_1665, %scatter3A_1666] : memref<2x32x512xf32, #tpu.memory_space<vmem>> -> memref<1x32x512xf32, #tpu.memory_space<vmem>>
        %scatter3A_1668 = tpu.memref_squeeze %scatter3A_1667 : memref<1x32x512xf32, #tpu.memory_space<vmem>> -> memref<32x512xf32, #tpu.memory_space<vmem>>
        tpu.vector_store_idx %scatter3A_1668[%add3A_6, %and3A_1657], %gather3A_1663 : memref<32x512xf32, #tpu.memory_space<vmem>>[vector<16xi32>, vector<16xi32>], vector<16xf32>,
        %add3A_1669 = arith.addi %add3A_1653, %add3A_9 : vector<16xi32>
        %and3A_1670 = arith.constant 511 : i32
        %and3A_1671 = vector.broadcast %and3A_1670 : i32 to vector<16xi32>
        %and3A_1672 = arith.andi %add3A_1669, %and3A_1671 : vector<16xi32>
        %gather3A_1673 = arith.constant 1 : i32
        %gather3A_1674 = arith.constant 0 : i32
        %gather3A_1675 = arith.constant 0 : i32
        %gather3A_1676 = tpu.memref_slice %arg7[%gather3A_1673, %gather3A_1674, %gather3A_1675] : memref<2x512x32xf32, #tpu.memory_space<vmem>> -> memref<1x512x32xf32, #tpu.memory_space<vmem>>
        %gather3A_1677 = tpu.memref_squeeze %gather3A_1676 : memref<1x512x32xf32, #tpu.memory_space<vmem>> -> memref<512x32xf32, #tpu.memory_space<vmem>>
        %gather3A_1678 = tpu.vector_load_idx %gather3A_1677[%and3A_1672, %add3A_9] : memref<512x32xf32, #tpu.memory_space<vmem>>[vector<16xi32>, vector<16xi32>], vector<16xf32>,
        %scatter3A_1679 = arith.constant 1 : i32
        %scatter3A_1680 = arith.constant 0 : i32
        %scatter3A_1681 = arith.constant 0 : i32
        %scatter3A_1682 = tpu.memref_slice %arg8[%scatter3A_1679, %scatter3A_1680, %scatter3A_1681] : memref<2x32x512xf32, #tpu.memory_space<vmem>> -> memref<1x32x512xf32, #tpu.memory_space<vmem>>
        %scatter3A_1683 = tpu.memref_squeeze %scatter3A_1682 : memref<1x32x512xf32, #tpu.memory_space<vmem>> -> memref<32x512xf32, #tpu.memory_space<vmem>>
        tpu.vector_store_idx %scatter3A_1683[%add3A_9, %and3A_1672], %gather3A_1678 : memref<32x512xf32, #tpu.memory_space<vmem>>[vector<16xi32>, vector<16xi32>], vector<16xf32>,
      }
      %scan3A_1397 = arith.constant 64 : i32
      %mul3A_1398 = arith.constant 32 : i32
      %mul3A_1399 = arith.muli %add3A_1371, %mul3A_1398 : i32
      %dma_start3A_1400 = arith.constant 1 : i32
      %dma_start3A_1401 = arith.constant 0 : i32
      %dma_start3A_1402 = arith.constant 0 : i32
      %dma_start3A_1403 = tpu.memref_slice %arg8[%dma_start3A_1400, %dma_start3A_1401, %dma_start3A_1402] : memref<2x32x512xf32, #tpu.memory_space<vmem>> -> memref<1x32x512xf32, #tpu.memory_space<vmem>>
      %dma_start3A_1404 = tpu.memref_squeeze %dma_start3A_1403 : memref<1x32x512xf32, #tpu.memory_space<vmem>> -> memref<32x512xf32, #tpu.memory_space<vmem>>
      %dma_start3A_1405 = tpu.memref_slice %arg4[%mul3A_1399, %mul3A_2] : memref<1600x16384xf32, #tpu.memory_space<hbm>> -> memref<32x512xf32, #tpu.memory_space<hbm>>
      %dma_start3A_1406 = tpu.memref_slice %arg4[%mul3A_1399, %mul3A_2] : memref<1600x16384xf32, #tpu.memory_space<hbm>> -> memref<32x512xf32, #tpu.memory_space<hbm>>
      %dma_start3A_1407 = arith.constant 0 : i32
      %dma_start3A_1408 = arith.constant 0 : i32
      %dma_start3A_1409 = tpu.memref_slice %arg8[%dma_start3A_1400, %dma_start3A_1407, %dma_start3A_1408] : memref<2x32x512xf32, #tpu.memory_space<vmem>> -> memref<1x32x512xf32, #tpu.memory_space<vmem>>
      %dma_start3A_1410 = tpu.memref_squeeze %dma_start3A_1409 : memref<1x32x512xf32, #tpu.memory_space<vmem>> -> memref<32x512xf32, #tpu.memory_space<vmem>>
      tpu.enqueue_dma source(%dma_start3A_1410 : memref<32x512xf32, #tpu.memory_space<vmem>>) target(%dma_start3A_1406 : memref<32x512xf32, #tpu.memory_space<hbm>>) target_semaphore(%arg13 : memref<!tpu.dma_semaphore, #tpu.memory_space<semaphore_mem>>)
    }
    %scan3A_387 = arith.constant 24 : i32
    %add3A_388 = arith.constant 49 : i32
    %add3A_389 = vector.broadcast %add3A_388 : i32 to vector<16xi32>
    %add3A_390 = arith.addi %broadcast_in_dim3A_3, %add3A_389 : vector<16xi32>
    %gather3A_391 = tpu.vector_load_idx %arg5[%add3A_12, %add3A_390] : memref<512x50xi32, #tpu.memory_space<vmem>>[vector<16xi32>, vector<16xi32>], vector<16xi32>,
    %mul3A_392 = arith.constant 4 : i32
    %mul3A_393 = vector.broadcast %mul3A_392 : i32 to vector<16xi32>
    %mul3A_394 = arith.muli %gather3A_391, %mul3A_393 : vector<16xi32>
    %swap3A_395 = arith.constant 1 : i32
    %swap3A_396 = arith.index_cast %swap3A_395 : i32 to index
    %swap3A_397 = arith.constant 0 : index
    %swap3A_398 = tpu.vector_load %arg6[%swap3A_396, %swap3A_397] {strides = array<i32>} : memref<2x512xi32, #tpu.memory_space<vmem>>, vector<16xi32>,
    tpu.vector_store %arg6[%swap3A_396, %swap3A_397], %mul3A_394 {strides = array<i32>} : memref<2x512xi32, #tpu.memory_space<vmem>>, vector<16xi32>,
    %gather3A_399 = tpu.vector_load_idx %arg5[%add3A_15, %add3A_390] : memref<512x50xi32, #tpu.memory_space<vmem>>[vector<16xi32>, vector<16xi32>], vector<16xi32>,
    %mul3A_400 = arith.constant 4 : i32
    %mul3A_401 = vector.broadcast %mul3A_400 : i32 to vector<16xi32>
    %mul3A_402 = arith.muli %gather3A_399, %mul3A_401 : vector<16xi32>
    %swap3A_403 = arith.constant 1 : i32
    %swap3A_404 = arith.index_cast %swap3A_403 : i32 to index
    %swap3A_405 = arith.constant 16 : index
    %swap3A_406 = tpu.vector_load %arg6[%swap3A_404, %swap3A_405] {strides = array<i32>} : memref<2x512xi32, #tpu.memory_space<vmem>>, vector<16xi32>,
    tpu.vector_store %arg6[%swap3A_404, %swap3A_405], %mul3A_402 {strides = array<i32>} : memref<2x512xi32, #tpu.memory_space<vmem>>, vector<16xi32>,
    %gather3A_407 = tpu.vector_load_idx %arg5[%add3A_18, %add3A_390] : memref<512x50xi32, #tpu.memory_space<vmem>>[vector<16xi32>, vector<16xi32>], vector<16xi32>,
    %mul3A_408 = arith.constant 4 : i32
    %mul3A_409 = vector.broadcast %mul3A_408 : i32 to vector<16xi32>
    %mul3A_410 = arith.muli %gather3A_407, %mul3A_409 : vector<16xi32>
    %swap3A_411 = arith.constant 1 : i32
    %swap3A_412 = arith.index_cast %swap3A_411 : i32 to index
    %swap3A_413 = arith.constant 32 : index
    %swap3A_414 = tpu.vector_load %arg6[%swap3A_412, %swap3A_413] {strides = array<i32>} : memref<2x512xi32, #tpu.memory_space<vmem>>, vector<16xi32>,
    tpu.vector_store %arg6[%swap3A_412, %swap3A_413], %mul3A_410 {strides = array<i32>} : memref<2x512xi32, #tpu.memory_space<vmem>>, vector<16xi32>,
    %gather3A_415 = tpu.vector_load_idx %arg5[%add3A_21, %add3A_390] : memref<512x50xi32, #tpu.memory_space<vmem>>[vector<16xi32>, vector<16xi32>], vector<16xi32>,
    %mul3A_416 = arith.constant 4 : i32
    %mul3A_417 = vector.broadcast %mul3A_416 : i32 to vector<16xi32>
    %mul3A_418 = arith.muli %gather3A_415, %mul3A_417 : vector<16xi32>
    %swap3A_419 = arith.constant 1 : i32
    %swap3A_420 = arith.index_cast %swap3A_419 : i32 to index
    %swap3A_421 = arith.constant 48 : index
    %swap3A_422 = tpu.vector_load %arg6[%swap3A_420, %swap3A_421] {strides = array<i32>} : memref<2x512xi32, #tpu.memory_space<vmem>>, vector<16xi32>,
    tpu.vector_store %arg6[%swap3A_420, %swap3A_421], %mul3A_418 {strides = array<i32>} : memref<2x512xi32, #tpu.memory_space<vmem>>, vector<16xi32>,
    %gather3A_423 = tpu.vector_load_idx %arg5[%add3A_24, %add3A_390] : memref<512x50xi32, #tpu.memory_space<vmem>>[vector<16xi32>, vector<16xi32>], vector<16xi32>,
    %mul3A_424 = arith.constant 4 : i32
    %mul3A_425 = vector.broadcast %mul3A_424 : i32 to vector<16xi32>
    %mul3A_426 = arith.muli %gather3A_423, %mul3A_425 : vector<16xi32>
    %swap3A_427 = arith.constant 1 : i32
    %swap3A_428 = arith.index_cast %swap3A_427 : i32 to index
    %swap3A_429 = arith.constant 64 : index
    %swap3A_430 = tpu.vector_load %arg6[%swap3A_428, %swap3A_429] {strides = array<i32>} : memref<2x512xi32, #tpu.memory_space<vmem>>, vector<16xi32>,
    tpu.vector_store %arg6[%swap3A_428, %swap3A_429], %mul3A_426 {strides = array<i32>} : memref<2x512xi32, #tpu.memory_space<vmem>>, vector<16xi32>,
    %gather3A_431 = tpu.vector_load_idx %arg5[%add3A_27, %add3A_390] : memref<512x50xi32, #tpu.memory_space<vmem>>[vector<16xi32>, vector<16xi32>], vector<16xi32>,
    %mul3A_432 = arith.constant 4 : i32
    %mul3A_433 = vector.broadcast %mul3A_432 : i32 to vector<16xi32>
    %mul3A_434 = arith.muli %gather3A_431, %mul3A_433 : vector<16xi32>
    %swap3A_435 = arith.constant 1 : i32
    %swap3A_436 = arith.index_cast %swap3A_435 : i32 to index
    %swap3A_437 = arith.constant 80 : index
    %swap3A_438 = tpu.vector_load %arg6[%swap3A_436, %swap3A_437] {strides = array<i32>} : memref<2x512xi32, #tpu.memory_space<vmem>>, vector<16xi32>,
    tpu.vector_store %arg6[%swap3A_436, %swap3A_437], %mul3A_434 {strides = array<i32>} : memref<2x512xi32, #tpu.memory_space<vmem>>, vector<16xi32>,
    %gather3A_439 = tpu.vector_load_idx %arg5[%add3A_30, %add3A_390] : memref<512x50xi32, #tpu.memory_space<vmem>>[vector<16xi32>, vector<16xi32>], vector<16xi32>,
    %mul3A_440 = arith.constant 4 : i32
    %mul3A_441 = vector.broadcast %mul3A_440 : i32 to vector<16xi32>
    %mul3A_442 = arith.muli %gather3A_439, %mul3A_441 : vector<16xi32>
    %swap3A_443 = arith.constant 1 : i32
    %swap3A_444 = arith.index_cast %swap3A_443 : i32 to index
    %swap3A_445 = arith.constant 96 : index
    %swap3A_446 = tpu.vector_load %arg6[%swap3A_444, %swap3A_445] {strides = array<i32>} : memref<2x512xi32, #tpu.memory_space<vmem>>, vector<16xi32>,
    tpu.vector_store %arg6[%swap3A_444, %swap3A_445], %mul3A_442 {strides = array<i32>} : memref<2x512xi32, #tpu.memory_space<vmem>>, vector<16xi32>,
    %gather3A_447 = tpu.vector_load_idx %arg5[%add3A_33, %add3A_390] : memref<512x50xi32, #tpu.memory_space<vmem>>[vector<16xi32>, vector<16xi32>], vector<16xi32>,
    %mul3A_448 = arith.constant 4 : i32
    %mul3A_449 = vector.broadcast %mul3A_448 : i32 to vector<16xi32>
    %mul3A_450 = arith.muli %gather3A_447, %mul3A_449 : vector<16xi32>
    %swap3A_451 = arith.constant 1 : i32
    %swap3A_452 = arith.index_cast %swap3A_451 : i32 to index
    %swap3A_453 = arith.constant 112 : index
    %swap3A_454 = tpu.vector_load %arg6[%swap3A_452, %swap3A_453] {strides = array<i32>} : memref<2x512xi32, #tpu.memory_space<vmem>>, vector<16xi32>,
    tpu.vector_store %arg6[%swap3A_452, %swap3A_453], %mul3A_450 {strides = array<i32>} : memref<2x512xi32, #tpu.memory_space<vmem>>, vector<16xi32>,
    %gather3A_455 = tpu.vector_load_idx %arg5[%add3A_36, %add3A_390] : memref<512x50xi32, #tpu.memory_space<vmem>>[vector<16xi32>, vector<16xi32>], vector<16xi32>,
    %mul3A_456 = arith.constant 4 : i32
    %mul3A_457 = vector.broadcast %mul3A_456 : i32 to vector<16xi32>
    %mul3A_458 = arith.muli %gather3A_455, %mul3A_457 : vector<16xi32>
    %swap3A_459 = arith.constant 1 : i32
    %swap3A_460 = arith.index_cast %swap3A_459 : i32 to index
    %swap3A_461 = arith.constant 128 : index
    %swap3A_462 = tpu.vector_load %arg6[%swap3A_460, %swap3A_461] {strides = array<i32>} : memref<2x512xi32, #tpu.memory_space<vmem>>, vector<16xi32>,
    tpu.vector_store %arg6[%swap3A_460, %swap3A_461], %mul3A_458 {strides = array<i32>} : memref<2x512xi32, #tpu.memory_space<vmem>>, vector<16xi32>,
    %gather3A_463 = tpu.vector_load_idx %arg5[%add3A_39, %add3A_390] : memref<512x50xi32, #tpu.memory_space<vmem>>[vector<16xi32>, vector<16xi32>], vector<16xi32>,
    %mul3A_464 = arith.constant 4 : i32
    %mul3A_465 = vector.broadcast %mul3A_464 : i32 to vector<16xi32>
    %mul3A_466 = arith.muli %gather3A_463, %mul3A_465 : vector<16xi32>
    %swap3A_467 = arith.constant 1 : i32
    %swap3A_468 = arith.index_cast %swap3A_467 : i32 to index
    %swap3A_469 = arith.constant 144 : index
    %swap3A_470 = tpu.vector_load %arg6[%swap3A_468, %swap3A_469] {strides = array<i32>} : memref<2x512xi32, #tpu.memory_space<vmem>>, vector<16xi32>,
    tpu.vector_store %arg6[%swap3A_468, %swap3A_469], %mul3A_466 {strides = array<i32>} : memref<2x512xi32, #tpu.memory_space<vmem>>, vector<16xi32>,
    %gather3A_471 = tpu.vector_load_idx %arg5[%add3A_42, %add3A_390] : memref<512x50xi32, #tpu.memory_space<vmem>>[vector<16xi32>, vector<16xi32>], vector<16xi32>,
    %mul3A_472 = arith.constant 4 : i32
    %mul3A_473 = vector.broadcast %mul3A_472 : i32 to vector<16xi32>
    %mul3A_474 = arith.muli %gather3A_471, %mul3A_473 : vector<16xi32>
    %swap3A_475 = arith.constant 1 : i32
    %swap3A_476 = arith.index_cast %swap3A_475 : i32 to index
    %swap3A_477 = arith.constant 160 : index
    %swap3A_478 = tpu.vector_load %arg6[%swap3A_476, %swap3A_477] {strides = array<i32>} : memref<2x512xi32, #tpu.memory_space<vmem>>, vector<16xi32>,
    tpu.vector_store %arg6[%swap3A_476, %swap3A_477], %mul3A_474 {strides = array<i32>} : memref<2x512xi32, #tpu.memory_space<vmem>>, vector<16xi32>,
    %gather3A_479 = tpu.vector_load_idx %arg5[%add3A_45, %add3A_390] : memref<512x50xi32, #tpu.memory_space<vmem>>[vector<16xi32>, vector<16xi32>], vector<16xi32>,
    %mul3A_480 = arith.constant 4 : i32
    %mul3A_481 = vector.broadcast %mul3A_480 : i32 to vector<16xi32>
    %mul3A_482 = arith.muli %gather3A_479, %mul3A_481 : vector<16xi32>
    %swap3A_483 = arith.constant 1 : i32
    %swap3A_484 = arith.index_cast %swap3A_483 : i32 to index
    %swap3A_485 = arith.constant 176 : index
    %swap3A_486 = tpu.vector_load %arg6[%swap3A_484, %swap3A_485] {strides = array<i32>} : memref<2x512xi32, #tpu.memory_space<vmem>>, vector<16xi32>,
    tpu.vector_store %arg6[%swap3A_484, %swap3A_485], %mul3A_482 {strides = array<i32>} : memref<2x512xi32, #tpu.memory_space<vmem>>, vector<16xi32>,
    %gather3A_487 = tpu.vector_load_idx %arg5[%add3A_48, %add3A_390] : memref<512x50xi32, #tpu.memory_space<vmem>>[vector<16xi32>, vector<16xi32>], vector<16xi32>,
    %mul3A_488 = arith.constant 4 : i32
    %mul3A_489 = vector.broadcast %mul3A_488 : i32 to vector<16xi32>
    %mul3A_490 = arith.muli %gather3A_487, %mul3A_489 : vector<16xi32>
    %swap3A_491 = arith.constant 1 : i32
    %swap3A_492 = arith.index_cast %swap3A_491 : i32 to index
    %swap3A_493 = arith.constant 192 : index
    %swap3A_494 = tpu.vector_load %arg6[%swap3A_492, %swap3A_493] {strides = array<i32>} : memref<2x512xi32, #tpu.memory_space<vmem>>, vector<16xi32>,
    tpu.vector_store %arg6[%swap3A_492, %swap3A_493], %mul3A_490 {strides = array<i32>} : memref<2x512xi32, #tpu.memory_space<vmem>>, vector<16xi32>,
    %gather3A_495 = tpu.vector_load_idx %arg5[%add3A_51, %add3A_390] : memref<512x50xi32, #tpu.memory_space<vmem>>[vector<16xi32>, vector<16xi32>], vector<16xi32>,
    %mul3A_496 = arith.constant 4 : i32
    %mul3A_497 = vector.broadcast %mul3A_496 : i32 to vector<16xi32>
    %mul3A_498 = arith.muli %gather3A_495, %mul3A_497 : vector<16xi32>
    %swap3A_499 = arith.constant 1 : i32
    %swap3A_500 = arith.index_cast %swap3A_499 : i32 to index
    %swap3A_501 = arith.constant 208 : index
    %swap3A_502 = tpu.vector_load %arg6[%swap3A_500, %swap3A_501] {strides = array<i32>} : memref<2x512xi32, #tpu.memory_space<vmem>>, vector<16xi32>,
    tpu.vector_store %arg6[%swap3A_500, %swap3A_501], %mul3A_498 {strides = array<i32>} : memref<2x512xi32, #tpu.memory_space<vmem>>, vector<16xi32>,
    %gather3A_503 = tpu.vector_load_idx %arg5[%add3A_54, %add3A_390] : memref<512x50xi32, #tpu.memory_space<vmem>>[vector<16xi32>, vector<16xi32>], vector<16xi32>,
    %mul3A_504 = arith.constant 4 : i32
    %mul3A_505 = vector.broadcast %mul3A_504 : i32 to vector<16xi32>
    %mul3A_506 = arith.muli %gather3A_503, %mul3A_505 : vector<16xi32>
    %swap3A_507 = arith.constant 1 : i32
    %swap3A_508 = arith.index_cast %swap3A_507 : i32 to index
    %swap3A_509 = arith.constant 224 : index
    %swap3A_510 = tpu.vector_load %arg6[%swap3A_508, %swap3A_509] {strides = array<i32>} : memref<2x512xi32, #tpu.memory_space<vmem>>, vector<16xi32>,
    tpu.vector_store %arg6[%swap3A_508, %swap3A_509], %mul3A_506 {strides = array<i32>} : memref<2x512xi32, #tpu.memory_space<vmem>>, vector<16xi32>,
    %gather3A_511 = tpu.vector_load_idx %arg5[%add3A_57, %add3A_390] : memref<512x50xi32, #tpu.memory_space<vmem>>[vector<16xi32>, vector<16xi32>], vector<16xi32>,
    %mul3A_512 = arith.constant 4 : i32
    %mul3A_513 = vector.broadcast %mul3A_512 : i32 to vector<16xi32>
    %mul3A_514 = arith.muli %gather3A_511, %mul3A_513 : vector<16xi32>
    %swap3A_515 = arith.constant 1 : i32
    %swap3A_516 = arith.index_cast %swap3A_515 : i32 to index
    %swap3A_517 = arith.constant 240 : index
    %swap3A_518 = tpu.vector_load %arg6[%swap3A_516, %swap3A_517] {strides = array<i32>} : memref<2x512xi32, #tpu.memory_space<vmem>>, vector<16xi32>,
    tpu.vector_store %arg6[%swap3A_516, %swap3A_517], %mul3A_514 {strides = array<i32>} : memref<2x512xi32, #tpu.memory_space<vmem>>, vector<16xi32>,
    %gather3A_519 = tpu.vector_load_idx %arg5[%add3A_60, %add3A_390] : memref<512x50xi32, #tpu.memory_space<vmem>>[vector<16xi32>, vector<16xi32>], vector<16xi32>,
    %mul3A_520 = arith.constant 4 : i32
    %mul3A_521 = vector.broadcast %mul3A_520 : i32 to vector<16xi32>
    %mul3A_522 = arith.muli %gather3A_519, %mul3A_521 : vector<16xi32>
    %swap3A_523 = arith.constant 1 : i32
    %swap3A_524 = arith.index_cast %swap3A_523 : i32 to index
    %swap3A_525 = arith.constant 256 : index
    %swap3A_526 = tpu.vector_load %arg6[%swap3A_524, %swap3A_525] {strides = array<i32>} : memref<2x512xi32, #tpu.memory_space<vmem>>, vector<16xi32>,
    tpu.vector_store %arg6[%swap3A_524, %swap3A_525], %mul3A_522 {strides = array<i32>} : memref<2x512xi32, #tpu.memory_space<vmem>>, vector<16xi32>,
    %gather3A_527 = tpu.vector_load_idx %arg5[%add3A_63, %add3A_390] : memref<512x50xi32, #tpu.memory_space<vmem>>[vector<16xi32>, vector<16xi32>], vector<16xi32>,
    %mul3A_528 = arith.constant 4 : i32
    %mul3A_529 = vector.broadcast %mul3A_528 : i32 to vector<16xi32>
    %mul3A_530 = arith.muli %gather3A_527, %mul3A_529 : vector<16xi32>
    %swap3A_531 = arith.constant 1 : i32
    %swap3A_532 = arith.index_cast %swap3A_531 : i32 to index
    %swap3A_533 = arith.constant 272 : index
    %swap3A_534 = tpu.vector_load %arg6[%swap3A_532, %swap3A_533] {strides = array<i32>} : memref<2x512xi32, #tpu.memory_space<vmem>>, vector<16xi32>,
    tpu.vector_store %arg6[%swap3A_532, %swap3A_533], %mul3A_530 {strides = array<i32>} : memref<2x512xi32, #tpu.memory_space<vmem>>, vector<16xi32>,
    %gather3A_535 = tpu.vector_load_idx %arg5[%add3A_66, %add3A_390] : memref<512x50xi32, #tpu.memory_space<vmem>>[vector<16xi32>, vector<16xi32>], vector<16xi32>,
    %mul3A_536 = arith.constant 4 : i32
    %mul3A_537 = vector.broadcast %mul3A_536 : i32 to vector<16xi32>
    %mul3A_538 = arith.muli %gather3A_535, %mul3A_537 : vector<16xi32>
    %swap3A_539 = arith.constant 1 : i32
    %swap3A_540 = arith.index_cast %swap3A_539 : i32 to index
    %swap3A_541 = arith.constant 288 : index
    %swap3A_542 = tpu.vector_load %arg6[%swap3A_540, %swap3A_541] {strides = array<i32>} : memref<2x512xi32, #tpu.memory_space<vmem>>, vector<16xi32>,
    tpu.vector_store %arg6[%swap3A_540, %swap3A_541], %mul3A_538 {strides = array<i32>} : memref<2x512xi32, #tpu.memory_space<vmem>>, vector<16xi32>,
    %gather3A_543 = tpu.vector_load_idx %arg5[%add3A_69, %add3A_390] : memref<512x50xi32, #tpu.memory_space<vmem>>[vector<16xi32>, vector<16xi32>], vector<16xi32>,
    %mul3A_544 = arith.constant 4 : i32
    %mul3A_545 = vector.broadcast %mul3A_544 : i32 to vector<16xi32>
    %mul3A_546 = arith.muli %gather3A_543, %mul3A_545 : vector<16xi32>
    %swap3A_547 = arith.constant 1 : i32
    %swap3A_548 = arith.index_cast %swap3A_547 : i32 to index
    %swap3A_549 = arith.constant 304 : index
    %swap3A_550 = tpu.vector_load %arg6[%swap3A_548, %swap3A_549] {strides = array<i32>} : memref<2x512xi32, #tpu.memory_space<vmem>>, vector<16xi32>,
    tpu.vector_store %arg6[%swap3A_548, %swap3A_549], %mul3A_546 {strides = array<i32>} : memref<2x512xi32, #tpu.memory_space<vmem>>, vector<16xi32>,
    %gather3A_551 = tpu.vector_load_idx %arg5[%add3A_72, %add3A_390] : memref<512x50xi32, #tpu.memory_space<vmem>>[vector<16xi32>, vector<16xi32>], vector<16xi32>,
    %mul3A_552 = arith.constant 4 : i32
    %mul3A_553 = vector.broadcast %mul3A_552 : i32 to vector<16xi32>
    %mul3A_554 = arith.muli %gather3A_551, %mul3A_553 : vector<16xi32>
    %swap3A_555 = arith.constant 1 : i32
    %swap3A_556 = arith.index_cast %swap3A_555 : i32 to index
    %swap3A_557 = arith.constant 320 : index
    %swap3A_558 = tpu.vector_load %arg6[%swap3A_556, %swap3A_557] {strides = array<i32>} : memref<2x512xi32, #tpu.memory_space<vmem>>, vector<16xi32>,
    tpu.vector_store %arg6[%swap3A_556, %swap3A_557], %mul3A_554 {strides = array<i32>} : memref<2x512xi32, #tpu.memory_space<vmem>>, vector<16xi32>,
    %gather3A_559 = tpu.vector_load_idx %arg5[%add3A_75, %add3A_390] : memref<512x50xi32, #tpu.memory_space<vmem>>[vector<16xi32>, vector<16xi32>], vector<16xi32>,
    %mul3A_560 = arith.constant 4 : i32
    %mul3A_561 = vector.broadcast %mul3A_560 : i32 to vector<16xi32>
    %mul3A_562 = arith.muli %gather3A_559, %mul3A_561 : vector<16xi32>
    %swap3A_563 = arith.constant 1 : i32
    %swap3A_564 = arith.index_cast %swap3A_563 : i32 to index
    %swap3A_565 = arith.constant 336 : index
    %swap3A_566 = tpu.vector_load %arg6[%swap3A_564, %swap3A_565] {strides = array<i32>} : memref<2x512xi32, #tpu.memory_space<vmem>>, vector<16xi32>,
    tpu.vector_store %arg6[%swap3A_564, %swap3A_565], %mul3A_562 {strides = array<i32>} : memref<2x512xi32, #tpu.memory_space<vmem>>, vector<16xi32>,
    %gather3A_567 = tpu.vector_load_idx %arg5[%add3A_78, %add3A_390] : memref<512x50xi32, #tpu.memory_space<vmem>>[vector<16xi32>, vector<16xi32>], vector<16xi32>,
    %mul3A_568 = arith.constant 4 : i32
    %mul3A_569 = vector.broadcast %mul3A_568 : i32 to vector<16xi32>
    %mul3A_570 = arith.muli %gather3A_567, %mul3A_569 : vector<16xi32>
    %swap3A_571 = arith.constant 1 : i32
    %swap3A_572 = arith.index_cast %swap3A_571 : i32 to index
    %swap3A_573 = arith.constant 352 : index
    %swap3A_574 = tpu.vector_load %arg6[%swap3A_572, %swap3A_573] {strides = array<i32>} : memref<2x512xi32, #tpu.memory_space<vmem>>, vector<16xi32>,
    tpu.vector_store %arg6[%swap3A_572, %swap3A_573], %mul3A_570 {strides = array<i32>} : memref<2x512xi32, #tpu.memory_space<vmem>>, vector<16xi32>,
    %gather3A_575 = tpu.vector_load_idx %arg5[%add3A_81, %add3A_390] : memref<512x50xi32, #tpu.memory_space<vmem>>[vector<16xi32>, vector<16xi32>], vector<16xi32>,
    %mul3A_576 = arith.constant 4 : i32
    %mul3A_577 = vector.broadcast %mul3A_576 : i32 to vector<16xi32>
    %mul3A_578 = arith.muli %gather3A_575, %mul3A_577 : vector<16xi32>
    %swap3A_579 = arith.constant 1 : i32
    %swap3A_580 = arith.index_cast %swap3A_579 : i32 to index
    %swap3A_581 = arith.constant 368 : index
    %swap3A_582 = tpu.vector_load %arg6[%swap3A_580, %swap3A_581] {strides = array<i32>} : memref<2x512xi32, #tpu.memory_space<vmem>>, vector<16xi32>,
    tpu.vector_store %arg6[%swap3A_580, %swap3A_581], %mul3A_578 {strides = array<i32>} : memref<2x512xi32, #tpu.memory_space<vmem>>, vector<16xi32>,
    %gather3A_583 = tpu.vector_load_idx %arg5[%add3A_84, %add3A_390] : memref<512x50xi32, #tpu.memory_space<vmem>>[vector<16xi32>, vector<16xi32>], vector<16xi32>,
    %mul3A_584 = arith.constant 4 : i32
    %mul3A_585 = vector.broadcast %mul3A_584 : i32 to vector<16xi32>
    %mul3A_586 = arith.muli %gather3A_583, %mul3A_585 : vector<16xi32>
    %swap3A_587 = arith.constant 1 : i32
    %swap3A_588 = arith.index_cast %swap3A_587 : i32 to index
    %swap3A_589 = arith.constant 384 : index
    %swap3A_590 = tpu.vector_load %arg6[%swap3A_588, %swap3A_589] {strides = array<i32>} : memref<2x512xi32, #tpu.memory_space<vmem>>, vector<16xi32>,
    tpu.vector_store %arg6[%swap3A_588, %swap3A_589], %mul3A_586 {strides = array<i32>} : memref<2x512xi32, #tpu.memory_space<vmem>>, vector<16xi32>,
    %gather3A_591 = tpu.vector_load_idx %arg5[%add3A_87, %add3A_390] : memref<512x50xi32, #tpu.memory_space<vmem>>[vector<16xi32>, vector<16xi32>], vector<16xi32>,
    %mul3A_592 = arith.constant 4 : i32
    %mul3A_593 = vector.broadcast %mul3A_592 : i32 to vector<16xi32>
    %mul3A_594 = arith.muli %gather3A_591, %mul3A_593 : vector<16xi32>
    %swap3A_595 = arith.constant 1 : i32
    %swap3A_596 = arith.index_cast %swap3A_595 : i32 to index
    %swap3A_597 = arith.constant 400 : index
    %swap3A_598 = tpu.vector_load %arg6[%swap3A_596, %swap3A_597] {strides = array<i32>} : memref<2x512xi32, #tpu.memory_space<vmem>>, vector<16xi32>,
    tpu.vector_store %arg6[%swap3A_596, %swap3A_597], %mul3A_594 {strides = array<i32>} : memref<2x512xi32, #tpu.memory_space<vmem>>, vector<16xi32>,
    %gather3A_599 = tpu.vector_load_idx %arg5[%add3A_90, %add3A_390] : memref<512x50xi32, #tpu.memory_space<vmem>>[vector<16xi32>, vector<16xi32>], vector<16xi32>,
    %mul3A_600 = arith.constant 4 : i32
    %mul3A_601 = vector.broadcast %mul3A_600 : i32 to vector<16xi32>
    %mul3A_602 = arith.muli %gather3A_599, %mul3A_601 : vector<16xi32>
    %swap3A_603 = arith.constant 1 : i32
    %swap3A_604 = arith.index_cast %swap3A_603 : i32 to index
    %swap3A_605 = arith.constant 416 : index
    %swap3A_606 = tpu.vector_load %arg6[%swap3A_604, %swap3A_605] {strides = array<i32>} : memref<2x512xi32, #tpu.memory_space<vmem>>, vector<16xi32>,
    tpu.vector_store %arg6[%swap3A_604, %swap3A_605], %mul3A_602 {strides = array<i32>} : memref<2x512xi32, #tpu.memory_space<vmem>>, vector<16xi32>,
    %gather3A_607 = tpu.vector_load_idx %arg5[%add3A_93, %add3A_390] : memref<512x50xi32, #tpu.memory_space<vmem>>[vector<16xi32>, vector<16xi32>], vector<16xi32>,
    %mul3A_608 = arith.constant 4 : i32
    %mul3A_609 = vector.broadcast %mul3A_608 : i32 to vector<16xi32>
    %mul3A_610 = arith.muli %gather3A_607, %mul3A_609 : vector<16xi32>
    %swap3A_611 = arith.constant 1 : i32
    %swap3A_612 = arith.index_cast %swap3A_611 : i32 to index
    %swap3A_613 = arith.constant 432 : index
    %swap3A_614 = tpu.vector_load %arg6[%swap3A_612, %swap3A_613] {strides = array<i32>} : memref<2x512xi32, #tpu.memory_space<vmem>>, vector<16xi32>,
    tpu.vector_store %arg6[%swap3A_612, %swap3A_613], %mul3A_610 {strides = array<i32>} : memref<2x512xi32, #tpu.memory_space<vmem>>, vector<16xi32>,
    %gather3A_615 = tpu.vector_load_idx %arg5[%add3A_96, %add3A_390] : memref<512x50xi32, #tpu.memory_space<vmem>>[vector<16xi32>, vector<16xi32>], vector<16xi32>,
    %mul3A_616 = arith.constant 4 : i32
    %mul3A_617 = vector.broadcast %mul3A_616 : i32 to vector<16xi32>
    %mul3A_618 = arith.muli %gather3A_615, %mul3A_617 : vector<16xi32>
    %swap3A_619 = arith.constant 1 : i32
    %swap3A_620 = arith.index_cast %swap3A_619 : i32 to index
    %swap3A_621 = arith.constant 448 : index
    %swap3A_622 = tpu.vector_load %arg6[%swap3A_620, %swap3A_621] {strides = array<i32>} : memref<2x512xi32, #tpu.memory_space<vmem>>, vector<16xi32>,
    tpu.vector_store %arg6[%swap3A_620, %swap3A_621], %mul3A_618 {strides = array<i32>} : memref<2x512xi32, #tpu.memory_space<vmem>>, vector<16xi32>,
    %gather3A_623 = tpu.vector_load_idx %arg5[%add3A_99, %add3A_390] : memref<512x50xi32, #tpu.memory_space<vmem>>[vector<16xi32>, vector<16xi32>], vector<16xi32>,
    %mul3A_624 = arith.constant 4 : i32
    %mul3A_625 = vector.broadcast %mul3A_624 : i32 to vector<16xi32>
    %mul3A_626 = arith.muli %gather3A_623, %mul3A_625 : vector<16xi32>
    %swap3A_627 = arith.constant 1 : i32
    %swap3A_628 = arith.index_cast %swap3A_627 : i32 to index
    %swap3A_629 = arith.constant 464 : index
    %swap3A_630 = tpu.vector_load %arg6[%swap3A_628, %swap3A_629] {strides = array<i32>} : memref<2x512xi32, #tpu.memory_space<vmem>>, vector<16xi32>,
    tpu.vector_store %arg6[%swap3A_628, %swap3A_629], %mul3A_626 {strides = array<i32>} : memref<2x512xi32, #tpu.memory_space<vmem>>, vector<16xi32>,
    %gather3A_631 = tpu.vector_load_idx %arg5[%add3A_102, %add3A_390] : memref<512x50xi32, #tpu.memory_space<vmem>>[vector<16xi32>, vector<16xi32>], vector<16xi32>,
    %mul3A_632 = arith.constant 4 : i32
    %mul3A_633 = vector.broadcast %mul3A_632 : i32 to vector<16xi32>
    %mul3A_634 = arith.muli %gather3A_631, %mul3A_633 : vector<16xi32>
    %swap3A_635 = arith.constant 1 : i32
    %swap3A_636 = arith.index_cast %swap3A_635 : i32 to index
    %swap3A_637 = arith.constant 480 : index
    %swap3A_638 = tpu.vector_load %arg6[%swap3A_636, %swap3A_637] {strides = array<i32>} : memref<2x512xi32, #tpu.memory_space<vmem>>, vector<16xi32>,
    tpu.vector_store %arg6[%swap3A_636, %swap3A_637], %mul3A_634 {strides = array<i32>} : memref<2x512xi32, #tpu.memory_space<vmem>>, vector<16xi32>,
    %gather3A_639 = tpu.vector_load_idx %arg5[%add3A_105, %add3A_390] : memref<512x50xi32, #tpu.memory_space<vmem>>[vector<16xi32>, vector<16xi32>], vector<16xi32>,
    %mul3A_640 = arith.constant 4 : i32
    %mul3A_641 = vector.broadcast %mul3A_640 : i32 to vector<16xi32>
    %mul3A_642 = arith.muli %gather3A_639, %mul3A_641 : vector<16xi32>
    %swap3A_643 = arith.constant 1 : i32
    %swap3A_644 = arith.index_cast %swap3A_643 : i32 to index
    %swap3A_645 = arith.constant 496 : index
    %swap3A_646 = tpu.vector_load %arg6[%swap3A_644, %swap3A_645] {strides = array<i32>} : memref<2x512xi32, #tpu.memory_space<vmem>>, vector<16xi32>,
    tpu.vector_store %arg6[%swap3A_644, %swap3A_645], %mul3A_642 {strides = array<i32>} : memref<2x512xi32, #tpu.memory_space<vmem>>, vector<16xi32>,
    %dma_start3A_647 = arith.constant 1 : i32
    %dma_start3A_648 = arith.constant 1 : i32
    %dma_start3A_649 = arith.constant 0 : i32
    %dma_start3A_650 = arith.constant 0 : i32
    %dma_start3A_651 = tpu.memref_slice %arg7[%dma_start3A_648, %dma_start3A_649, %dma_start3A_650] : memref<2x512x32xf32, #tpu.memory_space<vmem>> -> memref<1x512x32xf32, #tpu.memory_space<vmem>>
    %dma_start3A_652 = tpu.memref_squeeze %dma_start3A_651 : memref<1x512x32xf32, #tpu.memory_space<vmem>> -> memref<512x32xf32, #tpu.memory_space<vmem>>
    %dma_start3A_653 = arith.constant 0 : i32
    %dma_start3A_654 = tpu.memref_slice %arg6[%dma_start3A_647, %dma_start3A_653] : memref<2x512xi32, #tpu.memory_space<vmem>> -> memref<1x512xi32, #tpu.memory_space<vmem>>
    %dma_start3A_655 = tpu.memref_squeeze %dma_start3A_654 : memref<1x512xi32, #tpu.memory_space<vmem>> -> memref<512xi32, #tpu.memory_space<vmem>>
    %dma_start3A_656 = arith.constant 0 : i32
    %dma_start3A_657 = arith.constant 0 : i32
    %dma_start3A_658 = tpu.memref_slice %arg3[%dma_start3A_656, %dma_start3A_657] : memref<4000000x32xf32, #tpu.memory_space<hbm>> -> memref<4000000x32xf32, #tpu.memory_space<hbm>>
    tpu.enqueue_indirect_dma source(%dma_start3A_658 : memref<4000000x32xf32, #tpu.memory_space<hbm>>) target(%dma_start3A_652 : memref<512x32xf32, #tpu.memory_space<vmem>>) offsets(%dma_start3A_655 : memref<512xi32, #tpu.memory_space<vmem>>) semaphore(%arg11 : memref<!tpu.dma_semaphore, #tpu.memory_space<semaphore_mem>>)
    %dma_wait3A_659 = arith.constant 0 : i32
    %dma_wait3A_660 = arith.constant 0 : i32
    %dma_wait3A_661 = arith.constant 0 : i32
    %dma_wait3A_662 = tpu.memref_slice %arg7[%dma_wait3A_659, %dma_wait3A_660, %dma_wait3A_661] : memref<2x512x32xf32, #tpu.memory_space<vmem>> -> memref<1x512x32xf32, #tpu.memory_space<vmem>>
    %dma_wait3A_663 = tpu.memref_squeeze %dma_wait3A_662 : memref<1x512x32xf32, #tpu.memory_space<vmem>> -> memref<512x32xf32, #tpu.memory_space<vmem>>
    %dma_wait3A_664 = arith.constant 0 : i32
    %dma_wait3A_665 = arith.constant 0 : i32
    %dma_wait3A_666 = tpu.memref_slice %arg3[%dma_wait3A_664, %dma_wait3A_665] : memref<4000000x32xf32, #tpu.memory_space<hbm>> -> memref<512x32xf32, #tpu.memory_space<hbm>>
    %dma_wait3A_667 = arith.constant 0 : i32
    %dma_wait3A_668 = arith.constant 0 : i32
    %dma_wait3A_669 = tpu.memref_slice %arg7[%dma_wait3A_659, %dma_wait3A_667, %dma_wait3A_668] : memref<2x512x32xf32, #tpu.memory_space<vmem>> -> memref<1x512x32xf32, #tpu.memory_space<vmem>>
    %dma_wait3A_670 = tpu.memref_squeeze %dma_wait3A_669 : memref<1x512x32xf32, #tpu.memory_space<vmem>> -> memref<512x32xf32, #tpu.memory_space<vmem>>
    %dma_wait3A_671 = arith.constant 0 : i32
    %dma_wait3A_672 = arith.constant 0 : i32
    %dma_wait3A_673 = tpu.memref_slice %arg3[%dma_wait3A_671, %dma_wait3A_672] : memref<4000000x32xf32, #tpu.memory_space<hbm>> -> memref<512x32xf32, #tpu.memory_space<hbm>>
    tpu.wait_dma2 semaphore(%arg10 : memref<!tpu.dma_semaphore, #tpu.memory_space<semaphore_mem>>) src(%dma_wait3A_673 : memref<512x32xf32, #tpu.memory_space<hbm>>) dst(%dma_wait3A_670 : memref<512x32xf32, #tpu.memory_space<vmem>>)
    %dma_wait3A_674 = arith.constant 0 : i32
    %dma_wait3A_675 = arith.constant 0 : i32
    %dma_wait3A_676 = arith.constant 0 : i32
    %dma_wait3A_677 = tpu.memref_slice %arg8[%dma_wait3A_674, %dma_wait3A_675, %dma_wait3A_676] : memref<2x32x512xf32, #tpu.memory_space<vmem>> -> memref<1x32x512xf32, #tpu.memory_space<vmem>>
    %dma_wait3A_678 = tpu.memref_squeeze %dma_wait3A_677 : memref<1x32x512xf32, #tpu.memory_space<vmem>> -> memref<32x512xf32, #tpu.memory_space<vmem>>
    %dma_wait3A_679 = arith.constant 0 : i32
    %dma_wait3A_680 = arith.constant 0 : i32
    %dma_wait3A_681 = tpu.memref_slice %arg4[%dma_wait3A_679, %dma_wait3A_680] : memref<1600x16384xf32, #tpu.memory_space<hbm>> -> memref<32x512xf32, #tpu.memory_space<hbm>>
    %dma_wait3A_682 = arith.constant 0 : i32
    %dma_wait3A_683 = arith.constant 0 : i32
    %dma_wait3A_684 = tpu.memref_slice %arg8[%dma_wait3A_674, %dma_wait3A_682, %dma_wait3A_683] : memref<2x32x512xf32, #tpu.memory_space<vmem>> -> memref<1x32x512xf32, #tpu.memory_space<vmem>>
    %dma_wait3A_685 = tpu.memref_squeeze %dma_wait3A_684 : memref<1x32x512xf32, #tpu.memory_space<vmem>> -> memref<32x512xf32, #tpu.memory_space<vmem>>
    %dma_wait3A_686 = arith.constant 0 : i32
    %dma_wait3A_687 = arith.constant 0 : i32
    %dma_wait3A_688 = tpu.memref_slice %arg4[%dma_wait3A_686, %dma_wait3A_687] : memref<1600x16384xf32, #tpu.memory_space<hbm>> -> memref<32x512xf32, #tpu.memory_space<hbm>>
    tpu.wait_dma2 semaphore(%arg12 : memref<!tpu.dma_semaphore, #tpu.memory_space<semaphore_mem>>) src(%dma_wait3A_688 : memref<32x512xf32, #tpu.memory_space<hbm>>) dst(%dma_wait3A_685 : memref<32x512xf32, #tpu.memory_space<vmem>>)
    %scan3A_689 = arith.constant 0 : i32
    %scan3A_690 = arith.constant 0 : i32
    %scan3A_691 = arith.constant 64 : i32
    %scan3A_692 = arith.addi %scan3A_690, %scan3A_691 : i32
    %scan3A_693 = arith.constant 1 : i32
    scf.for %scan3A_787 = %scan3A_690 to %scan3A_692 step %scan3A_693  : i32 {
      %mul3A_788 = arith.constant 8 : i32
      %mul3A_789 = arith.muli %scan3A_787, %mul3A_788 : i32
      %add3A_790 = arith.constant 0 : i32
      %add3A_791 = arith.addi %mul3A_789, %add3A_790 : i32
      %add3A_792 = vector.broadcast %add3A_791 : i32 to vector<16xi32>
      %add3A_793 = arith.addi %broadcast_in_dim3A_3, %add3A_792 : vector<16xi32>
      %add3A_794 = arith.addi %add3A_793, %add3A_6 : vector<16xi32>
      %and3A = arith.constant 511 : i32
      %and3A_795 = vector.broadcast %and3A : i32 to vector<16xi32>
      %and3A_796 = arith.andi %add3A_794, %and3A_795 : vector<16xi32>
      %gather3A_797 = arith.constant 0 : i32
      %gather3A_798 = arith.constant 0 : i32
      %gather3A_799 = arith.constant 0 : i32
      %gather3A_800 = tpu.memref_slice %arg7[%gather3A_797, %gather3A_798, %gather3A_799] : memref<2x512x32xf32, #tpu.memory_space<vmem>> -> memref<1x512x32xf32, #tpu.memory_space<vmem>>
      %gather3A_801 = tpu.memref_squeeze %gather3A_800 : memref<1x512x32xf32, #tpu.memory_space<vmem>> -> memref<512x32xf32, #tpu.memory_space<vmem>>
      %gather3A_802 = tpu.vector_load_idx %gather3A_801[%and3A_796, %add3A_6] : memref<512x32xf32, #tpu.memory_space<vmem>>[vector<16xi32>, vector<16xi32>], vector<16xf32>,
      %scatter3A = arith.constant 0 : i32
      %scatter3A_803 = arith.constant 0 : i32
      %scatter3A_804 = arith.constant 0 : i32
      %scatter3A_805 = tpu.memref_slice %arg8[%scatter3A, %scatter3A_803, %scatter3A_804] : memref<2x32x512xf32, #tpu.memory_space<vmem>> -> memref<1x32x512xf32, #tpu.memory_space<vmem>>
      %scatter3A_806 = tpu.memref_squeeze %scatter3A_805 : memref<1x32x512xf32, #tpu.memory_space<vmem>> -> memref<32x512xf32, #tpu.memory_space<vmem>>
      tpu.vector_store_idx %scatter3A_806[%add3A_6, %and3A_796], %gather3A_802 : memref<32x512xf32, #tpu.memory_space<vmem>>[vector<16xi32>, vector<16xi32>], vector<16xf32>,
      %add3A_807 = arith.addi %add3A_793, %add3A_9 : vector<16xi32>
      %and3A_808 = arith.constant 511 : i32
      %and3A_809 = vector.broadcast %and3A_808 : i32 to vector<16xi32>
      %and3A_810 = arith.andi %add3A_807, %and3A_809 : vector<16xi32>
      %gather3A_811 = arith.constant 0 : i32
      %gather3A_812 = arith.constant 0 : i32
      %gather3A_813 = arith.constant 0 : i32
      %gather3A_814 = tpu.memref_slice %arg7[%gather3A_811, %gather3A_812, %gather3A_813] : memref<2x512x32xf32, #tpu.memory_space<vmem>> -> memref<1x512x32xf32, #tpu.memory_space<vmem>>
      %gather3A_815 = tpu.memref_squeeze %gather3A_814 : memref<1x512x32xf32, #tpu.memory_space<vmem>> -> memref<512x32xf32, #tpu.memory_space<vmem>>
      %gather3A_816 = tpu.vector_load_idx %gather3A_815[%and3A_810, %add3A_9] : memref<512x32xf32, #tpu.memory_space<vmem>>[vector<16xi32>, vector<16xi32>], vector<16xf32>,
      %scatter3A_817 = arith.constant 0 : i32
      %scatter3A_818 = arith.constant 0 : i32
      %scatter3A_819 = arith.constant 0 : i32
      %scatter3A_820 = tpu.memref_slice %arg8[%scatter3A_817, %scatter3A_818, %scatter3A_819] : memref<2x32x512xf32, #tpu.memory_space<vmem>> -> memref<1x32x512xf32, #tpu.memory_space<vmem>>
      %scatter3A_821 = tpu.memref_squeeze %scatter3A_820 : memref<1x32x512xf32, #tpu.memory_space<vmem>> -> memref<32x512xf32, #tpu.memory_space<vmem>>
      tpu.vector_store_idx %scatter3A_821[%add3A_9, %and3A_810], %gather3A_816 : memref<32x512xf32, #tpu.memory_space<vmem>>[vector<16xi32>, vector<16xi32>], vector<16xf32>,
      %add3A_822 = arith.constant 1 : i32
      %add3A_823 = arith.addi %mul3A_789, %add3A_822 : i32
      %add3A_824 = vector.broadcast %add3A_823 : i32 to vector<16xi32>
      %add3A_825 = arith.addi %broadcast_in_dim3A_3, %add3A_824 : vector<16xi32>
      %add3A_826 = arith.addi %add3A_825, %add3A_6 : vector<16xi32>
      %and3A_827 = arith.constant 511 : i32
      %and3A_828 = vector.broadcast %and3A_827 : i32 to vector<16xi32>
      %and3A_829 = arith.andi %add3A_826, %and3A_828 : vector<16xi32>
      %gather3A_830 = arith.constant 0 : i32
      %gather3A_831 = arith.constant 0 : i32
      %gather3A_832 = arith.constant 0 : i32
      %gather3A_833 = tpu.memref_slice %arg7[%gather3A_830, %gather3A_831, %gather3A_832] : memref<2x512x32xf32, #tpu.memory_space<vmem>> -> memref<1x512x32xf32, #tpu.memory_space<vmem>>
      %gather3A_834 = tpu.memref_squeeze %gather3A_833 : memref<1x512x32xf32, #tpu.memory_space<vmem>> -> memref<512x32xf32, #tpu.memory_space<vmem>>
      %gather3A_835 = tpu.vector_load_idx %gather3A_834[%and3A_829, %add3A_6] : memref<512x32xf32, #tpu.memory_space<vmem>>[vector<16xi32>, vector<16xi32>], vector<16xf32>,
      %scatter3A_836 = arith.constant 0 : i32
      %scatter3A_837 = arith.constant 0 : i32
      %scatter3A_838 = arith.constant 0 : i32
      %scatter3A_839 = tpu.memref_slice %arg8[%scatter3A_836, %scatter3A_837, %scatter3A_838] : memref<2x32x512xf32, #tpu.memory_space<vmem>> -> memref<1x32x512xf32, #tpu.memory_space<vmem>>
      %scatter3A_840 = tpu.memref_squeeze %scatter3A_839 : memref<1x32x512xf32, #tpu.memory_space<vmem>> -> memref<32x512xf32, #tpu.memory_space<vmem>>
      tpu.vector_store_idx %scatter3A_840[%add3A_6, %and3A_829], %gather3A_835 : memref<32x512xf32, #tpu.memory_space<vmem>>[vector<16xi32>, vector<16xi32>], vector<16xf32>,
      %add3A_841 = arith.addi %add3A_825, %add3A_9 : vector<16xi32>
      %and3A_842 = arith.constant 511 : i32
      %and3A_843 = vector.broadcast %and3A_842 : i32 to vector<16xi32>
      %and3A_844 = arith.andi %add3A_841, %and3A_843 : vector<16xi32>
      %gather3A_845 = arith.constant 0 : i32
      %gather3A_846 = arith.constant 0 : i32
      %gather3A_847 = arith.constant 0 : i32
      %gather3A_848 = tpu.memref_slice %arg7[%gather3A_845, %gather3A_846, %gather3A_847] : memref<2x512x32xf32, #tpu.memory_space<vmem>> -> memref<1x512x32xf32, #tpu.memory_space<vmem>>
      %gather3A_849 = tpu.memref_squeeze %gather3A_848 : memref<1x512x32xf32, #tpu.memory_space<vmem>> -> memref<512x32xf32, #tpu.memory_space<vmem>>
      %gather3A_850 = tpu.vector_load_idx %gather3A_849[%and3A_844, %add3A_9] : memref<512x32xf32, #tpu.memory_space<vmem>>[vector<16xi32>, vector<16xi32>], vector<16xf32>,
      %scatter3A_851 = arith.constant 0 : i32
      %scatter3A_852 = arith.constant 0 : i32
      %scatter3A_853 = arith.constant 0 : i32
      %scatter3A_854 = tpu.memref_slice %arg8[%scatter3A_851, %scatter3A_852, %scatter3A_853] : memref<2x32x512xf32, #tpu.memory_space<vmem>> -> memref<1x32x512xf32, #tpu.memory_space<vmem>>
      %scatter3A_855 = tpu.memref_squeeze %scatter3A_854 : memref<1x32x512xf32, #tpu.memory_space<vmem>> -> memref<32x512xf32, #tpu.memory_space<vmem>>
      tpu.vector_store_idx %scatter3A_855[%add3A_9, %and3A_844], %gather3A_850 : memref<32x512xf32, #tpu.memory_space<vmem>>[vector<16xi32>, vector<16xi32>], vector<16xf32>,
      %add3A_856 = arith.constant 2 : i32
      %add3A_857 = arith.addi %mul3A_789, %add3A_856 : i32
      %add3A_858 = vector.broadcast %add3A_857 : i32 to vector<16xi32>
      %add3A_859 = arith.addi %broadcast_in_dim3A_3, %add3A_858 : vector<16xi32>
      %add3A_860 = arith.addi %add3A_859, %add3A_6 : vector<16xi32>
      %and3A_861 = arith.constant 511 : i32
      %and3A_862 = vector.broadcast %and3A_861 : i32 to vector<16xi32>
      %and3A_863 = arith.andi %add3A_860, %and3A_862 : vector<16xi32>
      %gather3A_864 = arith.constant 0 : i32
      %gather3A_865 = arith.constant 0 : i32
      %gather3A_866 = arith.constant 0 : i32
      %gather3A_867 = tpu.memref_slice %arg7[%gather3A_864, %gather3A_865, %gather3A_866] : memref<2x512x32xf32, #tpu.memory_space<vmem>> -> memref<1x512x32xf32, #tpu.memory_space<vmem>>
      %gather3A_868 = tpu.memref_squeeze %gather3A_867 : memref<1x512x32xf32, #tpu.memory_space<vmem>> -> memref<512x32xf32, #tpu.memory_space<vmem>>
      %gather3A_869 = tpu.vector_load_idx %gather3A_868[%and3A_863, %add3A_6] : memref<512x32xf32, #tpu.memory_space<vmem>>[vector<16xi32>, vector<16xi32>], vector<16xf32>,
      %scatter3A_870 = arith.constant 0 : i32
      %scatter3A_871 = arith.constant 0 : i32
      %scatter3A_872 = arith.constant 0 : i32
      %scatter3A_873 = tpu.memref_slice %arg8[%scatter3A_870, %scatter3A_871, %scatter3A_872] : memref<2x32x512xf32, #tpu.memory_space<vmem>> -> memref<1x32x512xf32, #tpu.memory_space<vmem>>
      %scatter3A_874 = tpu.memref_squeeze %scatter3A_873 : memref<1x32x512xf32, #tpu.memory_space<vmem>> -> memref<32x512xf32, #tpu.memory_space<vmem>>
      tpu.vector_store_idx %scatter3A_874[%add3A_6, %and3A_863], %gather3A_869 : memref<32x512xf32, #tpu.memory_space<vmem>>[vector<16xi32>, vector<16xi32>], vector<16xf32>,
      %add3A_875 = arith.addi %add3A_859, %add3A_9 : vector<16xi32>
      %and3A_876 = arith.constant 511 : i32
      %and3A_877 = vector.broadcast %and3A_876 : i32 to vector<16xi32>
      %and3A_878 = arith.andi %add3A_875, %and3A_877 : vector<16xi32>
      %gather3A_879 = arith.constant 0 : i32
      %gather3A_880 = arith.constant 0 : i32
      %gather3A_881 = arith.constant 0 : i32
      %gather3A_882 = tpu.memref_slice %arg7[%gather3A_879, %gather3A_880, %gather3A_881] : memref<2x512x32xf32, #tpu.memory_space<vmem>> -> memref<1x512x32xf32, #tpu.memory_space<vmem>>
      %gather3A_883 = tpu.memref_squeeze %gather3A_882 : memref<1x512x32xf32, #tpu.memory_space<vmem>> -> memref<512x32xf32, #tpu.memory_space<vmem>>
      %gather3A_884 = tpu.vector_load_idx %gather3A_883[%and3A_878, %add3A_9] : memref<512x32xf32, #tpu.memory_space<vmem>>[vector<16xi32>, vector<16xi32>], vector<16xf32>,
      %scatter3A_885 = arith.constant 0 : i32
      %scatter3A_886 = arith.constant 0 : i32
      %scatter3A_887 = arith.constant 0 : i32
      %scatter3A_888 = tpu.memref_slice %arg8[%scatter3A_885, %scatter3A_886, %scatter3A_887] : memref<2x32x512xf32, #tpu.memory_space<vmem>> -> memref<1x32x512xf32, #tpu.memory_space<vmem>>
      %scatter3A_889 = tpu.memref_squeeze %scatter3A_888 : memref<1x32x512xf32, #tpu.memory_space<vmem>> -> memref<32x512xf32, #tpu.memory_space<vmem>>
      tpu.vector_store_idx %scatter3A_889[%add3A_9, %and3A_878], %gather3A_884 : memref<32x512xf32, #tpu.memory_space<vmem>>[vector<16xi32>, vector<16xi32>], vector<16xf32>,
      %add3A_890 = arith.constant 3 : i32
      %add3A_891 = arith.addi %mul3A_789, %add3A_890 : i32
      %add3A_892 = vector.broadcast %add3A_891 : i32 to vector<16xi32>
      %add3A_893 = arith.addi %broadcast_in_dim3A_3, %add3A_892 : vector<16xi32>
      %add3A_894 = arith.addi %add3A_893, %add3A_6 : vector<16xi32>
      %and3A_895 = arith.constant 511 : i32
      %and3A_896 = vector.broadcast %and3A_895 : i32 to vector<16xi32>
      %and3A_897 = arith.andi %add3A_894, %and3A_896 : vector<16xi32>
      %gather3A_898 = arith.constant 0 : i32
      %gather3A_899 = arith.constant 0 : i32
      %gather3A_900 = arith.constant 0 : i32
      %gather3A_901 = tpu.memref_slice %arg7[%gather3A_898, %gather3A_899, %gather3A_900] : memref<2x512x32xf32, #tpu.memory_space<vmem>> -> memref<1x512x32xf32, #tpu.memory_space<vmem>>
      %gather3A_902 = tpu.memref_squeeze %gather3A_901 : memref<1x512x32xf32, #tpu.memory_space<vmem>> -> memref<512x32xf32, #tpu.memory_space<vmem>>
      %gather3A_903 = tpu.vector_load_idx %gather3A_902[%and3A_897, %add3A_6] : memref<512x32xf32, #tpu.memory_space<vmem>>[vector<16xi32>, vector<16xi32>], vector<16xf32>,
      %scatter3A_904 = arith.constant 0 : i32
      %scatter3A_905 = arith.constant 0 : i32
      %scatter3A_906 = arith.constant 0 : i32
      %scatter3A_907 = tpu.memref_slice %arg8[%scatter3A_904, %scatter3A_905, %scatter3A_906] : memref<2x32x512xf32, #tpu.memory_space<vmem>> -> memref<1x32x512xf32, #tpu.memory_space<vmem>>
      %scatter3A_908 = tpu.memref_squeeze %scatter3A_907 : memref<1x32x512xf32, #tpu.memory_space<vmem>> -> memref<32x512xf32, #tpu.memory_space<vmem>>
      tpu.vector_store_idx %scatter3A_908[%add3A_6, %and3A_897], %gather3A_903 : memref<32x512xf32, #tpu.memory_space<vmem>>[vector<16xi32>, vector<16xi32>], vector<16xf32>,
      %add3A_909 = arith.addi %add3A_893, %add3A_9 : vector<16xi32>
      %and3A_910 = arith.constant 511 : i32
      %and3A_911 = vector.broadcast %and3A_910 : i32 to vector<16xi32>
      %and3A_912 = arith.andi %add3A_909, %and3A_911 : vector<16xi32>
      %gather3A_913 = arith.constant 0 : i32
      %gather3A_914 = arith.constant 0 : i32
      %gather3A_915 = arith.constant 0 : i32
      %gather3A_916 = tpu.memref_slice %arg7[%gather3A_913, %gather3A_914, %gather3A_915] : memref<2x512x32xf32, #tpu.memory_space<vmem>> -> memref<1x512x32xf32, #tpu.memory_space<vmem>>
      %gather3A_917 = tpu.memref_squeeze %gather3A_916 : memref<1x512x32xf32, #tpu.memory_space<vmem>> -> memref<512x32xf32, #tpu.memory_space<vmem>>
      %gather3A_918 = tpu.vector_load_idx %gather3A_917[%and3A_912, %add3A_9] : memref<512x32xf32, #tpu.memory_space<vmem>>[vector<16xi32>, vector<16xi32>], vector<16xf32>,
      %scatter3A_919 = arith.constant 0 : i32
      %scatter3A_920 = arith.constant 0 : i32
      %scatter3A_921 = arith.constant 0 : i32
      %scatter3A_922 = tpu.memref_slice %arg8[%scatter3A_919, %scatter3A_920, %scatter3A_921] : memref<2x32x512xf32, #tpu.memory_space<vmem>> -> memref<1x32x512xf32, #tpu.memory_space<vmem>>
      %scatter3A_923 = tpu.memref_squeeze %scatter3A_922 : memref<1x32x512xf32, #tpu.memory_space<vmem>> -> memref<32x512xf32, #tpu.memory_space<vmem>>
      tpu.vector_store_idx %scatter3A_923[%add3A_9, %and3A_912], %gather3A_918 : memref<32x512xf32, #tpu.memory_space<vmem>>[vector<16xi32>, vector<16xi32>], vector<16xf32>,
      %add3A_924 = arith.constant 4 : i32
      %add3A_925 = arith.addi %mul3A_789, %add3A_924 : i32
      %add3A_926 = vector.broadcast %add3A_925 : i32 to vector<16xi32>
      %add3A_927 = arith.addi %broadcast_in_dim3A_3, %add3A_926 : vector<16xi32>
      %add3A_928 = arith.addi %add3A_927, %add3A_6 : vector<16xi32>
      %and3A_929 = arith.constant 511 : i32
      %and3A_930 = vector.broadcast %and3A_929 : i32 to vector<16xi32>
      %and3A_931 = arith.andi %add3A_928, %and3A_930 : vector<16xi32>
      %gather3A_932 = arith.constant 0 : i32
      %gather3A_933 = arith.constant 0 : i32
      %gather3A_934 = arith.constant 0 : i32
      %gather3A_935 = tpu.memref_slice %arg7[%gather3A_932, %gather3A_933, %gather3A_934] : memref<2x512x32xf32, #tpu.memory_space<vmem>> -> memref<1x512x32xf32, #tpu.memory_space<vmem>>
      %gather3A_936 = tpu.memref_squeeze %gather3A_935 : memref<1x512x32xf32, #tpu.memory_space<vmem>> -> memref<512x32xf32, #tpu.memory_space<vmem>>
      %gather3A_937 = tpu.vector_load_idx %gather3A_936[%and3A_931, %add3A_6] : memref<512x32xf32, #tpu.memory_space<vmem>>[vector<16xi32>, vector<16xi32>], vector<16xf32>,
      %scatter3A_938 = arith.constant 0 : i32
      %scatter3A_939 = arith.constant 0 : i32
      %scatter3A_940 = arith.constant 0 : i32
      %scatter3A_941 = tpu.memref_slice %arg8[%scatter3A_938, %scatter3A_939, %scatter3A_940] : memref<2x32x512xf32, #tpu.memory_space<vmem>> -> memref<1x32x512xf32, #tpu.memory_space<vmem>>
      %scatter3A_942 = tpu.memref_squeeze %scatter3A_941 : memref<1x32x512xf32, #tpu.memory_space<vmem>> -> memref<32x512xf32, #tpu.memory_space<vmem>>
      tpu.vector_store_idx %scatter3A_942[%add3A_6, %and3A_931], %gather3A_937 : memref<32x512xf32, #tpu.memory_space<vmem>>[vector<16xi32>, vector<16xi32>], vector<16xf32>,
      %add3A_943 = arith.addi %add3A_927, %add3A_9 : vector<16xi32>
      %and3A_944 = arith.constant 511 : i32
      %and3A_945 = vector.broadcast %and3A_944 : i32 to vector<16xi32>
      %and3A_946 = arith.andi %add3A_943, %and3A_945 : vector<16xi32>
      %gather3A_947 = arith.constant 0 : i32
      %gather3A_948 = arith.constant 0 : i32
      %gather3A_949 = arith.constant 0 : i32
      %gather3A_950 = tpu.memref_slice %arg7[%gather3A_947, %gather3A_948, %gather3A_949] : memref<2x512x32xf32, #tpu.memory_space<vmem>> -> memref<1x512x32xf32, #tpu.memory_space<vmem>>
      %gather3A_951 = tpu.memref_squeeze %gather3A_950 : memref<1x512x32xf32, #tpu.memory_space<vmem>> -> memref<512x32xf32, #tpu.memory_space<vmem>>
      %gather3A_952 = tpu.vector_load_idx %gather3A_951[%and3A_946, %add3A_9] : memref<512x32xf32, #tpu.memory_space<vmem>>[vector<16xi32>, vector<16xi32>], vector<16xf32>,
      %scatter3A_953 = arith.constant 0 : i32
      %scatter3A_954 = arith.constant 0 : i32
      %scatter3A_955 = arith.constant 0 : i32
      %scatter3A_956 = tpu.memref_slice %arg8[%scatter3A_953, %scatter3A_954, %scatter3A_955] : memref<2x32x512xf32, #tpu.memory_space<vmem>> -> memref<1x32x512xf32, #tpu.memory_space<vmem>>
      %scatter3A_957 = tpu.memref_squeeze %scatter3A_956 : memref<1x32x512xf32, #tpu.memory_space<vmem>> -> memref<32x512xf32, #tpu.memory_space<vmem>>
      tpu.vector_store_idx %scatter3A_957[%add3A_9, %and3A_946], %gather3A_952 : memref<32x512xf32, #tpu.memory_space<vmem>>[vector<16xi32>, vector<16xi32>], vector<16xf32>,
      %add3A_958 = arith.constant 5 : i32
      %add3A_959 = arith.addi %mul3A_789, %add3A_958 : i32
      %add3A_960 = vector.broadcast %add3A_959 : i32 to vector<16xi32>
      %add3A_961 = arith.addi %broadcast_in_dim3A_3, %add3A_960 : vector<16xi32>
      %add3A_962 = arith.addi %add3A_961, %add3A_6 : vector<16xi32>
      %and3A_963 = arith.constant 511 : i32
      %and3A_964 = vector.broadcast %and3A_963 : i32 to vector<16xi32>
      %and3A_965 = arith.andi %add3A_962, %and3A_964 : vector<16xi32>
      %gather3A_966 = arith.constant 0 : i32
      %gather3A_967 = arith.constant 0 : i32
      %gather3A_968 = arith.constant 0 : i32
      %gather3A_969 = tpu.memref_slice %arg7[%gather3A_966, %gather3A_967, %gather3A_968] : memref<2x512x32xf32, #tpu.memory_space<vmem>> -> memref<1x512x32xf32, #tpu.memory_space<vmem>>
      %gather3A_970 = tpu.memref_squeeze %gather3A_969 : memref<1x512x32xf32, #tpu.memory_space<vmem>> -> memref<512x32xf32, #tpu.memory_space<vmem>>
      %gather3A_971 = tpu.vector_load_idx %gather3A_970[%and3A_965, %add3A_6] : memref<512x32xf32, #tpu.memory_space<vmem>>[vector<16xi32>, vector<16xi32>], vector<16xf32>,
      %scatter3A_972 = arith.constant 0 : i32
      %scatter3A_973 = arith.constant 0 : i32
      %scatter3A_974 = arith.constant 0 : i32
      %scatter3A_975 = tpu.memref_slice %arg8[%scatter3A_972, %scatter3A_973, %scatter3A_974] : memref<2x32x512xf32, #tpu.memory_space<vmem>> -> memref<1x32x512xf32, #tpu.memory_space<vmem>>
      %scatter3A_976 = tpu.memref_squeeze %scatter3A_975 : memref<1x32x512xf32, #tpu.memory_space<vmem>> -> memref<32x512xf32, #tpu.memory_space<vmem>>
      tpu.vector_store_idx %scatter3A_976[%add3A_6, %and3A_965], %gather3A_971 : memref<32x512xf32, #tpu.memory_space<vmem>>[vector<16xi32>, vector<16xi32>], vector<16xf32>,
      %add3A_977 = arith.addi %add3A_961, %add3A_9 : vector<16xi32>
      %and3A_978 = arith.constant 511 : i32
      %and3A_979 = vector.broadcast %and3A_978 : i32 to vector<16xi32>
      %and3A_980 = arith.andi %add3A_977, %and3A_979 : vector<16xi32>
      %gather3A_981 = arith.constant 0 : i32
      %gather3A_982 = arith.constant 0 : i32
      %gather3A_983 = arith.constant 0 : i32
      %gather3A_984 = tpu.memref_slice %arg7[%gather3A_981, %gather3A_982, %gather3A_983] : memref<2x512x32xf32, #tpu.memory_space<vmem>> -> memref<1x512x32xf32, #tpu.memory_space<vmem>>
      %gather3A_985 = tpu.memref_squeeze %gather3A_984 : memref<1x512x32xf32, #tpu.memory_space<vmem>> -> memref<512x32xf32, #tpu.memory_space<vmem>>
      %gather3A_986 = tpu.vector_load_idx %gather3A_985[%and3A_980, %add3A_9] : memref<512x32xf32, #tpu.memory_space<vmem>>[vector<16xi32>, vector<16xi32>], vector<16xf32>,
      %scatter3A_987 = arith.constant 0 : i32
      %scatter3A_988 = arith.constant 0 : i32
      %scatter3A_989 = arith.constant 0 : i32
      %scatter3A_990 = tpu.memref_slice %arg8[%scatter3A_987, %scatter3A_988, %scatter3A_989] : memref<2x32x512xf32, #tpu.memory_space<vmem>> -> memref<1x32x512xf32, #tpu.memory_space<vmem>>
      %scatter3A_991 = tpu.memref_squeeze %scatter3A_990 : memref<1x32x512xf32, #tpu.memory_space<vmem>> -> memref<32x512xf32, #tpu.memory_space<vmem>>
      tpu.vector_store_idx %scatter3A_991[%add3A_9, %and3A_980], %gather3A_986 : memref<32x512xf32, #tpu.memory_space<vmem>>[vector<16xi32>, vector<16xi32>], vector<16xf32>,
      %add3A_992 = arith.constant 6 : i32
      %add3A_993 = arith.addi %mul3A_789, %add3A_992 : i32
      %add3A_994 = vector.broadcast %add3A_993 : i32 to vector<16xi32>
      %add3A_995 = arith.addi %broadcast_in_dim3A_3, %add3A_994 : vector<16xi32>
      %add3A_996 = arith.addi %add3A_995, %add3A_6 : vector<16xi32>
      %and3A_997 = arith.constant 511 : i32
      %and3A_998 = vector.broadcast %and3A_997 : i32 to vector<16xi32>
      %and3A_999 = arith.andi %add3A_996, %and3A_998 : vector<16xi32>
      %gather3A_1000 = arith.constant 0 : i32
      %gather3A_1001 = arith.constant 0 : i32
      %gather3A_1002 = arith.constant 0 : i32
      %gather3A_1003 = tpu.memref_slice %arg7[%gather3A_1000, %gather3A_1001, %gather3A_1002] : memref<2x512x32xf32, #tpu.memory_space<vmem>> -> memref<1x512x32xf32, #tpu.memory_space<vmem>>
      %gather3A_1004 = tpu.memref_squeeze %gather3A_1003 : memref<1x512x32xf32, #tpu.memory_space<vmem>> -> memref<512x32xf32, #tpu.memory_space<vmem>>
      %gather3A_1005 = tpu.vector_load_idx %gather3A_1004[%and3A_999, %add3A_6] : memref<512x32xf32, #tpu.memory_space<vmem>>[vector<16xi32>, vector<16xi32>], vector<16xf32>,
      %scatter3A_1006 = arith.constant 0 : i32
      %scatter3A_1007 = arith.constant 0 : i32
      %scatter3A_1008 = arith.constant 0 : i32
      %scatter3A_1009 = tpu.memref_slice %arg8[%scatter3A_1006, %scatter3A_1007, %scatter3A_1008] : memref<2x32x512xf32, #tpu.memory_space<vmem>> -> memref<1x32x512xf32, #tpu.memory_space<vmem>>
      %scatter3A_1010 = tpu.memref_squeeze %scatter3A_1009 : memref<1x32x512xf32, #tpu.memory_space<vmem>> -> memref<32x512xf32, #tpu.memory_space<vmem>>
      tpu.vector_store_idx %scatter3A_1010[%add3A_6, %and3A_999], %gather3A_1005 : memref<32x512xf32, #tpu.memory_space<vmem>>[vector<16xi32>, vector<16xi32>], vector<16xf32>,
      %add3A_1011 = arith.addi %add3A_995, %add3A_9 : vector<16xi32>
      %and3A_1012 = arith.constant 511 : i32
      %and3A_1013 = vector.broadcast %and3A_1012 : i32 to vector<16xi32>
      %and3A_1014 = arith.andi %add3A_1011, %and3A_1013 : vector<16xi32>
      %gather3A_1015 = arith.constant 0 : i32
      %gather3A_1016 = arith.constant 0 : i32
      %gather3A_1017 = arith.constant 0 : i32
      %gather3A_1018 = tpu.memref_slice %arg7[%gather3A_1015, %gather3A_1016, %gather3A_1017] : memref<2x512x32xf32, #tpu.memory_space<vmem>> -> memref<1x512x32xf32, #tpu.memory_space<vmem>>
      %gather3A_1019 = tpu.memref_squeeze %gather3A_1018 : memref<1x512x32xf32, #tpu.memory_space<vmem>> -> memref<512x32xf32, #tpu.memory_space<vmem>>
      %gather3A_1020 = tpu.vector_load_idx %gather3A_1019[%and3A_1014, %add3A_9] : memref<512x32xf32, #tpu.memory_space<vmem>>[vector<16xi32>, vector<16xi32>], vector<16xf32>,
      %scatter3A_1021 = arith.constant 0 : i32
      %scatter3A_1022 = arith.constant 0 : i32
      %scatter3A_1023 = arith.constant 0 : i32
      %scatter3A_1024 = tpu.memref_slice %arg8[%scatter3A_1021, %scatter3A_1022, %scatter3A_1023] : memref<2x32x512xf32, #tpu.memory_space<vmem>> -> memref<1x32x512xf32, #tpu.memory_space<vmem>>
      %scatter3A_1025 = tpu.memref_squeeze %scatter3A_1024 : memref<1x32x512xf32, #tpu.memory_space<vmem>> -> memref<32x512xf32, #tpu.memory_space<vmem>>
      tpu.vector_store_idx %scatter3A_1025[%add3A_9, %and3A_1014], %gather3A_1020 : memref<32x512xf32, #tpu.memory_space<vmem>>[vector<16xi32>, vector<16xi32>], vector<16xf32>,
      %add3A_1026 = arith.constant 7 : i32
      %add3A_1027 = arith.addi %mul3A_789, %add3A_1026 : i32
      %add3A_1028 = vector.broadcast %add3A_1027 : i32 to vector<16xi32>
      %add3A_1029 = arith.addi %broadcast_in_dim3A_3, %add3A_1028 : vector<16xi32>
      %add3A_1030 = arith.addi %add3A_1029, %add3A_6 : vector<16xi32>
      %and3A_1031 = arith.constant 511 : i32
      %and3A_1032 = vector.broadcast %and3A_1031 : i32 to vector<16xi32>
      %and3A_1033 = arith.andi %add3A_1030, %and3A_1032 : vector<16xi32>
      %gather3A_1034 = arith.constant 0 : i32
      %gather3A_1035 = arith.constant 0 : i32
      %gather3A_1036 = arith.constant 0 : i32
      %gather3A_1037 = tpu.memref_slice %arg7[%gather3A_1034, %gather3A_1035, %gather3A_1036] : memref<2x512x32xf32, #tpu.memory_space<vmem>> -> memref<1x512x32xf32, #tpu.memory_space<vmem>>
      %gather3A_1038 = tpu.memref_squeeze %gather3A_1037 : memref<1x512x32xf32, #tpu.memory_space<vmem>> -> memref<512x32xf32, #tpu.memory_space<vmem>>
      %gather3A_1039 = tpu.vector_load_idx %gather3A_1038[%and3A_1033, %add3A_6] : memref<512x32xf32, #tpu.memory_space<vmem>>[vector<16xi32>, vector<16xi32>], vector<16xf32>,
      %scatter3A_1040 = arith.constant 0 : i32
      %scatter3A_1041 = arith.constant 0 : i32
      %scatter3A_1042 = arith.constant 0 : i32
      %scatter3A_1043 = tpu.memref_slice %arg8[%scatter3A_1040, %scatter3A_1041, %scatter3A_1042] : memref<2x32x512xf32, #tpu.memory_space<vmem>> -> memref<1x32x512xf32, #tpu.memory_space<vmem>>
      %scatter3A_1044 = tpu.memref_squeeze %scatter3A_1043 : memref<1x32x512xf32, #tpu.memory_space<vmem>> -> memref<32x512xf32, #tpu.memory_space<vmem>>
      tpu.vector_store_idx %scatter3A_1044[%add3A_6, %and3A_1033], %gather3A_1039 : memref<32x512xf32, #tpu.memory_space<vmem>>[vector<16xi32>, vector<16xi32>], vector<16xf32>,
      %add3A_1045 = arith.addi %add3A_1029, %add3A_9 : vector<16xi32>
      %and3A_1046 = arith.constant 511 : i32
      %and3A_1047 = vector.broadcast %and3A_1046 : i32 to vector<16xi32>
      %and3A_1048 = arith.andi %add3A_1045, %and3A_1047 : vector<16xi32>
      %gather3A_1049 = arith.constant 0 : i32
      %gather3A_1050 = arith.constant 0 : i32
      %gather3A_1051 = arith.constant 0 : i32
      %gather3A_1052 = tpu.memref_slice %arg7[%gather3A_1049, %gather3A_1050, %gather3A_1051] : memref<2x512x32xf32, #tpu.memory_space<vmem>> -> memref<1x512x32xf32, #tpu.memory_space<vmem>>
      %gather3A_1053 = tpu.memref_squeeze %gather3A_1052 : memref<1x512x32xf32, #tpu.memory_space<vmem>> -> memref<512x32xf32, #tpu.memory_space<vmem>>
      %gather3A_1054 = tpu.vector_load_idx %gather3A_1053[%and3A_1048, %add3A_9] : memref<512x32xf32, #tpu.memory_space<vmem>>[vector<16xi32>, vector<16xi32>], vector<16xf32>,
      %scatter3A_1055 = arith.constant 0 : i32
      %scatter3A_1056 = arith.constant 0 : i32
      %scatter3A_1057 = arith.constant 0 : i32
      %scatter3A_1058 = tpu.memref_slice %arg8[%scatter3A_1055, %scatter3A_1056, %scatter3A_1057] : memref<2x32x512xf32, #tpu.memory_space<vmem>> -> memref<1x32x512xf32, #tpu.memory_space<vmem>>
      %scatter3A_1059 = tpu.memref_squeeze %scatter3A_1058 : memref<1x32x512xf32, #tpu.memory_space<vmem>> -> memref<32x512xf32, #tpu.memory_space<vmem>>
      tpu.vector_store_idx %scatter3A_1059[%add3A_9, %and3A_1048], %gather3A_1054 : memref<32x512xf32, #tpu.memory_space<vmem>>[vector<16xi32>, vector<16xi32>], vector<16xf32>,
    }
    %scan3A_694 = arith.constant 64 : i32
    %dma_start3A_695 = arith.constant 0 : i32
    %dma_start3A_696 = arith.constant 0 : i32
    %dma_start3A_697 = arith.constant 0 : i32
    %dma_start3A_698 = tpu.memref_slice %arg8[%dma_start3A_695, %dma_start3A_696, %dma_start3A_697] : memref<2x32x512xf32, #tpu.memory_space<vmem>> -> memref<1x32x512xf32, #tpu.memory_space<vmem>>
    %dma_start3A_699 = tpu.memref_squeeze %dma_start3A_698 : memref<1x32x512xf32, #tpu.memory_space<vmem>> -> memref<32x512xf32, #tpu.memory_space<vmem>>
    %dma_start3A_700 = arith.constant 1536 : i32
    %dma_start3A_701 = tpu.memref_slice %arg4[%dma_start3A_700, %mul3A_2] : memref<1600x16384xf32, #tpu.memory_space<hbm>> -> memref<32x512xf32, #tpu.memory_space<hbm>>
    %dma_start3A_702 = arith.constant 1536 : i32
    %dma_start3A_703 = tpu.memref_slice %arg4[%dma_start3A_702, %mul3A_2] : memref<1600x16384xf32, #tpu.memory_space<hbm>> -> memref<32x512xf32, #tpu.memory_space<hbm>>
    %dma_start3A_704 = arith.constant 0 : i32
    %dma_start3A_705 = arith.constant 0 : i32
    %dma_start3A_706 = tpu.memref_slice %arg8[%dma_start3A_695, %dma_start3A_704, %dma_start3A_705] : memref<2x32x512xf32, #tpu.memory_space<vmem>> -> memref<1x32x512xf32, #tpu.memory_space<vmem>>
    %dma_start3A_707 = tpu.memref_squeeze %dma_start3A_706 : memref<1x32x512xf32, #tpu.memory_space<vmem>> -> memref<32x512xf32, #tpu.memory_space<vmem>>
    tpu.enqueue_dma source(%dma_start3A_707 : memref<32x512xf32, #tpu.memory_space<vmem>>) target(%dma_start3A_703 : memref<32x512xf32, #tpu.memory_space<hbm>>) target_semaphore(%arg12 : memref<!tpu.dma_semaphore, #tpu.memory_space<semaphore_mem>>)
    %dma_wait3A_708 = arith.constant 1 : i32
    %dma_wait3A_709 = arith.constant 0 : i32
    %dma_wait3A_710 = arith.constant 0 : i32
    %dma_wait3A_711 = tpu.memref_slice %arg7[%dma_wait3A_708, %dma_wait3A_709, %dma_wait3A_710] : memref<2x512x32xf32, #tpu.memory_space<vmem>> -> memref<1x512x32xf32, #tpu.memory_space<vmem>>
    %dma_wait3A_712 = tpu.memref_squeeze %dma_wait3A_711 : memref<1x512x32xf32, #tpu.memory_space<vmem>> -> memref<512x32xf32, #tpu.memory_space<vmem>>
    %dma_wait3A_713 = arith.constant 0 : i32
    %dma_wait3A_714 = arith.constant 0 : i32
    %dma_wait3A_715 = tpu.memref_slice %arg3[%dma_wait3A_713, %dma_wait3A_714] : memref<4000000x32xf32, #tpu.memory_space<hbm>> -> memref<512x32xf32, #tpu.memory_space<hbm>>
    %dma_wait3A_716 = arith.constant 0 : i32
    %dma_wait3A_717 = arith.constant 0 : i32
    %dma_wait3A_718 = tpu.memref_slice %arg7[%dma_wait3A_708, %dma_wait3A_716, %dma_wait3A_717] : memref<2x512x32xf32, #tpu.memory_space<vmem>> -> memref<1x512x32xf32, #tpu.memory_space<vmem>>
    %dma_wait3A_719 = tpu.memref_squeeze %dma_wait3A_718 : memref<1x512x32xf32, #tpu.memory_space<vmem>> -> memref<512x32xf32, #tpu.memory_space<vmem>>
    %dma_wait3A_720 = arith.constant 0 : i32
    %dma_wait3A_721 = arith.constant 0 : i32
    %dma_wait3A_722 = tpu.memref_slice %arg3[%dma_wait3A_720, %dma_wait3A_721] : memref<4000000x32xf32, #tpu.memory_space<hbm>> -> memref<512x32xf32, #tpu.memory_space<hbm>>
    tpu.wait_dma2 semaphore(%arg11 : memref<!tpu.dma_semaphore, #tpu.memory_space<semaphore_mem>>) src(%dma_wait3A_722 : memref<512x32xf32, #tpu.memory_space<hbm>>) dst(%dma_wait3A_719 : memref<512x32xf32, #tpu.memory_space<vmem>>)
    %dma_wait3A_723 = arith.constant 1 : i32
    %dma_wait3A_724 = arith.constant 0 : i32
    %dma_wait3A_725 = arith.constant 0 : i32
    %dma_wait3A_726 = tpu.memref_slice %arg8[%dma_wait3A_723, %dma_wait3A_724, %dma_wait3A_725] : memref<2x32x512xf32, #tpu.memory_space<vmem>> -> memref<1x32x512xf32, #tpu.memory_space<vmem>>
    %dma_wait3A_727 = tpu.memref_squeeze %dma_wait3A_726 : memref<1x32x512xf32, #tpu.memory_space<vmem>> -> memref<32x512xf32, #tpu.memory_space<vmem>>
    %dma_wait3A_728 = arith.constant 0 : i32
    %dma_wait3A_729 = arith.constant 0 : i32
    %dma_wait3A_730 = tpu.memref_slice %arg4[%dma_wait3A_728, %dma_wait3A_729] : memref<1600x16384xf32, #tpu.memory_space<hbm>> -> memref<32x512xf32, #tpu.memory_space<hbm>>
    %dma_wait3A_731 = arith.constant 0 : i32
    %dma_wait3A_732 = arith.constant 0 : i32
    %dma_wait3A_733 = tpu.memref_slice %arg8[%dma_wait3A_723, %dma_wait3A_731, %dma_wait3A_732] : memref<2x32x512xf32, #tpu.memory_space<vmem>> -> memref<1x32x512xf32, #tpu.memory_space<vmem>>
    %dma_wait3A_734 = tpu.memref_squeeze %dma_wait3A_733 : memref<1x32x512xf32, #tpu.memory_space<vmem>> -> memref<32x512xf32, #tpu.memory_space<vmem>>
    %dma_wait3A_735 = arith.constant 0 : i32
    %dma_wait3A_736 = arith.constant 0 : i32
    %dma_wait3A_737 = tpu.memref_slice %arg4[%dma_wait3A_735, %dma_wait3A_736] : memref<1600x16384xf32, #tpu.memory_space<hbm>> -> memref<32x512xf32, #tpu.memory_space<hbm>>
    tpu.wait_dma2 semaphore(%arg13 : memref<!tpu.dma_semaphore, #tpu.memory_space<semaphore_mem>>) src(%dma_wait3A_737 : memref<32x512xf32, #tpu.memory_space<hbm>>) dst(%dma_wait3A_734 : memref<32x512xf32, #tpu.memory_space<vmem>>)
    %scan3A_738 = arith.constant 0 : i32
    %scan3A_739 = arith.constant 0 : i32
    %scan3A_740 = arith.constant 64 : i32
    %scan3A_741 = arith.addi %scan3A_739, %scan3A_740 : i32
    %scan3A_742 = arith.constant 1 : i32
    scf.for %scan3A_787 = %scan3A_739 to %scan3A_741 step %scan3A_742  : i32 {
      %mul3A_788 = arith.constant 8 : i32
      %mul3A_789 = arith.muli %scan3A_787, %mul3A_788 : i32
      %add3A_790 = arith.constant 0 : i32
      %add3A_791 = arith.addi %mul3A_789, %add3A_790 : i32
      %add3A_792 = vector.broadcast %add3A_791 : i32 to vector<16xi32>
      %add3A_793 = arith.addi %broadcast_in_dim3A_3, %add3A_792 : vector<16xi32>
      %add3A_794 = arith.addi %add3A_793, %add3A_6 : vector<16xi32>
      %and3A = arith.constant 511 : i32
      %and3A_795 = vector.broadcast %and3A : i32 to vector<16xi32>
      %and3A_796 = arith.andi %add3A_794, %and3A_795 : vector<16xi32>
      %gather3A_797 = arith.constant 1 : i32
      %gather3A_798 = arith.constant 0 : i32
      %gather3A_799 = arith.constant 0 : i32
      %gather3A_800 = tpu.memref_slice %arg7[%gather3A_797, %gather3A_798, %gather3A_799] : memref<2x512x32xf32, #tpu.memory_space<vmem>> -> memref<1x512x32xf32, #tpu.memory_space<vmem>>
      %gather3A_801 = tpu.memref_squeeze %gather3A_800 : memref<1x512x32xf32, #tpu.memory_space<vmem>> -> memref<512x32xf32, #tpu.memory_space<vmem>>
      %gather3A_802 = tpu.vector_load_idx %gather3A_801[%and3A_796, %add3A_6] : memref<512x32xf32, #tpu.memory_space<vmem>>[vector<16xi32>, vector<16xi32>], vector<16xf32>,
      %scatter3A = arith.constant 1 : i32
      %scatter3A_803 = arith.constant 0 : i32
      %scatter3A_804 = arith.constant 0 : i32
      %scatter3A_805 = tpu.memref_slice %arg8[%scatter3A, %scatter3A_803, %scatter3A_804] : memref<2x32x512xf32, #tpu.memory_space<vmem>> -> memref<1x32x512xf32, #tpu.memory_space<vmem>>
      %scatter3A_806 = tpu.memref_squeeze %scatter3A_805 : memref<1x32x512xf32, #tpu.memory_space<vmem>> -> memref<32x512xf32, #tpu.memory_space<vmem>>
      tpu.vector_store_idx %scatter3A_806[%add3A_6, %and3A_796], %gather3A_802 : memref<32x512xf32, #tpu.memory_space<vmem>>[vector<16xi32>, vector<16xi32>], vector<16xf32>,
      %add3A_807 = arith.addi %add3A_793, %add3A_9 : vector<16xi32>
      %and3A_808 = arith.constant 511 : i32
      %and3A_809 = vector.broadcast %and3A_808 : i32 to vector<16xi32>
      %and3A_810 = arith.andi %add3A_807, %and3A_809 : vector<16xi32>
      %gather3A_811 = arith.constant 1 : i32
      %gather3A_812 = arith.constant 0 : i32
      %gather3A_813 = arith.constant 0 : i32
      %gather3A_814 = tpu.memref_slice %arg7[%gather3A_811, %gather3A_812, %gather3A_813] : memref<2x512x32xf32, #tpu.memory_space<vmem>> -> memref<1x512x32xf32, #tpu.memory_space<vmem>>
      %gather3A_815 = tpu.memref_squeeze %gather3A_814 : memref<1x512x32xf32, #tpu.memory_space<vmem>> -> memref<512x32xf32, #tpu.memory_space<vmem>>
      %gather3A_816 = tpu.vector_load_idx %gather3A_815[%and3A_810, %add3A_9] : memref<512x32xf32, #tpu.memory_space<vmem>>[vector<16xi32>, vector<16xi32>], vector<16xf32>,
      %scatter3A_817 = arith.constant 1 : i32
      %scatter3A_818 = arith.constant 0 : i32
      %scatter3A_819 = arith.constant 0 : i32
      %scatter3A_820 = tpu.memref_slice %arg8[%scatter3A_817, %scatter3A_818, %scatter3A_819] : memref<2x32x512xf32, #tpu.memory_space<vmem>> -> memref<1x32x512xf32, #tpu.memory_space<vmem>>
      %scatter3A_821 = tpu.memref_squeeze %scatter3A_820 : memref<1x32x512xf32, #tpu.memory_space<vmem>> -> memref<32x512xf32, #tpu.memory_space<vmem>>
      tpu.vector_store_idx %scatter3A_821[%add3A_9, %and3A_810], %gather3A_816 : memref<32x512xf32, #tpu.memory_space<vmem>>[vector<16xi32>, vector<16xi32>], vector<16xf32>,
      %add3A_822 = arith.constant 1 : i32
      %add3A_823 = arith.addi %mul3A_789, %add3A_822 : i32
      %add3A_824 = vector.broadcast %add3A_823 : i32 to vector<16xi32>
      %add3A_825 = arith.addi %broadcast_in_dim3A_3, %add3A_824 : vector<16xi32>
      %add3A_826 = arith.addi %add3A_825, %add3A_6 : vector<16xi32>
      %and3A_827 = arith.constant 511 : i32
      %and3A_828 = vector.broadcast %and3A_827 : i32 to vector<16xi32>
      %and3A_829 = arith.andi %add3A_826, %and3A_828 : vector<16xi32>
      %gather3A_830 = arith.constant 1 : i32
      %gather3A_831 = arith.constant 0 : i32
      %gather3A_832 = arith.constant 0 : i32
      %gather3A_833 = tpu.memref_slice %arg7[%gather3A_830, %gather3A_831, %gather3A_832] : memref<2x512x32xf32, #tpu.memory_space<vmem>> -> memref<1x512x32xf32, #tpu.memory_space<vmem>>
      %gather3A_834 = tpu.memref_squeeze %gather3A_833 : memref<1x512x32xf32, #tpu.memory_space<vmem>> -> memref<512x32xf32, #tpu.memory_space<vmem>>
      %gather3A_835 = tpu.vector_load_idx %gather3A_834[%and3A_829, %add3A_6] : memref<512x32xf32, #tpu.memory_space<vmem>>[vector<16xi32>, vector<16xi32>], vector<16xf32>,
      %scatter3A_836 = arith.constant 1 : i32
      %scatter3A_837 = arith.constant 0 : i32
      %scatter3A_838 = arith.constant 0 : i32
      %scatter3A_839 = tpu.memref_slice %arg8[%scatter3A_836, %scatter3A_837, %scatter3A_838] : memref<2x32x512xf32, #tpu.memory_space<vmem>> -> memref<1x32x512xf32, #tpu.memory_space<vmem>>
      %scatter3A_840 = tpu.memref_squeeze %scatter3A_839 : memref<1x32x512xf32, #tpu.memory_space<vmem>> -> memref<32x512xf32, #tpu.memory_space<vmem>>
      tpu.vector_store_idx %scatter3A_840[%add3A_6, %and3A_829], %gather3A_835 : memref<32x512xf32, #tpu.memory_space<vmem>>[vector<16xi32>, vector<16xi32>], vector<16xf32>,
      %add3A_841 = arith.addi %add3A_825, %add3A_9 : vector<16xi32>
      %and3A_842 = arith.constant 511 : i32
      %and3A_843 = vector.broadcast %and3A_842 : i32 to vector<16xi32>
      %and3A_844 = arith.andi %add3A_841, %and3A_843 : vector<16xi32>
      %gather3A_845 = arith.constant 1 : i32
      %gather3A_846 = arith.constant 0 : i32
      %gather3A_847 = arith.constant 0 : i32
      %gather3A_848 = tpu.memref_slice %arg7[%gather3A_845, %gather3A_846, %gather3A_847] : memref<2x512x32xf32, #tpu.memory_space<vmem>> -> memref<1x512x32xf32, #tpu.memory_space<vmem>>
      %gather3A_849 = tpu.memref_squeeze %gather3A_848 : memref<1x512x32xf32, #tpu.memory_space<vmem>> -> memref<512x32xf32, #tpu.memory_space<vmem>>
      %gather3A_850 = tpu.vector_load_idx %gather3A_849[%and3A_844, %add3A_9] : memref<512x32xf32, #tpu.memory_space<vmem>>[vector<16xi32>, vector<16xi32>], vector<16xf32>,
      %scatter3A_851 = arith.constant 1 : i32
      %scatter3A_852 = arith.constant 0 : i32
      %scatter3A_853 = arith.constant 0 : i32
      %scatter3A_854 = tpu.memref_slice %arg8[%scatter3A_851, %scatter3A_852, %scatter3A_853] : memref<2x32x512xf32, #tpu.memory_space<vmem>> -> memref<1x32x512xf32, #tpu.memory_space<vmem>>
      %scatter3A_855 = tpu.memref_squeeze %scatter3A_854 : memref<1x32x512xf32, #tpu.memory_space<vmem>> -> memref<32x512xf32, #tpu.memory_space<vmem>>
      tpu.vector_store_idx %scatter3A_855[%add3A_9, %and3A_844], %gather3A_850 : memref<32x512xf32, #tpu.memory_space<vmem>>[vector<16xi32>, vector<16xi32>], vector<16xf32>,
      %add3A_856 = arith.constant 2 : i32
      %add3A_857 = arith.addi %mul3A_789, %add3A_856 : i32
      %add3A_858 = vector.broadcast %add3A_857 : i32 to vector<16xi32>
      %add3A_859 = arith.addi %broadcast_in_dim3A_3, %add3A_858 : vector<16xi32>
      %add3A_860 = arith.addi %add3A_859, %add3A_6 : vector<16xi32>
      %and3A_861 = arith.constant 511 : i32
      %and3A_862 = vector.broadcast %and3A_861 : i32 to vector<16xi32>
      %and3A_863 = arith.andi %add3A_860, %and3A_862 : vector<16xi32>
      %gather3A_864 = arith.constant 1 : i32
      %gather3A_865 = arith.constant 0 : i32
      %gather3A_866 = arith.constant 0 : i32
      %gather3A_867 = tpu.memref_slice %arg7[%gather3A_864, %gather3A_865, %gather3A_866] : memref<2x512x32xf32, #tpu.memory_space<vmem>> -> memref<1x512x32xf32, #tpu.memory_space<vmem>>
      %gather3A_868 = tpu.memref_squeeze %gather3A_867 : memref<1x512x32xf32, #tpu.memory_space<vmem>> -> memref<512x32xf32, #tpu.memory_space<vmem>>
      %gather3A_869 = tpu.vector_load_idx %gather3A_868[%and3A_863, %add3A_6] : memref<512x32xf32, #tpu.memory_space<vmem>>[vector<16xi32>, vector<16xi32>], vector<16xf32>,
      %scatter3A_870 = arith.constant 1 : i32
      %scatter3A_871 = arith.constant 0 : i32
      %scatter3A_872 = arith.constant 0 : i32
      %scatter3A_873 = tpu.memref_slice %arg8[%scatter3A_870, %scatter3A_871, %scatter3A_872] : memref<2x32x512xf32, #tpu.memory_space<vmem>> -> memref<1x32x512xf32, #tpu.memory_space<vmem>>
      %scatter3A_874 = tpu.memref_squeeze %scatter3A_873 : memref<1x32x512xf32, #tpu.memory_space<vmem>> -> memref<32x512xf32, #tpu.memory_space<vmem>>
      tpu.vector_store_idx %scatter3A_874[%add3A_6, %and3A_863], %gather3A_869 : memref<32x512xf32, #tpu.memory_space<vmem>>[vector<16xi32>, vector<16xi32>], vector<16xf32>,
      %add3A_875 = arith.addi %add3A_859, %add3A_9 : vector<16xi32>
      %and3A_876 = arith.constant 511 : i32
      %and3A_877 = vector.broadcast %and3A_876 : i32 to vector<16xi32>
      %and3A_878 = arith.andi %add3A_875, %and3A_877 : vector<16xi32>
      %gather3A_879 = arith.constant 1 : i32
      %gather3A_880 = arith.constant 0 : i32
      %gather3A_881 = arith.constant 0 : i32
      %gather3A_882 = tpu.memref_slice %arg7[%gather3A_879, %gather3A_880, %gather3A_881] : memref<2x512x32xf32, #tpu.memory_space<vmem>> -> memref<1x512x32xf32, #tpu.memory_space<vmem>>
      %gather3A_883 = tpu.memref_squeeze %gather3A_882 : memref<1x512x32xf32, #tpu.memory_space<vmem>> -> memref<512x32xf32, #tpu.memory_space<vmem>>
      %gather3A_884 = tpu.vector_load_idx %gather3A_883[%and3A_878, %add3A_9] : memref<512x32xf32, #tpu.memory_space<vmem>>[vector<16xi32>, vector<16xi32>], vector<16xf32>,
      %scatter3A_885 = arith.constant 1 : i32
      %scatter3A_886 = arith.constant 0 : i32
      %scatter3A_887 = arith.constant 0 : i32
      %scatter3A_888 = tpu.memref_slice %arg8[%scatter3A_885, %scatter3A_886, %scatter3A_887] : memref<2x32x512xf32, #tpu.memory_space<vmem>> -> memref<1x32x512xf32, #tpu.memory_space<vmem>>
      %scatter3A_889 = tpu.memref_squeeze %scatter3A_888 : memref<1x32x512xf32, #tpu.memory_space<vmem>> -> memref<32x512xf32, #tpu.memory_space<vmem>>
      tpu.vector_store_idx %scatter3A_889[%add3A_9, %and3A_878], %gather3A_884 : memref<32x512xf32, #tpu.memory_space<vmem>>[vector<16xi32>, vector<16xi32>], vector<16xf32>,
      %add3A_890 = arith.constant 3 : i32
      %add3A_891 = arith.addi %mul3A_789, %add3A_890 : i32
      %add3A_892 = vector.broadcast %add3A_891 : i32 to vector<16xi32>
      %add3A_893 = arith.addi %broadcast_in_dim3A_3, %add3A_892 : vector<16xi32>
      %add3A_894 = arith.addi %add3A_893, %add3A_6 : vector<16xi32>
      %and3A_895 = arith.constant 511 : i32
      %and3A_896 = vector.broadcast %and3A_895 : i32 to vector<16xi32>
      %and3A_897 = arith.andi %add3A_894, %and3A_896 : vector<16xi32>
      %gather3A_898 = arith.constant 1 : i32
      %gather3A_899 = arith.constant 0 : i32
      %gather3A_900 = arith.constant 0 : i32
      %gather3A_901 = tpu.memref_slice %arg7[%gather3A_898, %gather3A_899, %gather3A_900] : memref<2x512x32xf32, #tpu.memory_space<vmem>> -> memref<1x512x32xf32, #tpu.memory_space<vmem>>
      %gather3A_902 = tpu.memref_squeeze %gather3A_901 : memref<1x512x32xf32, #tpu.memory_space<vmem>> -> memref<512x32xf32, #tpu.memory_space<vmem>>
      %gather3A_903 = tpu.vector_load_idx %gather3A_902[%and3A_897, %add3A_6] : memref<512x32xf32, #tpu.memory_space<vmem>>[vector<16xi32>, vector<16xi32>], vector<16xf32>,
      %scatter3A_904 = arith.constant 1 : i32
      %scatter3A_905 = arith.constant 0 : i32
      %scatter3A_906 = arith.constant 0 : i32
      %scatter3A_907 = tpu.memref_slice %arg8[%scatter3A_904, %scatter3A_905, %scatter3A_906] : memref<2x32x512xf32, #tpu.memory_space<vmem>> -> memref<1x32x512xf32, #tpu.memory_space<vmem>>
      %scatter3A_908 = tpu.memref_squeeze %scatter3A_907 : memref<1x32x512xf32, #tpu.memory_space<vmem>> -> memref<32x512xf32, #tpu.memory_space<vmem>>
      tpu.vector_store_idx %scatter3A_908[%add3A_6, %and3A_897], %gather3A_903 : memref<32x512xf32, #tpu.memory_space<vmem>>[vector<16xi32>, vector<16xi32>], vector<16xf32>,
      %add3A_909 = arith.addi %add3A_893, %add3A_9 : vector<16xi32>
      %and3A_910 = arith.constant 511 : i32
      %and3A_911 = vector.broadcast %and3A_910 : i32 to vector<16xi32>
      %and3A_912 = arith.andi %add3A_909, %and3A_911 : vector<16xi32>
      %gather3A_913 = arith.constant 1 : i32
      %gather3A_914 = arith.constant 0 : i32
      %gather3A_915 = arith.constant 0 : i32
      %gather3A_916 = tpu.memref_slice %arg7[%gather3A_913, %gather3A_914, %gather3A_915] : memref<2x512x32xf32, #tpu.memory_space<vmem>> -> memref<1x512x32xf32, #tpu.memory_space<vmem>>
      %gather3A_917 = tpu.memref_squeeze %gather3A_916 : memref<1x512x32xf32, #tpu.memory_space<vmem>> -> memref<512x32xf32, #tpu.memory_space<vmem>>
      %gather3A_918 = tpu.vector_load_idx %gather3A_917[%and3A_912, %add3A_9] : memref<512x32xf32, #tpu.memory_space<vmem>>[vector<16xi32>, vector<16xi32>], vector<16xf32>,
      %scatter3A_919 = arith.constant 1 : i32
      %scatter3A_920 = arith.constant 0 : i32
      %scatter3A_921 = arith.constant 0 : i32
      %scatter3A_922 = tpu.memref_slice %arg8[%scatter3A_919, %scatter3A_920, %scatter3A_921] : memref<2x32x512xf32, #tpu.memory_space<vmem>> -> memref<1x32x512xf32, #tpu.memory_space<vmem>>
      %scatter3A_923 = tpu.memref_squeeze %scatter3A_922 : memref<1x32x512xf32, #tpu.memory_space<vmem>> -> memref<32x512xf32, #tpu.memory_space<vmem>>
      tpu.vector_store_idx %scatter3A_923[%add3A_9, %and3A_912], %gather3A_918 : memref<32x512xf32, #tpu.memory_space<vmem>>[vector<16xi32>, vector<16xi32>], vector<16xf32>,
      %add3A_924 = arith.constant 4 : i32
      %add3A_925 = arith.addi %mul3A_789, %add3A_924 : i32
      %add3A_926 = vector.broadcast %add3A_925 : i32 to vector<16xi32>
      %add3A_927 = arith.addi %broadcast_in_dim3A_3, %add3A_926 : vector<16xi32>
      %add3A_928 = arith.addi %add3A_927, %add3A_6 : vector<16xi32>
      %and3A_929 = arith.constant 511 : i32
      %and3A_930 = vector.broadcast %and3A_929 : i32 to vector<16xi32>
      %and3A_931 = arith.andi %add3A_928, %and3A_930 : vector<16xi32>
      %gather3A_932 = arith.constant 1 : i32
      %gather3A_933 = arith.constant 0 : i32
      %gather3A_934 = arith.constant 0 : i32
      %gather3A_935 = tpu.memref_slice %arg7[%gather3A_932, %gather3A_933, %gather3A_934] : memref<2x512x32xf32, #tpu.memory_space<vmem>> -> memref<1x512x32xf32, #tpu.memory_space<vmem>>
      %gather3A_936 = tpu.memref_squeeze %gather3A_935 : memref<1x512x32xf32, #tpu.memory_space<vmem>> -> memref<512x32xf32, #tpu.memory_space<vmem>>
      %gather3A_937 = tpu.vector_load_idx %gather3A_936[%and3A_931, %add3A_6] : memref<512x32xf32, #tpu.memory_space<vmem>>[vector<16xi32>, vector<16xi32>], vector<16xf32>,
      %scatter3A_938 = arith.constant 1 : i32
      %scatter3A_939 = arith.constant 0 : i32
      %scatter3A_940 = arith.constant 0 : i32
      %scatter3A_941 = tpu.memref_slice %arg8[%scatter3A_938, %scatter3A_939, %scatter3A_940] : memref<2x32x512xf32, #tpu.memory_space<vmem>> -> memref<1x32x512xf32, #tpu.memory_space<vmem>>
      %scatter3A_942 = tpu.memref_squeeze %scatter3A_941 : memref<1x32x512xf32, #tpu.memory_space<vmem>> -> memref<32x512xf32, #tpu.memory_space<vmem>>
      tpu.vector_store_idx %scatter3A_942[%add3A_6, %and3A_931], %gather3A_937 : memref<32x512xf32, #tpu.memory_space<vmem>>[vector<16xi32>, vector<16xi32>], vector<16xf32>,
      %add3A_943 = arith.addi %add3A_927, %add3A_9 : vector<16xi32>
      %and3A_944 = arith.constant 511 : i32
      %and3A_945 = vector.broadcast %and3A_944 : i32 to vector<16xi32>
      %and3A_946 = arith.andi %add3A_943, %and3A_945 : vector<16xi32>
      %gather3A_947 = arith.constant 1 : i32
      %gather3A_948 = arith.constant 0 : i32
      %gather3A_949 = arith.constant 0 : i32
      %gather3A_950 = tpu.memref_slice %arg7[%gather3A_947, %gather3A_948, %gather3A_949] : memref<2x512x32xf32, #tpu.memory_space<vmem>> -> memref<1x512x32xf32, #tpu.memory_space<vmem>>
      %gather3A_951 = tpu.memref_squeeze %gather3A_950 : memref<1x512x32xf32, #tpu.memory_space<vmem>> -> memref<512x32xf32, #tpu.memory_space<vmem>>
      %gather3A_952 = tpu.vector_load_idx %gather3A_951[%and3A_946, %add3A_9] : memref<512x32xf32, #tpu.memory_space<vmem>>[vector<16xi32>, vector<16xi32>], vector<16xf32>,
      %scatter3A_953 = arith.constant 1 : i32
      %scatter3A_954 = arith.constant 0 : i32
      %scatter3A_955 = arith.constant 0 : i32
      %scatter3A_956 = tpu.memref_slice %arg8[%scatter3A_953, %scatter3A_954, %scatter3A_955] : memref<2x32x512xf32, #tpu.memory_space<vmem>> -> memref<1x32x512xf32, #tpu.memory_space<vmem>>
      %scatter3A_957 = tpu.memref_squeeze %scatter3A_956 : memref<1x32x512xf32, #tpu.memory_space<vmem>> -> memref<32x512xf32, #tpu.memory_space<vmem>>
      tpu.vector_store_idx %scatter3A_957[%add3A_9, %and3A_946], %gather3A_952 : memref<32x512xf32, #tpu.memory_space<vmem>>[vector<16xi32>, vector<16xi32>], vector<16xf32>,
      %add3A_958 = arith.constant 5 : i32
      %add3A_959 = arith.addi %mul3A_789, %add3A_958 : i32
      %add3A_960 = vector.broadcast %add3A_959 : i32 to vector<16xi32>
      %add3A_961 = arith.addi %broadcast_in_dim3A_3, %add3A_960 : vector<16xi32>
      %add3A_962 = arith.addi %add3A_961, %add3A_6 : vector<16xi32>
      %and3A_963 = arith.constant 511 : i32
      %and3A_964 = vector.broadcast %and3A_963 : i32 to vector<16xi32>
      %and3A_965 = arith.andi %add3A_962, %and3A_964 : vector<16xi32>
      %gather3A_966 = arith.constant 1 : i32
      %gather3A_967 = arith.constant 0 : i32
      %gather3A_968 = arith.constant 0 : i32
      %gather3A_969 = tpu.memref_slice %arg7[%gather3A_966, %gather3A_967, %gather3A_968] : memref<2x512x32xf32, #tpu.memory_space<vmem>> -> memref<1x512x32xf32, #tpu.memory_space<vmem>>
      %gather3A_970 = tpu.memref_squeeze %gather3A_969 : memref<1x512x32xf32, #tpu.memory_space<vmem>> -> memref<512x32xf32, #tpu.memory_space<vmem>>
      %gather3A_971 = tpu.vector_load_idx %gather3A_970[%and3A_965, %add3A_6] : memref<512x32xf32, #tpu.memory_space<vmem>>[vector<16xi32>, vector<16xi32>], vector<16xf32>,
      %scatter3A_972 = arith.constant 1 : i32
      %scatter3A_973 = arith.constant 0 : i32
      %scatter3A_974 = arith.constant 0 : i32
      %scatter3A_975 = tpu.memref_slice %arg8[%scatter3A_972, %scatter3A_973, %scatter3A_974] : memref<2x32x512xf32, #tpu.memory_space<vmem>> -> memref<1x32x512xf32, #tpu.memory_space<vmem>>
      %scatter3A_976 = tpu.memref_squeeze %scatter3A_975 : memref<1x32x512xf32, #tpu.memory_space<vmem>> -> memref<32x512xf32, #tpu.memory_space<vmem>>
      tpu.vector_store_idx %scatter3A_976[%add3A_6, %and3A_965], %gather3A_971 : memref<32x512xf32, #tpu.memory_space<vmem>>[vector<16xi32>, vector<16xi32>], vector<16xf32>,
      %add3A_977 = arith.addi %add3A_961, %add3A_9 : vector<16xi32>
      %and3A_978 = arith.constant 511 : i32
      %and3A_979 = vector.broadcast %and3A_978 : i32 to vector<16xi32>
      %and3A_980 = arith.andi %add3A_977, %and3A_979 : vector<16xi32>
      %gather3A_981 = arith.constant 1 : i32
      %gather3A_982 = arith.constant 0 : i32
      %gather3A_983 = arith.constant 0 : i32
      %gather3A_984 = tpu.memref_slice %arg7[%gather3A_981, %gather3A_982, %gather3A_983] : memref<2x512x32xf32, #tpu.memory_space<vmem>> -> memref<1x512x32xf32, #tpu.memory_space<vmem>>
      %gather3A_985 = tpu.memref_squeeze %gather3A_984 : memref<1x512x32xf32, #tpu.memory_space<vmem>> -> memref<512x32xf32, #tpu.memory_space<vmem>>
      %gather3A_986 = tpu.vector_load_idx %gather3A_985[%and3A_980, %add3A_9] : memref<512x32xf32, #tpu.memory_space<vmem>>[vector<16xi32>, vector<16xi32>], vector<16xf32>,
      %scatter3A_987 = arith.constant 1 : i32
      %scatter3A_988 = arith.constant 0 : i32
      %scatter3A_989 = arith.constant 0 : i32
      %scatter3A_990 = tpu.memref_slice %arg8[%scatter3A_987, %scatter3A_988, %scatter3A_989] : memref<2x32x512xf32, #tpu.memory_space<vmem>> -> memref<1x32x512xf32, #tpu.memory_space<vmem>>
      %scatter3A_991 = tpu.memref_squeeze %scatter3A_990 : memref<1x32x512xf32, #tpu.memory_space<vmem>> -> memref<32x512xf32, #tpu.memory_space<vmem>>
      tpu.vector_store_idx %scatter3A_991[%add3A_9, %and3A_980], %gather3A_986 : memref<32x512xf32, #tpu.memory_space<vmem>>[vector<16xi32>, vector<16xi32>], vector<16xf32>,
      %add3A_992 = arith.constant 6 : i32
      %add3A_993 = arith.addi %mul3A_789, %add3A_992 : i32
      %add3A_994 = vector.broadcast %add3A_993 : i32 to vector<16xi32>
      %add3A_995 = arith.addi %broadcast_in_dim3A_3, %add3A_994 : vector<16xi32>
      %add3A_996 = arith.addi %add3A_995, %add3A_6 : vector<16xi32>
      %and3A_997 = arith.constant 511 : i32
      %and3A_998 = vector.broadcast %and3A_997 : i32 to vector<16xi32>
      %and3A_999 = arith.andi %add3A_996, %and3A_998 : vector<16xi32>
      %gather3A_1000 = arith.constant 1 : i32
      %gather3A_1001 = arith.constant 0 : i32
      %gather3A_1002 = arith.constant 0 : i32
      %gather3A_1003 = tpu.memref_slice %arg7[%gather3A_1000, %gather3A_1001, %gather3A_1002] : memref<2x512x32xf32, #tpu.memory_space<vmem>> -> memref<1x512x32xf32, #tpu.memory_space<vmem>>
      %gather3A_1004 = tpu.memref_squeeze %gather3A_1003 : memref<1x512x32xf32, #tpu.memory_space<vmem>> -> memref<512x32xf32, #tpu.memory_space<vmem>>
      %gather3A_1005 = tpu.vector_load_idx %gather3A_1004[%and3A_999, %add3A_6] : memref<512x32xf32, #tpu.memory_space<vmem>>[vector<16xi32>, vector<16xi32>], vector<16xf32>,
      %scatter3A_1006 = arith.constant 1 : i32
      %scatter3A_1007 = arith.constant 0 : i32
      %scatter3A_1008 = arith.constant 0 : i32
      %scatter3A_1009 = tpu.memref_slice %arg8[%scatter3A_1006, %scatter3A_1007, %scatter3A_1008] : memref<2x32x512xf32, #tpu.memory_space<vmem>> -> memref<1x32x512xf32, #tpu.memory_space<vmem>>
      %scatter3A_1010 = tpu.memref_squeeze %scatter3A_1009 : memref<1x32x512xf32, #tpu.memory_space<vmem>> -> memref<32x512xf32, #tpu.memory_space<vmem>>
      tpu.vector_store_idx %scatter3A_1010[%add3A_6, %and3A_999], %gather3A_1005 : memref<32x512xf32, #tpu.memory_space<vmem>>[vector<16xi32>, vector<16xi32>], vector<16xf32>,
      %add3A_1011 = arith.addi %add3A_995, %add3A_9 : vector<16xi32>
      %and3A_1012 = arith.constant 511 : i32
      %and3A_1013 = vector.broadcast %and3A_1012 : i32 to vector<16xi32>
      %and3A_1014 = arith.andi %add3A_1011, %and3A_1013 : vector<16xi32>
      %gather3A_1015 = arith.constant 1 : i32
      %gather3A_1016 = arith.constant 0 : i32
      %gather3A_1017 = arith.constant 0 : i32
      %gather3A_1018 = tpu.memref_slice %arg7[%gather3A_1015, %gather3A_1016, %gather3A_1017] : memref<2x512x32xf32, #tpu.memory_space<vmem>> -> memref<1x512x32xf32, #tpu.memory_space<vmem>>
      %gather3A_1019 = tpu.memref_squeeze %gather3A_1018 : memref<1x512x32xf32, #tpu.memory_space<vmem>> -> memref<512x32xf32, #tpu.memory_space<vmem>>
      %gather3A_1020 = tpu.vector_load_idx %gather3A_1019[%and3A_1014, %add3A_9] : memref<512x32xf32, #tpu.memory_space<vmem>>[vector<16xi32>, vector<16xi32>], vector<16xf32>,
      %scatter3A_1021 = arith.constant 1 : i32
      %scatter3A_1022 = arith.constant 0 : i32
      %scatter3A_1023 = arith.constant 0 : i32
      %scatter3A_1024 = tpu.memref_slice %arg8[%scatter3A_1021, %scatter3A_1022, %scatter3A_1023] : memref<2x32x512xf32, #tpu.memory_space<vmem>> -> memref<1x32x512xf32, #tpu.memory_space<vmem>>
      %scatter3A_1025 = tpu.memref_squeeze %scatter3A_1024 : memref<1x32x512xf32, #tpu.memory_space<vmem>> -> memref<32x512xf32, #tpu.memory_space<vmem>>
      tpu.vector_store_idx %scatter3A_1025[%add3A_9, %and3A_1014], %gather3A_1020 : memref<32x512xf32, #tpu.memory_space<vmem>>[vector<16xi32>, vector<16xi32>], vector<16xf32>,
      %add3A_1026 = arith.constant 7 : i32
      %add3A_1027 = arith.addi %mul3A_789, %add3A_1026 : i32
      %add3A_1028 = vector.broadcast %add3A_1027 : i32 to vector<16xi32>
      %add3A_1029 = arith.addi %broadcast_in_dim3A_3, %add3A_1028 : vector<16xi32>
      %add3A_1030 = arith.addi %add3A_1029, %add3A_6 : vector<16xi32>
      %and3A_1031 = arith.constant 511 : i32
      %and3A_1032 = vector.broadcast %and3A_1031 : i32 to vector<16xi32>
      %and3A_1033 = arith.andi %add3A_1030, %and3A_1032 : vector<16xi32>
      %gather3A_1034 = arith.constant 1 : i32
      %gather3A_1035 = arith.constant 0 : i32
      %gather3A_1036 = arith.constant 0 : i32
      %gather3A_1037 = tpu.memref_slice %arg7[%gather3A_1034, %gather3A_1035, %gather3A_1036] : memref<2x512x32xf32, #tpu.memory_space<vmem>> -> memref<1x512x32xf32, #tpu.memory_space<vmem>>
      %gather3A_1038 = tpu.memref_squeeze %gather3A_1037 : memref<1x512x32xf32, #tpu.memory_space<vmem>> -> memref<512x32xf32, #tpu.memory_space<vmem>>
      %gather3A_1039 = tpu.vector_load_idx %gather3A_1038[%and3A_1033, %add3A_6] : memref<512x32xf32, #tpu.memory_space<vmem>>[vector<16xi32>, vector<16xi32>], vector<16xf32>,
      %scatter3A_1040 = arith.constant 1 : i32
      %scatter3A_1041 = arith.constant 0 : i32
      %scatter3A_1042 = arith.constant 0 : i32
      %scatter3A_1043 = tpu.memref_slice %arg8[%scatter3A_1040, %scatter3A_1041, %scatter3A_1042] : memref<2x32x512xf32, #tpu.memory_space<vmem>> -> memref<1x32x512xf32, #tpu.memory_space<vmem>>
      %scatter3A_1044 = tpu.memref_squeeze %scatter3A_1043 : memref<1x32x512xf32, #tpu.memory_space<vmem>> -> memref<32x512xf32, #tpu.memory_space<vmem>>
      tpu.vector_store_idx %scatter3A_1044[%add3A_6, %and3A_1033], %gather3A_1039 : memref<32x512xf32, #tpu.memory_space<vmem>>[vector<16xi32>, vector<16xi32>], vector<16xf32>,
      %add3A_1045 = arith.addi %add3A_1029, %add3A_9 : vector<16xi32>
      %and3A_1046 = arith.constant 511 : i32
      %and3A_1047 = vector.broadcast %and3A_1046 : i32 to vector<16xi32>
      %and3A_1048 = arith.andi %add3A_1045, %and3A_1047 : vector<16xi32>
      %gather3A_1049 = arith.constant 1 : i32
      %gather3A_1050 = arith.constant 0 : i32
      %gather3A_1051 = arith.constant 0 : i32
      %gather3A_1052 = tpu.memref_slice %arg7[%gather3A_1049, %gather3A_1050, %gather3A_1051] : memref<2x512x32xf32, #tpu.memory_space<vmem>> -> memref<1x512x32xf32, #tpu.memory_space<vmem>>
      %gather3A_1053 = tpu.memref_squeeze %gather3A_1052 : memref<1x512x32xf32, #tpu.memory_space<vmem>> -> memref<512x32xf32, #tpu.memory_space<vmem>>
      %gather3A_1054 = tpu.vector_load_idx %gather3A_1053[%and3A_1048, %add3A_9] : memref<512x32xf32, #tpu.memory_space<vmem>>[vector<16xi32>, vector<16xi32>], vector<16xf32>,
      %scatter3A_1055 = arith.constant 1 : i32
      %scatter3A_1056 = arith.constant 0 : i32
      %scatter3A_1057 = arith.constant 0 : i32
      %scatter3A_1058 = tpu.memref_slice %arg8[%scatter3A_1055, %scatter3A_1056, %scatter3A_1057] : memref<2x32x512xf32, #tpu.memory_space<vmem>> -> memref<1x32x512xf32, #tpu.memory_space<vmem>>
      %scatter3A_1059 = tpu.memref_squeeze %scatter3A_1058 : memref<1x32x512xf32, #tpu.memory_space<vmem>> -> memref<32x512xf32, #tpu.memory_space<vmem>>
      tpu.vector_store_idx %scatter3A_1059[%add3A_9, %and3A_1048], %gather3A_1054 : memref<32x512xf32, #tpu.memory_space<vmem>>[vector<16xi32>, vector<16xi32>], vector<16xf32>,
    }
    %scan3A_743 = arith.constant 64 : i32
    %dma_start3A_744 = arith.constant 1 : i32
    %dma_start3A_745 = arith.constant 0 : i32
    %dma_start3A_746 = arith.constant 0 : i32
    %dma_start3A_747 = tpu.memref_slice %arg8[%dma_start3A_744, %dma_start3A_745, %dma_start3A_746] : memref<2x32x512xf32, #tpu.memory_space<vmem>> -> memref<1x32x512xf32, #tpu.memory_space<vmem>>
    %dma_start3A_748 = tpu.memref_squeeze %dma_start3A_747 : memref<1x32x512xf32, #tpu.memory_space<vmem>> -> memref<32x512xf32, #tpu.memory_space<vmem>>
    %dma_start3A_749 = arith.constant 1568 : i32
    %dma_start3A_750 = tpu.memref_slice %arg4[%dma_start3A_749, %mul3A_2] : memref<1600x16384xf32, #tpu.memory_space<hbm>> -> memref<32x512xf32, #tpu.memory_space<hbm>>
    %dma_start3A_751 = arith.constant 1568 : i32
    %dma_start3A_752 = tpu.memref_slice %arg4[%dma_start3A_751, %mul3A_2] : memref<1600x16384xf32, #tpu.memory_space<hbm>> -> memref<32x512xf32, #tpu.memory_space<hbm>>
    %dma_start3A_753 = arith.constant 0 : i32
    %dma_start3A_754 = arith.constant 0 : i32
    %dma_start3A_755 = tpu.memref_slice %arg8[%dma_start3A_744, %dma_start3A_753, %dma_start3A_754] : memref<2x32x512xf32, #tpu.memory_space<vmem>> -> memref<1x32x512xf32, #tpu.memory_space<vmem>>
    %dma_start3A_756 = tpu.memref_squeeze %dma_start3A_755 : memref<1x32x512xf32, #tpu.memory_space<vmem>> -> memref<32x512xf32, #tpu.memory_space<vmem>>
    tpu.enqueue_dma source(%dma_start3A_756 : memref<32x512xf32, #tpu.memory_space<vmem>>) target(%dma_start3A_752 : memref<32x512xf32, #tpu.memory_space<hbm>>) target_semaphore(%arg13 : memref<!tpu.dma_semaphore, #tpu.memory_space<semaphore_mem>>)
    %dma_wait3A_757 = arith.constant 0 : i32
    %dma_wait3A_758 = arith.constant 0 : i32
    %dma_wait3A_759 = arith.constant 0 : i32
    %dma_wait3A_760 = tpu.memref_slice %arg8[%dma_wait3A_757, %dma_wait3A_758, %dma_wait3A_759] : memref<2x32x512xf32, #tpu.memory_space<vmem>> -> memref<1x32x512xf32, #tpu.memory_space<vmem>>
    %dma_wait3A_761 = tpu.memref_squeeze %dma_wait3A_760 : memref<1x32x512xf32, #tpu.memory_space<vmem>> -> memref<32x512xf32, #tpu.memory_space<vmem>>
    %dma_wait3A_762 = arith.constant 0 : i32
    %dma_wait3A_763 = arith.constant 0 : i32
    %dma_wait3A_764 = tpu.memref_slice %arg4[%dma_wait3A_762, %dma_wait3A_763] : memref<1600x16384xf32, #tpu.memory_space<hbm>> -> memref<32x512xf32, #tpu.memory_space<hbm>>
    %dma_wait3A_765 = arith.constant 0 : i32
    %dma_wait3A_766 = arith.constant 0 : i32
    %dma_wait3A_767 = tpu.memref_slice %arg8[%dma_wait3A_757, %dma_wait3A_765, %dma_wait3A_766] : memref<2x32x512xf32, #tpu.memory_space<vmem>> -> memref<1x32x512xf32, #tpu.memory_space<vmem>>
    %dma_wait3A_768 = tpu.memref_squeeze %dma_wait3A_767 : memref<1x32x512xf32, #tpu.memory_space<vmem>> -> memref<32x512xf32, #tpu.memory_space<vmem>>
    %dma_wait3A_769 = arith.constant 0 : i32
    %dma_wait3A_770 = arith.constant 0 : i32
    %dma_wait3A_771 = tpu.memref_slice %arg4[%dma_wait3A_769, %dma_wait3A_770] : memref<1600x16384xf32, #tpu.memory_space<hbm>> -> memref<32x512xf32, #tpu.memory_space<hbm>>
    tpu.wait_dma2 semaphore(%arg12 : memref<!tpu.dma_semaphore, #tpu.memory_space<semaphore_mem>>) src(%dma_wait3A_771 : memref<32x512xf32, #tpu.memory_space<hbm>>) dst(%dma_wait3A_768 : memref<32x512xf32, #tpu.memory_space<vmem>>)
    %dma_wait3A_772 = arith.constant 1 : i32
    %dma_wait3A_773 = arith.constant 0 : i32
    %dma_wait3A_774 = arith.constant 0 : i32
    %dma_wait3A_775 = tpu.memref_slice %arg8[%dma_wait3A_772, %dma_wait3A_773, %dma_wait3A_774] : memref<2x32x512xf32, #tpu.memory_space<vmem>> -> memref<1x32x512xf32, #tpu.memory_space<vmem>>
    %dma_wait3A_776 = tpu.memref_squeeze %dma_wait3A_775 : memref<1x32x512xf32, #tpu.memory_space<vmem>> -> memref<32x512xf32, #tpu.memory_space<vmem>>
    %dma_wait3A_777 = arith.constant 0 : i32
    %dma_wait3A_778 = arith.constant 0 : i32
    %dma_wait3A_779 = tpu.memref_slice %arg4[%dma_wait3A_777, %dma_wait3A_778] : memref<1600x16384xf32, #tpu.memory_space<hbm>> -> memref<32x512xf32, #tpu.memory_space<hbm>>
    %dma_wait3A_780 = arith.constant 0 : i32
    %dma_wait3A_781 = arith.constant 0 : i32
    %dma_wait3A_782 = tpu.memref_slice %arg8[%dma_wait3A_772, %dma_wait3A_780, %dma_wait3A_781] : memref<2x32x512xf32, #tpu.memory_space<vmem>> -> memref<1x32x512xf32, #tpu.memory_space<vmem>>
    %dma_wait3A_783 = tpu.memref_squeeze %dma_wait3A_782 : memref<1x32x512xf32, #tpu.memory_space<vmem>> -> memref<32x512xf32, #tpu.memory_space<vmem>>
    %dma_wait3A_784 = arith.constant 0 : i32
    %dma_wait3A_785 = arith.constant 0 : i32
    %dma_wait3A_786 = tpu.memref_slice %arg4[%dma_wait3A_784, %dma_wait3A_785] : memref<1600x16384xf32, #tpu.memory_space<hbm>> -> memref<32x512xf32, #tpu.memory_space<hbm>>
    tpu.wait_dma2 semaphore(%arg13 : memref<!tpu.dma_semaphore, #tpu.memory_space<semaphore_mem>>) src(%dma_wait3A_786 : memref<32x512xf32, #tpu.memory_space<hbm>>) dst(%dma_wait3A_783 : memref<32x512xf32, #tpu.memory_space<vmem>>)
    return
  }
}

</mosaic_0001>

<sc_bundles>
// kernel: kernel.3.cloned.1.call-start
scs
__scs_entry_jumppad:
0x0: {  	(pc) =	sbr.rel $0x88, $3  }
0x1: {  	(tag) =	ssettag $0x0;
	lr =	simm.s32 $0x1  }
0x2: {  	[smem:$0x3F9F] =	sst lr;
	_ =	strace $0xD0000000  }
0x3: {  	_ = 	snop  }
0x4: {  	_ = 	snop  }
0x5: {  	_ = 	snop  }
0x6: {  	_ = 	snop  }
0x7: {  	_ = 	snop  }
__scs_overlays_trampoline_lowered:
0x8: {  	[smem:$0x3FAE] =	sst s0  }
0x9: {  	[smem:$0x3FAF] =	sst s1  }
0xa: {  	[smem:$0x3FB0] =	sst s2  }
0xb: {  	[smem:$0x3FB1] =	sst s3  }
0xc: {  	[smem:$0x3FB2] =	sst s4  }
0xd: {  	[smem:$0x3FB3] =	sst s5  }
0xe: {  	[smem:$0x3FB4] =	sst s6  }
0xf: {  	[smem:$0x3FB5] =	sst s7  }
0x10: {  	[smem:$0x3FB6] =	sst s8  }
0x11: {  	[smem:$0x3FB7] =	sst s9;
	s0 =	simm.s32 @!p0 $0x0  }
0x12: {  	s1 =	sld [smem:$0x3F9D];
	s0 =	simm.s32 @p0 $0x1  }
0x13: {  	[smem:$0x3FB8] =	sst s0;
	s0 =	simm.s32 @!p1 $0x0  }
0x14: {  	s2 =	sld [smem:$0x3F9C];
	s0 =	simm.s32 @p1 $0x1  }
0x15: {  	[smem:$0x3FB9] =	sst s0;
	s0 =	simm.s32 @!p2 $0x0  }
0x16: {  	s3 =	sld [smem:$0x3FDB];
	s0 =	simm.s32 @p2 $0x1  }
0x17: {  	s4 =	simm.s32 $0x1BF5;
	[smem:$0x3FBB] =	sst s0  }
0x18: {  	s0 =	sld [smem:$0x3F9E];
	_ =	swait.ge [sflag:s4], $0x0  }
0x19: {  	s7 =	sld [smem:$0x3F9F]  }
0x1a: {  	s8 =	sadd.s32 $0xFFFFE003, lr  }
0x1b: {  	s9 =	sadd.s32 $0xFFFFFEF7, lr;
	s5 =	simm.s32 $0xFFFFFFFF;
	p2 =	slt.u32 s8, $0xFFFFF086  }
0x1c: {  	p1 =	slt.u32 s9, $0xF7A;
	s5 =	simm.s32 @!p2 $0x0  }
0x1d: {  	s5 =	simm.s32 @p1 $0x1;
	p0 =	seq.s32 s7, s2  }
0x1e: {  	s7 =	smul.u32 @!p0 $0xF7A, s2;
	p2 =	seq.s32 @!p0 s5, $0x0  }
0x1f: {  	s9 =	smul.u32 $0xF7A, s1;
	s8 =	simm.s32 @!p0 $0x1BF5;
	p2 =	por !p2, p0  }
0x20: {  	[sflag:s8] =	ssyncset.s32 @!p0 $0xFFFFF086;
	s6 =	sadd.s32 @!p0 s3, s7;
	s7 =	simm.s32 @!p0 $0x108  }
0x21: {  	s3 =	sadd.s32 s3, s9;
	s6 =	sadd.s32 @!p0 $0x88, s6;
	s7 =	simm.s32 @p2 $0x1082  }
0x22: {  	[simem:s7], [sflag:s8] =	dma.local @!p0 [hbm:s6], $0xF7A  }
0x23: {  	s9 =	sor.u32 $0xD0000000, s2;
	s6 =	simm.s32 $0x108;
	_ =	swait.ge @!p0 [sflag:s8], $0x0  }
0x24: {  	s3 =	sadd.s32 $0x88, s3;
	s6 =	simm.s32 @!p1 $0x1082;
	[sflag:s4] =	ssyncset.s32 $0xFFFFF086  }
0x25: {  	[simem:s6], [sflag:s4] =	dma.local [hbm:s3], $0xF7A  }
0x26: {  	[smem:$0x3F9F] =	sst s1;
	(tag) =	ssettag s2;
	_ =	strace s9  }
0x27: {  	s1 =	sld [smem:$0x3FAF]  }
0x28: {  	s2 =	sld [smem:$0x3FB0]  }
0x29: {  	s4 =	sld [smem:$0x3FB2]  }
0x2a: {  	p0 =	seq.s32 s5, $0x0;
	s5 =	sld [smem:$0x3FB3]  }
0x2b: {  	s6 =	sld [smem:$0x3FB4]  }
0x2c: {  	s7 =	sld [smem:$0x3FB5]  }
0x2d: {  	s3 =	simm.s32 $0x108;
	s8 =	sld [smem:$0x3FB6]  }
0x2e: {  	s3 =	simm.s32 @!p0 $0x1082;
	s9 =	sld [smem:$0x3FB7]  }
0x2f: {  	lr =	sadd.s32 s0, s3;
	s0 =	sld [smem:$0x3FAE]  }
0x30: {  	s3 =	sld [smem:$0x3FB1]  }
0x31: {  	[smem:$0x3FBA] =	sst s10  }
0x32: {  	s10 =	sld [smem:$0x3FB8];
	_ =	sdelay $0x3  }
0x33: {  	p0 =	seq.s32 s10, $0x1;
	s10 =	sld [smem:$0x3FBA];
	_ =	sdelay $0x3  }
0x34: {  	[smem:$0x3FBA] =	sst s10  }
0x35: {  	s10 =	sld [smem:$0x3FB9];
	_ =	sdelay $0x3  }
0x36: {  	p1 =	seq.s32 s10, $0x1;
	s10 =	sld [smem:$0x3FBA];
	_ =	sdelay $0x3  }
0x37: {  	[smem:$0x3FBA] =	sst s10  }
0x38: {  	s10 =	sld [smem:$0x3FBB]  }
0x39: {  	_ = 	snop;
	(pc) =	sbr.ind lr, $3  }
0x3a: {  	_ = 	snop  }
0x3b: {  	_ = 	snop  }
0x3c: {  	p2 =	seq.s32 s10, $0x1;
	s10 =	sld [smem:$0x3FBA]  }
0x3d: {  	_ =	shalt  }
0x3e: {  	_ =	shalt  }
0x3f: {  	_ =	shalt  }
0x40: {  	_ =	shalt  }
0x41: {  	_ =	shalt  }
0x42: {  	_ =	shalt  }
0x43: {  	_ =	shalt  }
0x44: {  	_ =	shalt  }
0x45: {  	_ =	shalt  }
0x46: {  	_ =	shalt  }
0x47: {  	_ =	shalt  }
0x48: {  	_ =	shalt  }
0x49: {  	_ =	shalt  }
0x4a: {  	_ =	shalt  }
0x4b: {  	_ =	shalt  }
0x4c: {  	_ =	shalt  }
0x4d: {  	_ =	shalt  }
0x4e: {  	_ =	shalt  }
0x4f: {  	_ =	shalt  }
0x50: {  	_ =	shalt  }
0x51: {  	_ =	shalt  }
0x52: {  	_ =	shalt  }
0x53: {  	_ =	shalt  }
0x54: {  	_ =	shalt  }
0x55: {  	_ =	shalt  }
0x56: {  	_ =	shalt  }
0x57: {  	_ =	shalt  }
0x58: {  	_ =	shalt  }
0x59: {  	_ =	shalt  }
0x5a: {  	_ =	shalt  }
0x5b: {  	_ =	shalt  }
0x5c: {  	_ =	shalt  }
0x5d: {  	_ =	shalt  }
0x5e: {  	_ =	shalt  }
0x5f: {  	_ =	shalt  }
0x60: {  	_ =	shalt  }
0x61: {  	_ =	shalt  }
0x62: {  	_ =	shalt  }
0x63: {  	_ =	shalt  }
0x64: {  	_ =	shalt  }
0x65: {  	_ =	shalt  }
0x66: {  	_ =	shalt  }
0x67: {  	_ =	shalt  }
0x68: {  	_ =	shalt  }
0x69: {  	_ =	shalt  }
0x6a: {  	_ =	shalt  }
0x6b: {  	_ =	shalt  }
0x6c: {  	_ =	shalt  }
0x6d: {  	_ =	shalt  }
0x6e: {  	_ =	shalt  }
0x6f: {  	_ =	shalt  }
0x70: {  	_ =	shalt  }
0x71: {  	_ =	shalt  }
0x72: {  	_ =	shalt  }
0x73: {  	_ =	shalt  }
0x74: {  	_ =	shalt  }
0x75: {  	_ =	shalt  }
0x76: {  	_ =	shalt  }
0x77: {  	_ =	shalt  }
0x78: {  	_ =	shalt  }
0x79: {  	_ =	shalt  }
0x7a: {  	_ =	shalt  }
0x7b: {  	_ =	shalt  }
0x7c: {  	_ =	shalt  }
0x7d: {  	_ =	shalt  }
0x7e: {  	_ =	shalt  }
0x7f: {  	_ =	shalt  }
0x80: {  	_ =	shalt  }
0x81: {  	_ =	shalt  }
0x82: {  	_ =	shalt  }
0x83: {  	_ =	shalt  }
0x84: {  	_ =	shalt  }
0x85: {  	_ =	shalt  }
0x86: {  	_ =	shalt  }
0x87: {  	_ =	shalt  }
.Lfunc_end0:
.L_simem_size_0:
called_computation.1_lowered:
.L_overlay_start_0:
0x88: {  	s2 =	sld [smem:$0x3FD9]  }
0x89: {  	s3 =	sld [smem:$0x3FFE];
	_ =	sdelay $0x1  }
0x8a: {  	s1 =	srdreg.scid  }
0x8b: {  	s0 =	sand.u32 $0x1, s1  }
0x8c: {  	s17 =	sshll.u32 s0, $0xA;
	s2 =	sadd.s32 s3, s2  }
0x8d: {  	s2 =	sadd.s32 s2, s17  }
0x8e: {  	[smem:$0x3FC6] =	sst s2  }
0x8f: {  	_ = 	snop  }
0x90: {  	s2 =	sld [smem:$0x3FD0];
	(tm) =	ssettm $0x1  }
0x91: {  	s18 =	sld [smem:$0x3FFB];
	_ =	sdelay $0x3  }
0x92: {  	_ =	strace s18  }
0x93: {  	s3 =	sld [smem:$0x3FFC];
	_ =	sdelay $0x3  }
0x94: {  	_ =	strace s3  }
0x95: {  	s3 =	sld [smem:$0x3FFD];
	_ =	sdelay $0x3  }
0x96: {  	_ =	strace s3  }
0x97: {  	_ =	strace $0x8FFFFFFF  }
0x98: {  	s19 =	sld [smem:$0x3FDB];
	_ =	sdelay $0x1  }
0x99: {  	s4 =	simm.s32 $_scs_section_size  }
0x9a: {  	s5 =	simm.s32 $_size__tile_overlayer_lowered;
	s6 =	simm.s32 $_tile_overlayer_lowered  }
0x9b: {  	s22 =	simm.s32 $0x1BFF;
	s21 =	sshll.u32 s6, $0x1;
	s3 =	sadd.s32 s4, s19  }
0x9c: {  	s7 =	simm.s32 $0x0;
	s20 =	sshll.u32 s5, $0x1;
	s5 =	sadd.s32 s21, s3  }
0x9d: {  	[timem:s7], [sflag:s22] =	dma.local [hbm:s5], s20  }
0x9e: {  	_ =	swait.ge [sflag:s22], s20  }
0x9f: {  	s4 =	ssub.s32 $0x0, s20;
	[sflag:s22] =	ssyncset.done $0x0  }
0xa0: {  	[sflag:s22] =	ssyncadd.s32 s4;
	_ =	sdelay $0x1  }
0xa1: {  	s23 =	simm.s32 $0x1B8B  }
0xa2: {  	_ =	swait.ge [sflag:s23], $0x1  }
0xa3: {  	[sflag:s23] =	ssyncset.done $0x0  }
0xa4: {  	s25 =	simm.s32 $0x1B8E;
	s24 =	sld [smem:$0x3FFE];
	[sflag:s23] =	ssyncadd.s32 $0xFFFFFFFF  }
0xa5: {  	s26 =	simm.s32 $execute0_lowered;
	[smem:$0x3FD2] =	sst s25  }
0xa6: {  	s5 =	sshll.u32 s26, $0x1;
	_ =	strace $0x80000049;
	[dreg:$0x1] =	wrdreg $0xFFFFFFFF  }
0xa7: {  	s28 =	simm.s32 $_size_execute0_lowered;
	s3 =	sadd.s32 s3, s5;
	[dreg:$0x0] =	wrdreg $0x0  }
0xa8: {  	s5 =	sshll.u32 s28, $0x1;
	[dreg:$0x2] =	wrdreg s3  }
0xa9: {  	[dreg:$0x3] =	wrdreg s5  }
0xaa: {  	[dreg:$0x4] =	wrdreg $0xC0  }
0xab: {  	_ =	task [dreg:s7], $0x5FFFF  }
0xac: {  	[dreg:$0x1] =	wrdreg $0xFFFFFFFF  }
0xad: {  	[dreg:$0x0] =	wrdreg $0x60  }
0xae: {  	[dreg:$0x2] =	wrdreg s2  }
0xaf: {  	[dreg:$0x3] =	wrdreg s24  }
0xb0: {  	[dreg:$0x4] =	wrdreg $0x9  }
0xb1: {  	_ =	task.clear_ibuf [dreg:s7], $0x5FFFF;
	_ =	strace $0x90000049  }
0xb2: {  	s29 =	simm.s32 $0x9;
	_ =	strace $0x8000004B  }
0xb3: {  	_ =	swait.ge [sflag:s29], $0x1  }
0xb4: {  	[sflag:s29] =	ssyncadd.s32 $0xFFFFFFFF  }
0xb5: {  	_ =	strace $0x9000004B  }
0xb6: {  	_ =	sfence  }
0xb7: {  	s30 =	sld [smem:$0x0];
	_ =	sdelay $0x2  }
0xb8: {  	s31 =	sshll.u32 s1, $0xD;
	s1 =	sshrl.u32 s1, $0x2  }
0xb9: {  	s3 =	sand.u32 $0x4000, s31;
	s1 =	sadd.s32 s1, s30  }
0xba: {  	s0 =	sor.u32 s3, s0;
	s1 =	sshll.u32 s1, $0x11  }
0xbb: {  	s0 =	sor.u32 s1, s0  }
0xbc: {  	s0 =	sadd.s32 $0x8F2B, s0  }
0xbd: {  	[sflag:s0] =	ssyncadd.remote.s32 $0x1  }
0xbe: {  	_ =	sfence.sel $0xFFFF  }
0xbf: {  	[dreg:$0x0] =	wrdreg $0xFFFFFFFF;
	(pc) =	sbr.abs _section_cstart, $3  }
0xc0: {  	[dreg:$0x1] =	wrdreg $0xFFFFFFFF  }
0xc1: {  	_ =	task.clear_ibuf [dreg:s7], $0x2FFFF;
	_ =	strace $0x9FFFFFFF  }
0xc2: {  	(tm) =	ssettm $0x7FFFFFFF  }
0xc3: {  	_ =	shalt  }
tec
execute0_lowered:
.L_overlay_start_1:
0x0: {  	(tag) =	ssettag $0x1  }
0x1: {  	v0 =	vlaneseq.u32  }
0x2: {  	v32 =	vimm.s32 $0x1E07;
	vm0 =	vcmask $0x300;
	vm1 =	vcmask $0x704  }
0x3: {  	v33 =	vimm.s32 $0x3E07;
	vm2 =	vcmask $0xB08;
	vm4 =	vcmask $0xF0C  }
0x4: {  	vm5 =	vcmask $0x1310;
	vm6 =	vcmask $0x1714;
	vm7 =	vcmask $0x1B18  }
0x5: {  	vm8 =	vcmask $0x1F1C;
	vm9 =	vcmask $0x2320;
	vm10 =	vcmask $0x2724  }
0x6: {  	vm11 =	vcmask $0x2B28;
	vm12 =	vcmask $0x2F2C;
	vm13 =	vcmask $0x3330  }
0x7: {  	vm14 =	vcmask $0x3734;
	vm15 =	vcmask $0x3B38;
	v1 =	vmul.u32 $0x38, v0  }
0x8: {  	v32 =	vsel vm0, $0x0, v32;
	v33 =	vsel vm0, $0x2000, v33;
	v35 =	vor.u32 $0x10, v0  }
0x9: {  	v32 =	vsel vm1, $0x201, v32;
	v33 =	vsel vm1, $0x2201, v33;
	v2 =	vadd.s32 $0x380, v1  }
0xa: {  	v3 =	vadd.s32 $0x700, v1;
	v4 =	vadd.s32 $0xA80, v1;
	v5 =	vadd.s32 $0xE00, v1  }
0xb: {  	v6 =	vadd.s32 $0x1180, v1;
	v7 =	vadd.s32 $0x1500, v1;
	v8 =	vadd.s32 $0x1880, v1  }
0xc: {  	v9 =	vor.u32 $0x1C00, v1;
	v10 =	vadd.s32 $0x1F80, v1;
	v11 =	vadd.s32 $0x2300, v1  }
0xd: {  	v12 =	vadd.s32 $0x2680, v1;
	v13 =	vadd.s32 $0x2A00, v1;
	v14 =	vadd.s32 $0x2D80, v1  }
0xe: {  	v15 =	vadd.s32 $0x3100, v1;
	v16 =	vadd.s32 $0x3480, v1;
	v17 =	vor.u32 $0x3800, v1  }
0xf: {  	v18 =	vadd.s32 $0x3B80, v1;
	v19 =	vadd.s32 $0x3F00, v1;
	v20 =	vadd.s32 $0x4280, v1  }
0x10: {  	v21 =	vadd.s32 $0x4600, v1;
	v22 =	vadd.s32 $0x4980, v1;
	v23 =	vadd.s32 $0x4D00, v1  }
0x11: {  	v24 =	vadd.s32 $0x5080, v1;
	v25 =	vor.u32 $0x5400, v1;
	v26 =	vadd.s32 $0x5780, v1  }
0x12: {  	v27 =	vadd.s32 $0x5B00, v1;
	v28 =	vadd.s32 $0x5E80, v1;
	v29 =	vadd.s32 $0x6200, v1  }
0x13: {  	v30 =	vadd.s32 $0x6580, v1;
	v31 =	vadd.s32 $0x6900, v1;
	v32 =	vsel vm2, $0x402, v32  }
0x14: {  	v33 =	vsel vm2, $0x2402, v33;
	v38 =	vadd.s32 $0x31, v1;
	v59 =	vadd.s32 $0x3B1, v1  }
0x15: {  	v60 =	vadd.s32 $0x731, v1;
	v61 =	vadd.s32 $0xAB1, v1;
	v62 =	vadd.s32 $0xE31, v1  }
0x16: {  	v63 =	vadd.s32 $0x11B1, v1;
	v44 =	vadd.s32 $0x1531, v1;
	v45 =	vadd.s32 $0x18B1, v1  }
0x17: {  	v46 =	vadd.s32 $0x1C31, v1;
	v47 =	vadd.s32 $0x1FB1, v1;
	v48 =	vadd.s32 $0x2331, v1  }
0x18: {  	s6 =	rddreg [dreg:$0x0];
	v49 =	vadd.s32 $0x26B1, v1;
	v50 =	vadd.s32 $0x2A31, v1;
	v51 =	vadd.s32 $0x2DB1, v1  }
0x19: {  	s5 =	rddreg [dreg:$0x1];
	v52 =	vadd.s32 $0x3131, v1;
	v53 =	vadd.s32 $0x34B1, v1;
	v33 =	vsel vm4, $0x2603, v33  }
0x1a: {  	s0 =	rddreg [dreg:$0x2];
	s1 =	simm.s32 $0x0;
	s3 =	srdreg.scid;
	v54 =	vadd.s32 $0x3831, v1;
	v32 =	vsel vm4, $0x603, v32;
	v33 =	vsel vm5, $0x2804, v33  }
0x1b: {  	s2 =	stileid.u32;
	s11 =	simm.s32 $0x200;
	s12 =	simm.s32 $0x7000;
	v55 =	vadd.s32 $0x3BB1, v1;
	v32 =	vsel vm5, $0x804, v32;
	v33 =	vsel vm6, $0x2A05, v33  }
0x1c: {  	s13 =	simm.s32 $0x7400;
	s14 =	simm.s32 $0x7200;
	s15 =	simm.s32 $0xB400;
	v56 =	vadd.s32 $0x3F31, v1;
	v32 =	vsel vm6, $0xA05, v32;
	v33 =	vsel vm7, $0x2C06, v33  }
0x1d: {  	s16 =	simm.s32 $0x2;
	s17 =	simm.s32 $0xF400;
	s18 =	simm.s32 $0x4000;
	v57 =	vadd.s32 $0x42B1, v1;
	v32 =	vsel vm7, $0xC06, v32;
	v33 =	vsel vm8, $0x2E07, v33  }
0x1e: {  	s19 =	simm.s32 $0x3;
	s20 =	simm.s32 $0x13400;
	[smem:$0x7FF] =	sst s1;
	v58 =	vadd.s32 $0x4631, v1;
	v32 =	vsel vm8, $0xE07, v32;
	v33 =	vsel vm9, $0x3000, v33  }
0x1f: {  	s21 =	simm.s32 $0x4;
	s4 =	sand.u32 $0x1, s3;
	_ =	strace $0x8000004A;
	[tilespmem:$0x1FFB0] =	vst v59;
	v59 =	vadd.s32 $0x49B1, v1;
	v32 =	vsel vm9, $0x1000, v32;
	v33 =	vsel vm10, $0x3201, v33  }
0x20: {  	s22 =	simm.s32 $0x5;
	s7 =	sshll.u32 s2, $0xA;
	s8 =	sshll.u32 s4, $0x9;
	[tilespmem:$0x1FFC0] =	vst v60;
	v60 =	vadd.s32 $0x4D31, v1;
	v32 =	vsel vm10, $0x1201, v32;
	v33 =	vsel vm11, $0x3402, v33  }
0x21: {  	s23 =	simm.s32 $0x0;
	s9 =	ssub.s32 $0x2, s4;
	s4 =	sor.u32 s8, s7;
	[tilespmem:$0x1FFD0] =	vst v61;
	v61 =	vadd.s32 $0x50B1, v1;
	v32 =	vsel vm11, $0x1402, v32;
	v33 =	vsel vm12, $0x3603, v33  }
0x22: {  	s3 =	sadd.s32 $0xA00, s5;
	s31 =	sshrl.u32 s9, $0x1;
	s8 =	smul.u32 $0x7, s4;
	[tilespmem:$0x1FFE0] =	vst v62;
	v62 =	vadd.s32 $0x5431, v1;
	v32 =	vsel vm12, $0x1603, v32;
	v33 =	vsel vm13, $0x3804, v33  }
0x23: {  	s5 =	sadd.s32 $0xF42E00, s5;
	s10 =	sshrl.u32 s4, $0x3;
	s9 =	ssub.s32 s9, s31;
	v34 =	vsel vm13, $0x1804, v32;
	v36 =	vsel vm14, $0x3A05, v33;
	v33 =	vmul.u32 $0x200, v0  }
0x24: {  	[tilespmem:$0x1FFF0] =	vst v63;
	v63 =	vadd.s32 $0x57B1, v1;
	s10 =	sadd.s32 s10, s3;
	s9 =	smax.u32 s9, $0x1;
	s6 =	sadd.s32 s6, s8;
	v32 =	vadd.s32 $0x6C80, v1;
	v34 =	vsel vm14, $0x1A05, v34  }
0x25: {  	[tilespmem:$0x1FFA0] =	vst v38;
	s7 =	sadd.s32 $0x300000, s10;
	s8 =	sadd.s32 $0x310000, s10;
	s10 =	simm.s32 $0x1;
	v34 =	vsel vm15, $0x1C06, v34;
	v36 =	vsel vm15, $0x3C06, v36;
	v37 =	vor.u32 $0x2000, v33  }
.LBB2_1:
0x26: {  	[tilespmem:s1], [sflag:$0x1] =	stream.linear.gather [hbm4b:s6+s1], $0x7000, $0x38;
	[tilespmem:$0x17400] =	vst v63  }
0x27: {  	_ =	swait.ge [sflag:s10], $0x7000  }
0x28: {  	[sflag:s10] =	ssyncset.done $0x0  }
0x29: {  	[sflag:s10] =	ssyncadd.s32 $0xFFFF9000  }
0x2a: {  	v38 =	vld.idx.msk [tilespmem:v1+s1+$0x0], $0xffff;
	_ =	sdelay $0x4  }
0x2b: {  	v38 =	vshll.u32 v38, $0x2  }
0x2c: {  	[tilespmem:$0x7000] =	vst v38  }
0x2d: {  	v38 =	vld.idx.msk [tilespmem:v2+s1+$0x0], $0xffff;
	_ =	sdelay $0x4  }
0x2e: {  	v38 =	vshll.u32 v38, $0x2  }
0x2f: {  	[tilespmem:$0x7010] =	vst v38  }
0x30: {  	v38 =	vld.idx.msk [tilespmem:v3+s1+$0x0], $0xffff;
	_ =	sdelay $0x4  }
0x31: {  	v38 =	vshll.u32 v38, $0x2  }
0x32: {  	[tilespmem:$0x7020] =	vst v38  }
0x33: {  	v38 =	vld.idx.msk [tilespmem:v4+s1+$0x0], $0xffff;
	_ =	sdelay $0x4  }
0x34: {  	v38 =	vshll.u32 v38, $0x2  }
0x35: {  	[tilespmem:$0x7030] =	vst v38  }
0x36: {  	v38 =	vld.idx.msk [tilespmem:v5+s1+$0x0], $0xffff;
	_ =	sdelay $0x4  }
0x37: {  	v38 =	vshll.u32 v38, $0x2  }
0x38: {  	[tilespmem:$0x7040] =	vst v38  }
0x39: {  	v38 =	vld.idx.msk [tilespmem:v6+s1+$0x0], $0xffff;
	_ =	sdelay $0x4  }
0x3a: {  	v38 =	vshll.u32 v38, $0x2  }
0x3b: {  	[tilespmem:$0x7050] =	vst v38  }
0x3c: {  	v38 =	vld.idx.msk [tilespmem:v7+s1+$0x0], $0xffff;
	_ =	sdelay $0x4  }
0x3d: {  	v38 =	vshll.u32 v38, $0x2  }
0x3e: {  	[tilespmem:$0x7060] =	vst v38  }
0x3f: {  	v38 =	vld.idx.msk [tilespmem:v8+s1+$0x0], $0xffff;
	_ =	sdelay $0x4  }
0x40: {  	v38 =	vshll.u32 v38, $0x2  }
0x41: {  	[tilespmem:$0x7070] =	vst v38  }
0x42: {  	v38 =	vld.idx.msk [tilespmem:v9+s1+$0x0], $0xffff;
	_ =	sdelay $0x4  }
0x43: {  	v38 =	vshll.u32 v38, $0x2  }
0x44: {  	[tilespmem:$0x7080] =	vst v38  }
0x45: {  	v38 =	vld.idx.msk [tilespmem:v10+s1+$0x0], $0xffff;
	_ =	sdelay $0x4  }
0x46: {  	v38 =	vshll.u32 v38, $0x2  }
0x47: {  	[tilespmem:$0x7090] =	vst v38  }
0x48: {  	v38 =	vld.idx.msk [tilespmem:v11+s1+$0x0], $0xffff;
	_ =	sdelay $0x4  }
0x49: {  	v38 =	vshll.u32 v38, $0x2  }
0x4a: {  	[tilespmem:$0x70A0] =	vst v38  }
0x4b: {  	v38 =	vld.idx.msk [tilespmem:v12+s1+$0x0], $0xffff;
	_ =	sdelay $0x4  }
0x4c: {  	v38 =	vshll.u32 v38, $0x2  }
0x4d: {  	[tilespmem:$0x70B0] =	vst v38  }
0x4e: {  	v38 =	vld.idx.msk [tilespmem:v13+s1+$0x0], $0xffff;
	_ =	sdelay $0x4  }
0x4f: {  	v38 =	vshll.u32 v38, $0x2  }
0x50: {  	[tilespmem:$0x70C0] =	vst v38  }
0x51: {  	v38 =	vld.idx.msk [tilespmem:v14+s1+$0x0], $0xffff;
	_ =	sdelay $0x4  }
0x52: {  	v38 =	vshll.u32 v38, $0x2  }
0x53: {  	[tilespmem:$0x70D0] =	vst v38  }
0x54: {  	v38 =	vld.idx.msk [tilespmem:v15+s1+$0x0], $0xffff;
	_ =	sdelay $0x4  }
0x55: {  	v38 =	vshll.u32 v38, $0x2  }
0x56: {  	[tilespmem:$0x70E0] =	vst v38  }
0x57: {  	v38 =	vld.idx.msk [tilespmem:v16+s1+$0x0], $0xffff;
	_ =	sdelay $0x4  }
0x58: {  	v38 =	vshll.u32 v38, $0x2  }
0x59: {  	[tilespmem:$0x70F0] =	vst v38  }
0x5a: {  	v38 =	vld.idx.msk [tilespmem:v17+s1+$0x0], $0xffff;
	_ =	sdelay $0x4  }
0x5b: {  	v38 =	vshll.u32 v38, $0x2  }
0x5c: {  	[tilespmem:$0x7100] =	vst v38  }
0x5d: {  	v38 =	vld.idx.msk [tilespmem:v18+s1+$0x0], $0xffff;
	_ =	sdelay $0x4  }
0x5e: {  	v38 =	vshll.u32 v38, $0x2  }
0x5f: {  	[tilespmem:$0x7110] =	vst v38  }
0x60: {  	v38 =	vld.idx.msk [tilespmem:v19+s1+$0x0], $0xffff;
	_ =	sdelay $0x4  }
0x61: {  	v38 =	vshll.u32 v38, $0x2  }
0x62: {  	[tilespmem:$0x7120] =	vst v38  }
0x63: {  	v38 =	vld.idx.msk [tilespmem:v20+s1+$0x0], $0xffff;
	_ =	sdelay $0x4  }
0x64: {  	v38 =	vshll.u32 v38, $0x2  }
0x65: {  	[tilespmem:$0x7130] =	vst v38  }
0x66: {  	v38 =	vld.idx.msk [tilespmem:v21+s1+$0x0], $0xffff;
	_ =	sdelay $0x4  }
0x67: {  	v38 =	vshll.u32 v38, $0x2  }
0x68: {  	[tilespmem:$0x7140] =	vst v38  }
0x69: {  	v38 =	vld.idx.msk [tilespmem:v22+s1+$0x0], $0xffff;
	_ =	sdelay $0x4  }
0x6a: {  	v38 =	vshll.u32 v38, $0x2  }
0x6b: {  	[tilespmem:$0x7150] =	vst v38  }
0x6c: {  	v38 =	vld.idx.msk [tilespmem:v23+s1+$0x0], $0xffff;
	_ =	sdelay $0x4  }
0x6d: {  	v38 =	vshll.u32 v38, $0x2  }
0x6e: {  	[tilespmem:$0x7160] =	vst v38  }
0x6f: {  	v38 =	vld.idx.msk [tilespmem:v24+s1+$0x0], $0xffff;
	_ =	sdelay $0x4  }
0x70: {  	v38 =	vshll.u32 v38, $0x2  }
0x71: {  	[tilespmem:$0x7170] =	vst v38  }
0x72: {  	v38 =	vld.idx.msk [tilespmem:v25+s1+$0x0], $0xffff;
	_ =	sdelay $0x4  }
0x73: {  	v38 =	vshll.u32 v38, $0x2  }
0x74: {  	[tilespmem:$0x7180] =	vst v38  }
0x75: {  	v38 =	vld.idx.msk [tilespmem:v26+s1+$0x0], $0xffff;
	_ =	sdelay $0x4  }
0x76: {  	v38 =	vshll.u32 v38, $0x2  }
0x77: {  	[tilespmem:$0x7190] =	vst v38  }
0x78: {  	v38 =	vld.idx.msk [tilespmem:v27+s1+$0x0], $0xffff;
	_ =	sdelay $0x4  }
0x79: {  	v38 =	vshll.u32 v38, $0x2  }
0x7a: {  	[tilespmem:$0x71A0] =	vst v38  }
0x7b: {  	v38 =	vld.idx.msk [tilespmem:v28+s1+$0x0], $0xffff;
	_ =	sdelay $0x4  }
0x7c: {  	v38 =	vshll.u32 v38, $0x2  }
0x7d: {  	[tilespmem:$0x71B0] =	vst v38  }
0x7e: {  	v38 =	vld.idx.msk [tilespmem:v29+s1+$0x0], $0xffff;
	_ =	sdelay $0x4  }
0x7f: {  	v38 =	vshll.u32 v38, $0x2  }
0x80: {  	[tilespmem:$0x71C0] =	vst v38  }
0x81: {  	v38 =	vld.idx.msk [tilespmem:v30+s1+$0x0], $0xffff;
	_ =	sdelay $0x4  }
0x82: {  	v38 =	vshll.u32 v38, $0x2  }
0x83: {  	[tilespmem:$0x71D0] =	vst v38  }
0x84: {  	v38 =	vld.idx.msk [tilespmem:v31+s1+$0x0], $0xffff;
	_ =	sdelay $0x4  }
0x85: {  	v38 =	vshll.u32 v38, $0x2  }
0x86: {  	[tilespmem:$0x71E0] =	vst v38  }
0x87: {  	v38 =	vld.idx.msk [tilespmem:v32+s1+$0x0], $0xffff;
	_ =	sdelay $0x4  }
0x88: {  	v38 =	vshll.u32 v38, $0x2  }
0x89: {  	s24 =	simm.s32 $0x0;
	[tilespmem:$0x71F0] =	vst v38  }
0x8a: {  	[tilespmem:s13], [sflag:$0x2] =	stream.indirect.gather [hbm4b:s5+s11], $0x20, s12, s11, $0xb8;
	[tilespmem:$0x17400] =	vst v63  }
.LBB2_2:
0x8b: {  	s25 =	sshllo.u32 s24, $0x1  }
0x8c: {  	v38 =	vmov s25  }
0x8d: {  	v38 =	vand.u32 $0x3F, v38  }
0x8e: {  	v39 =	vadd.s32 v1, v38;
	_ =	sdelay $0x4  }
0x8f: {  	v39 =	vld.idx.msk [tilespmem:v39+s1+$0x0], $0xffff;
	_ =	sdelay $0x1  }
0x90: {  	v40 =	vadd.s32 v2, v38;
	_ =	sdelay $0x2  }
0x91: {  	v39 =	vshll.u32 v39, $0x2  }
0x92: {  	[tilespmem:$0x7200] =	vst v39  }
0x93: {  	v39 =	vld.idx.msk [tilespmem:v40+s1+$0x0], $0xffff;
	_ =	sdelay $0x1  }
0x94: {  	v40 =	vadd.s32 v3, v38;
	_ =	sdelay $0x2  }
0x95: {  	v39 =	vshll.u32 v39, $0x2  }
0x96: {  	[tilespmem:$0x7210] =	vst v39  }
0x97: {  	v39 =	vld.idx.msk [tilespmem:v40+s1+$0x0], $0xffff;
	_ =	sdelay $0x1  }
0x98: {  	v40 =	vadd.s32 v4, v38;
	_ =	sdelay $0x2  }
0x99: {  	v39 =	vshll.u32 v39, $0x2  }
0x9a: {  	[tilespmem:$0x7220] =	vst v39  }
0x9b: {  	v39 =	vld.idx.msk [tilespmem:v40+s1+$0x0], $0xffff;
	_ =	sdelay $0x1  }
0x9c: {  	v40 =	vadd.s32 v5, v38;
	_ =	sdelay $0x2  }
0x9d: {  	v39 =	vshll.u32 v39, $0x2  }
0x9e: {  	[tilespmem:$0x7230] =	vst v39  }
0x9f: {  	v39 =	vld.idx.msk [tilespmem:v40+s1+$0x0], $0xffff;
	_ =	sdelay $0x1  }
0xa0: {  	v40 =	vadd.s32 v6, v38;
	_ =	sdelay $0x2  }
0xa1: {  	v39 =	vshll.u32 v39, $0x2  }
0xa2: {  	[tilespmem:$0x7240] =	vst v39  }
0xa3: {  	v39 =	vld.idx.msk [tilespmem:v40+s1+$0x0], $0xffff;
	_ =	sdelay $0x1  }
0xa4: {  	v40 =	vadd.s32 v7, v38;
	_ =	sdelay $0x2  }
0xa5: {  	v39 =	vshll.u32 v39, $0x2  }
0xa6: {  	[tilespmem:$0x7250] =	vst v39  }
0xa7: {  	v39 =	vld.idx.msk [tilespmem:v40+s1+$0x0], $0xffff;
	_ =	sdelay $0x1  }
0xa8: {  	v40 =	vadd.s32 v8, v38;
	_ =	sdelay $0x2  }
0xa9: {  	v39 =	vshll.u32 v39, $0x2  }
0xaa: {  	[tilespmem:$0x7260] =	vst v39  }
0xab: {  	v39 =	vld.idx.msk [tilespmem:v40+s1+$0x0], $0xffff;
	_ =	sdelay $0x1  }
0xac: {  	v40 =	vadd.s32 v9, v38;
	_ =	sdelay $0x2  }
0xad: {  	v39 =	vshll.u32 v39, $0x2  }
0xae: {  	[tilespmem:$0x7270] =	vst v39  }
0xaf: {  	v39 =	vld.idx.msk [tilespmem:v40+s1+$0x0], $0xffff;
	_ =	sdelay $0x1  }
0xb0: {  	v40 =	vadd.s32 v10, v38;
	_ =	sdelay $0x2  }
0xb1: {  	v39 =	vshll.u32 v39, $0x2  }
0xb2: {  	[tilespmem:$0x7280] =	vst v39  }
0xb3: {  	v39 =	vld.idx.msk [tilespmem:v40+s1+$0x0], $0xffff;
	_ =	sdelay $0x1  }
0xb4: {  	v40 =	vadd.s32 v11, v38;
	_ =	sdelay $0x2  }
0xb5: {  	v39 =	vshll.u32 v39, $0x2  }
0xb6: {  	[tilespmem:$0x7290] =	vst v39  }
0xb7: {  	v39 =	vld.idx.msk [tilespmem:v40+s1+$0x0], $0xffff;
	_ =	sdelay $0x1  }
0xb8: {  	v40 =	vadd.s32 v12, v38;
	_ =	sdelay $0x2  }
0xb9: {  	v39 =	vshll.u32 v39, $0x2  }
0xba: {  	[tilespmem:$0x72A0] =	vst v39  }
0xbb: {  	v39 =	vld.idx.msk [tilespmem:v40+s1+$0x0], $0xffff;
	_ =	sdelay $0x1  }
0xbc: {  	v40 =	vadd.s32 v13, v38;
	_ =	sdelay $0x2  }
0xbd: {  	v39 =	vshll.u32 v39, $0x2  }
0xbe: {  	[tilespmem:$0x72B0] =	vst v39  }
0xbf: {  	v39 =	vld.idx.msk [tilespmem:v40+s1+$0x0], $0xffff;
	_ =	sdelay $0x1  }
0xc0: {  	v40 =	vadd.s32 v14, v38;
	_ =	sdelay $0x2  }
0xc1: {  	v39 =	vshll.u32 v39, $0x2  }
0xc2: {  	[tilespmem:$0x72C0] =	vst v39  }
0xc3: {  	v39 =	vld.idx.msk [tilespmem:v40+s1+$0x0], $0xffff;
	_ =	sdelay $0x1  }
0xc4: {  	v40 =	vadd.s32 v15, v38;
	_ =	sdelay $0x2  }
0xc5: {  	v39 =	vshll.u32 v39, $0x2  }
0xc6: {  	[tilespmem:$0x72D0] =	vst v39  }
0xc7: {  	v39 =	vld.idx.msk [tilespmem:v40+s1+$0x0], $0xffff;
	_ =	sdelay $0x1  }
0xc8: {  	v40 =	vadd.s32 v16, v38;
	_ =	sdelay $0x2  }
0xc9: {  	v39 =	vshll.u32 v39, $0x2  }
0xca: {  	[tilespmem:$0x72E0] =	vst v39  }
0xcb: {  	v39 =	vld.idx.msk [tilespmem:v40+s1+$0x0], $0xffff;
	_ =	sdelay $0x1  }
0xcc: {  	v40 =	vadd.s32 v17, v38;
	_ =	sdelay $0x2  }
0xcd: {  	v39 =	vshll.u32 v39, $0x2  }
0xce: {  	[tilespmem:$0x72F0] =	vst v39  }
0xcf: {  	v39 =	vld.idx.msk [tilespmem:v40+s1+$0x0], $0xffff;
	_ =	sdelay $0x1  }
0xd0: {  	v40 =	vadd.s32 v18, v38;
	_ =	sdelay $0x2  }
0xd1: {  	v39 =	vshll.u32 v39, $0x2  }
0xd2: {  	[tilespmem:$0x7300] =	vst v39  }
0xd3: {  	v39 =	vld.idx.msk [tilespmem:v40+s1+$0x0], $0xffff;
	_ =	sdelay $0x1  }
0xd4: {  	v40 =	vadd.s32 v19, v38;
	_ =	sdelay $0x2  }
0xd5: {  	v39 =	vshll.u32 v39, $0x2  }
0xd6: {  	[tilespmem:$0x7310] =	vst v39  }
0xd7: {  	v39 =	vld.idx.msk [tilespmem:v40+s1+$0x0], $0xffff;
	_ =	sdelay $0x1  }
0xd8: {  	v40 =	vadd.s32 v20, v38;
	_ =	sdelay $0x2  }
0xd9: {  	v39 =	vshll.u32 v39, $0x2  }
0xda: {  	[tilespmem:$0x7320] =	vst v39  }
0xdb: {  	v39 =	vld.idx.msk [tilespmem:v40+s1+$0x0], $0xffff;
	_ =	sdelay $0x1  }
0xdc: {  	v40 =	vadd.s32 v21, v38;
	_ =	sdelay $0x2  }
0xdd: {  	v39 =	vshll.u32 v39, $0x2  }
0xde: {  	[tilespmem:$0x7330] =	vst v39  }
0xdf: {  	v39 =	vld.idx.msk [tilespmem:v40+s1+$0x0], $0xffff;
	_ =	sdelay $0x1  }
0xe0: {  	v40 =	vadd.s32 v22, v38;
	_ =	sdelay $0x2  }
0xe1: {  	v39 =	vshll.u32 v39, $0x2  }
0xe2: {  	[tilespmem:$0x7340] =	vst v39  }
0xe3: {  	v39 =	vld.idx.msk [tilespmem:v40+s1+$0x0], $0xffff;
	_ =	sdelay $0x1  }
0xe4: {  	v40 =	vadd.s32 v23, v38;
	_ =	sdelay $0x2  }
0xe5: {  	v39 =	vshll.u32 v39, $0x2  }
0xe6: {  	[tilespmem:$0x7350] =	vst v39  }
0xe7: {  	v39 =	vld.idx.msk [tilespmem:v40+s1+$0x0], $0xffff;
	_ =	sdelay $0x1  }
0xe8: {  	v40 =	vadd.s32 v24, v38;
	_ =	sdelay $0x2  }
0xe9: {  	v39 =	vshll.u32 v39, $0x2  }
0xea: {  	[tilespmem:$0x7360] =	vst v39  }
0xeb: {  	v39 =	vld.idx.msk [tilespmem:v40+s1+$0x0], $0xffff;
	_ =	sdelay $0x1  }
0xec: {  	v40 =	vadd.s32 v25, v38;
	_ =	sdelay $0x2  }
0xed: {  	v39 =	vshll.u32 v39, $0x2  }
0xee: {  	[tilespmem:$0x7370] =	vst v39  }
0xef: {  	v39 =	vld.idx.msk [tilespmem:v40+s1+$0x0], $0xffff;
	_ =	sdelay $0x1  }
0xf0: {  	v40 =	vadd.s32 v26, v38;
	_ =	sdelay $0x2  }
0xf1: {  	v39 =	vshll.u32 v39, $0x2  }
0xf2: {  	[tilespmem:$0x7380] =	vst v39  }
0xf3: {  	v39 =	vld.idx.msk [tilespmem:v40+s1+$0x0], $0xffff;
	_ =	sdelay $0x1  }
0xf4: {  	v40 =	vadd.s32 v27, v38;
	_ =	sdelay $0x2  }
0xf5: {  	v39 =	vshll.u32 v39, $0x2  }
0xf6: {  	[tilespmem:$0x7390] =	vst v39  }
0xf7: {  	v39 =	vld.idx.msk [tilespmem:v40+s1+$0x0], $0xffff;
	_ =	sdelay $0x1  }
0xf8: {  	v40 =	vadd.s32 v28, v38;
	_ =	sdelay $0x2  }
0xf9: {  	v39 =	vshll.u32 v39, $0x2  }
0xfa: {  	[tilespmem:$0x73A0] =	vst v39  }
0xfb: {  	v39 =	vld.idx.msk [tilespmem:v40+s1+$0x0], $0xffff;
	_ =	sdelay $0x1  }
0xfc: {  	v40 =	vadd.s32 v29, v38;
	_ =	sdelay $0x2  }
0xfd: {  	v39 =	vshll.u32 v39, $0x2  }
0xfe: {  	[tilespmem:$0x73B0] =	vst v39  }
0xff: {  	v39 =	vld.idx.msk [tilespmem:v40+s1+$0x0], $0xffff;
	_ =	sdelay $0x1  }
0x100: {  	v40 =	vadd.s32 v30, v38;
	_ =	sdelay $0x2  }
0x101: {  	v39 =	vshll.u32 v39, $0x2  }
0x102: {  	[tilespmem:$0x73C0] =	vst v39  }
0x103: {  	v39 =	vld.idx.msk [tilespmem:v40+s1+$0x0], $0xffff;
	_ =	sdelay $0x1  }
0x104: {  	v40 =	vadd.s32 v31, v38;
	_ =	sdelay $0x2  }
0x105: {  	v39 =	vshll.u32 v39, $0x2  }
0x106: {  	[tilespmem:$0x73D0] =	vst v39  }
0x107: {  	v39 =	vld.idx.msk [tilespmem:v40+s1+$0x0], $0xffff;
	_ =	sdelay $0x1  }
0x108: {  	v38 =	vadd.s32 v32, v38;
	_ =	sdelay $0x2  }
0x109: {  	v39 =	vshll.u32 v39, $0x2  }
0x10a: {  	[tilespmem:$0x73E0] =	vst v39  }
0x10b: {  	v38 =	vld.idx.msk [tilespmem:v38+s1+$0x0], $0xffff;
	_ =	sdelay $0x4  }
0x10c: {  	s26 =	simm.s32 $0x0;
	v38 =	vshll.u32 v38, $0x2  }
0x10d: {  	[tilespmem:$0x73F0] =	vst v38;
	v38 =	vadd.s32 s26, v0  }
0x10e: {  	[tilespmem:s15], [sflag:$0x3] =	stream.indirect.gather [hbm4b:s5+s11], $0x20, s14, s11, $0xb8;
	v42 =	vshll.u32 v38, $0x5;
	[tilespmem:$0x17400] =	vst v63  }
0x10f: {  	_ =	swait.ge [sflag:s16], $0x4000;
	v39 =	vand.u32 $0x3FE0, v42  }
0x110: {  	p0 =	seq.s32 s24, $0x0;
	[sflag:s16] =	ssyncset.done $0x0;
	v39 =	vor.u32 v0, v39  }
0x111: {  	s28 =	simm.s32 @!p0 $0x4;
	[sflag:s16] =	ssyncadd.s32 $0xFFFFC000  }
0x112: {  	_ =	swait.ge @!p0 [sflag:s28], $0x4000  }
0x113: {  	v40 =	vadd.s32 s26, v35;
	[sflag:s28] =	ssyncset.done @!p0 $0x0  }
0x114: {  	v41 =	vshll.u32 v40, $0x5;
	v38 =	vand.u32 $0x1F8, v38;
	[sflag:s28] =	ssyncadd.s32 @!p0 $0xFFFFC000  }
0x115: {  	v41 =	vand.u32 $0x3FE0, v41;
	v38 =	vor.u32 v34, v38;
	v39 =	vld.idx.msk [tilespmem:v39+s13+$0x0], $0xffff  }
0x116: {  	v41 =	vor.u32 v35, v41;
	_ =	sdelay $0x1  }
0x117: {  	s31 =	simm.s32 $0x1  }
0x118: {  	v42 =	vadd.s32 s31, v0  }
0x119: {  	[tilespmem:v38+s17+$0x0] =	vst.idx.msk $0xffff, v39;
	v38 =	vand.u32 $0x1F8, v40;
	v39 =	vshll.u32 v42, $0x5  }
0x11a: {  	v40 =	vld.idx.msk [tilespmem:v41+s13+$0x0], $0xffff;
	v38 =	vor.u32 v36, v38;
	v39 =	vand.u32 $0x3FE0, v39  }
0x11b: {  	v39 =	vor.u32 v0, v39;
	_ =	sdelay $0x2  }
0x11c: {  	v41 =	vadd.s32 s31, v35  }
0x11d: {  	[tilespmem:v38+s17+$0x0] =	vst.idx.msk $0xffff, v40;
	v38 =	vand.u32 $0x1FF, v42;
	v40 =	vshll.u32 v41, $0x5  }
0x11e: {  	v39 =	vld.idx.msk [tilespmem:v39+s13+$0x0], $0xffff;
	v38 =	vor.u32 v33, v38;
	v40 =	vand.u32 $0x3FE0, v40  }
0x11f: {  	v40 =	vor.u32 v35, v40;
	_ =	sdelay $0x1  }
0x120: {  	s31 =	simm.s32 $0x2  }
0x121: {  	v42 =	vadd.s32 s31, v0  }
0x122: {  	[tilespmem:v38+s17+$0x0] =	vst.idx.msk $0xffff, v39;
	v38 =	vand.u32 $0x1FF, v41;
	v39 =	vshll.u32 v42, $0x5  }
0x123: {  	v40 =	vld.idx.msk [tilespmem:v40+s13+$0x0], $0xffff;
	v38 =	vor.u32 v37, v38;
	v39 =	vand.u32 $0x3FE0, v39  }
0x124: {  	v39 =	vor.u32 v0, v39;
	_ =	sdelay $0x2  }
0x125: {  	v41 =	vadd.s32 s31, v35  }
0x126: {  	[tilespmem:v38+s17+$0x0] =	vst.idx.msk $0xffff, v40;
	v38 =	vand.u32 $0x1FF, v42;
	v40 =	vshll.u32 v41, $0x5  }
0x127: {  	v39 =	vld.idx.msk [tilespmem:v39+s13+$0x0], $0xffff;
	v38 =	vor.u32 v33, v38;
	v40 =	vand.u32 $0x3FE0, v40  }
0x128: {  	v40 =	vor.u32 v35, v40;
	_ =	sdelay $0x1  }
0x129: {  	s31 =	simm.s32 $0x3  }
0x12a: {  	v42 =	vadd.s32 s31, v0  }
0x12b: {  	[tilespmem:v38+s17+$0x0] =	vst.idx.msk $0xffff, v39;
	v38 =	vand.u32 $0x1FF, v41;
	v39 =	vshll.u32 v42, $0x5  }
0x12c: {  	v40 =	vld.idx.msk [tilespmem:v40+s13+$0x0], $0xffff;
	v38 =	vor.u32 v37, v38;
	v39 =	vand.u32 $0x3FE0, v39  }
0x12d: {  	v39 =	vor.u32 v0, v39;
	_ =	sdelay $0x2  }
0x12e: {  	v41 =	vadd.s32 s31, v35  }
0x12f: {  	[tilespmem:v38+s17+$0x0] =	vst.idx.msk $0xffff, v40;
	v38 =	vand.u32 $0x1FF, v42;
	v40 =	vshll.u32 v41, $0x5  }
0x130: {  	v39 =	vld.idx.msk [tilespmem:v39+s13+$0x0], $0xffff;
	v38 =	vor.u32 v33, v38;
	v40 =	vand.u32 $0x3FE0, v40  }
0x131: {  	v40 =	vor.u32 v35, v40;
	_ =	sdelay $0x1  }
0x132: {  	s31 =	simm.s32 $0x4  }
0x133: {  	v42 =	vadd.s32 s31, v0  }
0x134: {  	[tilespmem:v38+s17+$0x0] =	vst.idx.msk $0xffff, v39;
	v38 =	vand.u32 $0x1FF, v41;
	v39 =	vshll.u32 v42, $0x5  }
0x135: {  	v40 =	vld.idx.msk [tilespmem:v40+s13+$0x0], $0xffff;
	v38 =	vor.u32 v37, v38;
	v39 =	vand.u32 $0x3FE0, v39  }
0x136: {  	v39 =	vor.u32 v0, v39;
	_ =	sdelay $0x2  }
0x137: {  	v41 =	vadd.s32 s31, v35  }
0x138: {  	[tilespmem:v38+s17+$0x0] =	vst.idx.msk $0xffff, v40;
	v38 =	vand.u32 $0x1FF, v42;
	v40 =	vshll.u32 v41, $0x5  }
0x139: {  	v39 =	vld.idx.msk [tilespmem:v39+s13+$0x0], $0xffff;
	v38 =	vor.u32 v33, v38;
	v40 =	vand.u32 $0x3FE0, v40  }
0x13a: {  	v40 =	vor.u32 v35, v40;
	_ =	sdelay $0x1  }
0x13b: {  	s31 =	simm.s32 $0x5  }
0x13c: {  	v42 =	vadd.s32 s31, v0  }
0x13d: {  	[tilespmem:v38+s17+$0x0] =	vst.idx.msk $0xffff, v39;
	v38 =	vand.u32 $0x1FF, v41;
	v39 =	vshll.u32 v42, $0x5  }
0x13e: {  	v40 =	vld.idx.msk [tilespmem:v40+s13+$0x0], $0xffff;
	v38 =	vor.u32 v37, v38;
	v39 =	vand.u32 $0x3FE0, v39  }
0x13f: {  	v39 =	vor.u32 v0, v39;
	_ =	sdelay $0x2  }
0x140: {  	v41 =	vadd.s32 s31, v35  }
0x141: {  	[tilespmem:v38+s17+$0x0] =	vst.idx.msk $0xffff, v40;
	v38 =	vand.u32 $0x1FF, v42;
	v40 =	vshll.u32 v41, $0x5  }
0x142: {  	v39 =	vld.idx.msk [tilespmem:v39+s13+$0x0], $0xffff;
	v38 =	vor.u32 v33, v38;
	v40 =	vand.u32 $0x3FE0, v40  }
0x143: {  	v40 =	vor.u32 v35, v40;
	_ =	sdelay $0x1  }
0x144: {  	s31 =	simm.s32 $0x6  }
0x145: {  	v42 =	vadd.s32 s31, v0  }
0x146: {  	[tilespmem:v38+s17+$0x0] =	vst.idx.msk $0xffff, v39;
	v38 =	vand.u32 $0x1FF, v41;
	v39 =	vshll.u32 v42, $0x5  }
0x147: {  	v40 =	vld.idx.msk [tilespmem:v40+s13+$0x0], $0xffff;
	v38 =	vor.u32 v37, v38;
	v39 =	vand.u32 $0x3FE0, v39  }
0x148: {  	v39 =	vor.u32 v0, v39;
	_ =	sdelay $0x2  }
0x149: {  	v41 =	vadd.s32 s31, v35  }
0x14a: {  	[tilespmem:v38+s17+$0x0] =	vst.idx.msk $0xffff, v40;
	v38 =	vand.u32 $0x1FF, v42;
	v40 =	vshll.u32 v41, $0x5  }
0x14b: {  	v39 =	vld.idx.msk [tilespmem:v39+s13+$0x0], $0xffff;
	v38 =	vor.u32 v33, v38;
	v40 =	vand.u32 $0x3FE0, v40  }
0x14c: {  	v40 =	vor.u32 v35, v40;
	_ =	sdelay $0x1  }
0x14d: {  	s31 =	simm.s32 $0x7  }
0x14e: {  	v42 =	vadd.s32 s31, v0  }
0x14f: {  	[tilespmem:v38+s17+$0x0] =	vst.idx.msk $0xffff, v39;
	v38 =	vand.u32 $0x1FF, v41;
	v39 =	vshll.u32 v42, $0x5  }
0x150: {  	v40 =	vld.idx.msk [tilespmem:v40+s13+$0x0], $0xffff;
	v41 =	vor.u32 v37, v38;
	v43 =	vand.u32 $0x3FE0, v39  }
0x151: {  	v39 =	vor.u32 v0, v43;
	_ =	sdelay $0x2  }
0x152: {  	v38 =	vadd.s32 s31, v35  }
0x153: {  	v43 =	vshll.u32 v38, $0x5;
	[tilespmem:v41+s17+$0x0] =	vst.idx.msk $0xffff, v40;
	v40 =	vand.u32 $0x1FF, v42  }
0x154: {  	v42 =	vand.u32 $0x3FE0, v43;
	v39 =	vld.idx.msk [tilespmem:v39+s13+$0x0], $0xffff;
	v41 =	vor.u32 v33, v40  }
0x155: {  	v40 =	vor.u32 v35, v42;
	_ =	sdelay $0x1  }
0x156: {  	s30 =	simm.s32 $0x8  }
0x157: {  	s29 =	simm.s32 $0x17;
	s26 =	sshll.u32 s24, $0x1;
	s28 =	simm.s32 $0xF  }
.LBB2_3:
0x158: {  	p1 =	sne.s32 s29, $0x1FF;
	v42 =	vadd.s32 s30, v0;
	[tilespmem:v41+s17+$0x0] =	vst.idx.msk $0xffff, v39  }
0x159: {  	v38 =	vand.u32 $0x1FF, v38;
	v39 =	vshll.u32 v42, $0x5;
	v40 =	vld.idx.msk [tilespmem:v40+s13+$0x0], $0xffff  }
0x15a: {  	v38 =	vor.u32 v37, v38;
	v39 =	vand.u32 $0x3FE0, v39  }
0x15b: {  	v39 =	vor.u32 v0, v39;
	_ =	sdelay $0x3  }
0x15c: {  	v41 =	vadd.s32 s30, v35;
	[tilespmem:v38+s17+$0x0] =	vst.idx.msk $0xffff, v40  }
0x15d: {  	v40 =	vshll.u32 v41, $0x5;
	v38 =	vld.idx.msk [tilespmem:v39+s13+$0x0], $0xffff;
	v39 =	vand.u32 $0x1F8, v42  }
0x15e: {  	v40 =	vand.u32 $0x3FE0, v40;
	v39 =	vor.u32 v34, v39  }
0x15f: {  	v40 =	vor.u32 v35, v40;
	_ =	sdelay $0x2  }
0x160: {  	s30 =	sadd.s32 $0xFFFFFFFA, s28  }
0x161: {  	[tilespmem:v39+s17+$0x0] =	vst.idx.msk $0xffff, v38;
	v38 =	vadd.s32 s30, v0  }
0x162: {  	v39 =	vld.idx.msk [tilespmem:v40+s13+$0x0], $0xffff;
	v40 =	vand.u32 $0x1F8, v41;
	v41 =	vshll.u32 v38, $0x5  }
0x163: {  	v40 =	vor.u32 v36, v40;
	v41 =	vand.u32 $0x3FE0, v41  }
0x164: {  	v41 =	vor.u32 v0, v41;
	_ =	sdelay $0x3  }
0x165: {  	[tilespmem:v40+s17+$0x0] =	vst.idx.msk $0xffff, v39;
	v39 =	vadd.s32 s30, v35  }
0x166: {  	v38 =	vand.u32 $0x1FF, v38;
	v40 =	vld.idx.msk [tilespmem:v41+s13+$0x0], $0xffff;
	v41 =	vshll.u32 v39, $0x5  }
0x167: {  	v38 =	vor.u32 v33, v38;
	v41 =	vand.u32 $0x3FE0, v41  }
0x168: {  	v41 =	vor.u32 v35, v41;
	_ =	sdelay $0x2  }
0x169: {  	s30 =	sadd.s32 $0xFFFFFFFB, s28  }
0x16a: {  	[tilespmem:v38+s17+$0x0] =	vst.idx.msk $0xffff, v40;
	v38 =	vadd.s32 s30, v0  }
0x16b: {  	v39 =	vand.u32 $0x1FF, v39;
	v40 =	vld.idx.msk [tilespmem:v41+s13+$0x0], $0xffff;
	v41 =	vshll.u32 v38, $0x5  }
0x16c: {  	v39 =	vor.u32 v37, v39;
	v41 =	vand.u32 $0x3FE0, v41  }
0x16d: {  	v41 =	vor.u32 v0, v41;
	_ =	sdelay $0x3  }
0x16e: {  	[tilespmem:v39+s17+$0x0] =	vst.idx.msk $0xffff, v40;
	v39 =	vadd.s32 s30, v35  }
0x16f: {  	v38 =	vand.u32 $0x1FF, v38;
	v40 =	vld.idx.msk [tilespmem:v41+s13+$0x0], $0xffff;
	v41 =	vshll.u32 v39, $0x5  }
0x170: {  	v38 =	vor.u32 v33, v38;
	v41 =	vand.u32 $0x3FE0, v41  }
0x171: {  	v41 =	vor.u32 v35, v41;
	_ =	sdelay $0x2  }
0x172: {  	s30 =	sadd.s32 $0xFFFFFFFC, s28  }
0x173: {  	[tilespmem:v38+s17+$0x0] =	vst.idx.msk $0xffff, v40;
	v38 =	vadd.s32 s30, v0  }
0x174: {  	v39 =	vand.u32 $0x1FF, v39;
	v40 =	vld.idx.msk [tilespmem:v41+s13+$0x0], $0xffff;
	v41 =	vshll.u32 v38, $0x5  }
0x175: {  	v39 =	vor.u32 v37, v39;
	v41 =	vand.u32 $0x3FE0, v41  }
0x176: {  	v41 =	vor.u32 v0, v41;
	_ =	sdelay $0x3  }
0x177: {  	[tilespmem:v39+s17+$0x0] =	vst.idx.msk $0xffff, v40;
	v39 =	vadd.s32 s30, v35  }
0x178: {  	v38 =	vand.u32 $0x1FF, v38;
	v40 =	vld.idx.msk [tilespmem:v41+s13+$0x0], $0xffff;
	v41 =	vshll.u32 v39, $0x5  }
0x179: {  	v38 =	vor.u32 v33, v38;
	v41 =	vand.u32 $0x3FE0, v41  }
0x17a: {  	v41 =	vor.u32 v35, v41;
	_ =	sdelay $0x2  }
0x17b: {  	s30 =	sadd.s32 $0xFFFFFFFD, s28  }
0x17c: {  	[tilespmem:v38+s17+$0x0] =	vst.idx.msk $0xffff, v40;
	v38 =	vadd.s32 s30, v0  }
0x17d: {  	v39 =	vand.u32 $0x1FF, v39;
	v40 =	vld.idx.msk [tilespmem:v41+s13+$0x0], $0xffff;
	v41 =	vshll.u32 v38, $0x5  }
0x17e: {  	v39 =	vor.u32 v37, v39;
	v41 =	vand.u32 $0x3FE0, v41  }
0x17f: {  	v41 =	vor.u32 v0, v41;
	_ =	sdelay $0x3  }
0x180: {  	[tilespmem:v39+s17+$0x0] =	vst.idx.msk $0xffff, v40;
	v39 =	vadd.s32 s30, v35  }
0x181: {  	v38 =	vand.u32 $0x1FF, v38;
	v40 =	vld.idx.msk [tilespmem:v41+s13+$0x0], $0xffff;
	v41 =	vshll.u32 v39, $0x5  }
0x182: {  	v38 =	vor.u32 v33, v38;
	v41 =	vand.u32 $0x3FE0, v41  }
0x183: {  	v41 =	vor.u32 v35, v41;
	_ =	sdelay $0x2  }
0x184: {  	s30 =	sadd.s32 $0xFFFFFFFE, s28  }
0x185: {  	[tilespmem:v38+s17+$0x0] =	vst.idx.msk $0xffff, v40;
	v38 =	vadd.s32 s30, v0  }
0x186: {  	v39 =	vand.u32 $0x1FF, v39;
	v40 =	vld.idx.msk [tilespmem:v41+s13+$0x0], $0xffff;
	v41 =	vshll.u32 v38, $0x5  }
0x187: {  	v39 =	vor.u32 v37, v39;
	v41 =	vand.u32 $0x3FE0, v41  }
0x188: {  	v41 =	vor.u32 v0, v41;
	_ =	sdelay $0x3  }
0x189: {  	[tilespmem:v39+s17+$0x0] =	vst.idx.msk $0xffff, v40;
	v39 =	vadd.s32 s30, v35  }
0x18a: {  	v38 =	vand.u32 $0x1FF, v38;
	v40 =	vld.idx.msk [tilespmem:v41+s13+$0x0], $0xffff;
	v41 =	vshll.u32 v39, $0x5  }
0x18b: {  	v38 =	vor.u32 v33, v38;
	v41 =	vand.u32 $0x3FE0, v41  }
0x18c: {  	v41 =	vor.u32 v35, v41;
	_ =	sdelay $0x2  }
0x18d: {  	s30 =	sadd.s32 $0xFFFFFFFF, s28  }
0x18e: {  	[tilespmem:v38+s17+$0x0] =	vst.idx.msk $0xffff, v40;
	v38 =	vadd.s32 s30, v0  }
0x18f: {  	v39 =	vand.u32 $0x1FF, v39;
	v40 =	vld.idx.msk [tilespmem:v41+s13+$0x0], $0xffff;
	v41 =	vshll.u32 v38, $0x5  }
0x190: {  	v39 =	vor.u32 v37, v39;
	v41 =	vand.u32 $0x3FE0, v41  }
0x191: {  	v41 =	vor.u32 v0, v41;
	_ =	sdelay $0x3  }
0x192: {  	[tilespmem:v39+s17+$0x0] =	vst.idx.msk $0xffff, v40;
	v39 =	vadd.s32 s30, v35  }
0x193: {  	v38 =	vand.u32 $0x1FF, v38;
	v40 =	vld.idx.msk [tilespmem:v41+s13+$0x0], $0xffff;
	v41 =	vshll.u32 v39, $0x5  }
0x194: {  	v38 =	vor.u32 v33, v38;
	v41 =	vand.u32 $0x3FE0, v41  }
0x195: {  	v41 =	vor.u32 v35, v41;
	_ =	sdelay $0x3  }
0x196: {  	[tilespmem:v38+s17+$0x0] =	vst.idx.msk $0xffff, v40;
	v40 =	vadd.s32 s28, v0  }
0x197: {  	v39 =	vand.u32 $0x1FF, v39;
	v38 =	vld.idx.msk [tilespmem:v41+s13+$0x0], $0xffff;
	v41 =	vshll.u32 v40, $0x5  }
0x198: {  	v39 =	vor.u32 v37, v39;
	v41 =	vand.u32 $0x3FE0, v41  }
0x199: {  	v41 =	vor.u32 v0, v41;
	_ =	sdelay $0x3  }
0x19a: {  	[tilespmem:v39+s17+$0x0] =	vst.idx.msk $0xffff, v38;
	v38 =	vadd.s32 s28, v35;
	s28 =	smov.u32 s29  }
0x19b: {  	v40 =	vand.u32 $0x1FF, v40;
	v39 =	vld.idx.msk [tilespmem:v41+s13+$0x0], $0xffff;
	v42 =	vshll.u32 v38, $0x5  }
.Ltmp0:
0x19c: {  	v41 =	vor.u32 v33, v40;
	v40 =	vand.u32 $0x3FE0, v42;
	(pc) =	sbr.rel @p1 .LBB2_3-.Ltmp0, $2  }
0x19d: {  	v40 =	vor.u32 v35, v40;
	_ =	sdelay $0x2  }
0x19e: {  	s29 =	sadd.s32 $0x8, s29;
	s30 =	sadd.s32 $0xFFFFFFF9, s28  }
0x19f: {  	_ =	sdelay $0x2  }
0x1a0: {  	v42 =	vadd.s32 s30, v0  }
0x1a1: {  	[tilespmem:v41+s17+$0x0] =	vst.idx.msk $0xffff, v39;
	v38 =	vand.u32 $0x1FF, v38;
	v39 =	vshll.u32 v42, $0x5  }
0x1a2: {  	v40 =	vld.idx.msk [tilespmem:v40+s13+$0x0], $0xffff;
	v38 =	vor.u32 v37, v38;
	v39 =	vand.u32 $0x3FE0, v39  }
0x1a3: {  	v39 =	vor.u32 v0, v39;
	_ =	sdelay $0x2  }
0x1a4: {  	v41 =	vadd.s32 s30, v35  }
0x1a5: {  	[tilespmem:v38+s17+$0x0] =	vst.idx.msk $0xffff, v40;
	v38 =	vand.u32 $0x1F8, v42;
	v40 =	vshll.u32 v41, $0x5  }
0x1a6: {  	v38 =	vor.u32 v34, v38;
	v40 =	vand.u32 $0x3FE0, v40;
	v39 =	vld.idx.msk [tilespmem:v39+s13+$0x0], $0xffff  }
0x1a7: {  	v40 =	vor.u32 v35, v40;
	_ =	sdelay $0x1  }
0x1a8: {  	s29 =	sadd.s32 $0xFFFFFFFA, s28  }
0x1a9: {  	v42 =	vadd.s32 s29, v0  }
0x1aa: {  	[tilespmem:v38+s17+$0x0] =	vst.idx.msk $0xffff, v39;
	v38 =	vand.u32 $0x1F8, v41;
	v39 =	vshll.u32 v42, $0x5  }
0x1ab: {  	v40 =	vld.idx.msk [tilespmem:v40+s13+$0x0], $0xffff;
	v38 =	vor.u32 v36, v38;
	v39 =	vand.u32 $0x3FE0, v39  }
0x1ac: {  	v39 =	vor.u32 v0, v39;
	_ =	sdelay $0x2  }
0x1ad: {  	v41 =	vadd.s32 s29, v35  }
0x1ae: {  	[tilespmem:v38+s17+$0x0] =	vst.idx.msk $0xffff, v40;
	v38 =	vand.u32 $0x1FF, v42;
	v40 =	vshll.u32 v41, $0x5  }
0x1af: {  	v39 =	vld.idx.msk [tilespmem:v39+s13+$0x0], $0xffff;
	v38 =	vor.u32 v33, v38;
	v40 =	vand.u32 $0x3FE0, v40  }
0x1b0: {  	v40 =	vor.u32 v35, v40;
	_ =	sdelay $0x1  }
0x1b1: {  	s29 =	sadd.s32 $0xFFFFFFFB, s28  }
0x1b2: {  	v42 =	vadd.s32 s29, v0  }
0x1b3: {  	[tilespmem:v38+s17+$0x0] =	vst.idx.msk $0xffff, v39;
	v38 =	vand.u32 $0x1FF, v41;
	v39 =	vshll.u32 v42, $0x5  }
0x1b4: {  	v40 =	vld.idx.msk [tilespmem:v40+s13+$0x0], $0xffff;
	v38 =	vor.u32 v37, v38;
	v39 =	vand.u32 $0x3FE0, v39  }
0x1b5: {  	v39 =	vor.u32 v0, v39;
	_ =	sdelay $0x2  }
0x1b6: {  	v41 =	vadd.s32 s29, v35  }
0x1b7: {  	[tilespmem:v38+s17+$0x0] =	vst.idx.msk $0xffff, v40;
	v38 =	vand.u32 $0x1FF, v42;
	v40 =	vshll.u32 v41, $0x5  }
0x1b8: {  	v39 =	vld.idx.msk [tilespmem:v39+s13+$0x0], $0xffff;
	v38 =	vor.u32 v33, v38;
	v40 =	vand.u32 $0x3FE0, v40  }
0x1b9: {  	v40 =	vor.u32 v35, v40;
	_ =	sdelay $0x1  }
0x1ba: {  	s29 =	sadd.s32 $0xFFFFFFFC, s28  }
0x1bb: {  	v42 =	vadd.s32 s29, v0  }
0x1bc: {  	[tilespmem:v38+s17+$0x0] =	vst.idx.msk $0xffff, v39;
	v38 =	vand.u32 $0x1FF, v41;
	v39 =	vshll.u32 v42, $0x5  }
0x1bd: {  	v40 =	vld.idx.msk [tilespmem:v40+s13+$0x0], $0xffff;
	v38 =	vor.u32 v37, v38;
	v39 =	vand.u32 $0x3FE0, v39  }
0x1be: {  	v39 =	vor.u32 v0, v39;
	_ =	sdelay $0x2  }
0x1bf: {  	v41 =	vadd.s32 s29, v35  }
0x1c0: {  	[tilespmem:v38+s17+$0x0] =	vst.idx.msk $0xffff, v40;
	v38 =	vand.u32 $0x1FF, v42;
	v40 =	vshll.u32 v41, $0x5  }
0x1c1: {  	v39 =	vld.idx.msk [tilespmem:v39+s13+$0x0], $0xffff;
	v38 =	vor.u32 v33, v38;
	v40 =	vand.u32 $0x3FE0, v40  }
0x1c2: {  	v40 =	vor.u32 v35, v40;
	_ =	sdelay $0x1  }
0x1c3: {  	s29 =	sadd.s32 $0xFFFFFFFD, s28  }
0x1c4: {  	v42 =	vadd.s32 s29, v0  }
0x1c5: {  	[tilespmem:v38+s17+$0x0] =	vst.idx.msk $0xffff, v39;
	v38 =	vand.u32 $0x1FF, v41;
	v39 =	vshll.u32 v42, $0x5  }
0x1c6: {  	v40 =	vld.idx.msk [tilespmem:v40+s13+$0x0], $0xffff;
	v38 =	vor.u32 v37, v38;
	v39 =	vand.u32 $0x3FE0, v39  }
0x1c7: {  	v39 =	vor.u32 v0, v39;
	_ =	sdelay $0x2  }
0x1c8: {  	v41 =	vadd.s32 s29, v35  }
0x1c9: {  	[tilespmem:v38+s17+$0x0] =	vst.idx.msk $0xffff, v40;
	v38 =	vand.u32 $0x1FF, v42;
	v40 =	vshll.u32 v41, $0x5  }
0x1ca: {  	v39 =	vld.idx.msk [tilespmem:v39+s13+$0x0], $0xffff;
	v38 =	vor.u32 v33, v38;
	v40 =	vand.u32 $0x3FE0, v40  }
0x1cb: {  	v40 =	vor.u32 v35, v40;
	_ =	sdelay $0x1  }
0x1cc: {  	s29 =	sadd.s32 $0xFFFFFFFE, s28  }
0x1cd: {  	v42 =	vadd.s32 s29, v0  }
0x1ce: {  	[tilespmem:v38+s17+$0x0] =	vst.idx.msk $0xffff, v39;
	v38 =	vand.u32 $0x1FF, v41;
	v39 =	vshll.u32 v42, $0x5  }
0x1cf: {  	v40 =	vld.idx.msk [tilespmem:v40+s13+$0x0], $0xffff;
	v38 =	vor.u32 v37, v38;
	v39 =	vand.u32 $0x3FE0, v39  }
0x1d0: {  	v39 =	vor.u32 v0, v39;
	_ =	sdelay $0x2  }
0x1d1: {  	v41 =	vadd.s32 s29, v35  }
0x1d2: {  	[tilespmem:v38+s17+$0x0] =	vst.idx.msk $0xffff, v40;
	v38 =	vand.u32 $0x1FF, v42;
	v40 =	vshll.u32 v41, $0x5  }
0x1d3: {  	v39 =	vld.idx.msk [tilespmem:v39+s13+$0x0], $0xffff;
	v38 =	vor.u32 v33, v38;
	v40 =	vand.u32 $0x3FE0, v40  }
0x1d4: {  	v40 =	vor.u32 v35, v40;
	_ =	sdelay $0x1  }
0x1d5: {  	s29 =	sadd.s32 $0xFFFFFFFF, s28  }
0x1d6: {  	v42 =	vadd.s32 s29, v0  }
0x1d7: {  	[tilespmem:v38+s17+$0x0] =	vst.idx.msk $0xffff, v39;
	v38 =	vand.u32 $0x1FF, v41;
	v39 =	vshll.u32 v42, $0x5  }
0x1d8: {  	v40 =	vld.idx.msk [tilespmem:v40+s13+$0x0], $0xffff;
	v38 =	vor.u32 v37, v38;
	v39 =	vand.u32 $0x3FE0, v39  }
0x1d9: {  	v39 =	vor.u32 v0, v39;
	_ =	sdelay $0x2  }
0x1da: {  	v41 =	vadd.s32 s29, v35  }
0x1db: {  	[tilespmem:v38+s17+$0x0] =	vst.idx.msk $0xffff, v40;
	v38 =	vand.u32 $0x1FF, v42;
	v40 =	vshll.u32 v41, $0x5  }
0x1dc: {  	v39 =	vld.idx.msk [tilespmem:v39+s13+$0x0], $0xffff;
	v38 =	vor.u32 v33, v38;
	v40 =	vand.u32 $0x3FE0, v40  }
0x1dd: {  	v40 =	vor.u32 v35, v40;
	_ =	sdelay $0x2  }
0x1de: {  	v42 =	vadd.s32 s28, v0  }
0x1df: {  	[tilespmem:v38+s17+$0x0] =	vst.idx.msk $0xffff, v39;
	v38 =	vand.u32 $0x1FF, v41;
	v39 =	vshll.u32 v42, $0x5  }
0x1e0: {  	v40 =	vld.idx.msk [tilespmem:v40+s13+$0x0], $0xffff;
	v38 =	vor.u32 v37, v38;
	v39 =	vand.u32 $0x3FE0, v39  }
0x1e1: {  	v39 =	vor.u32 v0, v39;
	_ =	sdelay $0x2  }
0x1e2: {  	v41 =	vadd.s32 s28, v35  }
0x1e3: {  	[tilespmem:v38+s17+$0x0] =	vst.idx.msk $0xffff, v40;
	v38 =	vand.u32 $0x1FF, v42;
	v40 =	vshll.u32 v41, $0x5  }
0x1e4: {  	v39 =	vld.idx.msk [tilespmem:v39+s13+$0x0], $0xffff;
	v38 =	vor.u32 v33, v38;
	v40 =	vand.u32 $0x3FE0, v40  }
0x1e5: {  	v40 =	vor.u32 v35, v40;
	_ =	sdelay $0x3  }
0x1e6: {  	s26 =	sadd.s32 $0x2, s26;
	v43 =	vand.u32 $0x1FF, v41;
	[tilespmem:v38+s17+$0x0] =	vst.idx.msk $0xffff, v39  }
0x1e7: {  	v41 =	vmov s26;
	v39 =	vld.idx.msk [tilespmem:v40+s13+$0x0], $0xffff;
	v40 =	vor.u32 v37, v43  }
0x1e8: {  	v38 =	vand.u32 $0x7E, v41  }
0x1e9: {  	s31 =	sshll.u32 s24, $0x14;
	v41 =	vadd.s32 v1, v38  }
0x1ea: {  	s26 =	sor.u32 s4, s31  }
0x1eb: {  	s26 =	sshrl.u32 s26, $0x3  }
0x1ec: {  	s26 =	sadd.s32 s3, s26;
	[tilespmem:v40+s17+$0x0] =	vst.idx.msk $0xffff, v39  }
0x1ed: {  	[hbm4b:s26+s11] =	stream.strided.scatter [tilespmem:s17], [sflag:$0x4], $0x4000, s18, s11, $0x38;
	[tilespmem:$0x17400] =	vst v63  }
0x1ee: {  	v39 =	vld.idx.msk [tilespmem:v41+s1+$0x0], $0xffff;
	_ =	sdelay $0x1  }
0x1ef: {  	v40 =	vadd.s32 v2, v38;
	_ =	sdelay $0x2  }
0x1f0: {  	v39 =	vshll.u32 v39, $0x2  }
0x1f1: {  	[tilespmem:$0x7000] =	vst v39  }
0x1f2: {  	v39 =	vld.idx.msk [tilespmem:v40+s1+$0x0], $0xffff;
	_ =	sdelay $0x1  }
0x1f3: {  	v40 =	vadd.s32 v3, v38;
	_ =	sdelay $0x2  }
0x1f4: {  	v39 =	vshll.u32 v39, $0x2  }
0x1f5: {  	[tilespmem:$0x7010] =	vst v39  }
0x1f6: {  	v39 =	vld.idx.msk [tilespmem:v40+s1+$0x0], $0xffff;
	_ =	sdelay $0x1  }
0x1f7: {  	v40 =	vadd.s32 v4, v38;
	_ =	sdelay $0x2  }
0x1f8: {  	v39 =	vshll.u32 v39, $0x2  }
0x1f9: {  	[tilespmem:$0x7020] =	vst v39  }
0x1fa: {  	v39 =	vld.idx.msk [tilespmem:v40+s1+$0x0], $0xffff;
	_ =	sdelay $0x1  }
0x1fb: {  	v40 =	vadd.s32 v5, v38;
	_ =	sdelay $0x2  }
0x1fc: {  	v39 =	vshll.u32 v39, $0x2  }
0x1fd: {  	[tilespmem:$0x7030] =	vst v39  }
0x1fe: {  	v39 =	vld.idx.msk [tilespmem:v40+s1+$0x0], $0xffff;
	_ =	sdelay $0x1  }
0x1ff: {  	v40 =	vadd.s32 v6, v38;
	_ =	sdelay $0x2  }
0x200: {  	v39 =	vshll.u32 v39, $0x2  }
0x201: {  	[tilespmem:$0x7040] =	vst v39  }
0x202: {  	v39 =	vld.idx.msk [tilespmem:v40+s1+$0x0], $0xffff;
	_ =	sdelay $0x1  }
0x203: {  	v40 =	vadd.s32 v7, v38;
	_ =	sdelay $0x2  }
0x204: {  	v39 =	vshll.u32 v39, $0x2  }
0x205: {  	[tilespmem:$0x7050] =	vst v39  }
0x206: {  	v39 =	vld.idx.msk [tilespmem:v40+s1+$0x0], $0xffff;
	_ =	sdelay $0x1  }
0x207: {  	v40 =	vadd.s32 v8, v38;
	_ =	sdelay $0x2  }
0x208: {  	v39 =	vshll.u32 v39, $0x2  }
0x209: {  	[tilespmem:$0x7060] =	vst v39  }
0x20a: {  	v39 =	vld.idx.msk [tilespmem:v40+s1+$0x0], $0xffff;
	_ =	sdelay $0x1  }
0x20b: {  	v40 =	vadd.s32 v9, v38;
	_ =	sdelay $0x2  }
0x20c: {  	v39 =	vshll.u32 v39, $0x2  }
0x20d: {  	[tilespmem:$0x7070] =	vst v39  }
0x20e: {  	v39 =	vld.idx.msk [tilespmem:v40+s1+$0x0], $0xffff;
	_ =	sdelay $0x1  }
0x20f: {  	v40 =	vadd.s32 v10, v38;
	_ =	sdelay $0x2  }
0x210: {  	v39 =	vshll.u32 v39, $0x2  }
0x211: {  	[tilespmem:$0x7080] =	vst v39  }
0x212: {  	v39 =	vld.idx.msk [tilespmem:v40+s1+$0x0], $0xffff;
	_ =	sdelay $0x1  }
0x213: {  	v40 =	vadd.s32 v11, v38;
	_ =	sdelay $0x2  }
0x214: {  	v39 =	vshll.u32 v39, $0x2  }
0x215: {  	[tilespmem:$0x7090] =	vst v39  }
0x216: {  	v39 =	vld.idx.msk [tilespmem:v40+s1+$0x0], $0xffff;
	_ =	sdelay $0x1  }
0x217: {  	v40 =	vadd.s32 v12, v38;
	_ =	sdelay $0x2  }
0x218: {  	v39 =	vshll.u32 v39, $0x2  }
0x219: {  	[tilespmem:$0x70A0] =	vst v39  }
0x21a: {  	v39 =	vld.idx.msk [tilespmem:v40+s1+$0x0], $0xffff;
	_ =	sdelay $0x1  }
0x21b: {  	v40 =	vadd.s32 v13, v38;
	_ =	sdelay $0x2  }
0x21c: {  	v39 =	vshll.u32 v39, $0x2  }
0x21d: {  	[tilespmem:$0x70B0] =	vst v39  }
0x21e: {  	v39 =	vld.idx.msk [tilespmem:v40+s1+$0x0], $0xffff;
	_ =	sdelay $0x1  }
0x21f: {  	v40 =	vadd.s32 v14, v38;
	_ =	sdelay $0x2  }
0x220: {  	v39 =	vshll.u32 v39, $0x2  }
0x221: {  	[tilespmem:$0x70C0] =	vst v39  }
0x222: {  	v39 =	vld.idx.msk [tilespmem:v40+s1+$0x0], $0xffff;
	_ =	sdelay $0x1  }
0x223: {  	v40 =	vadd.s32 v15, v38;
	_ =	sdelay $0x2  }
0x224: {  	v39 =	vshll.u32 v39, $0x2  }
0x225: {  	[tilespmem:$0x70D0] =	vst v39  }
0x226: {  	v39 =	vld.idx.msk [tilespmem:v40+s1+$0x0], $0xffff;
	_ =	sdelay $0x1  }
0x227: {  	v40 =	vadd.s32 v16, v38;
	_ =	sdelay $0x2  }
0x228: {  	v39 =	vshll.u32 v39, $0x2  }
0x229: {  	[tilespmem:$0x70E0] =	vst v39  }
0x22a: {  	v39 =	vld.idx.msk [tilespmem:v40+s1+$0x0], $0xffff;
	_ =	sdelay $0x1  }
0x22b: {  	v40 =	vadd.s32 v17, v38;
	_ =	sdelay $0x2  }
0x22c: {  	v39 =	vshll.u32 v39, $0x2  }
0x22d: {  	[tilespmem:$0x70F0] =	vst v39  }
0x22e: {  	v39 =	vld.idx.msk [tilespmem:v40+s1+$0x0], $0xffff;
	_ =	sdelay $0x1  }
0x22f: {  	v40 =	vadd.s32 v18, v38;
	_ =	sdelay $0x2  }
0x230: {  	v39 =	vshll.u32 v39, $0x2  }
0x231: {  	[tilespmem:$0x7100] =	vst v39  }
0x232: {  	v39 =	vld.idx.msk [tilespmem:v40+s1+$0x0], $0xffff;
	_ =	sdelay $0x1  }
0x233: {  	v40 =	vadd.s32 v19, v38;
	_ =	sdelay $0x2  }
0x234: {  	v39 =	vshll.u32 v39, $0x2  }
0x235: {  	[tilespmem:$0x7110] =	vst v39  }
0x236: {  	v39 =	vld.idx.msk [tilespmem:v40+s1+$0x0], $0xffff;
	_ =	sdelay $0x1  }
0x237: {  	v40 =	vadd.s32 v20, v38;
	_ =	sdelay $0x2  }
0x238: {  	v39 =	vshll.u32 v39, $0x2  }
0x239: {  	[tilespmem:$0x7120] =	vst v39  }
0x23a: {  	v39 =	vld.idx.msk [tilespmem:v40+s1+$0x0], $0xffff;
	_ =	sdelay $0x1  }
0x23b: {  	v40 =	vadd.s32 v21, v38;
	_ =	sdelay $0x2  }
0x23c: {  	v39 =	vshll.u32 v39, $0x2  }
0x23d: {  	[tilespmem:$0x7130] =	vst v39  }
0x23e: {  	v39 =	vld.idx.msk [tilespmem:v40+s1+$0x0], $0xffff;
	_ =	sdelay $0x1  }
0x23f: {  	v40 =	vadd.s32 v22, v38;
	_ =	sdelay $0x2  }
0x240: {  	v39 =	vshll.u32 v39, $0x2  }
0x241: {  	[tilespmem:$0x7140] =	vst v39  }
0x242: {  	v39 =	vld.idx.msk [tilespmem:v40+s1+$0x0], $0xffff;
	_ =	sdelay $0x1  }
0x243: {  	v40 =	vadd.s32 v23, v38;
	_ =	sdelay $0x2  }
0x244: {  	v39 =	vshll.u32 v39, $0x2  }
0x245: {  	[tilespmem:$0x7150] =	vst v39  }
0x246: {  	v39 =	vld.idx.msk [tilespmem:v40+s1+$0x0], $0xffff;
	_ =	sdelay $0x1  }
0x247: {  	v40 =	vadd.s32 v24, v38;
	_ =	sdelay $0x2  }
0x248: {  	v39 =	vshll.u32 v39, $0x2  }
0x249: {  	[tilespmem:$0x7160] =	vst v39  }
0x24a: {  	v39 =	vld.idx.msk [tilespmem:v40+s1+$0x0], $0xffff;
	_ =	sdelay $0x1  }
0x24b: {  	v40 =	vadd.s32 v25, v38;
	_ =	sdelay $0x2  }
0x24c: {  	v39 =	vshll.u32 v39, $0x2  }
0x24d: {  	[tilespmem:$0x7170] =	vst v39  }
0x24e: {  	v39 =	vld.idx.msk [tilespmem:v40+s1+$0x0], $0xffff;
	_ =	sdelay $0x1  }
0x24f: {  	v40 =	vadd.s32 v26, v38;
	_ =	sdelay $0x2  }
0x250: {  	v39 =	vshll.u32 v39, $0x2  }
0x251: {  	[tilespmem:$0x7180] =	vst v39  }
0x252: {  	v39 =	vld.idx.msk [tilespmem:v40+s1+$0x0], $0xffff;
	_ =	sdelay $0x1  }
0x253: {  	v40 =	vadd.s32 v27, v38;
	_ =	sdelay $0x2  }
0x254: {  	v39 =	vshll.u32 v39, $0x2  }
0x255: {  	[tilespmem:$0x7190] =	vst v39  }
0x256: {  	v39 =	vld.idx.msk [tilespmem:v40+s1+$0x0], $0xffff;
	_ =	sdelay $0x1  }
0x257: {  	v40 =	vadd.s32 v28, v38;
	_ =	sdelay $0x2  }
0x258: {  	v39 =	vshll.u32 v39, $0x2  }
0x259: {  	[tilespmem:$0x71A0] =	vst v39  }
0x25a: {  	v39 =	vld.idx.msk [tilespmem:v40+s1+$0x0], $0xffff;
	_ =	sdelay $0x1  }
0x25b: {  	v40 =	vadd.s32 v29, v38;
	_ =	sdelay $0x2  }
0x25c: {  	v39 =	vshll.u32 v39, $0x2  }
0x25d: {  	[tilespmem:$0x71B0] =	vst v39  }
0x25e: {  	v39 =	vld.idx.msk [tilespmem:v40+s1+$0x0], $0xffff;
	_ =	sdelay $0x1  }
0x25f: {  	v40 =	vadd.s32 v30, v38;
	_ =	sdelay $0x2  }
0x260: {  	v39 =	vshll.u32 v39, $0x2  }
0x261: {  	[tilespmem:$0x71C0] =	vst v39  }
0x262: {  	v39 =	vld.idx.msk [tilespmem:v40+s1+$0x0], $0xffff;
	_ =	sdelay $0x1  }
0x263: {  	v40 =	vadd.s32 v31, v38;
	_ =	sdelay $0x2  }
0x264: {  	v39 =	vshll.u32 v39, $0x2  }
0x265: {  	[tilespmem:$0x71D0] =	vst v39  }
0x266: {  	v39 =	vld.idx.msk [tilespmem:v40+s1+$0x0], $0xffff;
	_ =	sdelay $0x1  }
0x267: {  	v38 =	vadd.s32 v32, v38;
	_ =	sdelay $0x2  }
0x268: {  	v39 =	vshll.u32 v39, $0x2  }
0x269: {  	[tilespmem:$0x71E0] =	vst v39  }
0x26a: {  	v38 =	vld.idx.msk [tilespmem:v38+s1+$0x0], $0xffff;
	_ =	sdelay $0x4  }
0x26b: {  	s30 =	simm.s32 $0x0;
	v38 =	vshll.u32 v38, $0x2  }
0x26c: {  	[tilespmem:$0x71F0] =	vst v38;
	v38 =	vadd.s32 s30, v0  }
0x26d: {  	[tilespmem:s13], [sflag:$0x2] =	stream.indirect.gather [hbm4b:s5+s11], $0x20, s12, s11, $0xb8;
	v42 =	vshll.u32 v38, $0x5;
	[tilespmem:$0x17400] =	vst v63  }
0x26e: {  	_ =	swait.ge [sflag:s19], $0x4000;
	v39 =	vand.u32 $0x3FE0, v42  }
0x26f: {  	[sflag:s19] =	ssyncset.done $0x0;
	v39 =	vor.u32 v0, v39  }
0x270: {  	s28 =	simm.s32 @!p0 $0x5;
	[sflag:s19] =	ssyncadd.s32 $0xFFFFC000  }
0x271: {  	_ =	swait.ge @!p0 [sflag:s28], $0x4000  }
0x272: {  	v40 =	vadd.s32 s30, v35;
	[sflag:s28] =	ssyncset.done @!p0 $0x0  }
0x273: {  	v41 =	vshll.u32 v40, $0x5;
	v38 =	vand.u32 $0x1F8, v38;
	[sflag:s28] =	ssyncadd.s32 @!p0 $0xFFFFC000  }
0x274: {  	v41 =	vand.u32 $0x3FE0, v41;
	v38 =	vor.u32 v34, v38;
	v39 =	vld.idx.msk [tilespmem:v39+s15+$0x0], $0xffff  }
0x275: {  	v41 =	vor.u32 v35, v41;
	_ =	sdelay $0x1  }
0x276: {  	s31 =	simm.s32 $0x1  }
0x277: {  	v42 =	vadd.s32 s31, v0  }
0x278: {  	[tilespmem:v38+s20+$0x0] =	vst.idx.msk $0xffff, v39;
	v38 =	vand.u32 $0x1F8, v40;
	v39 =	vshll.u32 v42, $0x5  }
0x279: {  	v40 =	vld.idx.msk [tilespmem:v41+s15+$0x0], $0xffff;
	v38 =	vor.u32 v36, v38;
	v39 =	vand.u32 $0x3FE0, v39  }
0x27a: {  	v39 =	vor.u32 v0, v39;
	_ =	sdelay $0x2  }
0x27b: {  	v41 =	vadd.s32 s31, v35  }
0x27c: {  	[tilespmem:v38+s20+$0x0] =	vst.idx.msk $0xffff, v40;
	v38 =	vand.u32 $0x1FF, v42;
	v40 =	vshll.u32 v41, $0x5  }
0x27d: {  	v39 =	vld.idx.msk [tilespmem:v39+s15+$0x0], $0xffff;
	v38 =	vor.u32 v33, v38;
	v40 =	vand.u32 $0x3FE0, v40  }
0x27e: {  	v40 =	vor.u32 v35, v40;
	_ =	sdelay $0x1  }
0x27f: {  	s30 =	simm.s32 $0x2  }
0x280: {  	v42 =	vadd.s32 s30, v0  }
0x281: {  	[tilespmem:v38+s20+$0x0] =	vst.idx.msk $0xffff, v39;
	v38 =	vand.u32 $0x1FF, v41;
	v39 =	vshll.u32 v42, $0x5  }
0x282: {  	v40 =	vld.idx.msk [tilespmem:v40+s15+$0x0], $0xffff;
	v38 =	vor.u32 v37, v38;
	v39 =	vand.u32 $0x3FE0, v39  }
0x283: {  	v39 =	vor.u32 v0, v39;
	_ =	sdelay $0x2  }
0x284: {  	v41 =	vadd.s32 s30, v35  }
0x285: {  	[tilespmem:v38+s20+$0x0] =	vst.idx.msk $0xffff, v40;
	v38 =	vand.u32 $0x1FF, v42;
	v40 =	vshll.u32 v41, $0x5  }
0x286: {  	v39 =	vld.idx.msk [tilespmem:v39+s15+$0x0], $0xffff;
	v38 =	vor.u32 v33, v38;
	v40 =	vand.u32 $0x3FE0, v40  }
0x287: {  	v40 =	vor.u32 v35, v40;
	_ =	sdelay $0x1  }
0x288: {  	s31 =	simm.s32 $0x3  }
0x289: {  	v42 =	vadd.s32 s31, v0  }
0x28a: {  	[tilespmem:v38+s20+$0x0] =	vst.idx.msk $0xffff, v39;
	v38 =	vand.u32 $0x1FF, v41;
	v39 =	vshll.u32 v42, $0x5  }
0x28b: {  	v40 =	vld.idx.msk [tilespmem:v40+s15+$0x0], $0xffff;
	v38 =	vor.u32 v37, v38;
	v39 =	vand.u32 $0x3FE0, v39  }
0x28c: {  	v39 =	vor.u32 v0, v39;
	_ =	sdelay $0x2  }
0x28d: {  	v41 =	vadd.s32 s31, v35  }
0x28e: {  	[tilespmem:v38+s20+$0x0] =	vst.idx.msk $0xffff, v40;
	v38 =	vand.u32 $0x1FF, v42;
	v40 =	vshll.u32 v41, $0x5  }
0x28f: {  	v39 =	vld.idx.msk [tilespmem:v39+s15+$0x0], $0xffff;
	v38 =	vor.u32 v33, v38;
	v40 =	vand.u32 $0x3FE0, v40  }
0x290: {  	v40 =	vor.u32 v35, v40;
	_ =	sdelay $0x1  }
0x291: {  	s30 =	simm.s32 $0x4  }
0x292: {  	v42 =	vadd.s32 s30, v0  }
0x293: {  	[tilespmem:v38+s20+$0x0] =	vst.idx.msk $0xffff, v39;
	v38 =	vand.u32 $0x1FF, v41;
	v39 =	vshll.u32 v42, $0x5  }
0x294: {  	v40 =	vld.idx.msk [tilespmem:v40+s15+$0x0], $0xffff;
	v38 =	vor.u32 v37, v38;
	v39 =	vand.u32 $0x3FE0, v39  }
0x295: {  	v39 =	vor.u32 v0, v39;
	_ =	sdelay $0x2  }
0x296: {  	v41 =	vadd.s32 s30, v35  }
0x297: {  	[tilespmem:v38+s20+$0x0] =	vst.idx.msk $0xffff, v40;
	v38 =	vand.u32 $0x1FF, v42;
	v40 =	vshll.u32 v41, $0x5  }
0x298: {  	v39 =	vld.idx.msk [tilespmem:v39+s15+$0x0], $0xffff;
	v38 =	vor.u32 v33, v38;
	v40 =	vand.u32 $0x3FE0, v40  }
0x299: {  	v40 =	vor.u32 v35, v40;
	_ =	sdelay $0x1  }
0x29a: {  	s31 =	simm.s32 $0x5  }
0x29b: {  	v42 =	vadd.s32 s31, v0  }
0x29c: {  	[tilespmem:v38+s20+$0x0] =	vst.idx.msk $0xffff, v39;
	v38 =	vand.u32 $0x1FF, v41;
	v39 =	vshll.u32 v42, $0x5  }
0x29d: {  	v40 =	vld.idx.msk [tilespmem:v40+s15+$0x0], $0xffff;
	v38 =	vor.u32 v37, v38;
	v39 =	vand.u32 $0x3FE0, v39  }
0x29e: {  	v39 =	vor.u32 v0, v39;
	_ =	sdelay $0x2  }
0x29f: {  	v41 =	vadd.s32 s31, v35  }
0x2a0: {  	[tilespmem:v38+s20+$0x0] =	vst.idx.msk $0xffff, v40;
	v38 =	vand.u32 $0x1FF, v42;
	v40 =	vshll.u32 v41, $0x5  }
0x2a1: {  	v39 =	vld.idx.msk [tilespmem:v39+s15+$0x0], $0xffff;
	v38 =	vor.u32 v33, v38;
	v40 =	vand.u32 $0x3FE0, v40  }
0x2a2: {  	v40 =	vor.u32 v35, v40;
	_ =	sdelay $0x1  }
0x2a3: {  	s30 =	simm.s32 $0x6  }
0x2a4: {  	v42 =	vadd.s32 s30, v0  }
0x2a5: {  	[tilespmem:v38+s20+$0x0] =	vst.idx.msk $0xffff, v39;
	v38 =	vand.u32 $0x1FF, v41;
	v39 =	vshll.u32 v42, $0x5  }
0x2a6: {  	v40 =	vld.idx.msk [tilespmem:v40+s15+$0x0], $0xffff;
	v38 =	vor.u32 v37, v38;
	v39 =	vand.u32 $0x3FE0, v39  }
0x2a7: {  	v39 =	vor.u32 v0, v39;
	_ =	sdelay $0x2  }
0x2a8: {  	v41 =	vadd.s32 s30, v35  }
0x2a9: {  	[tilespmem:v38+s20+$0x0] =	vst.idx.msk $0xffff, v40;
	v38 =	vand.u32 $0x1FF, v42;
	v40 =	vshll.u32 v41, $0x5  }
0x2aa: {  	v39 =	vld.idx.msk [tilespmem:v39+s15+$0x0], $0xffff;
	v38 =	vor.u32 v33, v38;
	v40 =	vand.u32 $0x3FE0, v40  }
0x2ab: {  	v40 =	vor.u32 v35, v40;
	_ =	sdelay $0x1  }
0x2ac: {  	s31 =	simm.s32 $0x7  }
0x2ad: {  	v42 =	vadd.s32 s31, v0  }
0x2ae: {  	[tilespmem:v38+s20+$0x0] =	vst.idx.msk $0xffff, v39;
	v38 =	vand.u32 $0x1FF, v41;
	v39 =	vshll.u32 v42, $0x5  }
0x2af: {  	v40 =	vld.idx.msk [tilespmem:v40+s15+$0x0], $0xffff;
	v41 =	vor.u32 v37, v38;
	v43 =	vand.u32 $0x3FE0, v39  }
0x2b0: {  	v39 =	vor.u32 v0, v43;
	_ =	sdelay $0x2  }
0x2b1: {  	v38 =	vadd.s32 s31, v35  }
0x2b2: {  	v43 =	vshll.u32 v38, $0x5;
	[tilespmem:v41+s20+$0x0] =	vst.idx.msk $0xffff, v40;
	v40 =	vand.u32 $0x1FF, v42  }
0x2b3: {  	v42 =	vand.u32 $0x3FE0, v43;
	v39 =	vld.idx.msk [tilespmem:v39+s15+$0x0], $0xffff;
	v41 =	vor.u32 v33, v40  }
0x2b4: {  	v40 =	vor.u32 v35, v42;
	_ =	sdelay $0x2  }
0x2b5: {  	s29 =	simm.s32 $0x8;
	s26 =	simm.s32 $0xF;
	s28 =	simm.s32 $0x17  }
.LBB2_5:
0x2b6: {  	p0 =	sne.s32 s28, $0x1FF;
	v42 =	vadd.s32 s29, v0;
	[tilespmem:v41+s20+$0x0] =	vst.idx.msk $0xffff, v39  }
0x2b7: {  	v38 =	vand.u32 $0x1FF, v38;
	v39 =	vshll.u32 v42, $0x5;
	v40 =	vld.idx.msk [tilespmem:v40+s15+$0x0], $0xffff  }
0x2b8: {  	v38 =	vor.u32 v37, v38;
	v39 =	vand.u32 $0x3FE0, v39  }
0x2b9: {  	v39 =	vor.u32 v0, v39;
	_ =	sdelay $0x3  }
0x2ba: {  	v41 =	vadd.s32 s29, v35;
	[tilespmem:v38+s20+$0x0] =	vst.idx.msk $0xffff, v40  }
0x2bb: {  	v40 =	vshll.u32 v41, $0x5;
	v38 =	vld.idx.msk [tilespmem:v39+s15+$0x0], $0xffff;
	v39 =	vand.u32 $0x1F8, v42  }
0x2bc: {  	v40 =	vand.u32 $0x3FE0, v40;
	v39 =	vor.u32 v34, v39  }
0x2bd: {  	v40 =	vor.u32 v35, v40;
	_ =	sdelay $0x2  }
0x2be: {  	s29 =	sadd.s32 $0xFFFFFFFA, s26  }
0x2bf: {  	[tilespmem:v39+s20+$0x0] =	vst.idx.msk $0xffff, v38;
	v38 =	vadd.s32 s29, v0  }
0x2c0: {  	v39 =	vld.idx.msk [tilespmem:v40+s15+$0x0], $0xffff;
	v40 =	vand.u32 $0x1F8, v41;
	v41 =	vshll.u32 v38, $0x5  }
0x2c1: {  	v40 =	vor.u32 v36, v40;
	v41 =	vand.u32 $0x3FE0, v41  }
0x2c2: {  	v41 =	vor.u32 v0, v41;
	_ =	sdelay $0x3  }
0x2c3: {  	[tilespmem:v40+s20+$0x0] =	vst.idx.msk $0xffff, v39;
	v39 =	vadd.s32 s29, v35  }
0x2c4: {  	v38 =	vand.u32 $0x1FF, v38;
	v40 =	vld.idx.msk [tilespmem:v41+s15+$0x0], $0xffff;
	v41 =	vshll.u32 v39, $0x5  }
0x2c5: {  	v38 =	vor.u32 v33, v38;
	v41 =	vand.u32 $0x3FE0, v41  }
0x2c6: {  	v41 =	vor.u32 v35, v41;
	_ =	sdelay $0x2  }
0x2c7: {  	s29 =	sadd.s32 $0xFFFFFFFB, s26  }
0x2c8: {  	[tilespmem:v38+s20+$0x0] =	vst.idx.msk $0xffff, v40;
	v38 =	vadd.s32 s29, v0  }
0x2c9: {  	v39 =	vand.u32 $0x1FF, v39;
	v40 =	vld.idx.msk [tilespmem:v41+s15+$0x0], $0xffff;
	v41 =	vshll.u32 v38, $0x5  }
0x2ca: {  	v39 =	vor.u32 v37, v39;
	v41 =	vand.u32 $0x3FE0, v41  }
0x2cb: {  	v41 =	vor.u32 v0, v41;
	_ =	sdelay $0x3  }
0x2cc: {  	[tilespmem:v39+s20+$0x0] =	vst.idx.msk $0xffff, v40;
	v39 =	vadd.s32 s29, v35  }
0x2cd: {  	v38 =	vand.u32 $0x1FF, v38;
	v40 =	vld.idx.msk [tilespmem:v41+s15+$0x0], $0xffff;
	v41 =	vshll.u32 v39, $0x5  }
0x2ce: {  	v38 =	vor.u32 v33, v38;
	v41 =	vand.u32 $0x3FE0, v41  }
0x2cf: {  	v41 =	vor.u32 v35, v41;
	_ =	sdelay $0x2  }
0x2d0: {  	s29 =	sadd.s32 $0xFFFFFFFC, s26  }
0x2d1: {  	[tilespmem:v38+s20+$0x0] =	vst.idx.msk $0xffff, v40;
	v38 =	vadd.s32 s29, v0  }
0x2d2: {  	v39 =	vand.u32 $0x1FF, v39;
	v40 =	vld.idx.msk [tilespmem:v41+s15+$0x0], $0xffff;
	v41 =	vshll.u32 v38, $0x5  }
0x2d3: {  	v39 =	vor.u32 v37, v39;
	v41 =	vand.u32 $0x3FE0, v41  }
0x2d4: {  	v41 =	vor.u32 v0, v41;
	_ =	sdelay $0x3  }
0x2d5: {  	[tilespmem:v39+s20+$0x0] =	vst.idx.msk $0xffff, v40;
	v39 =	vadd.s32 s29, v35  }
0x2d6: {  	v38 =	vand.u32 $0x1FF, v38;
	v40 =	vld.idx.msk [tilespmem:v41+s15+$0x0], $0xffff;
	v41 =	vshll.u32 v39, $0x5  }
0x2d7: {  	v38 =	vor.u32 v33, v38;
	v41 =	vand.u32 $0x3FE0, v41  }
0x2d8: {  	v41 =	vor.u32 v35, v41;
	_ =	sdelay $0x2  }
0x2d9: {  	s29 =	sadd.s32 $0xFFFFFFFD, s26  }
0x2da: {  	[tilespmem:v38+s20+$0x0] =	vst.idx.msk $0xffff, v40;
	v38 =	vadd.s32 s29, v0  }
0x2db: {  	v39 =	vand.u32 $0x1FF, v39;
	v40 =	vld.idx.msk [tilespmem:v41+s15+$0x0], $0xffff;
	v41 =	vshll.u32 v38, $0x5  }
0x2dc: {  	v39 =	vor.u32 v37, v39;
	v41 =	vand.u32 $0x3FE0, v41  }
0x2dd: {  	v41 =	vor.u32 v0, v41;
	_ =	sdelay $0x3  }
0x2de: {  	[tilespmem:v39+s20+$0x0] =	vst.idx.msk $0xffff, v40;
	v39 =	vadd.s32 s29, v35  }
0x2df: {  	v38 =	vand.u32 $0x1FF, v38;
	v40 =	vld.idx.msk [tilespmem:v41+s15+$0x0], $0xffff;
	v41 =	vshll.u32 v39, $0x5  }
0x2e0: {  	v38 =	vor.u32 v33, v38;
	v41 =	vand.u32 $0x3FE0, v41  }
0x2e1: {  	v41 =	vor.u32 v35, v41;
	_ =	sdelay $0x2  }
0x2e2: {  	s29 =	sadd.s32 $0xFFFFFFFE, s26  }
0x2e3: {  	[tilespmem:v38+s20+$0x0] =	vst.idx.msk $0xffff, v40;
	v38 =	vadd.s32 s29, v0  }
0x2e4: {  	v39 =	vand.u32 $0x1FF, v39;
	v40 =	vld.idx.msk [tilespmem:v41+s15+$0x0], $0xffff;
	v41 =	vshll.u32 v38, $0x5  }
0x2e5: {  	v39 =	vor.u32 v37, v39;
	v41 =	vand.u32 $0x3FE0, v41  }
0x2e6: {  	v41 =	vor.u32 v0, v41;
	_ =	sdelay $0x3  }
0x2e7: {  	[tilespmem:v39+s20+$0x0] =	vst.idx.msk $0xffff, v40;
	v39 =	vadd.s32 s29, v35  }
0x2e8: {  	v38 =	vand.u32 $0x1FF, v38;
	v40 =	vld.idx.msk [tilespmem:v41+s15+$0x0], $0xffff;
	v41 =	vshll.u32 v39, $0x5  }
0x2e9: {  	v38 =	vor.u32 v33, v38;
	v41 =	vand.u32 $0x3FE0, v41  }
0x2ea: {  	v41 =	vor.u32 v35, v41;
	_ =	sdelay $0x2  }
0x2eb: {  	s29 =	sadd.s32 $0xFFFFFFFF, s26  }
0x2ec: {  	[tilespmem:v38+s20+$0x0] =	vst.idx.msk $0xffff, v40;
	v38 =	vadd.s32 s29, v0  }
0x2ed: {  	v39 =	vand.u32 $0x1FF, v39;
	v40 =	vld.idx.msk [tilespmem:v41+s15+$0x0], $0xffff;
	v41 =	vshll.u32 v38, $0x5  }
0x2ee: {  	v39 =	vor.u32 v37, v39;
	v41 =	vand.u32 $0x3FE0, v41  }
0x2ef: {  	v41 =	vor.u32 v0, v41;
	_ =	sdelay $0x3  }
0x2f0: {  	[tilespmem:v39+s20+$0x0] =	vst.idx.msk $0xffff, v40;
	v39 =	vadd.s32 s29, v35  }
0x2f1: {  	v38 =	vand.u32 $0x1FF, v38;
	v40 =	vld.idx.msk [tilespmem:v41+s15+$0x0], $0xffff;
	v41 =	vshll.u32 v39, $0x5  }
0x2f2: {  	v38 =	vor.u32 v33, v38;
	v41 =	vand.u32 $0x3FE0, v41  }
0x2f3: {  	v41 =	vor.u32 v35, v41;
	_ =	sdelay $0x3  }
0x2f4: {  	[tilespmem:v38+s20+$0x0] =	vst.idx.msk $0xffff, v40;
	v40 =	vadd.s32 s26, v0  }
0x2f5: {  	v39 =	vand.u32 $0x1FF, v39;
	v38 =	vld.idx.msk [tilespmem:v41+s15+$0x0], $0xffff;
	v41 =	vshll.u32 v40, $0x5  }
0x2f6: {  	v39 =	vor.u32 v37, v39;
	v41 =	vand.u32 $0x3FE0, v41  }
0x2f7: {  	v41 =	vor.u32 v0, v41;
	_ =	sdelay $0x3  }
0x2f8: {  	[tilespmem:v39+s20+$0x0] =	vst.idx.msk $0xffff, v38;
	v38 =	vadd.s32 s26, v35;
	s26 =	smov.u32 s28  }
0x2f9: {  	v40 =	vand.u32 $0x1FF, v40;
	v39 =	vld.idx.msk [tilespmem:v41+s15+$0x0], $0xffff;
	v42 =	vshll.u32 v38, $0x5  }
.Ltmp1:
0x2fa: {  	v41 =	vor.u32 v33, v40;
	v40 =	vand.u32 $0x3FE0, v42;
	(pc) =	sbr.rel @p0 .LBB2_5-.Ltmp1, $2  }
0x2fb: {  	v40 =	vor.u32 v35, v40;
	_ =	sdelay $0x2  }
0x2fc: {  	s28 =	sadd.s32 $0x8, s28;
	s29 =	sadd.s32 $0xFFFFFFF9, s26  }
0x2fd: {  	_ =	sdelay $0x2  }
0x2fe: {  	v42 =	vadd.s32 s29, v0  }
0x2ff: {  	[tilespmem:v41+s20+$0x0] =	vst.idx.msk $0xffff, v39;
	v38 =	vand.u32 $0x1FF, v38;
	v39 =	vshll.u32 v42, $0x5  }
0x300: {  	v40 =	vld.idx.msk [tilespmem:v40+s15+$0x0], $0xffff;
	v38 =	vor.u32 v37, v38;
	v39 =	vand.u32 $0x3FE0, v39  }
0x301: {  	v39 =	vor.u32 v0, v39;
	_ =	sdelay $0x2  }
0x302: {  	v41 =	vadd.s32 s29, v35  }
0x303: {  	[tilespmem:v38+s20+$0x0] =	vst.idx.msk $0xffff, v40;
	v38 =	vand.u32 $0x1F8, v42;
	v40 =	vshll.u32 v41, $0x5  }
0x304: {  	v38 =	vor.u32 v34, v38;
	v40 =	vand.u32 $0x3FE0, v40;
	v39 =	vld.idx.msk [tilespmem:v39+s15+$0x0], $0xffff  }
0x305: {  	v40 =	vor.u32 v35, v40;
	_ =	sdelay $0x1  }
0x306: {  	s28 =	sadd.s32 $0xFFFFFFFA, s26  }
0x307: {  	v42 =	vadd.s32 s28, v0  }
0x308: {  	[tilespmem:v38+s20+$0x0] =	vst.idx.msk $0xffff, v39;
	v38 =	vand.u32 $0x1F8, v41;
	v39 =	vshll.u32 v42, $0x5  }
0x309: {  	v40 =	vld.idx.msk [tilespmem:v40+s15+$0x0], $0xffff;
	v38 =	vor.u32 v36, v38;
	v39 =	vand.u32 $0x3FE0, v39  }
0x30a: {  	v39 =	vor.u32 v0, v39;
	_ =	sdelay $0x2  }
0x30b: {  	v41 =	vadd.s32 s28, v35  }
0x30c: {  	[tilespmem:v38+s20+$0x0] =	vst.idx.msk $0xffff, v40;
	v38 =	vand.u32 $0x1FF, v42;
	v40 =	vshll.u32 v41, $0x5  }
0x30d: {  	v39 =	vld.idx.msk [tilespmem:v39+s15+$0x0], $0xffff;
	v38 =	vor.u32 v33, v38;
	v40 =	vand.u32 $0x3FE0, v40  }
0x30e: {  	v40 =	vor.u32 v35, v40;
	_ =	sdelay $0x1  }
0x30f: {  	s30 =	sadd.s32 $0xFFFFFFFB, s26  }
0x310: {  	v42 =	vadd.s32 s30, v0  }
0x311: {  	[tilespmem:v38+s20+$0x0] =	vst.idx.msk $0xffff, v39;
	v38 =	vand.u32 $0x1FF, v41;
	v39 =	vshll.u32 v42, $0x5  }
0x312: {  	v40 =	vld.idx.msk [tilespmem:v40+s15+$0x0], $0xffff;
	v38 =	vor.u32 v37, v38;
	v39 =	vand.u32 $0x3FE0, v39  }
0x313: {  	v39 =	vor.u32 v0, v39;
	_ =	sdelay $0x2  }
0x314: {  	v41 =	vadd.s32 s30, v35  }
0x315: {  	[tilespmem:v38+s20+$0x0] =	vst.idx.msk $0xffff, v40;
	v38 =	vand.u32 $0x1FF, v42;
	v40 =	vshll.u32 v41, $0x5  }
0x316: {  	v39 =	vld.idx.msk [tilespmem:v39+s15+$0x0], $0xffff;
	v38 =	vor.u32 v33, v38;
	v40 =	vand.u32 $0x3FE0, v40  }
0x317: {  	v40 =	vor.u32 v35, v40;
	_ =	sdelay $0x1  }
0x318: {  	s31 =	sadd.s32 $0xFFFFFFFC, s26  }
0x319: {  	v42 =	vadd.s32 s31, v0  }
0x31a: {  	[tilespmem:v38+s20+$0x0] =	vst.idx.msk $0xffff, v39;
	v38 =	vand.u32 $0x1FF, v41;
	v39 =	vshll.u32 v42, $0x5  }
0x31b: {  	v40 =	vld.idx.msk [tilespmem:v40+s15+$0x0], $0xffff;
	v38 =	vor.u32 v37, v38;
	v39 =	vand.u32 $0x3FE0, v39  }
0x31c: {  	v39 =	vor.u32 v0, v39;
	_ =	sdelay $0x2  }
0x31d: {  	v41 =	vadd.s32 s31, v35  }
0x31e: {  	[tilespmem:v38+s20+$0x0] =	vst.idx.msk $0xffff, v40;
	v38 =	vand.u32 $0x1FF, v42;
	v40 =	vshll.u32 v41, $0x5  }
0x31f: {  	v39 =	vld.idx.msk [tilespmem:v39+s15+$0x0], $0xffff;
	v38 =	vor.u32 v33, v38;
	v40 =	vand.u32 $0x3FE0, v40  }
0x320: {  	v40 =	vor.u32 v35, v40;
	_ =	sdelay $0x1  }
0x321: {  	s29 =	sadd.s32 $0xFFFFFFFD, s26  }
0x322: {  	v42 =	vadd.s32 s29, v0  }
0x323: {  	[tilespmem:v38+s20+$0x0] =	vst.idx.msk $0xffff, v39;
	v38 =	vand.u32 $0x1FF, v41;
	v39 =	vshll.u32 v42, $0x5  }
0x324: {  	v40 =	vld.idx.msk [tilespmem:v40+s15+$0x0], $0xffff;
	v38 =	vor.u32 v37, v38;
	v39 =	vand.u32 $0x3FE0, v39  }
0x325: {  	v39 =	vor.u32 v0, v39;
	_ =	sdelay $0x2  }
0x326: {  	v41 =	vadd.s32 s29, v35  }
0x327: {  	[tilespmem:v38+s20+$0x0] =	vst.idx.msk $0xffff, v40;
	v38 =	vand.u32 $0x1FF, v42;
	v40 =	vshll.u32 v41, $0x5  }
0x328: {  	v39 =	vld.idx.msk [tilespmem:v39+s15+$0x0], $0xffff;
	v38 =	vor.u32 v33, v38;
	v40 =	vand.u32 $0x3FE0, v40  }
0x329: {  	v40 =	vor.u32 v35, v40;
	_ =	sdelay $0x1  }
0x32a: {  	s30 =	sadd.s32 $0xFFFFFFFE, s26  }
0x32b: {  	v42 =	vadd.s32 s30, v0  }
0x32c: {  	[tilespmem:v38+s20+$0x0] =	vst.idx.msk $0xffff, v39;
	v38 =	vand.u32 $0x1FF, v41;
	v39 =	vshll.u32 v42, $0x5  }
0x32d: {  	v40 =	vld.idx.msk [tilespmem:v40+s15+$0x0], $0xffff;
	v38 =	vor.u32 v37, v38;
	v39 =	vand.u32 $0x3FE0, v39  }
0x32e: {  	v39 =	vor.u32 v0, v39;
	_ =	sdelay $0x2  }
0x32f: {  	v41 =	vadd.s32 s30, v35  }
0x330: {  	[tilespmem:v38+s20+$0x0] =	vst.idx.msk $0xffff, v40;
	v38 =	vand.u32 $0x1FF, v42;
	v40 =	vshll.u32 v41, $0x5  }
0x331: {  	v39 =	vld.idx.msk [tilespmem:v39+s15+$0x0], $0xffff;
	v38 =	vor.u32 v33, v38;
	v40 =	vand.u32 $0x3FE0, v40  }
0x332: {  	v40 =	vor.u32 v35, v40;
	_ =	sdelay $0x1  }
0x333: {  	s31 =	sadd.s32 $0xFFFFFFFF, s26  }
0x334: {  	v42 =	vadd.s32 s31, v0  }
0x335: {  	[tilespmem:v38+s20+$0x0] =	vst.idx.msk $0xffff, v39;
	v38 =	vand.u32 $0x1FF, v41;
	v39 =	vshll.u32 v42, $0x5  }
0x336: {  	v40 =	vld.idx.msk [tilespmem:v40+s15+$0x0], $0xffff;
	v38 =	vor.u32 v37, v38;
	v39 =	vand.u32 $0x3FE0, v39  }
0x337: {  	v39 =	vor.u32 v0, v39;
	_ =	sdelay $0x2  }
0x338: {  	v41 =	vadd.s32 s31, v35  }
0x339: {  	[tilespmem:v38+s20+$0x0] =	vst.idx.msk $0xffff, v40;
	v38 =	vand.u32 $0x1FF, v42;
	v40 =	vshll.u32 v41, $0x5  }
0x33a: {  	v39 =	vld.idx.msk [tilespmem:v39+s15+$0x0], $0xffff;
	v38 =	vor.u32 v33, v38;
	v40 =	vand.u32 $0x3FE0, v40  }
0x33b: {  	v40 =	vor.u32 v35, v40;
	_ =	sdelay $0x2  }
0x33c: {  	v42 =	vadd.s32 s26, v0  }
0x33d: {  	[tilespmem:v38+s20+$0x0] =	vst.idx.msk $0xffff, v39;
	v38 =	vand.u32 $0x1FF, v41;
	v39 =	vshll.u32 v42, $0x5  }
0x33e: {  	v40 =	vld.idx.msk [tilespmem:v40+s15+$0x0], $0xffff;
	v38 =	vor.u32 v37, v38;
	v39 =	vand.u32 $0x3FE0, v39  }
0x33f: {  	v39 =	vor.u32 v0, v39;
	_ =	sdelay $0x2  }
0x340: {  	v41 =	vadd.s32 s26, v35  }
0x341: {  	[tilespmem:v38+s20+$0x0] =	vst.idx.msk $0xffff, v40;
	v38 =	vand.u32 $0x1FF, v42;
	v40 =	vshll.u32 v41, $0x5  }
0x342: {  	v39 =	vld.idx.msk [tilespmem:v39+s15+$0x0], $0xffff;
	v38 =	vor.u32 v33, v38;
	v40 =	vand.u32 $0x3FE0, v40  }
0x343: {  	v40 =	vor.u32 v35, v40;
	_ =	sdelay $0x3  }
0x344: {  	v43 =	vand.u32 $0x1FF, v41;
	[tilespmem:v38+s20+$0x0] =	vst.idx.msk $0xffff, v39  }
0x345: {  	s24 =	sadd.s32 $0x1, s24;
	v38 =	vor.u32 v37, v43;
	v39 =	vld.idx.msk [tilespmem:v40+s15+$0x0], $0xffff  }
0x346: {  	p0 =	sne.s32 s24, $0x18  }
.Ltmp2:
0x347: {  	s25 =	sshll.u32 s25, $0x13;
	(pc) =	sbr.rel @p0 .LBB2_2-.Ltmp2, $4  }
0x348: {  	s25 =	sor.u32 s4, s25  }
0x349: {  	s25 =	sshrl.u32 s25, $0x3  }
0x34a: {  	s25 =	sadd.s32 s3, s25;
	[tilespmem:v38+s20+$0x0] =	vst.idx.msk $0xffff, v39  }
0x34b: {  	[hbm4b:s25+s11] =	stream.strided.scatter [tilespmem:s20], [sflag:$0x5], $0x4000, s18, s11, $0x38;
	[tilespmem:$0x17400] =	vst v63  }
0x34c: {  	v38 =	vld [tilespmem:$0x1FFA0];
	_ =	sdelay $0x6  }
0x34d: {  	v42 =	vld [tilespmem:$0x1FFB0]  }
0x34e: {  	v38 =	vld.idx.msk [tilespmem:v38+s1+$0x0], $0xffff;
	_ =	sdelay $0x4  }
0x34f: {  	v38 =	vshll.u32 v38, $0x2  }
0x350: {  	v43 =	vld [tilespmem:$0x1FFC0];
	[tilespmem:$0x7200] =	vst v38  }
0x351: {  	v38 =	vld.idx.msk [tilespmem:v42+s1+$0x0], $0xffff;
	_ =	sdelay $0x4  }
0x352: {  	v38 =	vshll.u32 v38, $0x2  }
0x353: {  	v40 =	vld [tilespmem:$0x1FFD0];
	[tilespmem:$0x7210] =	vst v38  }
0x354: {  	v38 =	vld.idx.msk [tilespmem:v43+s1+$0x0], $0xffff;
	_ =	sdelay $0x4  }
0x355: {  	v38 =	vshll.u32 v38, $0x2  }
0x356: {  	v41 =	vld [tilespmem:$0x1FFE0];
	[tilespmem:$0x7220] =	vst v38  }
0x357: {  	v38 =	vld.idx.msk [tilespmem:v40+s1+$0x0], $0xffff;
	_ =	sdelay $0x4  }
0x358: {  	v38 =	vshll.u32 v38, $0x2  }
0x359: {  	v42 =	vld [tilespmem:$0x1FFF0];
	[tilespmem:$0x7230] =	vst v38  }
0x35a: {  	v38 =	vld.idx.msk [tilespmem:v41+s1+$0x0], $0xffff;
	_ =	sdelay $0x4  }
0x35b: {  	v38 =	vshll.u32 v38, $0x2  }
0x35c: {  	[tilespmem:$0x7240] =	vst v38  }
0x35d: {  	v38 =	vld.idx.msk [tilespmem:v42+s1+$0x0], $0xffff;
	_ =	sdelay $0x4  }
0x35e: {  	v38 =	vshll.u32 v38, $0x2  }
0x35f: {  	[tilespmem:$0x7250] =	vst v38  }
0x360: {  	v38 =	vld.idx.msk [tilespmem:v44+s1+$0x0], $0xffff;
	_ =	sdelay $0x4  }
0x361: {  	v38 =	vshll.u32 v38, $0x2  }
0x362: {  	[tilespmem:$0x7260] =	vst v38  }
0x363: {  	v38 =	vld.idx.msk [tilespmem:v45+s1+$0x0], $0xffff;
	_ =	sdelay $0x4  }
0x364: {  	v38 =	vshll.u32 v38, $0x2  }
0x365: {  	[tilespmem:$0x7270] =	vst v38  }
0x366: {  	v38 =	vld.idx.msk [tilespmem:v46+s1+$0x0], $0xffff;
	_ =	sdelay $0x4  }
0x367: {  	v38 =	vshll.u32 v38, $0x2  }
0x368: {  	[tilespmem:$0x7280] =	vst v38  }
0x369: {  	v38 =	vld.idx.msk [tilespmem:v47+s1+$0x0], $0xffff;
	_ =	sdelay $0x4  }
0x36a: {  	v38 =	vshll.u32 v38, $0x2  }
0x36b: {  	[tilespmem:$0x7290] =	vst v38  }
0x36c: {  	v38 =	vld.idx.msk [tilespmem:v48+s1+$0x0], $0xffff;
	_ =	sdelay $0x4  }
0x36d: {  	v38 =	vshll.u32 v38, $0x2  }
0x36e: {  	[tilespmem:$0x72A0] =	vst v38  }
0x36f: {  	v38 =	vld.idx.msk [tilespmem:v49+s1+$0x0], $0xffff;
	_ =	sdelay $0x4  }
0x370: {  	v38 =	vshll.u32 v38, $0x2  }
0x371: {  	[tilespmem:$0x72B0] =	vst v38  }
0x372: {  	v38 =	vld.idx.msk [tilespmem:v50+s1+$0x0], $0xffff;
	_ =	sdelay $0x4  }
0x373: {  	v38 =	vshll.u32 v38, $0x2  }
0x374: {  	[tilespmem:$0x72C0] =	vst v38  }
0x375: {  	v38 =	vld.idx.msk [tilespmem:v51+s1+$0x0], $0xffff;
	_ =	sdelay $0x4  }
0x376: {  	v38 =	vshll.u32 v38, $0x2  }
0x377: {  	[tilespmem:$0x72D0] =	vst v38  }
0x378: {  	v38 =	vld.idx.msk [tilespmem:v52+s1+$0x0], $0xffff;
	_ =	sdelay $0x4  }
0x379: {  	v38 =	vshll.u32 v38, $0x2  }
0x37a: {  	[tilespmem:$0x72E0] =	vst v38  }
0x37b: {  	v38 =	vld.idx.msk [tilespmem:v53+s1+$0x0], $0xffff;
	_ =	sdelay $0x4  }
0x37c: {  	v38 =	vshll.u32 v38, $0x2  }
0x37d: {  	[tilespmem:$0x72F0] =	vst v38  }
0x37e: {  	v38 =	vld.idx.msk [tilespmem:v54+s1+$0x0], $0xffff;
	_ =	sdelay $0x4  }
0x37f: {  	v38 =	vshll.u32 v38, $0x2  }
0x380: {  	[tilespmem:$0x7300] =	vst v38  }
0x381: {  	v38 =	vld.idx.msk [tilespmem:v55+s1+$0x0], $0xffff;
	_ =	sdelay $0x4  }
0x382: {  	v38 =	vshll.u32 v38, $0x2  }
0x383: {  	[tilespmem:$0x7310] =	vst v38  }
0x384: {  	v38 =	vld.idx.msk [tilespmem:v56+s1+$0x0], $0xffff;
	_ =	sdelay $0x4  }
0x385: {  	v38 =	vshll.u32 v38, $0x2  }
0x386: {  	[tilespmem:$0x7320] =	vst v38  }
0x387: {  	v38 =	vld.idx.msk [tilespmem:v57+s1+$0x0], $0xffff;
	_ =	sdelay $0x4  }
0x388: {  	v38 =	vshll.u32 v38, $0x2  }
0x389: {  	[tilespmem:$0x7330] =	vst v38  }
0x38a: {  	v38 =	vld.idx.msk [tilespmem:v58+s1+$0x0], $0xffff;
	_ =	sdelay $0x4  }
0x38b: {  	v38 =	vshll.u32 v38, $0x2  }
0x38c: {  	[tilespmem:$0x7340] =	vst v38  }
0x38d: {  	v38 =	vld.idx.msk [tilespmem:v59+s1+$0x0], $0xffff;
	_ =	sdelay $0x4  }
0x38e: {  	v38 =	vshll.u32 v38, $0x2  }
0x38f: {  	[tilespmem:$0x7350] =	vst v38  }
0x390: {  	v38 =	vld.idx.msk [tilespmem:v60+s1+$0x0], $0xffff;
	_ =	sdelay $0x4  }
0x391: {  	v38 =	vshll.u32 v38, $0x2  }
0x392: {  	[tilespmem:$0x7360] =	vst v38  }
0x393: {  	v38 =	vld.idx.msk [tilespmem:v61+s1+$0x0], $0xffff;
	_ =	sdelay $0x4  }
0x394: {  	v38 =	vshll.u32 v38, $0x2  }
0x395: {  	[tilespmem:$0x7370] =	vst v38  }
0x396: {  	v38 =	vld.idx.msk [tilespmem:v62+s1+$0x0], $0xffff;
	_ =	sdelay $0x4  }
0x397: {  	v38 =	vshll.u32 v38, $0x2  }
0x398: {  	[tilespmem:$0x7380] =	vst v38  }
0x399: {  	v38 =	vld.idx.msk [tilespmem:v63+s1+$0x0], $0xffff;
	_ =	sdelay $0x1  }
0x39a: {  	v39 =	vadd.s32 $0x5B31, v1;
	_ =	sdelay $0x2  }
0x39b: {  	v38 =	vshll.u32 v38, $0x2  }
0x39c: {  	[tilespmem:$0x7390] =	vst v38  }
0x39d: {  	v38 =	vld.idx.msk [tilespmem:v39+s1+$0x0], $0xffff;
	_ =	sdelay $0x1  }
0x39e: {  	v43 =	vadd.s32 $0x5EB1, v1;
	_ =	sdelay $0x2  }
0x39f: {  	v38 =	vshll.u32 v38, $0x2  }
0x3a0: {  	[tilespmem:$0x73A0] =	vst v38  }
0x3a1: {  	v38 =	vld.idx.msk [tilespmem:v43+s1+$0x0], $0xffff;
	_ =	sdelay $0x1  }
0x3a2: {  	v42 =	vadd.s32 $0x6231, v1;
	_ =	sdelay $0x2  }
0x3a3: {  	v38 =	vshll.u32 v38, $0x2  }
0x3a4: {  	[tilespmem:$0x73B0] =	vst v38  }
0x3a5: {  	v38 =	vld.idx.msk [tilespmem:v42+s1+$0x0], $0xffff;
	_ =	sdelay $0x1  }
0x3a6: {  	v43 =	vadd.s32 $0x65B1, v1;
	_ =	sdelay $0x2  }
0x3a7: {  	v38 =	vshll.u32 v38, $0x2  }
0x3a8: {  	[tilespmem:$0x73C0] =	vst v38  }
0x3a9: {  	v38 =	vld.idx.msk [tilespmem:v43+s1+$0x0], $0xffff;
	_ =	sdelay $0x1  }
0x3aa: {  	v42 =	vadd.s32 $0x6931, v1;
	_ =	sdelay $0x2  }
0x3ab: {  	v38 =	vshll.u32 v38, $0x2  }
0x3ac: {  	[tilespmem:$0x73D0] =	vst v38  }
0x3ad: {  	v38 =	vld.idx.msk [tilespmem:v42+s1+$0x0], $0xffff;
	_ =	sdelay $0x1  }
0x3ae: {  	v43 =	vadd.s32 $0x6CB1, v1;
	_ =	sdelay $0x2  }
0x3af: {  	v38 =	vshll.u32 v38, $0x2  }
0x3b0: {  	[tilespmem:$0x73E0] =	vst v38  }
0x3b1: {  	v38 =	vld.idx.msk [tilespmem:v43+s1+$0x0], $0xffff;
	_ =	sdelay $0x4  }
0x3b2: {  	s24 =	simm.s32 $0x0;
	v38 =	vshll.u32 v38, $0x2  }
0x3b3: {  	[tilespmem:$0x73F0] =	vst v38;
	v38 =	vadd.s32 s24, v0  }
0x3b4: {  	[tilespmem:s15], [sflag:$0x3] =	stream.indirect.gather [hbm4b:s5+s11], $0x20, s14, s11, $0xb8;
	v42 =	vshll.u32 v38, $0x5;
	[tilespmem:$0x17400] =	vst v63  }
0x3b5: {  	_ =	swait.ge [sflag:s16], $0x4000;
	v39 =	vand.u32 $0x3FE0, v42  }
0x3b6: {  	[sflag:s16] =	ssyncset.done $0x0;
	v39 =	vor.u32 v0, v39  }
0x3b7: {  	[sflag:s16] =	ssyncadd.s32 $0xFFFFC000  }
0x3b8: {  	_ =	swait.ge [sflag:s21], $0x4000  }
0x3b9: {  	v40 =	vadd.s32 s24, v35;
	[sflag:s21] =	ssyncset.done $0x0  }
0x3ba: {  	v41 =	vshll.u32 v40, $0x5;
	v38 =	vand.u32 $0x1F8, v38;
	[sflag:s21] =	ssyncadd.s32 $0xFFFFC000  }
0x3bb: {  	v41 =	vand.u32 $0x3FE0, v41;
	v38 =	vor.u32 v34, v38;
	v39 =	vld.idx.msk [tilespmem:v39+s13+$0x0], $0xffff  }
0x3bc: {  	v41 =	vor.u32 v35, v41;
	_ =	sdelay $0x1  }
0x3bd: {  	s31 =	simm.s32 $0x1  }
0x3be: {  	v42 =	vadd.s32 s31, v0  }
0x3bf: {  	[tilespmem:v38+s17+$0x0] =	vst.idx.msk $0xffff, v39;
	v38 =	vand.u32 $0x1F8, v40;
	v39 =	vshll.u32 v42, $0x5  }
0x3c0: {  	v40 =	vld.idx.msk [tilespmem:v41+s13+$0x0], $0xffff;
	v38 =	vor.u32 v36, v38;
	v39 =	vand.u32 $0x3FE0, v39  }
0x3c1: {  	v39 =	vor.u32 v0, v39;
	_ =	sdelay $0x2  }
0x3c2: {  	v41 =	vadd.s32 s31, v35  }
0x3c3: {  	[tilespmem:v38+s17+$0x0] =	vst.idx.msk $0xffff, v40;
	v38 =	vand.u32 $0x1FF, v42;
	v40 =	vshll.u32 v41, $0x5  }
0x3c4: {  	v39 =	vld.idx.msk [tilespmem:v39+s13+$0x0], $0xffff;
	v38 =	vor.u32 v33, v38;
	v40 =	vand.u32 $0x3FE0, v40  }
0x3c5: {  	v40 =	vor.u32 v35, v40;
	_ =	sdelay $0x1  }
0x3c6: {  	s25 =	simm.s32 $0x2  }
0x3c7: {  	v42 =	vadd.s32 s25, v0  }
0x3c8: {  	[tilespmem:v38+s17+$0x0] =	vst.idx.msk $0xffff, v39;
	v38 =	vand.u32 $0x1FF, v41;
	v39 =	vshll.u32 v42, $0x5  }
0x3c9: {  	v40 =	vld.idx.msk [tilespmem:v40+s13+$0x0], $0xffff;
	v38 =	vor.u32 v37, v38;
	v39 =	vand.u32 $0x3FE0, v39  }
0x3ca: {  	v39 =	vor.u32 v0, v39;
	_ =	sdelay $0x2  }
0x3cb: {  	v41 =	vadd.s32 s25, v35  }
0x3cc: {  	[tilespmem:v38+s17+$0x0] =	vst.idx.msk $0xffff, v40;
	v38 =	vand.u32 $0x1FF, v42;
	v40 =	vshll.u32 v41, $0x5  }
0x3cd: {  	v39 =	vld.idx.msk [tilespmem:v39+s13+$0x0], $0xffff;
	v38 =	vor.u32 v33, v38;
	v40 =	vand.u32 $0x3FE0, v40  }
0x3ce: {  	v40 =	vor.u32 v35, v40;
	_ =	sdelay $0x1  }
0x3cf: {  	s26 =	simm.s32 $0x3  }
0x3d0: {  	v42 =	vadd.s32 s26, v0  }
0x3d1: {  	[tilespmem:v38+s17+$0x0] =	vst.idx.msk $0xffff, v39;
	v38 =	vand.u32 $0x1FF, v41;
	v39 =	vshll.u32 v42, $0x5  }
0x3d2: {  	v40 =	vld.idx.msk [tilespmem:v40+s13+$0x0], $0xffff;
	v38 =	vor.u32 v37, v38;
	v39 =	vand.u32 $0x3FE0, v39  }
0x3d3: {  	v39 =	vor.u32 v0, v39;
	_ =	sdelay $0x2  }
0x3d4: {  	v41 =	vadd.s32 s26, v35  }
0x3d5: {  	[tilespmem:v38+s17+$0x0] =	vst.idx.msk $0xffff, v40;
	v38 =	vand.u32 $0x1FF, v42;
	v40 =	vshll.u32 v41, $0x5  }
0x3d6: {  	v39 =	vld.idx.msk [tilespmem:v39+s13+$0x0], $0xffff;
	v38 =	vor.u32 v33, v38;
	v40 =	vand.u32 $0x3FE0, v40  }
0x3d7: {  	v40 =	vor.u32 v35, v40;
	_ =	sdelay $0x1  }
0x3d8: {  	s28 =	simm.s32 $0x4  }
0x3d9: {  	v42 =	vadd.s32 s28, v0  }
0x3da: {  	[tilespmem:v38+s17+$0x0] =	vst.idx.msk $0xffff, v39;
	v38 =	vand.u32 $0x1FF, v41;
	v39 =	vshll.u32 v42, $0x5  }
0x3db: {  	v40 =	vld.idx.msk [tilespmem:v40+s13+$0x0], $0xffff;
	v38 =	vor.u32 v37, v38;
	v39 =	vand.u32 $0x3FE0, v39  }
0x3dc: {  	v39 =	vor.u32 v0, v39;
	_ =	sdelay $0x2  }
0x3dd: {  	v41 =	vadd.s32 s28, v35  }
0x3de: {  	[tilespmem:v38+s17+$0x0] =	vst.idx.msk $0xffff, v40;
	v38 =	vand.u32 $0x1FF, v42;
	v40 =	vshll.u32 v41, $0x5  }
0x3df: {  	v39 =	vld.idx.msk [tilespmem:v39+s13+$0x0], $0xffff;
	v38 =	vor.u32 v33, v38;
	v40 =	vand.u32 $0x3FE0, v40  }
0x3e0: {  	v40 =	vor.u32 v35, v40;
	_ =	sdelay $0x1  }
0x3e1: {  	s29 =	simm.s32 $0x5  }
0x3e2: {  	v42 =	vadd.s32 s29, v0  }
0x3e3: {  	[tilespmem:v38+s17+$0x0] =	vst.idx.msk $0xffff, v39;
	v38 =	vand.u32 $0x1FF, v41;
	v39 =	vshll.u32 v42, $0x5  }
0x3e4: {  	v40 =	vld.idx.msk [tilespmem:v40+s13+$0x0], $0xffff;
	v38 =	vor.u32 v37, v38;
	v39 =	vand.u32 $0x3FE0, v39  }
0x3e5: {  	v39 =	vor.u32 v0, v39;
	_ =	sdelay $0x2  }
0x3e6: {  	v41 =	vadd.s32 s29, v35  }
0x3e7: {  	[tilespmem:v38+s17+$0x0] =	vst.idx.msk $0xffff, v40;
	v38 =	vand.u32 $0x1FF, v42;
	v40 =	vshll.u32 v41, $0x5  }
0x3e8: {  	v39 =	vld.idx.msk [tilespmem:v39+s13+$0x0], $0xffff;
	v38 =	vor.u32 v33, v38;
	v40 =	vand.u32 $0x3FE0, v40  }
0x3e9: {  	v40 =	vor.u32 v35, v40;
	_ =	sdelay $0x1  }
0x3ea: {  	s30 =	simm.s32 $0x6  }
0x3eb: {  	v42 =	vadd.s32 s30, v0  }
0x3ec: {  	[tilespmem:v38+s17+$0x0] =	vst.idx.msk $0xffff, v39;
	v38 =	vand.u32 $0x1FF, v41;
	v39 =	vshll.u32 v42, $0x5  }
0x3ed: {  	v40 =	vld.idx.msk [tilespmem:v40+s13+$0x0], $0xffff;
	v38 =	vor.u32 v37, v38;
	v39 =	vand.u32 $0x3FE0, v39  }
0x3ee: {  	v39 =	vor.u32 v0, v39;
	_ =	sdelay $0x2  }
0x3ef: {  	v41 =	vadd.s32 s30, v35  }
0x3f0: {  	[tilespmem:v38+s17+$0x0] =	vst.idx.msk $0xffff, v40;
	v38 =	vand.u32 $0x1FF, v42;
	v40 =	vshll.u32 v41, $0x5  }
0x3f1: {  	v39 =	vld.idx.msk [tilespmem:v39+s13+$0x0], $0xffff;
	v38 =	vor.u32 v33, v38;
	v40 =	vand.u32 $0x3FE0, v40  }
0x3f2: {  	v40 =	vor.u32 v35, v40;
	_ =	sdelay $0x1  }
0x3f3: {  	s31 =	simm.s32 $0x7  }
0x3f4: {  	v42 =	vadd.s32 s31, v0  }
0x3f5: {  	[tilespmem:v38+s17+$0x0] =	vst.idx.msk $0xffff, v39;
	v38 =	vand.u32 $0x1FF, v41;
	v39 =	vshll.u32 v42, $0x5  }
0x3f6: {  	v40 =	vld.idx.msk [tilespmem:v40+s13+$0x0], $0xffff;
	v41 =	vor.u32 v37, v38;
	v43 =	vand.u32 $0x3FE0, v39  }
0x3f7: {  	v39 =	vor.u32 v0, v43;
	_ =	sdelay $0x2  }
0x3f8: {  	v38 =	vadd.s32 s31, v35  }
0x3f9: {  	v43 =	vshll.u32 v38, $0x5;
	[tilespmem:v41+s17+$0x0] =	vst.idx.msk $0xffff, v40;
	v40 =	vand.u32 $0x1FF, v42  }
0x3fa: {  	v42 =	vand.u32 $0x3FE0, v43;
	v39 =	vld.idx.msk [tilespmem:v39+s13+$0x0], $0xffff;
	v41 =	vor.u32 v33, v40  }
0x3fb: {  	v40 =	vor.u32 v35, v42;
	_ =	sdelay $0x2  }
0x3fc: {  	s24 =	simm.s32 $0xF;
	s25 =	simm.s32 $0x17;
	s26 =	simm.s32 $0x8  }
.LBB2_8:
0x3fd: {  	p0 =	sne.s32 s25, $0x1FF;
	v42 =	vadd.s32 s26, v0;
	[tilespmem:v41+s17+$0x0] =	vst.idx.msk $0xffff, v39  }
0x3fe: {  	v38 =	vand.u32 $0x1FF, v38;
	v39 =	vshll.u32 v42, $0x5;
	v40 =	vld.idx.msk [tilespmem:v40+s13+$0x0], $0xffff  }
0x3ff: {  	v38 =	vor.u32 v37, v38;
	v39 =	vand.u32 $0x3FE0, v39  }
0x400: {  	v39 =	vor.u32 v0, v39;
	_ =	sdelay $0x3  }
0x401: {  	v41 =	vadd.s32 s26, v35;
	[tilespmem:v38+s17+$0x0] =	vst.idx.msk $0xffff, v40  }
0x402: {  	v40 =	vshll.u32 v41, $0x5;
	v38 =	vld.idx.msk [tilespmem:v39+s13+$0x0], $0xffff;
	v39 =	vand.u32 $0x1F8, v42  }
0x403: {  	v40 =	vand.u32 $0x3FE0, v40;
	v39 =	vor.u32 v34, v39  }
0x404: {  	v40 =	vor.u32 v35, v40;
	_ =	sdelay $0x2  }
0x405: {  	s26 =	sadd.s32 $0xFFFFFFFA, s24  }
0x406: {  	[tilespmem:v39+s17+$0x0] =	vst.idx.msk $0xffff, v38;
	v38 =	vadd.s32 s26, v0  }
0x407: {  	v39 =	vld.idx.msk [tilespmem:v40+s13+$0x0], $0xffff;
	v40 =	vand.u32 $0x1F8, v41;
	v41 =	vshll.u32 v38, $0x5  }
0x408: {  	v40 =	vor.u32 v36, v40;
	v41 =	vand.u32 $0x3FE0, v41  }
0x409: {  	v41 =	vor.u32 v0, v41;
	_ =	sdelay $0x3  }
0x40a: {  	[tilespmem:v40+s17+$0x0] =	vst.idx.msk $0xffff, v39;
	v39 =	vadd.s32 s26, v35  }
0x40b: {  	v38 =	vand.u32 $0x1FF, v38;
	v40 =	vld.idx.msk [tilespmem:v41+s13+$0x0], $0xffff;
	v41 =	vshll.u32 v39, $0x5  }
0x40c: {  	v38 =	vor.u32 v33, v38;
	v41 =	vand.u32 $0x3FE0, v41  }
0x40d: {  	v41 =	vor.u32 v35, v41;
	_ =	sdelay $0x2  }
0x40e: {  	s26 =	sadd.s32 $0xFFFFFFFB, s24  }
0x40f: {  	[tilespmem:v38+s17+$0x0] =	vst.idx.msk $0xffff, v40;
	v38 =	vadd.s32 s26, v0  }
0x410: {  	v39 =	vand.u32 $0x1FF, v39;
	v40 =	vld.idx.msk [tilespmem:v41+s13+$0x0], $0xffff;
	v41 =	vshll.u32 v38, $0x5  }
0x411: {  	v39 =	vor.u32 v37, v39;
	v41 =	vand.u32 $0x3FE0, v41  }
0x412: {  	v41 =	vor.u32 v0, v41;
	_ =	sdelay $0x3  }
0x413: {  	[tilespmem:v39+s17+$0x0] =	vst.idx.msk $0xffff, v40;
	v39 =	vadd.s32 s26, v35  }
0x414: {  	v38 =	vand.u32 $0x1FF, v38;
	v40 =	vld.idx.msk [tilespmem:v41+s13+$0x0], $0xffff;
	v41 =	vshll.u32 v39, $0x5  }
0x415: {  	v38 =	vor.u32 v33, v38;
	v41 =	vand.u32 $0x3FE0, v41  }
0x416: {  	v41 =	vor.u32 v35, v41;
	_ =	sdelay $0x2  }
0x417: {  	s26 =	sadd.s32 $0xFFFFFFFC, s24  }
0x418: {  	[tilespmem:v38+s17+$0x0] =	vst.idx.msk $0xffff, v40;
	v38 =	vadd.s32 s26, v0  }
0x419: {  	v39 =	vand.u32 $0x1FF, v39;
	v40 =	vld.idx.msk [tilespmem:v41+s13+$0x0], $0xffff;
	v41 =	vshll.u32 v38, $0x5  }
0x41a: {  	v39 =	vor.u32 v37, v39;
	v41 =	vand.u32 $0x3FE0, v41  }
0x41b: {  	v41 =	vor.u32 v0, v41;
	_ =	sdelay $0x3  }
0x41c: {  	[tilespmem:v39+s17+$0x0] =	vst.idx.msk $0xffff, v40;
	v39 =	vadd.s32 s26, v35  }
0x41d: {  	v38 =	vand.u32 $0x1FF, v38;
	v40 =	vld.idx.msk [tilespmem:v41+s13+$0x0], $0xffff;
	v41 =	vshll.u32 v39, $0x5  }
0x41e: {  	v38 =	vor.u32 v33, v38;
	v41 =	vand.u32 $0x3FE0, v41  }
0x41f: {  	v41 =	vor.u32 v35, v41;
	_ =	sdelay $0x2  }
0x420: {  	s26 =	sadd.s32 $0xFFFFFFFD, s24  }
0x421: {  	[tilespmem:v38+s17+$0x0] =	vst.idx.msk $0xffff, v40;
	v38 =	vadd.s32 s26, v0  }
0x422: {  	v39 =	vand.u32 $0x1FF, v39;
	v40 =	vld.idx.msk [tilespmem:v41+s13+$0x0], $0xffff;
	v41 =	vshll.u32 v38, $0x5  }
0x423: {  	v39 =	vor.u32 v37, v39;
	v41 =	vand.u32 $0x3FE0, v41  }
0x424: {  	v41 =	vor.u32 v0, v41;
	_ =	sdelay $0x3  }
0x425: {  	[tilespmem:v39+s17+$0x0] =	vst.idx.msk $0xffff, v40;
	v39 =	vadd.s32 s26, v35  }
0x426: {  	v38 =	vand.u32 $0x1FF, v38;
	v40 =	vld.idx.msk [tilespmem:v41+s13+$0x0], $0xffff;
	v41 =	vshll.u32 v39, $0x5  }
0x427: {  	v38 =	vor.u32 v33, v38;
	v41 =	vand.u32 $0x3FE0, v41  }
0x428: {  	v41 =	vor.u32 v35, v41;
	_ =	sdelay $0x2  }
0x429: {  	s26 =	sadd.s32 $0xFFFFFFFE, s24  }
0x42a: {  	[tilespmem:v38+s17+$0x0] =	vst.idx.msk $0xffff, v40;
	v38 =	vadd.s32 s26, v0  }
0x42b: {  	v39 =	vand.u32 $0x1FF, v39;
	v40 =	vld.idx.msk [tilespmem:v41+s13+$0x0], $0xffff;
	v41 =	vshll.u32 v38, $0x5  }
0x42c: {  	v39 =	vor.u32 v37, v39;
	v41 =	vand.u32 $0x3FE0, v41  }
0x42d: {  	v41 =	vor.u32 v0, v41;
	_ =	sdelay $0x3  }
0x42e: {  	[tilespmem:v39+s17+$0x0] =	vst.idx.msk $0xffff, v40;
	v39 =	vadd.s32 s26, v35  }
0x42f: {  	v38 =	vand.u32 $0x1FF, v38;
	v40 =	vld.idx.msk [tilespmem:v41+s13+$0x0], $0xffff;
	v41 =	vshll.u32 v39, $0x5  }
0x430: {  	v38 =	vor.u32 v33, v38;
	v41 =	vand.u32 $0x3FE0, v41  }
0x431: {  	v41 =	vor.u32 v35, v41;
	_ =	sdelay $0x2  }
0x432: {  	s26 =	sadd.s32 $0xFFFFFFFF, s24  }
0x433: {  	[tilespmem:v38+s17+$0x0] =	vst.idx.msk $0xffff, v40;
	v38 =	vadd.s32 s26, v0  }
0x434: {  	v39 =	vand.u32 $0x1FF, v39;
	v40 =	vld.idx.msk [tilespmem:v41+s13+$0x0], $0xffff;
	v41 =	vshll.u32 v38, $0x5  }
0x435: {  	v39 =	vor.u32 v37, v39;
	v41 =	vand.u32 $0x3FE0, v41  }
0x436: {  	v41 =	vor.u32 v0, v41;
	_ =	sdelay $0x3  }
0x437: {  	[tilespmem:v39+s17+$0x0] =	vst.idx.msk $0xffff, v40;
	v39 =	vadd.s32 s26, v35  }
0x438: {  	v38 =	vand.u32 $0x1FF, v38;
	v40 =	vld.idx.msk [tilespmem:v41+s13+$0x0], $0xffff;
	v41 =	vshll.u32 v39, $0x5  }
0x439: {  	v38 =	vor.u32 v33, v38;
	v41 =	vand.u32 $0x3FE0, v41  }
0x43a: {  	v41 =	vor.u32 v35, v41;
	_ =	sdelay $0x3  }
0x43b: {  	[tilespmem:v38+s17+$0x0] =	vst.idx.msk $0xffff, v40;
	v40 =	vadd.s32 s24, v0  }
0x43c: {  	v39 =	vand.u32 $0x1FF, v39;
	v38 =	vld.idx.msk [tilespmem:v41+s13+$0x0], $0xffff;
	v41 =	vshll.u32 v40, $0x5  }
0x43d: {  	v39 =	vor.u32 v37, v39;
	v41 =	vand.u32 $0x3FE0, v41  }
0x43e: {  	v41 =	vor.u32 v0, v41;
	_ =	sdelay $0x3  }
0x43f: {  	[tilespmem:v39+s17+$0x0] =	vst.idx.msk $0xffff, v38;
	v38 =	vadd.s32 s24, v35;
	s24 =	smov.u32 s25  }
0x440: {  	v40 =	vand.u32 $0x1FF, v40;
	v39 =	vld.idx.msk [tilespmem:v41+s13+$0x0], $0xffff;
	v42 =	vshll.u32 v38, $0x5  }
.Ltmp3:
0x441: {  	v41 =	vor.u32 v33, v40;
	v40 =	vand.u32 $0x3FE0, v42;
	(pc) =	sbr.rel @p0 .LBB2_8-.Ltmp3, $2  }
0x442: {  	v40 =	vor.u32 v35, v40;
	_ =	sdelay $0x2  }
0x443: {  	s25 =	sadd.s32 $0x8, s25;
	s26 =	sadd.s32 $0xFFFFFFF9, s24  }
0x444: {  	_ =	sdelay $0x2  }
0x445: {  	v42 =	vadd.s32 s26, v0  }
0x446: {  	[tilespmem:v41+s17+$0x0] =	vst.idx.msk $0xffff, v39;
	v38 =	vand.u32 $0x1FF, v38;
	v39 =	vshll.u32 v42, $0x5  }
0x447: {  	v40 =	vld.idx.msk [tilespmem:v40+s13+$0x0], $0xffff;
	v38 =	vor.u32 v37, v38;
	v39 =	vand.u32 $0x3FE0, v39  }
0x448: {  	v39 =	vor.u32 v0, v39;
	_ =	sdelay $0x2  }
0x449: {  	v41 =	vadd.s32 s26, v35  }
0x44a: {  	[tilespmem:v38+s17+$0x0] =	vst.idx.msk $0xffff, v40;
	v38 =	vand.u32 $0x1F8, v42;
	v40 =	vshll.u32 v41, $0x5  }
0x44b: {  	v38 =	vor.u32 v34, v38;
	v40 =	vand.u32 $0x3FE0, v40;
	v39 =	vld.idx.msk [tilespmem:v39+s13+$0x0], $0xffff  }
0x44c: {  	v40 =	vor.u32 v35, v40;
	_ =	sdelay $0x1  }
0x44d: {  	s25 =	sadd.s32 $0xFFFFFFFA, s24  }
0x44e: {  	v42 =	vadd.s32 s25, v0  }
0x44f: {  	[tilespmem:v38+s17+$0x0] =	vst.idx.msk $0xffff, v39;
	v38 =	vand.u32 $0x1F8, v41;
	v39 =	vshll.u32 v42, $0x5  }
0x450: {  	v40 =	vld.idx.msk [tilespmem:v40+s13+$0x0], $0xffff;
	v38 =	vor.u32 v36, v38;
	v39 =	vand.u32 $0x3FE0, v39  }
0x451: {  	v39 =	vor.u32 v0, v39;
	_ =	sdelay $0x2  }
0x452: {  	v41 =	vadd.s32 s25, v35  }
0x453: {  	[tilespmem:v38+s17+$0x0] =	vst.idx.msk $0xffff, v40;
	v38 =	vand.u32 $0x1FF, v42;
	v40 =	vshll.u32 v41, $0x5  }
0x454: {  	v39 =	vld.idx.msk [tilespmem:v39+s13+$0x0], $0xffff;
	v38 =	vor.u32 v33, v38;
	v40 =	vand.u32 $0x3FE0, v40  }
0x455: {  	v40 =	vor.u32 v35, v40;
	_ =	sdelay $0x1  }
0x456: {  	s30 =	sadd.s32 $0xFFFFFFFB, s24  }
0x457: {  	v42 =	vadd.s32 s30, v0  }
0x458: {  	[tilespmem:v38+s17+$0x0] =	vst.idx.msk $0xffff, v39;
	v38 =	vand.u32 $0x1FF, v41;
	v39 =	vshll.u32 v42, $0x5  }
0x459: {  	v40 =	vld.idx.msk [tilespmem:v40+s13+$0x0], $0xffff;
	v38 =	vor.u32 v37, v38;
	v39 =	vand.u32 $0x3FE0, v39  }
0x45a: {  	v39 =	vor.u32 v0, v39;
	_ =	sdelay $0x2  }
0x45b: {  	v41 =	vadd.s32 s30, v35  }
0x45c: {  	[tilespmem:v38+s17+$0x0] =	vst.idx.msk $0xffff, v40;
	v38 =	vand.u32 $0x1FF, v42;
	v40 =	vshll.u32 v41, $0x5  }
0x45d: {  	v39 =	vld.idx.msk [tilespmem:v39+s13+$0x0], $0xffff;
	v38 =	vor.u32 v33, v38;
	v40 =	vand.u32 $0x3FE0, v40  }
0x45e: {  	v40 =	vor.u32 v35, v40;
	_ =	sdelay $0x1  }
0x45f: {  	s31 =	sadd.s32 $0xFFFFFFFC, s24  }
0x460: {  	v42 =	vadd.s32 s31, v0  }
0x461: {  	[tilespmem:v38+s17+$0x0] =	vst.idx.msk $0xffff, v39;
	v38 =	vand.u32 $0x1FF, v41;
	v39 =	vshll.u32 v42, $0x5  }
0x462: {  	v40 =	vld.idx.msk [tilespmem:v40+s13+$0x0], $0xffff;
	v38 =	vor.u32 v37, v38;
	v39 =	vand.u32 $0x3FE0, v39  }
0x463: {  	v39 =	vor.u32 v0, v39;
	_ =	sdelay $0x2  }
0x464: {  	v41 =	vadd.s32 s31, v35  }
0x465: {  	[tilespmem:v38+s17+$0x0] =	vst.idx.msk $0xffff, v40;
	v38 =	vand.u32 $0x1FF, v42;
	v40 =	vshll.u32 v41, $0x5  }
0x466: {  	v39 =	vld.idx.msk [tilespmem:v39+s13+$0x0], $0xffff;
	v38 =	vor.u32 v33, v38;
	v40 =	vand.u32 $0x3FE0, v40  }
0x467: {  	v40 =	vor.u32 v35, v40;
	_ =	sdelay $0x1  }
0x468: {  	s26 =	sadd.s32 $0xFFFFFFFD, s24  }
0x469: {  	v42 =	vadd.s32 s26, v0  }
0x46a: {  	[tilespmem:v38+s17+$0x0] =	vst.idx.msk $0xffff, v39;
	v38 =	vand.u32 $0x1FF, v41;
	v39 =	vshll.u32 v42, $0x5  }
0x46b: {  	v40 =	vld.idx.msk [tilespmem:v40+s13+$0x0], $0xffff;
	v38 =	vor.u32 v37, v38;
	v39 =	vand.u32 $0x3FE0, v39  }
0x46c: {  	v39 =	vor.u32 v0, v39;
	_ =	sdelay $0x2  }
0x46d: {  	v41 =	vadd.s32 s26, v35  }
0x46e: {  	[tilespmem:v38+s17+$0x0] =	vst.idx.msk $0xffff, v40;
	v38 =	vand.u32 $0x1FF, v42;
	v40 =	vshll.u32 v41, $0x5  }
0x46f: {  	v39 =	vld.idx.msk [tilespmem:v39+s13+$0x0], $0xffff;
	v38 =	vor.u32 v33, v38;
	v40 =	vand.u32 $0x3FE0, v40  }
0x470: {  	v40 =	vor.u32 v35, v40;
	_ =	sdelay $0x1  }
0x471: {  	s28 =	sadd.s32 $0xFFFFFFFE, s24  }
0x472: {  	v42 =	vadd.s32 s28, v0  }
0x473: {  	[tilespmem:v38+s17+$0x0] =	vst.idx.msk $0xffff, v39;
	v38 =	vand.u32 $0x1FF, v41;
	v39 =	vshll.u32 v42, $0x5  }
0x474: {  	v40 =	vld.idx.msk [tilespmem:v40+s13+$0x0], $0xffff;
	v38 =	vor.u32 v37, v38;
	v39 =	vand.u32 $0x3FE0, v39  }
0x475: {  	v39 =	vor.u32 v0, v39;
	_ =	sdelay $0x2  }
0x476: {  	v41 =	vadd.s32 s28, v35  }
0x477: {  	[tilespmem:v38+s17+$0x0] =	vst.idx.msk $0xffff, v40;
	v38 =	vand.u32 $0x1FF, v42;
	v40 =	vshll.u32 v41, $0x5  }
0x478: {  	v39 =	vld.idx.msk [tilespmem:v39+s13+$0x0], $0xffff;
	v38 =	vor.u32 v33, v38;
	v40 =	vand.u32 $0x3FE0, v40  }
0x479: {  	v40 =	vor.u32 v35, v40;
	_ =	sdelay $0x1  }
0x47a: {  	s29 =	sadd.s32 $0xFFFFFFFF, s24  }
0x47b: {  	v42 =	vadd.s32 s29, v0  }
0x47c: {  	[tilespmem:v38+s17+$0x0] =	vst.idx.msk $0xffff, v39;
	v38 =	vand.u32 $0x1FF, v41;
	v39 =	vshll.u32 v42, $0x5  }
0x47d: {  	v40 =	vld.idx.msk [tilespmem:v40+s13+$0x0], $0xffff;
	v38 =	vor.u32 v37, v38;
	v39 =	vand.u32 $0x3FE0, v39  }
0x47e: {  	v39 =	vor.u32 v0, v39;
	_ =	sdelay $0x2  }
0x47f: {  	v41 =	vadd.s32 s29, v35  }
0x480: {  	[tilespmem:v38+s17+$0x0] =	vst.idx.msk $0xffff, v40;
	v38 =	vand.u32 $0x1FF, v42;
	v40 =	vshll.u32 v41, $0x5  }
0x481: {  	v39 =	vld.idx.msk [tilespmem:v39+s13+$0x0], $0xffff;
	v38 =	vor.u32 v33, v38;
	v40 =	vand.u32 $0x3FE0, v40  }
0x482: {  	v40 =	vor.u32 v35, v40;
	_ =	sdelay $0x2  }
0x483: {  	v42 =	vadd.s32 s24, v0  }
0x484: {  	[tilespmem:v38+s17+$0x0] =	vst.idx.msk $0xffff, v39;
	v38 =	vand.u32 $0x1FF, v41;
	v39 =	vshll.u32 v42, $0x5  }
0x485: {  	v40 =	vld.idx.msk [tilespmem:v40+s13+$0x0], $0xffff;
	v38 =	vor.u32 v37, v38;
	v39 =	vand.u32 $0x3FE0, v39  }
0x486: {  	v39 =	vor.u32 v0, v39;
	_ =	sdelay $0x2  }
0x487: {  	v41 =	vadd.s32 s24, v35  }
0x488: {  	[tilespmem:v38+s17+$0x0] =	vst.idx.msk $0xffff, v40;
	v38 =	vand.u32 $0x1FF, v42;
	v40 =	vshll.u32 v41, $0x5  }
0x489: {  	v39 =	vld.idx.msk [tilespmem:v39+s13+$0x0], $0xffff;
	v38 =	vor.u32 v33, v38;
	v40 =	vand.u32 $0x3FE0, v40  }
0x48a: {  	v40 =	vor.u32 v35, v40;
	_ =	sdelay $0x3  }
0x48b: {  	v43 =	vand.u32 $0x1FF, v41;
	[tilespmem:v38+s17+$0x0] =	vst.idx.msk $0xffff, v39  }
0x48c: {  	v38 =	vor.u32 v37, v43;
	v39 =	vld.idx.msk [tilespmem:v40+s13+$0x0], $0xffff;
	_ =	sdelay $0x3  }
0x48d: {  	s30 =	simm.s32 $0x0  }
0x48e: {  	[tilespmem:v38+s17+$0x0] =	vst.idx.msk $0xffff, v39;
	v38 =	vadd.s32 s30, v0  }
0x48f: {  	[hbm4b:s7+s11] =	stream.strided.scatter [tilespmem:s17], [sflag:$0x4], $0x4000, s18, s11, $0x38;
	v42 =	vshll.u32 v38, $0x5;
	[tilespmem:$0x17400] =	vst v63  }
0x490: {  	_ =	swait.ge [sflag:s19], $0x4000;
	v39 =	vand.u32 $0x3FE0, v42  }
0x491: {  	[sflag:s19] =	ssyncset.done $0x0;
	v39 =	vor.u32 v0, v39  }
0x492: {  	[sflag:s19] =	ssyncadd.s32 $0xFFFFC000  }
0x493: {  	_ =	swait.ge [sflag:s22], $0x4000  }
0x494: {  	v40 =	vadd.s32 s30, v35;
	[sflag:s22] =	ssyncset.done $0x0  }
0x495: {  	v41 =	vshll.u32 v40, $0x5;
	v38 =	vand.u32 $0x1F8, v38;
	[sflag:s22] =	ssyncadd.s32 $0xFFFFC000  }
0x496: {  	v41 =	vand.u32 $0x3FE0, v41;
	v38 =	vor.u32 v34, v38;
	v39 =	vld.idx.msk [tilespmem:v39+s15+$0x0], $0xffff  }
0x497: {  	v41 =	vor.u32 v35, v41;
	_ =	sdelay $0x1  }
0x498: {  	s31 =	simm.s32 $0x1  }
0x499: {  	v42 =	vadd.s32 s31, v0  }
0x49a: {  	[tilespmem:v38+s20+$0x0] =	vst.idx.msk $0xffff, v39;
	v38 =	vand.u32 $0x1F8, v40;
	v39 =	vshll.u32 v42, $0x5  }
0x49b: {  	v40 =	vld.idx.msk [tilespmem:v41+s15+$0x0], $0xffff;
	v38 =	vor.u32 v36, v38;
	v39 =	vand.u32 $0x3FE0, v39  }
0x49c: {  	v39 =	vor.u32 v0, v39;
	_ =	sdelay $0x2  }
0x49d: {  	v41 =	vadd.s32 s31, v35  }
0x49e: {  	[tilespmem:v38+s20+$0x0] =	vst.idx.msk $0xffff, v40;
	v38 =	vand.u32 $0x1FF, v42;
	v40 =	vshll.u32 v41, $0x5  }
0x49f: {  	v39 =	vld.idx.msk [tilespmem:v39+s15+$0x0], $0xffff;
	v38 =	vor.u32 v33, v38;
	v40 =	vand.u32 $0x3FE0, v40  }
0x4a0: {  	v40 =	vor.u32 v35, v40;
	_ =	sdelay $0x1  }
0x4a1: {  	s25 =	simm.s32 $0x2  }
0x4a2: {  	v42 =	vadd.s32 s25, v0  }
0x4a3: {  	[tilespmem:v38+s20+$0x0] =	vst.idx.msk $0xffff, v39;
	v38 =	vand.u32 $0x1FF, v41;
	v39 =	vshll.u32 v42, $0x5  }
0x4a4: {  	v40 =	vld.idx.msk [tilespmem:v40+s15+$0x0], $0xffff;
	v38 =	vor.u32 v37, v38;
	v39 =	vand.u32 $0x3FE0, v39  }
0x4a5: {  	v39 =	vor.u32 v0, v39;
	_ =	sdelay $0x2  }
0x4a6: {  	v41 =	vadd.s32 s25, v35  }
0x4a7: {  	[tilespmem:v38+s20+$0x0] =	vst.idx.msk $0xffff, v40;
	v38 =	vand.u32 $0x1FF, v42;
	v40 =	vshll.u32 v41, $0x5  }
0x4a8: {  	v39 =	vld.idx.msk [tilespmem:v39+s15+$0x0], $0xffff;
	v38 =	vor.u32 v33, v38;
	v40 =	vand.u32 $0x3FE0, v40  }
0x4a9: {  	v40 =	vor.u32 v35, v40;
	_ =	sdelay $0x1  }
0x4aa: {  	s26 =	simm.s32 $0x3  }
0x4ab: {  	v42 =	vadd.s32 s26, v0  }
0x4ac: {  	[tilespmem:v38+s20+$0x0] =	vst.idx.msk $0xffff, v39;
	v38 =	vand.u32 $0x1FF, v41;
	v39 =	vshll.u32 v42, $0x5  }
0x4ad: {  	v40 =	vld.idx.msk [tilespmem:v40+s15+$0x0], $0xffff;
	v38 =	vor.u32 v37, v38;
	v39 =	vand.u32 $0x3FE0, v39  }
0x4ae: {  	v39 =	vor.u32 v0, v39;
	_ =	sdelay $0x2  }
0x4af: {  	v41 =	vadd.s32 s26, v35  }
0x4b0: {  	[tilespmem:v38+s20+$0x0] =	vst.idx.msk $0xffff, v40;
	v38 =	vand.u32 $0x1FF, v42;
	v40 =	vshll.u32 v41, $0x5  }
0x4b1: {  	v39 =	vld.idx.msk [tilespmem:v39+s15+$0x0], $0xffff;
	v38 =	vor.u32 v33, v38;
	v40 =	vand.u32 $0x3FE0, v40  }
0x4b2: {  	v40 =	vor.u32 v35, v40;
	_ =	sdelay $0x1  }
0x4b3: {  	s28 =	simm.s32 $0x4  }
0x4b4: {  	v42 =	vadd.s32 s28, v0  }
0x4b5: {  	[tilespmem:v38+s20+$0x0] =	vst.idx.msk $0xffff, v39;
	v38 =	vand.u32 $0x1FF, v41;
	v39 =	vshll.u32 v42, $0x5  }
0x4b6: {  	v40 =	vld.idx.msk [tilespmem:v40+s15+$0x0], $0xffff;
	v38 =	vor.u32 v37, v38;
	v39 =	vand.u32 $0x3FE0, v39  }
0x4b7: {  	v39 =	vor.u32 v0, v39;
	_ =	sdelay $0x2  }
0x4b8: {  	v41 =	vadd.s32 s28, v35  }
0x4b9: {  	[tilespmem:v38+s20+$0x0] =	vst.idx.msk $0xffff, v40;
	v38 =	vand.u32 $0x1FF, v42;
	v40 =	vshll.u32 v41, $0x5  }
0x4ba: {  	v39 =	vld.idx.msk [tilespmem:v39+s15+$0x0], $0xffff;
	v38 =	vor.u32 v33, v38;
	v40 =	vand.u32 $0x3FE0, v40  }
0x4bb: {  	v40 =	vor.u32 v35, v40;
	_ =	sdelay $0x1  }
0x4bc: {  	s29 =	simm.s32 $0x5  }
0x4bd: {  	v42 =	vadd.s32 s29, v0  }
0x4be: {  	[tilespmem:v38+s20+$0x0] =	vst.idx.msk $0xffff, v39;
	v38 =	vand.u32 $0x1FF, v41;
	v39 =	vshll.u32 v42, $0x5  }
0x4bf: {  	v40 =	vld.idx.msk [tilespmem:v40+s15+$0x0], $0xffff;
	v38 =	vor.u32 v37, v38;
	v39 =	vand.u32 $0x3FE0, v39  }
0x4c0: {  	v39 =	vor.u32 v0, v39;
	_ =	sdelay $0x2  }
0x4c1: {  	v41 =	vadd.s32 s29, v35  }
0x4c2: {  	[tilespmem:v38+s20+$0x0] =	vst.idx.msk $0xffff, v40;
	v38 =	vand.u32 $0x1FF, v42;
	v40 =	vshll.u32 v41, $0x5  }
0x4c3: {  	v39 =	vld.idx.msk [tilespmem:v39+s15+$0x0], $0xffff;
	v38 =	vor.u32 v33, v38;
	v40 =	vand.u32 $0x3FE0, v40  }
0x4c4: {  	v40 =	vor.u32 v35, v40;
	_ =	sdelay $0x1  }
0x4c5: {  	s30 =	simm.s32 $0x6  }
0x4c6: {  	v42 =	vadd.s32 s30, v0  }
0x4c7: {  	[tilespmem:v38+s20+$0x0] =	vst.idx.msk $0xffff, v39;
	v38 =	vand.u32 $0x1FF, v41;
	v39 =	vshll.u32 v42, $0x5  }
0x4c8: {  	v40 =	vld.idx.msk [tilespmem:v40+s15+$0x0], $0xffff;
	v38 =	vor.u32 v37, v38;
	v39 =	vand.u32 $0x3FE0, v39  }
0x4c9: {  	v39 =	vor.u32 v0, v39;
	_ =	sdelay $0x2  }
0x4ca: {  	v41 =	vadd.s32 s30, v35  }
0x4cb: {  	[tilespmem:v38+s20+$0x0] =	vst.idx.msk $0xffff, v40;
	v38 =	vand.u32 $0x1FF, v42;
	v40 =	vshll.u32 v41, $0x5  }
0x4cc: {  	v39 =	vld.idx.msk [tilespmem:v39+s15+$0x0], $0xffff;
	v38 =	vor.u32 v33, v38;
	v40 =	vand.u32 $0x3FE0, v40  }
0x4cd: {  	v40 =	vor.u32 v35, v40;
	_ =	sdelay $0x1  }
0x4ce: {  	s31 =	simm.s32 $0x7  }
0x4cf: {  	v42 =	vadd.s32 s31, v0  }
0x4d0: {  	[tilespmem:v38+s20+$0x0] =	vst.idx.msk $0xffff, v39;
	v38 =	vand.u32 $0x1FF, v41;
	v39 =	vshll.u32 v42, $0x5  }
0x4d1: {  	v40 =	vld.idx.msk [tilespmem:v40+s15+$0x0], $0xffff;
	v41 =	vor.u32 v37, v38;
	v43 =	vand.u32 $0x3FE0, v39  }
0x4d2: {  	v39 =	vor.u32 v0, v43;
	_ =	sdelay $0x2  }
0x4d3: {  	v38 =	vadd.s32 s31, v35  }
0x4d4: {  	v43 =	vshll.u32 v38, $0x5;
	[tilespmem:v41+s20+$0x0] =	vst.idx.msk $0xffff, v40;
	v40 =	vand.u32 $0x1FF, v42  }
0x4d5: {  	v42 =	vand.u32 $0x3FE0, v43;
	v39 =	vld.idx.msk [tilespmem:v39+s15+$0x0], $0xffff;
	v41 =	vor.u32 v33, v40  }
0x4d6: {  	v40 =	vor.u32 v35, v42;
	_ =	sdelay $0x2  }
0x4d7: {  	s24 =	simm.s32 $0xF;
	s25 =	simm.s32 $0x17;
	s26 =	simm.s32 $0x8  }
.LBB2_10:
0x4d8: {  	p0 =	sne.s32 s25, $0x1FF;
	v42 =	vadd.s32 s26, v0;
	[tilespmem:v41+s20+$0x0] =	vst.idx.msk $0xffff, v39  }
0x4d9: {  	v38 =	vand.u32 $0x1FF, v38;
	v39 =	vshll.u32 v42, $0x5;
	v40 =	vld.idx.msk [tilespmem:v40+s15+$0x0], $0xffff  }
0x4da: {  	v38 =	vor.u32 v37, v38;
	v39 =	vand.u32 $0x3FE0, v39  }
0x4db: {  	v39 =	vor.u32 v0, v39;
	_ =	sdelay $0x3  }
0x4dc: {  	v41 =	vadd.s32 s26, v35;
	[tilespmem:v38+s20+$0x0] =	vst.idx.msk $0xffff, v40  }
0x4dd: {  	v40 =	vshll.u32 v41, $0x5;
	v38 =	vld.idx.msk [tilespmem:v39+s15+$0x0], $0xffff;
	v39 =	vand.u32 $0x1F8, v42  }
0x4de: {  	v40 =	vand.u32 $0x3FE0, v40;
	v39 =	vor.u32 v34, v39  }
0x4df: {  	v40 =	vor.u32 v35, v40;
	_ =	sdelay $0x2  }
0x4e0: {  	s26 =	sadd.s32 $0xFFFFFFFA, s24  }
0x4e1: {  	[tilespmem:v39+s20+$0x0] =	vst.idx.msk $0xffff, v38;
	v38 =	vadd.s32 s26, v0  }
0x4e2: {  	v39 =	vld.idx.msk [tilespmem:v40+s15+$0x0], $0xffff;
	v40 =	vand.u32 $0x1F8, v41;
	v41 =	vshll.u32 v38, $0x5  }
0x4e3: {  	v40 =	vor.u32 v36, v40;
	v41 =	vand.u32 $0x3FE0, v41  }
0x4e4: {  	v41 =	vor.u32 v0, v41;
	_ =	sdelay $0x3  }
0x4e5: {  	[tilespmem:v40+s20+$0x0] =	vst.idx.msk $0xffff, v39;
	v39 =	vadd.s32 s26, v35  }
0x4e6: {  	v38 =	vand.u32 $0x1FF, v38;
	v40 =	vld.idx.msk [tilespmem:v41+s15+$0x0], $0xffff;
	v41 =	vshll.u32 v39, $0x5  }
0x4e7: {  	v38 =	vor.u32 v33, v38;
	v41 =	vand.u32 $0x3FE0, v41  }
0x4e8: {  	v41 =	vor.u32 v35, v41;
	_ =	sdelay $0x2  }
0x4e9: {  	s26 =	sadd.s32 $0xFFFFFFFB, s24  }
0x4ea: {  	[tilespmem:v38+s20+$0x0] =	vst.idx.msk $0xffff, v40;
	v38 =	vadd.s32 s26, v0  }
0x4eb: {  	v39 =	vand.u32 $0x1FF, v39;
	v40 =	vld.idx.msk [tilespmem:v41+s15+$0x0], $0xffff;
	v41 =	vshll.u32 v38, $0x5  }
0x4ec: {  	v39 =	vor.u32 v37, v39;
	v41 =	vand.u32 $0x3FE0, v41  }
0x4ed: {  	v41 =	vor.u32 v0, v41;
	_ =	sdelay $0x3  }
0x4ee: {  	[tilespmem:v39+s20+$0x0] =	vst.idx.msk $0xffff, v40;
	v39 =	vadd.s32 s26, v35  }
0x4ef: {  	v38 =	vand.u32 $0x1FF, v38;
	v40 =	vld.idx.msk [tilespmem:v41+s15+$0x0], $0xffff;
	v41 =	vshll.u32 v39, $0x5  }
0x4f0: {  	v38 =	vor.u32 v33, v38;
	v41 =	vand.u32 $0x3FE0, v41  }
0x4f1: {  	v41 =	vor.u32 v35, v41;
	_ =	sdelay $0x2  }
0x4f2: {  	s26 =	sadd.s32 $0xFFFFFFFC, s24  }
0x4f3: {  	[tilespmem:v38+s20+$0x0] =	vst.idx.msk $0xffff, v40;
	v38 =	vadd.s32 s26, v0  }
0x4f4: {  	v39 =	vand.u32 $0x1FF, v39;
	v40 =	vld.idx.msk [tilespmem:v41+s15+$0x0], $0xffff;
	v41 =	vshll.u32 v38, $0x5  }
0x4f5: {  	v39 =	vor.u32 v37, v39;
	v41 =	vand.u32 $0x3FE0, v41  }
0x4f6: {  	v41 =	vor.u32 v0, v41;
	_ =	sdelay $0x3  }
0x4f7: {  	[tilespmem:v39+s20+$0x0] =	vst.idx.msk $0xffff, v40;
	v39 =	vadd.s32 s26, v35  }
0x4f8: {  	v38 =	vand.u32 $0x1FF, v38;
	v40 =	vld.idx.msk [tilespmem:v41+s15+$0x0], $0xffff;
	v41 =	vshll.u32 v39, $0x5  }
0x4f9: {  	v38 =	vor.u32 v33, v38;
	v41 =	vand.u32 $0x3FE0, v41  }
0x4fa: {  	v41 =	vor.u32 v35, v41;
	_ =	sdelay $0x2  }
0x4fb: {  	s26 =	sadd.s32 $0xFFFFFFFD, s24  }
0x4fc: {  	[tilespmem:v38+s20+$0x0] =	vst.idx.msk $0xffff, v40;
	v38 =	vadd.s32 s26, v0  }
0x4fd: {  	v39 =	vand.u32 $0x1FF, v39;
	v40 =	vld.idx.msk [tilespmem:v41+s15+$0x0], $0xffff;
	v41 =	vshll.u32 v38, $0x5  }
0x4fe: {  	v39 =	vor.u32 v37, v39;
	v41 =	vand.u32 $0x3FE0, v41  }
0x4ff: {  	v41 =	vor.u32 v0, v41;
	_ =	sdelay $0x3  }
0x500: {  	[tilespmem:v39+s20+$0x0] =	vst.idx.msk $0xffff, v40;
	v39 =	vadd.s32 s26, v35  }
0x501: {  	v38 =	vand.u32 $0x1FF, v38;
	v40 =	vld.idx.msk [tilespmem:v41+s15+$0x0], $0xffff;
	v41 =	vshll.u32 v39, $0x5  }
0x502: {  	v38 =	vor.u32 v33, v38;
	v41 =	vand.u32 $0x3FE0, v41  }
0x503: {  	v41 =	vor.u32 v35, v41;
	_ =	sdelay $0x2  }
0x504: {  	s26 =	sadd.s32 $0xFFFFFFFE, s24  }
0x505: {  	[tilespmem:v38+s20+$0x0] =	vst.idx.msk $0xffff, v40;
	v38 =	vadd.s32 s26, v0  }
0x506: {  	v39 =	vand.u32 $0x1FF, v39;
	v40 =	vld.idx.msk [tilespmem:v41+s15+$0x0], $0xffff;
	v41 =	vshll.u32 v38, $0x5  }
0x507: {  	v39 =	vor.u32 v37, v39;
	v41 =	vand.u32 $0x3FE0, v41  }
0x508: {  	v41 =	vor.u32 v0, v41;
	_ =	sdelay $0x3  }
0x509: {  	[tilespmem:v39+s20+$0x0] =	vst.idx.msk $0xffff, v40;
	v39 =	vadd.s32 s26, v35  }
0x50a: {  	v38 =	vand.u32 $0x1FF, v38;
	v40 =	vld.idx.msk [tilespmem:v41+s15+$0x0], $0xffff;
	v41 =	vshll.u32 v39, $0x5  }
0x50b: {  	v38 =	vor.u32 v33, v38;
	v41 =	vand.u32 $0x3FE0, v41  }
0x50c: {  	v41 =	vor.u32 v35, v41;
	_ =	sdelay $0x2  }
0x50d: {  	s26 =	sadd.s32 $0xFFFFFFFF, s24  }
0x50e: {  	[tilespmem:v38+s20+$0x0] =	vst.idx.msk $0xffff, v40;
	v38 =	vadd.s32 s26, v0  }
0x50f: {  	v39 =	vand.u32 $0x1FF, v39;
	v40 =	vld.idx.msk [tilespmem:v41+s15+$0x0], $0xffff;
	v41 =	vshll.u32 v38, $0x5  }
0x510: {  	v39 =	vor.u32 v37, v39;
	v41 =	vand.u32 $0x3FE0, v41  }
0x511: {  	v41 =	vor.u32 v0, v41;
	_ =	sdelay $0x3  }
0x512: {  	[tilespmem:v39+s20+$0x0] =	vst.idx.msk $0xffff, v40;
	v39 =	vadd.s32 s26, v35  }
0x513: {  	v38 =	vand.u32 $0x1FF, v38;
	v40 =	vld.idx.msk [tilespmem:v41+s15+$0x0], $0xffff;
	v41 =	vshll.u32 v39, $0x5  }
0x514: {  	v38 =	vor.u32 v33, v38;
	v41 =	vand.u32 $0x3FE0, v41  }
0x515: {  	v41 =	vor.u32 v35, v41;
	_ =	sdelay $0x3  }
0x516: {  	[tilespmem:v38+s20+$0x0] =	vst.idx.msk $0xffff, v40;
	v40 =	vadd.s32 s24, v0  }
0x517: {  	v39 =	vand.u32 $0x1FF, v39;
	v38 =	vld.idx.msk [tilespmem:v41+s15+$0x0], $0xffff;
	v41 =	vshll.u32 v40, $0x5  }
0x518: {  	v39 =	vor.u32 v37, v39;
	v41 =	vand.u32 $0x3FE0, v41  }
0x519: {  	v41 =	vor.u32 v0, v41;
	_ =	sdelay $0x3  }
0x51a: {  	[tilespmem:v39+s20+$0x0] =	vst.idx.msk $0xffff, v38;
	v38 =	vadd.s32 s24, v35;
	s24 =	smov.u32 s25  }
0x51b: {  	v40 =	vand.u32 $0x1FF, v40;
	v39 =	vld.idx.msk [tilespmem:v41+s15+$0x0], $0xffff;
	v42 =	vshll.u32 v38, $0x5  }
.Ltmp4:
0x51c: {  	v41 =	vor.u32 v33, v40;
	v40 =	vand.u32 $0x3FE0, v42;
	(pc) =	sbr.rel @p0 .LBB2_10-.Ltmp4, $2  }
0x51d: {  	v40 =	vor.u32 v35, v40;
	_ =	sdelay $0x2  }
0x51e: {  	s25 =	sadd.s32 $0x8, s25;
	s26 =	sadd.s32 $0xFFFFFFF9, s24  }
0x51f: {  	_ =	sdelay $0x2  }
0x520: {  	v42 =	vadd.s32 s26, v0  }
0x521: {  	[tilespmem:v41+s20+$0x0] =	vst.idx.msk $0xffff, v39;
	v38 =	vand.u32 $0x1FF, v38;
	v39 =	vshll.u32 v42, $0x5  }
0x522: {  	v40 =	vld.idx.msk [tilespmem:v40+s15+$0x0], $0xffff;
	v38 =	vor.u32 v37, v38;
	v39 =	vand.u32 $0x3FE0, v39  }
0x523: {  	v39 =	vor.u32 v0, v39;
	_ =	sdelay $0x2  }
0x524: {  	v41 =	vadd.s32 s26, v35  }
0x525: {  	[tilespmem:v38+s20+$0x0] =	vst.idx.msk $0xffff, v40;
	v38 =	vand.u32 $0x1F8, v42;
	v40 =	vshll.u32 v41, $0x5  }
0x526: {  	v38 =	vor.u32 v34, v38;
	v40 =	vand.u32 $0x3FE0, v40;
	v39 =	vld.idx.msk [tilespmem:v39+s15+$0x0], $0xffff  }
0x527: {  	v40 =	vor.u32 v35, v40;
	_ =	sdelay $0x1  }
0x528: {  	s25 =	sadd.s32 $0xFFFFFFFA, s24  }
0x529: {  	v42 =	vadd.s32 s25, v0  }
0x52a: {  	[tilespmem:v38+s20+$0x0] =	vst.idx.msk $0xffff, v39;
	v38 =	vand.u32 $0x1F8, v41;
	v39 =	vshll.u32 v42, $0x5  }
0x52b: {  	v40 =	vld.idx.msk [tilespmem:v40+s15+$0x0], $0xffff;
	v38 =	vor.u32 v36, v38;
	v39 =	vand.u32 $0x3FE0, v39  }
0x52c: {  	v39 =	vor.u32 v0, v39;
	_ =	sdelay $0x2  }
0x52d: {  	v41 =	vadd.s32 s25, v35  }
0x52e: {  	[tilespmem:v38+s20+$0x0] =	vst.idx.msk $0xffff, v40;
	v38 =	vand.u32 $0x1FF, v42;
	v40 =	vshll.u32 v41, $0x5  }
0x52f: {  	v39 =	vld.idx.msk [tilespmem:v39+s15+$0x0], $0xffff;
	v38 =	vor.u32 v33, v38;
	v40 =	vand.u32 $0x3FE0, v40  }
0x530: {  	v40 =	vor.u32 v35, v40;
	_ =	sdelay $0x1  }
0x531: {  	s26 =	sadd.s32 $0xFFFFFFFB, s24  }
0x532: {  	v42 =	vadd.s32 s26, v0  }
0x533: {  	[tilespmem:v38+s20+$0x0] =	vst.idx.msk $0xffff, v39;
	v38 =	vand.u32 $0x1FF, v41;
	v39 =	vshll.u32 v42, $0x5  }
0x534: {  	v40 =	vld.idx.msk [tilespmem:v40+s15+$0x0], $0xffff;
	v38 =	vor.u32 v37, v38;
	v39 =	vand.u32 $0x3FE0, v39  }
0x535: {  	v39 =	vor.u32 v0, v39;
	_ =	sdelay $0x2  }
0x536: {  	v41 =	vadd.s32 s26, v35  }
0x537: {  	[tilespmem:v38+s20+$0x0] =	vst.idx.msk $0xffff, v40;
	v38 =	vand.u32 $0x1FF, v42;
	v40 =	vshll.u32 v41, $0x5  }
0x538: {  	v39 =	vld.idx.msk [tilespmem:v39+s15+$0x0], $0xffff;
	v38 =	vor.u32 v33, v38;
	v40 =	vand.u32 $0x3FE0, v40  }
0x539: {  	v40 =	vor.u32 v35, v40;
	_ =	sdelay $0x1  }
0x53a: {  	s28 =	sadd.s32 $0xFFFFFFFC, s24  }
0x53b: {  	v42 =	vadd.s32 s28, v0  }
0x53c: {  	[tilespmem:v38+s20+$0x0] =	vst.idx.msk $0xffff, v39;
	v38 =	vand.u32 $0x1FF, v41;
	v39 =	vshll.u32 v42, $0x5  }
0x53d: {  	v40 =	vld.idx.msk [tilespmem:v40+s15+$0x0], $0xffff;
	v38 =	vor.u32 v37, v38;
	v39 =	vand.u32 $0x3FE0, v39  }
0x53e: {  	v39 =	vor.u32 v0, v39;
	_ =	sdelay $0x2  }
0x53f: {  	v41 =	vadd.s32 s28, v35  }
0x540: {  	[tilespmem:v38+s20+$0x0] =	vst.idx.msk $0xffff, v40;
	v38 =	vand.u32 $0x1FF, v42;
	v40 =	vshll.u32 v41, $0x5  }
0x541: {  	v39 =	vld.idx.msk [tilespmem:v39+s15+$0x0], $0xffff;
	v38 =	vor.u32 v33, v38;
	v40 =	vand.u32 $0x3FE0, v40  }
0x542: {  	v40 =	vor.u32 v35, v40;
	_ =	sdelay $0x1  }
0x543: {  	s29 =	sadd.s32 $0xFFFFFFFD, s24  }
0x544: {  	v42 =	vadd.s32 s29, v0  }
0x545: {  	[tilespmem:v38+s20+$0x0] =	vst.idx.msk $0xffff, v39;
	v38 =	vand.u32 $0x1FF, v41;
	v39 =	vshll.u32 v42, $0x5  }
0x546: {  	v40 =	vld.idx.msk [tilespmem:v40+s15+$0x0], $0xffff;
	v38 =	vor.u32 v37, v38;
	v39 =	vand.u32 $0x3FE0, v39  }
0x547: {  	v39 =	vor.u32 v0, v39;
	_ =	sdelay $0x2  }
0x548: {  	v41 =	vadd.s32 s29, v35  }
0x549: {  	[tilespmem:v38+s20+$0x0] =	vst.idx.msk $0xffff, v40;
	v38 =	vand.u32 $0x1FF, v42;
	v40 =	vshll.u32 v41, $0x5  }
0x54a: {  	v39 =	vld.idx.msk [tilespmem:v39+s15+$0x0], $0xffff;
	v38 =	vor.u32 v33, v38;
	v40 =	vand.u32 $0x3FE0, v40  }
0x54b: {  	v40 =	vor.u32 v35, v40;
	_ =	sdelay $0x1  }
0x54c: {  	s30 =	sadd.s32 $0xFFFFFFFE, s24  }
0x54d: {  	v42 =	vadd.s32 s30, v0  }
0x54e: {  	[tilespmem:v38+s20+$0x0] =	vst.idx.msk $0xffff, v39;
	v38 =	vand.u32 $0x1FF, v41;
	v39 =	vshll.u32 v42, $0x5  }
0x54f: {  	v40 =	vld.idx.msk [tilespmem:v40+s15+$0x0], $0xffff;
	v38 =	vor.u32 v37, v38;
	v39 =	vand.u32 $0x3FE0, v39  }
0x550: {  	v39 =	vor.u32 v0, v39;
	_ =	sdelay $0x2  }
0x551: {  	v41 =	vadd.s32 s30, v35  }
0x552: {  	[tilespmem:v38+s20+$0x0] =	vst.idx.msk $0xffff, v40;
	v38 =	vand.u32 $0x1FF, v42;
	v40 =	vshll.u32 v41, $0x5  }
0x553: {  	v39 =	vld.idx.msk [tilespmem:v39+s15+$0x0], $0xffff;
	v38 =	vor.u32 v33, v38;
	v40 =	vand.u32 $0x3FE0, v40  }
0x554: {  	v40 =	vor.u32 v35, v40;
	_ =	sdelay $0x1  }
0x555: {  	s31 =	sadd.s32 $0xFFFFFFFF, s24  }
0x556: {  	v42 =	vadd.s32 s31, v0  }
0x557: {  	[tilespmem:v38+s20+$0x0] =	vst.idx.msk $0xffff, v39;
	v38 =	vand.u32 $0x1FF, v41;
	v39 =	vshll.u32 v42, $0x5  }
0x558: {  	v40 =	vld.idx.msk [tilespmem:v40+s15+$0x0], $0xffff;
	v38 =	vor.u32 v37, v38;
	v39 =	vand.u32 $0x3FE0, v39  }
0x559: {  	v39 =	vor.u32 v0, v39;
	_ =	sdelay $0x2  }
0x55a: {  	v41 =	vadd.s32 s31, v35  }
0x55b: {  	[tilespmem:v38+s20+$0x0] =	vst.idx.msk $0xffff, v40;
	v38 =	vand.u32 $0x1FF, v42;
	v40 =	vshll.u32 v41, $0x5  }
0x55c: {  	v39 =	vld.idx.msk [tilespmem:v39+s15+$0x0], $0xffff;
	v38 =	vor.u32 v33, v38;
	v40 =	vand.u32 $0x3FE0, v40  }
0x55d: {  	v40 =	vor.u32 v35, v40;
	_ =	sdelay $0x2  }
0x55e: {  	v42 =	vadd.s32 s24, v0  }
0x55f: {  	[tilespmem:v38+s20+$0x0] =	vst.idx.msk $0xffff, v39;
	v38 =	vand.u32 $0x1FF, v41;
	v39 =	vshll.u32 v42, $0x5  }
0x560: {  	v40 =	vld.idx.msk [tilespmem:v40+s15+$0x0], $0xffff;
	v38 =	vor.u32 v37, v38;
	v39 =	vand.u32 $0x3FE0, v39  }
0x561: {  	v39 =	vor.u32 v0, v39;
	_ =	sdelay $0x2  }
0x562: {  	v41 =	vadd.s32 s24, v35  }
0x563: {  	[tilespmem:v38+s20+$0x0] =	vst.idx.msk $0xffff, v40;
	v38 =	vand.u32 $0x1FF, v42;
	v40 =	vshll.u32 v41, $0x5  }
0x564: {  	v39 =	vld.idx.msk [tilespmem:v39+s15+$0x0], $0xffff;
	v38 =	vor.u32 v33, v38;
	v40 =	vand.u32 $0x3FE0, v40  }
0x565: {  	v40 =	vor.u32 v35, v40;
	_ =	sdelay $0x3  }
0x566: {  	v43 =	vand.u32 $0x1FF, v41;
	[tilespmem:v38+s20+$0x0] =	vst.idx.msk $0xffff, v39  }
0x567: {  	v38 =	vor.u32 v37, v43;
	v39 =	vld.idx.msk [tilespmem:v40+s15+$0x0], $0xffff;
	_ =	sdelay $0x4  }
0x568: {  	s23 =	sadd.s32 $0x1, s23;
	[tilespmem:v38+s20+$0x0] =	vst.idx.msk $0xffff, v39  }
0x569: {  	[hbm4b:s8+s11] =	stream.strided.scatter [tilespmem:s20], [sflag:$0x5], $0x4000, s18, s11, $0x38;
	[tilespmem:$0x17400] =	vst v63  }
0x56a: {  	p0 =	sne.s32 s23, s9;
	_ =	swait.ge [sflag:s21], $0x4000  }
.Ltmp5:
0x56b: {  	[sflag:s21] =	ssyncset.done $0x0;
	(pc) =	sbr.rel @p0 .LBB2_1-.Ltmp5, $4  }
0x56c: {  	[sflag:s21] =	ssyncadd.s32 $0xFFFFC000  }
0x56d: {  	_ =	swait.ge [sflag:s22], $0x4000  }
0x56e: {  	[sflag:s22] =	ssyncset.done $0x0  }
0x56f: {  	[sflag:s22] =	ssyncadd.s32 $0xFFFFC000  }
0x570: {  	_ =	sfence.sel $0x180000  }
0x571: {  	[bflag:$0x0] =	sbarrier.arrive $0xFFFF  }
0x572: {  	p0 =	sne.s32 s2, $0x0;
	_ =	strace $0x9000004A  }
0x573: {  	s0 =	sadd.s32 @!p0 $0x100000, s0;
	[bflag:$0x2] =	sbarrier.arrive $0xFFFF  }
0x574: {  	[sflag:s0] =	ssyncadd.tile.s32 @!p0 $0x1;
	_ =	shalt  }
.Lfunc_end2:
_tile_overlayer_lowered:
.L_overlay_start_2:
0x575: {  	(tag) =	ssettag $0x2  }
0x576: {  	s0 =	rddreg [dreg:$0x0];
	s2 =	stileid.u32  }
0x577: {  	s1 =	rddreg [dreg:$0x1];
	p0 =	sne.s32 s2, $0x0  }
0x578: {  	s3 =	rddreg [dreg:$0x2];
	[bflag:$0x3] =	sbarrier.arrive $0xFFFF;
	s2 =	simm.s32 @!p0 $0x1C06  }
0x579: {  	[timem:s3], [sflag:s2] =	dma.local @!p0 [hbm:s0], s1  }
0x57a: {  	s0 =	simm.s32 @!p0 $0x6  }
0x57b: {  	_ =	swait.ge @!p0 [sflag:s0], s1  }
0x57c: {  	s1 =	ssub.s32 @!p0 $0x0, s1;
	[sflag:s0] =	ssyncset.done @!p0 $0x0  }
0x57d: {  	[sflag:s0] =	ssyncadd.s32 @!p0 s1  }
0x57e: {  	[bflag:$0x3] =	sbarrier.arrive $0xFFFF  }
0x57f: {  	_ =	shalt  }

// kernel: sparse-core-data-format-call.cloned.1.call-start
scs
called_computation_lowered:
.L_overlay_start_0:
0x0: {  	s2 =	sld [smem:$0x3FD9]  }
0x1: {  	s3 =	sld [smem:$0x3FFE];
	_ =	sdelay $0x1  }
0x2: {  	s1 =	srdreg.scid  }
0x3: {  	s0 =	sand.u32 $0x1, s1  }
0x4: {  	s18 =	sshll.u32 s0, $0xA;
	s2 =	sadd.s32 s3, s2  }
0x5: {  	s2 =	sadd.s32 s2, s18  }
0x6: {  	[smem:$0x3FC6] =	sst s2  }
0x7: {  	_ = 	snop  }
0x8: {  	s2 =	sld [smem:$0x3FC8];
	(tm) =	ssettm $0x1  }
0x9: {  	s19 =	sld [smem:$0x3FFB];
	_ =	sdelay $0x3  }
0xa: {  	_ =	strace s19  }
0xb: {  	s3 =	sld [smem:$0x3FFC];
	_ =	sdelay $0x3  }
0xc: {  	_ =	strace s3  }
0xd: {  	s3 =	sld [smem:$0x3FFD];
	_ =	sdelay $0x3  }
0xe: {  	_ =	strace s3  }
0xf: {  	_ =	strace $0x8FFFFFFF  }
0x10: {  	s20 =	sld [smem:$0x3FDB];
	_ =	sdelay $0x1  }
0x11: {  	s4 =	simm.s32 $_scs_section_size  }
0x12: {  	s5 =	simm.s32 $_size__tile_overlayer_lowered;
	s6 =	simm.s32 $_tile_overlayer_lowered  }
0x13: {  	s23 =	simm.s32 $0x1BFF;
	s22 =	sshll.u32 s6, $0x1;
	s3 =	sadd.s32 s4, s20  }
0x14: {  	s7 =	simm.s32 $0x0;
	s21 =	sshll.u32 s5, $0x1;
	s5 =	sadd.s32 s22, s3  }
0x15: {  	[timem:s7], [sflag:s23] =	dma.local [hbm:s5], s21  }
0x16: {  	_ =	swait.ge [sflag:s23], s21  }
0x17: {  	s4 =	ssub.s32 $0x0, s21;
	[sflag:s23] =	ssyncset.done $0x0  }
0x18: {  	[sflag:s23] =	ssyncadd.s32 s4;
	_ =	sdelay $0x1  }
0x19: {  	s24 =	simm.s32 $0x1B8B  }
0x1a: {  	_ =	swait.ge [sflag:s24], $0x1  }
0x1b: {  	[sflag:s24] =	ssyncset.done $0x0  }
0x1c: {  	s26 =	simm.s32 $0x1B8E;
	s25 =	sld [smem:$0x3FFE];
	[sflag:s24] =	ssyncadd.s32 $0xFFFFFFFF  }
0x1d: {  	s27 =	simm.s32 $execute0_lowered;
	[smem:$0x3FD2] =	sst s26  }
0x1e: {  	s5 =	sshll.u32 s27, $0x1;
	_ =	strace $0x80000046;
	[dreg:$0x1] =	wrdreg $0xFFFFFFFF  }
0x1f: {  	s28 =	simm.s32 $_size_execute0_lowered;
	s3 =	sadd.s32 s3, s5;
	[dreg:$0x0] =	wrdreg $0x0  }
0x20: {  	s5 =	sshll.u32 s28, $0x1;
	[dreg:$0x2] =	wrdreg s3  }
0x21: {  	[dreg:$0x3] =	wrdreg s5  }
0x22: {  	[dreg:$0x4] =	wrdreg $0xC0  }
0x23: {  	_ =	task [dreg:s7], $0x5FFFF  }
0x24: {  	[dreg:$0x1] =	wrdreg $0xFFFFFFFF  }
0x25: {  	[dreg:$0x0] =	wrdreg $0x60  }
0x26: {  	[dreg:$0x2] =	wrdreg s2  }
0x27: {  	[dreg:$0x3] =	wrdreg s25  }
0x28: {  	[dreg:$0x4] =	wrdreg $0x9  }
0x29: {  	_ =	task.clear_ibuf [dreg:s7], $0x5FFFF;
	_ =	strace $0x90000046  }
0x2a: {  	s29 =	simm.s32 $0x9;
	_ =	strace $0x80000048  }
0x2b: {  	_ =	swait.ge [sflag:s29], $0x1  }
0x2c: {  	[sflag:s29] =	ssyncadd.s32 $0xFFFFFFFF  }
0x2d: {  	_ =	strace $0x90000048  }
0x2e: {  	_ =	sfence  }
0x2f: {  	s30 =	sld [smem:$0x0];
	_ =	sdelay $0x2  }
0x30: {  	s31 =	sshll.u32 s1, $0xD;
	s1 =	sshrl.u32 s1, $0x2  }
0x31: {  	s3 =	sand.u32 $0x4000, s31;
	s1 =	sadd.s32 s1, s30  }
0x32: {  	s0 =	sor.u32 s3, s0;
	s1 =	sshll.u32 s1, $0x11  }
0x33: {  	s0 =	sor.u32 s1, s0  }
0x34: {  	s0 =	sadd.s32 $0x8F2B, s0  }
0x35: {  	[sflag:s0] =	ssyncadd.remote.s32 $0x1  }
0x36: {  	_ =	sfence.sel $0xFFFF  }
0x37: {  	[dreg:$0x0] =	wrdreg $0xFFFFFFFF;
	(pc) =	sbr.abs _section_cstart, $3  }
0x38: {  	[dreg:$0x1] =	wrdreg $0xFFFFFFFF  }
0x39: {  	_ =	task.clear_ibuf [dreg:s7], $0x2FFFF;
	_ =	strace $0x9FFFFFFF  }
0x3a: {  	(tm) =	ssettm $0x7FFFFFFF  }
0x3b: {  	_ =	shalt  }
tec
execute0_lowered:
.L_overlay_start_1:
0x0: {  	(tag) =	ssettag $0x1  }
0x1: {  	s0 =	srdreg.scid;
	s2 =	rddreg [dreg:$0x0]  }
0x2: {  	s5 =	rddreg [dreg:$0x1];
	s1 =	stileid.u32  }
0x3: {  	s4 =	simm.s32 $0x1;
	s6 =	simm.s32 $0x2;
	s15 =	simm.s32 $0x0  }
0x4: {  	p0 =	por $0x0, $0x0;
	s8 =	simm.s32 $0x80;
	s0 =	sshll.u32 s0, $0x4  }
0x5: {  	s14 =	simm.s32 $0x0;
	s9 =	simm.s32 $0x0;
	s3 =	sand.u32 $0x10, s0  }
.Ltmp0:
0x6: {  	s10 =	simm.s32 $0x0;
	s3 =	sor.u32 s1, s3;
	(pc) =	sbr.rel .LBB1_1-.Ltmp0, $4  }
0x7: {  	s0 =	rddreg [dreg:$0x2];
	_ =	strace $0x80000047;
	s3 =	sshll.u32 s3, $0x7  }
0x8: {  	s12 =	simm.s32 $0x0;
	[sflag:s4] =	ssyncpa.u1 $0x0;
	s7 =	ssub.s32 $0xF4200, s3  }
0x9: {  	s13 =	simm.s32 $0x0;
	[sflag:s6] =	ssyncpa.u1 $0x0;
	s6 =	sshrl.u32 s7, $0xC  }
0xa: {  	s5 =	sadd.s32 $0xA00, s5;
	s11 =	smov.u32 s3;
	s7 =	sadd.s32 $0x2, s6  }
.LBB1_5:
0xb: {  	p1 =	slt.u32 s13, $0x2  }
0xc: {  	s17 =	smov.u32 s15;
	p2 =	sgt.s32 @!p1 s15, $0xF41C0;
	s16 =	sshra.s32 @!p1 s15, $0x1F  }
0xd: {  	p3 =	sgt.s32 @!p1 s14, $0x60;
	s18 =	sshra.s32 @!p1 s14, $0x1F;
	p2 =	por !p2, p1  }
0xe: {  	s15 =	sand.u32 @!p1 s16, s15;
	p3 =	por !p3, p1;
	s16 =	smov.u32 s14  }
0xf: {  	s14 =	sand.u32 @!p1 s18, s14;
	s17 =	simm.s32 @p2 $0xF41C0;
	s16 =	simm.s32 @p3 $0x60  }
0x10: {  	s15 =	ssub.s32 @!p1 s17, s15;
	s14 =	ssub.s32 @!p1 s16, s14  }
0x11: {  	s18 =	smov.u32 s12;
	s16 =	sadd.s32 @!p1 $0xFFF0BE40, s15;
	s17 =	sadd.s32 @!p1 $0xFFFFFFA0, s14  }
0x12: {  	s15 =	ssub.s32 @!p1 $0xF4240, s15;
	p2 =	sgt.s32 @!p1 s16, $0x7F;
	p3 =	sgt.s32 @!p1 s17, $0x1F  }
0x13: {  	s14 =	ssub.s32 @!p1 $0x80, s14;
	p2 =	por !p2, p1;
	p3 =	por !p3, p1  }
0x14: {  	s16 =	sadd.s32 $0x1000, s11;
	s15 =	simm.s32 @!p2 $0x0;
	s14 =	simm.s32 @!p3 $0x0  }
0x15: {  	p2 =	sgt.s32 s16, $0xF423F;
	s14 =	smul.u32 @!p1 s14, s15;
	s15 =	sadd.s32 $0x20, s12  }
0x16: {  	s18 =	smov.u32 @p2 s15  }
0x17: {  	s16 =	smov.u32 @p2 s3;
	p2 =	sgt.s32 s18, $0x1F  }
0x18: {  	s18 =	simm.s32 @p2 $0x0;
	p2 =	sne.s32 s13, s7  }
.Ltmp1:
0x19: {  	p0 =	por !p0, !p0;
	s17 =	simm.s32 @!p1 $0x2;
	(pc) =	sbr.rel @!p2 .LBB1_6-.Ltmp1, $4  }
0x1a: {  	s15 =	smov.u32 s9;
	s9 =	smov.u32 s11;
	s14 =	sand.u32 @!p1 $0x3FFFFFFF, s14  }
0x1b: {  	s11 =	smov.u32 s16;
	_ =	swait.ge @!p1 [sflag:s17], s14;
	s19 =	ssub.s32 @!p1 $0x0, s14  }
0x1c: {  	s14 =	smov.u32 s10;
	s13 =	sadd.s32 $0x1, s13;
	[sflag:s17] =	ssyncset.done @!p1 $0x0  }
0x1d: {  	s10 =	smov.u32 s12;
	s12 =	smov.u32 s18;
	[sflag:s17] =	ssyncadd.s32 @!p1 s19  }
.LBB1_1:
0x1e: {  	p1 =	sgt.u32 s13, s6  }
0x1f: {  	s16 =	sshrl.u32 @!p1 s12, $0x3  }
0x20: {  	s17 =	sshll.u32 @!p1 s11, $0x3;
	s16 =	smul.u32 @!p1 $0x7A1400, s16  }
0x21: {  	s18 =	sshll.u32 @!p1 s12, $0x7;
	s17 =	sand.u32 @!p1 $0xFFFFFC00, s17  }
0x22: {  	s16 =	sadd.s32 @!p1 s16, s17;
	s17 =	sand.u32 @!p1 $0x380, s18  }
0x23: {  	s18 =	sand.u32 @!p1 $0x7F, s11;
	s16 =	sor.u32 @!p1 s17, s16  }
0x24: {  	s17 =	sor.u32 @!p1 s18, s16  }
0x25: {  	s18 =	smulhi.u32 @!p1 $0x218D6287, s17;
	_ =	sdelay $0x1  }
0x26: {  	s16 =	smulhi.u32 @!p1 $0x218D6287, s16;
	s18 =	sshrl.u32 @!p1 s18, $0x11  }
0x27: {  	s18 =	smul.u32 @!p1 $0xF4280, s18  }
0x28: {  	s19 =	sxor.u32 @!p1 $0xFFFFFFFF, s13;
	s16 =	sshrl.u32 @!p1 s16, $0x11  }
0x29: {  	s19 =	sshll.u32 @!p1 s19, $0xC;
	s16 =	sand.u32 @!p1 $0x1F, s16;
	s17 =	ssub.s32 @!p1 s17, s18  }
0x2a: {  	s16 =	smul.u32 @!p1 $0x1E850, s16;
	s18 =	sshrl.u32 @!p1 s17, $0x3;
	s17 =	sand.u32 @!p1 $0x7, s17  }
0x2b: {  	s19 =	sand.u32 @!p1 $0x1000, s19;
	s18 =	sadd.s32 @!p1 s2, s18;
	s17 =	sshll.u32 @!p1 s17, $0x12  }
0x2c: {  	s16 =	sadd.s32 @!p1 s16, s18;
	s17 =	sor.u32 @!p1 $0x400, s17;
	s18 =	simm.s32 @!p1 $0x7A1400  }
0x2d: {  	[tilespmem:s19], [sflag:$0x1] =	stream.strided.gather @!p1 [hbm4b:s16+s17], $0x1000, s18, s17, $0x38;
	[tilespmem:$0x4100] =	vst v63  }
0x2e: {  	p1 =	seq.s32 s13, $0x0  }
0x2f: {  	p2 =	sge.u32 @!p1 s13, s7  }
0x30: {  	p1 =	por p1, p2  }
.Ltmp2:
0x31: {  	_ = 	snop;
	(pc) =	sbr.rel @p1 .LBB1_5-.Ltmp2, $1  }
0x32: {  	_ =	sdelay $0x3  }
0x33: {  	s16 =	simm.s32 $0x1  }
0x34: {  	_ =	swait.ge [sflag:s4], $0x1000;
	s16 =	simm.s32 @!p0 $0x0  }
0x35: {  	[sflag:s4] =	ssyncset.done $0x0;
	s17 =	sshll.u32 s16, $0xC  }
0x36: {  	[sflag:s4] =	ssyncadd.s32 $0xFFFFF000;
	s17 =	sor.u32 $0x40, s17  }
0x37: {  	s16 =	smul.u32 $0x4200, s16;
	v0 =	vld [tilespmem:s17+$0x30]  }
0x38: {  	v1 =	vld [tilespmem:s17+$0xFFFFFFD0]  }
0x39: {  	s16 =	sshrl.u32 s16, $0x2;
	v5 =	vld [tilespmem:s17+$0xFFFFFFE0]  }
0x3a: {  	v6 =	vld [tilespmem:s17+$0xFFFFFFF0];
	s19 =	sor.u32 $0x2000, s16  }
0x3b: {  	s31 =	sand.u32 $0x1, s13;
	v4 =	vld [tilespmem:s17+$0x0];
	s18 =	sadd.s32 $0x0, s19  }
0x3c: {  	v3 =	vld [tilespmem:s17+$0x10];
	s16 =	smul.u32 $0x4200, s31;
	[tilespmem:s18+$0xE70 ss:$0x21] =	vst.msk $0xffff, v0  }
0x3d: {  	v2 =	vld [tilespmem:s17+$0x20];
	[tilespmem:s18+$0x210 ss:$0x21] =	vst.msk $0xffff, v1  }
0x3e: {  	s16 =	sshrl.u32 s16, $0x2;
	v1 =	vld [tilespmem:s17+$0xFFFFFFC0];
	[tilespmem:s18+$0x420 ss:$0x21] =	vst.msk $0xffff, v5;
	s17 =	sadd.s32 $0x80, s17  }
0x3f: {  	s20 =	simm.s32 $0x4;
	s21 =	simm.s32 $0x8;
	s16 =	sor.u32 $0x2000, s16;
	[tilespmem:s18+$0x630 ss:$0x21] =	vst.msk $0xffff, v6;
	v0 =	vld [tilespmem:s17+$0x30]  }
.LBB1_3:
0x40: {  	p1 =	sne.s32 s21, $0x7C;
	v5 =	vld [tilespmem:s17+$0xFFFFFFD0];
	[tilespmem:s18+$0x840 ss:$0x21] =	vst.msk $0xffff, v4  }
0x41: {  	v6 =	vld [tilespmem:s17+$0xFFFFFFE0];
	[tilespmem:s18+$0xA50 ss:$0x21] =	vst.msk $0xffff, v3  }
0x42: {  	s22 =	sshra.s32 s20, $0x2;
	s20 =	smov.u32 s21;
	v7 =	vld [tilespmem:s17+$0xFFFFFFF0];
	[tilespmem:s18+$0xC60 ss:$0x21] =	vst.msk $0xffff, v2  }
.Ltmp3:
0x43: {  	v4 =	vld [tilespmem:s17+$0x0];
	[tilespmem:s18+$0x0 ss:$0x21] =	vst.msk $0xffff, v1;
	s18 =	sadd.s32 s22, s19;
	(pc) =	sbr.rel @p1 .LBB1_3-.Ltmp3, $4  }
0x44: {  	v3 =	vld [tilespmem:s17+$0x10];
	[tilespmem:s18+$0xE70 ss:$0x21] =	vst.msk $0xffff, v0  }
0x45: {  	[tilespmem:s18+$0x210 ss:$0x21] =	vst.msk $0xffff, v5;
	v2 =	vld [tilespmem:s17+$0x20]  }
0x46: {  	v1 =	vld [tilespmem:s17+$0xFFFFFFC0];
	[tilespmem:s18+$0x420 ss:$0x21] =	vst.msk $0xffff, v6;
	s17 =	sadd.s32 $0x80, s17  }
0x47: {  	s21 =	sadd.s32 $0x4, s21;
	v0 =	vld [tilespmem:s17+$0x30];
	[tilespmem:s18+$0x630 ss:$0x21] =	vst.msk $0xffff, v7  }
0x48: {  	s21 =	sshll.u32 s9, $0x7;
	s22 =	sshll.u32 s10, $0x3;
	s20 =	sshra.s32 s20, $0x2  }
0x49: {  	p1 =	sgt.s32 s9, $0xF41C0;
	s30 =	sshra.s32 s9, $0x1F;
	s25 =	sshra.s32 s10, $0x1F  }
0x4a: {  	v5 =	vld [tilespmem:s17+$0xFFFFFFD0];
	s28 =	sshrl.u32 s10, $0x3;
	s23 =	sand.u32 $0xFFFFFC00, s21;
	s22 =	sand.u32 $0xFFFFFC00, s22  }
0x4b: {  	[tilespmem:s18+$0x840 ss:$0x21] =	vst.msk $0xffff, v4;
	v58 =	vld [tilespmem:s17+$0xFFFFFFE0];
	s21 =	sand.u32 $0x380, s21;
	s19 =	sadd.s32 s20, s19;
	s22 =	sadd.s32 s22, s23  }
0x4c: {  	v59 =	vld [tilespmem:s17+$0xFFFFFFF0];
	[tilespmem:s18+$0xA50 ss:$0x21] =	vst.msk $0xffff, v3;
	s29 =	sor.u32 s21, s22;
	s21 =	smov.u32 s9;
	s22 =	sand.u32 s30, s9  }
0x4d: {  	v60 =	vld [tilespmem:s17+$0x0];
	[tilespmem:s18+$0xC60 ss:$0x21] =	vst.msk $0xffff, v2;
	s30 =	sand.u32 $0x7, s10;
	s20 =	sshrl.u32 s29, $0x7;
	s21 =	simm.s32 @!p1 $0xF41C0  }
0x4e: {  	v61 =	vld [tilespmem:s17+$0x10];
	[tilespmem:s18+$0x0 ss:$0x21] =	vst.msk $0xffff, v1;
	p1 =	sgt.s32 s10, $0x60;
	s24 =	ssub.s32 s21, s22;
	s21 =	smov.u32 s10  }
0x4f: {  	v62 =	vld [tilespmem:s17+$0x20];
	[tilespmem:s19+$0xE70 ss:$0x21] =	vst.msk $0xffff, v0;
	s31 =	smulhi.u32 $0x218DEF5, s20;
	s22 =	sand.u32 s25, s10;
	s21 =	simm.s32 @!p1 $0x60  }
0x50: {  	v63 =	vld [tilespmem:s17+$0xFFFFFFC0];
	[tilespmem:s19+$0x210 ss:$0x21] =	vst.msk $0xffff, v5;
	s26 =	sadd.s32 $0xFFF0BE40, s24;
	s17 =	ssub.s32 $0xF4240, s24;
	s21 =	ssub.s32 s21, s22  }
0x51: {  	[tilespmem:s19+$0x420 ss:$0x21] =	vst.msk $0xffff, v58;
	s23 =	sshrl.u32 s31, $0xD;
	p1 =	sgt.s32 s26, $0x7F;
	s27 =	sadd.s32 $0xFFFFFFA0, s21  }
0x52: {  	[tilespmem:s19+$0x630 ss:$0x21] =	vst.msk $0xffff, v59;
	s23 =	smul.u32 $0xF4240, s23;
	s18 =	ssub.s32 $0x80, s21;
	p2 =	sgt.s32 s27, $0x1F  }
.Ltmp4:
0x53: {  	[tilespmem:s19+$0x840 ss:$0x21] =	vst.msk $0xffff, v60;
	s17 =	simm.s32 @p1 $0x0;
	s18 =	simm.s32 @p2 $0x0;
	(pc) =	sbr.rel .LBB1_5-.Ltmp4, $4  }
0x54: {  	s29 =	sand.u32 $0xF, s28;
	[tilespmem:s19+$0xA50 ss:$0x21] =	vst.msk $0xffff, v61;
	s20 =	ssub.s32 s20, s23;
	s17 =	smul.u32 s18, s17  }
0x55: {  	[tilespmem:s19+$0xC60 ss:$0x21] =	vst.msk $0xffff, v62;
	s21 =	sshll.u32 s30, $0x12;
	s20 =	sshll.u32 s20, $0x4;
	s18 =	sadd.s32 s5, s29  }
0x56: {  	[tilespmem:s19+$0x0 ss:$0x21] =	vst.msk $0xffff, v63;
	s31 =	sor.u32 $0x20, s21;
	s18 =	sadd.s32 s20, s18;
	s17 =	sand.u32 $0x3FFFFFFF, s17  }
0x57: {  	[hbm4b:s18+s31] =	stream.strided.scatter [tilespmem:s16], [sflag:$0x2], s17, s8, s31, $0x10;
	[tilespmem:$0x4100] =	vst v63  }
.LBB1_6:
0x58: {  	_ =	sfence.sel $0x180000  }
0x59: {  	s2 =	simm.s32 $0x1;
	[bflag:$0x0] =	sbarrier.arrive $0xFFFF  }
0x5a: {  	s31 =	simm.s32 $0x2;
	[sflag:s2] =	ssyncpa.u1 $0x1  }
0x5b: {  	[sflag:s31] =	ssyncpa.u1 $0x1  }
0x5c: {  	p0 =	sne.s32 s1, $0x0;
	_ =	strace $0x90000047  }
0x5d: {  	s0 =	sadd.s32 @!p0 $0x100000, s0;
	[bflag:$0x2] =	sbarrier.arrive $0xFFFF  }
0x5e: {  	[sflag:s0] =	ssyncadd.tile.s32 @!p0 $0x1;
	_ =	shalt  }
.Lfunc_end1:
_tile_overlayer_lowered:
.L_overlay_start_2:
0x5f: {  	(tag) =	ssettag $0x2  }
0x60: {  	s0 =	rddreg [dreg:$0x0];
	s2 =	stileid.u32  }
0x61: {  	s1 =	rddreg [dreg:$0x1];
	p0 =	sne.s32 s2, $0x0  }
0x62: {  	s3 =	rddreg [dreg:$0x2];
	[bflag:$0x3] =	sbarrier.arrive $0xFFFF;
	s2 =	simm.s32 @!p0 $0x1C01  }
0x63: {  	[timem:s3], [sflag:s2] =	dma.local @!p0 [hbm:s0], s1  }
0x64: {  	s0 =	simm.s32 @!p0 $0x1  }
0x65: {  	_ =	swait.ge @!p0 [sflag:s0], s1  }
0x66: {  	s1 =	ssub.s32 @!p0 $0x0, s1;
	[sflag:s0] =	ssyncset.done @!p0 $0x0  }
0x67: {  	[sflag:s0] =	ssyncadd.s32 @!p0 s1  }
0x68: {  	[bflag:$0x3] =	sbarrier.arrive $0xFFFF  }
0x69: {  	_ =	shalt  }

</sc_bundles>
